<compile_context>
chip_gen: v7x
topology: tpu7x:2x2x1
jax: 0.10.2.dev20260603
libtpu: 0.0.44.dev20260713+nightly
codegen_flags: <defaults>
</compile_context>

<pallas_src>
import jax
import jax.numpy as jnp
from jax import lax
from jax.experimental import pallas as pl
from jax.experimental.pallas import tpu as pltpu
from jax.experimental.pallas import tpu_sc as plsc

N = 10000
D = 128
H = 12
HP = 16
DH = H * D
E_TOT = 320000 + N
NC, NS, LANES = 2, 16, 16
NW = NC * NS
CH1 = 128
CH2 = 24
CPW1 = 81
EPW = CPW1 * CH1
E_PAD = NW * EPW
CPW2 = EPW // CH2
N_PAD = 10240
RPT = N_PAD // NS
RB = 2000
SUP = 8
DW = DH // 2

_SC_PARAMS = pltpu.CompilerParams(use_tc_tiling_on_sc=False)
_SC_PARAMS2 = pltpu.CompilerParams(use_tc_tiling_on_sc=False,
                                   needs_layout_passes=False)


def _headmask():
    io = lax.iota(jnp.int32, LANES)
    return jnp.where(io < H, 1.0, 0.0)


def _tc_prologue_body(x_ref, we_ref, be_ref, wg_ref, ams_ref, amd_ref,
                      h_ref, xw_ref, as_ref, ad_ref, m_ref):
    i = pl.program_id(0)
    h = jnp.maximum(
        jnp.dot(x_ref[...], we_ref[...], preferred_element_type=jnp.float32)
        + be_ref[...], 0.0)
    xw = jnp.dot(h, wg_ref[...], preferred_element_type=jnp.float32)
    a_s = jnp.dot(xw, ams_ref[...], preferred_element_type=jnp.float32)
    a_d = jnp.dot(xw, amd_ref[...], preferred_element_type=jnp.float32)
    h_ref[...] = h
    xw_ref[...] = xw.astype(jnp.bfloat16)
    as_ref[...] = a_s
    ad_ref[...] = a_d
    cur = jnp.broadcast_to(jnp.max(a_s, axis=0), (8, HP))

    @pl.when(i == 0)
    def _():
        m_ref[...] = cur

    @pl.when(i > 0)
    def _():
        m_ref[...] = jnp.maximum(m_ref[...], cur)


def _tc_prologue(x, W_emb, b2, W_gat, ams, amd):
    grid = N // RB
    return pl.pallas_call(
        _tc_prologue_body,
        grid=(grid,),
        in_specs=[
            pl.BlockSpec((RB, D), lambda i: (i, 0)),
            pl.BlockSpec((D, D), lambda i: (0, 0)),
            pl.BlockSpec((1, D), lambda i: (0, 0)),
            pl.BlockSpec((D, DH), lambda i: (0, 0)),
            pl.BlockSpec((DH, HP), lambda i: (0, 0)),
            pl.BlockSpec((DH, HP), lambda i: (0, 0)),
        ],
        out_specs=[
            pl.BlockSpec((RB, D), lambda i: (i, 0)),
            pl.BlockSpec((RB, DH), lambda i: (i, 0)),
            pl.BlockSpec((RB, HP), lambda i: (i, 0)),
            pl.BlockSpec((RB, HP), lambda i: (i, 0)),
            pl.BlockSpec((8, HP), lambda i: (0, 0)),
        ],
        out_shape=[
            jax.ShapeDtypeStruct((N, D), jnp.float32),
            jax.ShapeDtypeStruct((N, DH), jnp.bfloat16),
            jax.ShapeDtypeStruct((N, HP), jnp.float32),
            jax.ShapeDtypeStruct((N, HP), jnp.float32),
            jax.ShapeDtypeStruct((8, HP), jnp.float32),
        ],
    )(x, W_emb, b2, W_gat, ams, amd)


def _sc1_body(src_hbm, dst_hbm, as_hbm, ad_hbm, m_hbm,
              p_hbm, den_hbm,
              srcv, dstv, asbuf, adbuf, pbuf, mbuf, zbuf, den_sh):
    cid = lax.axis_index("c")
    sid = lax.axis_index("s")
    wid = sid * NC + cid

    def zrow(j, c):
        zbuf[j, :] = jnp.zeros((LANES,), jnp.float32)
        return c
    lax.fori_loop(0, RPT, zrow, 0)
    pltpu.sync_copy(zbuf, den_sh.at[pl.ds(sid * RPT, RPT)])
    plsc.subcore_barrier()

    pltpu.sync_copy(m_hbm.at[pl.ds(0, 1)], mbuf)
    base_w = wid * EPW

    def chunk(ci, c):
        b0 = base_w + ci * CH1
        pltpu.sync_copy(src_hbm.at[pl.ds(b0, CH1)], srcv)
        pltpu.sync_copy(dst_hbm.at[pl.ds(b0, CH1)], dstv)
        pltpu.sync_copy(as_hbm.at[srcv], asbuf)
        pltpu.sync_copy(ad_hbm.at[dstv], adbuf)

        def edge(i, cc):
            advec = adbuf[i, :]
            a = asbuf[i, :] + advec
            alpha = jnp.where(a >= 0.0, a, 0.2 * a)
            bs = mbuf[0, :] + advec
            bnd = jnp.where(bs >= 0.0, bs, 0.2 * bs)
            pbuf[i, :] = jnp.exp(alpha - bnd) * _headmask()
            return cc
        lax.fori_loop(0, CH1, edge, 0)

        def zpad(i, cc):
            pbuf[i, :] = jnp.zeros((LANES,), jnp.float32)
            return cc
        valid = jnp.clip(E_TOT - b0, 0, CH1)
        lax.fori_loop(valid, CH1, zpad, 0)
        pltpu.sync_copy(pbuf, den_sh.at[dstv], add=True)
        pltpu.sync_copy(pbuf, p_hbm.at[pl.ds(b0, CH1)])
        return c
    lax.fori_loop(0, CPW1, chunk, 0)
    plsc.subcore_barrier()
    pltpu.sync_copy(den_sh.at[pl.ds(sid * RPT, RPT)],
                    den_hbm.at[cid, pl.ds(sid * RPT, RPT)])


def _sc_pass1(src, dst, a_s, a_d, m8):
    mesh = plsc.VectorSubcoreMesh(core_axis_name="c", subcore_axis_name="s")
    return pl.kernel(
        _sc1_body,
        out_type=(
            jax.ShapeDtypeStruct((E_PAD, HP), jnp.float32),
            jax.ShapeDtypeStruct((NC, N_PAD, HP), jnp.float32),
        ),
        mesh=mesh,
        compiler_params=_SC_PARAMS,
        scratch_types=[
            pltpu.VMEM((CH1,), jnp.int32),
            pltpu.VMEM((CH1,), jnp.int32),
            pltpu.VMEM((CH1, HP), jnp.float32),
            pltpu.VMEM((CH1, HP), jnp.float32),
            pltpu.VMEM((CH1, HP), jnp.float32),
            pltpu.VMEM((1, HP), jnp.float32),
            pltpu.VMEM((RPT, HP), jnp.float32),
            pltpu.VMEM_SHARED((N_PAD, HP), jnp.float32),
        ],
    )(src, dst, a_s, a_d, m8)


def _tc_invden_body(den_ref, inv_ref):
    inv_ref[...] = 1.0 / (den_ref[0] + den_ref[1] + 1e-16)


def _tc_invden(den):
    rb = 1280
    return pl.pallas_call(
        _tc_invden_body,
        grid=(N_PAD // rb,),
        in_specs=[pl.BlockSpec((NC, rb, HP), lambda i: (0, i, 0))],
        out_specs=pl.BlockSpec((rb, HP), lambda i: (i, 0)),
        out_shape=jax.ShapeDtypeStruct((N_PAD, HP), jnp.float32),
    )(den)


def _sc2_body(src_hbm, dst_hbm, xw_hbm, p_hbm, inv_hbm,
              acc_hbm,
              srcall, dstall, xw0, xw1, pb0, pb1, iv0, iv1, mg0, mg1,
              zbuf, acc_sh, gs0, gs1, ms0, ms1):
    cid = lax.axis_index("c")
    sid = lax.axis_index("s")
    wid = sid * NC + cid
    xwb = (xw0, xw1)
    pb = (pb0, pb1)
    ivb = (iv0, iv1)
    mgb = (mg0, mg1)
    gs = (gs0, gs1)
    ms = (ms0, ms1)

    def zrow(j, c):
        for c8 in range(8):
            zbuf[j, pl.ds(c8 * 16, 16)] = jnp.zeros((LANES,), jnp.float32)
        return c
    lax.fori_loop(0, 16, zrow, 0)
    for k in range(RPT // 16):
        pltpu.sync_copy(zbuf, acc_sh.at[pl.ds(sid * RPT + k * 16, 16)])
    plsc.subcore_barrier()

    def issue(ci, b):
        g0 = ci
        pltpu.async_copy(xw_hbm.at[srcall.at[g0]], xwb[b], gs[b])
        pltpu.async_copy(inv_hbm.at[dstall.at[g0]], ivb[b], gs[b])
        return None

    def superchunk(sj, c):
        row0 = wid * CPW2 + sj * SUP
        pltpu.sync_copy(src_hbm.at[pl.ds(row0, SUP)], srcall)
        pltpu.sync_copy(dst_hbm.at[pl.ds(row0, SUP)], dstall)
        for b in range(2):
            issue(b, b)
            pltpu.async_copy(p_hbm.at[pl.ds((row0 + b) * CH2, CH2)],
                             pb[b], gs[b])

        def pair(pj, cc):
            for b in range(2):
                ci = 2 * pj + b
                pltpu.make_async_copy(xw_hbm.at[srcall.at[ci]],
                                      xwb[b], gs[b]).wait()
                pltpu.make_async_copy(inv_hbm.at[dstall.at[ci]],
                                      ivb[b], gs[b]).wait()
                pltpu.make_async_copy(p_hbm.at[pl.ds((row0 + ci) * CH2, CH2)],
                                      pb[b], gs[b]).wait()

                @pl.when(pj > 0)
                def _():
                    pltpu.make_async_copy(mgb[b], acc_sh.at[dstall.at[ci]],
                                          ms[b]).wait()

                def edge(i, ccc):
                    w = pb[b][i, :] * ivb[b][i, :]
                    ws = [w[h] for h in range(H)]
                    for g in range(4):
                        me = None
                        mo = None
                        for h in range(H):
                            vb = xwb[b][i, pl.ds(h * D + g * 32, 32)]
                            vi = plsc.bitcast(vb, jnp.int32)
                            ev = plsc.bitcast(vi << 16, jnp.float32)
                            od = plsc.bitcast(
                                vi & jnp.int32(-65536), jnp.float32)
                            if me is None:
                                me = ws[h] * ev
                                mo = ws[h] * od
                            else:
                                me = me + ws[h] * ev
                                mo = mo + ws[h] * od
                        mgb[b][i, pl.ds(g * 32, 16)] = me
                        mgb[b][i, pl.ds(g * 32 + 16, 16)] = mo
                    return ccc
                lax.fori_loop(0, CH2, edge, 0)
                pltpu.async_copy(mgb[b], acc_sh.at[dstall.at[ci]], ms[b],
                                 add=True)

                @pl.when(ci + 2 < SUP)
                def _():
                    issue(ci + 2, b)
                    pltpu.async_copy(
                        p_hbm.at[pl.ds((row0 + ci + 2) * CH2, CH2)],
                        pb[b], gs[b])
            return cc
        lax.fori_loop(0, SUP // 2, pair, 0)
        for b in range(2):
            ci = SUP - 2 + b
            pltpu.make_async_copy(mgb[b], acc_sh.at[dstall.at[ci]],
                                  ms[b]).wait()
        return c
    lax.fori_loop(0, CPW2 // SUP, superchunk, 0)
    plsc.subcore_barrier()
    pltpu.sync_copy(acc_sh.at[pl.ds(sid * RPT, RPT)],
                    acc_hbm.at[cid, pl.ds(sid * RPT, RPT)])


def _sc_pass2(src2d, dst2d, xw_bf, p, inv):
    mesh = plsc.VectorSubcoreMesh(core_axis_name="c", subcore_axis_name="s")
    return pl.kernel(
        _sc2_body,
        out_type=jax.ShapeDtypeStruct((NC, N_PAD, D), jnp.float32),
        mesh=mesh,
        compiler_params=_SC_PARAMS2,
        scratch_types=[
            pltpu.VMEM((SUP, CH2), jnp.int32),
            pltpu.VMEM((SUP, CH2), jnp.int32),
            pltpu.VMEM((CH2, DH), jnp.bfloat16),
            pltpu.VMEM((CH2, DH), jnp.bfloat16),
            pltpu.VMEM((CH2, HP), jnp.float32),
            pltpu.VMEM((CH2, HP), jnp.float32),
            pltpu.VMEM((CH2, HP), jnp.float32),
            pltpu.VMEM((CH2, HP), jnp.float32),
            pltpu.VMEM((CH2, D), jnp.float32),
            pltpu.VMEM((CH2, D), jnp.float32),
            pltpu.VMEM((16, D), jnp.float32),
            pltpu.VMEM_SHARED((N_PAD, D), jnp.float32),
            pltpu.SemaphoreType.DMA,
            pltpu.SemaphoreType.DMA,
            pltpu.SemaphoreType.DMA,
            pltpu.SemaphoreType.DMA,
        ],
    )(src2d, dst2d, xw_bf, p, inv)


def _tc_epilogue_body(h_ref, acc_ref, perm_ref, bias_ref, y_ref):
    acc = acc_ref[0] + acc_ref[1]
    y = jnp.dot(acc, perm_ref[...],
                preferred_element_type=jnp.float32) * (1.0 / H) + bias_ref[...]
    y_ref[...] = jnp.maximum(h_ref[...] + y, 0.0)


def _tc_epilogue(h, acc, perm, bias2):
    grid = N // RB
    return pl.pallas_call(
        _tc_epilogue_body,
        grid=(grid,),
        in_specs=[
            pl.BlockSpec((RB, D), lambda i: (i, 0)),
            pl.BlockSpec((NC, RB, D), lambda i: (0, i, 0)),
            pl.BlockSpec((D, D), lambda i: (0, 0)),
            pl.BlockSpec((1, D), lambda i: (0, 0)),
        ],
        out_specs=pl.BlockSpec((RB, D), lambda i: (i, 0)),
        out_shape=jax.ShapeDtypeStruct((N, D), jnp.float32),
    )(h, acc, perm, bias2)


def kernel(x, edge_index, W_emb, b_emb, W_gat, att_src, att_dst, bias_gat):
    loop = jnp.arange(N, dtype=jnp.int32)
    padz = jnp.zeros((E_PAD - E_TOT,), jnp.int32)
    src = jnp.concatenate([edge_index[0].astype(jnp.int32), loop, padz])
    dst = jnp.concatenate([edge_index[1].astype(jnp.int32), loop, padz])
    src2d = src.reshape(E_PAD // CH2, CH2)
    dst2d = dst.reshape(E_PAD // CH2, CH2)

    eye = jnp.eye(H, dtype=jnp.float32)
    ams = jnp.pad((att_src[:, :, None] * eye[:, None, :]).reshape(DH, H),
                  ((0, 0), (0, HP - H)))
    amd = jnp.pad((att_dst[:, :, None] * eye[:, None, :]).reshape(DH, H),
                  ((0, 0), (0, HP - H)))
    b2 = b_emb.reshape(1, D)
    bias2 = bias_gat.reshape(1, D)

    grp = jnp.arange(D) // 32
    r = jnp.arange(D) % 32
    true_c = grp * 32 + jnp.where(r < 16, 2 * r, 2 * (r - 16) + 1)
    perm = jax.nn.one_hot(true_c, D, dtype=jnp.float32)

    h, xw_bf, a_s, a_d, m8 = _tc_prologue(x, W_emb, b2, W_gat, ams, amd)
    xw_i32 = jax.lax.bitcast_convert_type(
        xw_bf.reshape(N, DW, 2), jnp.int32)
    p, den = _sc_pass1(src, dst, a_s, a_d, m8)
    inv = _tc_invden(den)
    acc = _sc_pass2(src2d, dst2d, xw_bf, p, inv)
    return _tc_epilogue(h, acc, perm, bias2)

# --- scband reference (transcript-rebuilt; emitter-appended) ---
"""Pipeline reference for scband-embedding-block-43456479101352 (READ-ONLY COPY).

The authoritative reference and input builder live on the scoring server;
editing this copy changes nothing except your own understanding.
"""

import jax, jax.numpy as jnp
import numpy as np

N_NODES = 10000
N_EDGES = 320000
D_IN = 128
D_EMB = 128
HEADS = 12


def setup_inputs(seed: int = 0) -> dict:
    key = jax.random.key(seed)
    ks = jax.random.split(key, 9)
    x = jax.random.normal(ks[0], (N_NODES, D_IN), dtype=jnp.float32)
    edge_index = jax.random.randint(ks[1], (2, N_EDGES), 0, N_NODES, dtype=jnp.int64)
    # nn.Linear(inchannels, embedding): weight [out,in], bias [out]; store as [in,out]
    W_emb = jax.random.normal(ks[2], (D_IN, D_EMB), dtype=jnp.float32) * 0.05
    b_emb = jax.random.normal(ks[3], (D_EMB,), dtype=jnp.float32) * 0.05
    # GATConv(embedding, embedding, heads=12, concat=False): lin has no bias
    W_gat = jax.random.normal(ks[4], (D_EMB, HEADS * D_EMB), dtype=jnp.float32) * 0.05
    att_src = jax.random.normal(ks[5], (HEADS, D_EMB), dtype=jnp.float32) * 0.05
    att_dst = jax.random.normal(ks[6], (HEADS, D_EMB), dtype=jnp.float32) * 0.05
    bias_gat = jax.random.normal(ks[7], (D_EMB,), dtype=jnp.float32) * 0.05
    return {"x": x, "edge_index": edge_index, "W_emb": W_emb, "b_emb": b_emb,
            "W_gat": W_gat, "att_src": att_src, "att_dst": att_dst, "bias_gat": bias_gat}


def reference(x, edge_index, W_emb, b_emb, W_gat, att_src, att_dst, bias_gat):
    N = x.shape[0]
    H, C = HEADS, D_EMB
    # embedding = relu(Linear(x))
    h = jax.nn.relu(x @ W_emb + b_emb)
    # GATConv forward (PyG semantics, add_self_loops=True, negative_slope=0.2)
    xw = (h @ W_gat).reshape(N, H, C)
    loop = jnp.arange(N, dtype=edge_index.dtype)
    src = jnp.concatenate([edge_index[0], loop])
    dst = jnp.concatenate([edge_index[1], loop])
    alpha_src = jnp.sum(xw * att_src[None, :, :], axis=-1)  # [N, H]
    alpha_dst = jnp.sum(xw * att_dst[None, :, :], axis=-1)  # [N, H]
    alpha = alpha_src[src] + alpha_dst[dst]                 # [E, H]
    alpha = jax.nn.leaky_relu(alpha, negative_slope=0.2)
    amax = jax.ops.segment_max(alpha, dst, num_segments=N)
    alpha = jnp.exp(alpha - amax[dst])
    denom = jax.ops.segment_sum(alpha, dst, num_segments=N)
    alpha = alpha / (denom[dst] + 1e-16)
    # aggregate per head to bound peak memory, then mean over heads (concat=False)
    acc = jnp.zeros((N, C), dtype=x.dtype)
    for hh in range(H):
        msg = xw[src, hh, :] * alpha[:, hh:hh + 1]
        acc = acc + jax.ops.segment_sum(msg, dst, num_segments=N)
    y = acc / H + bias_gat
    return jax.nn.relu(h + y)

if __name__ == "__main__":
    import jax
    _d = setup_inputs()
    print(jax.jit(kernel)(*tuple(_d.values())))

</pallas_src>

<mosaic_0001>
#map = affine_map<(d0, d1) -> (0)>
#map1 = affine_map<(d0, d1) -> (0, 0)>
#map2 = affine_map<(d0, d1) -> (0, 0, 0)>
module attributes {stable_mosaic.version = 14 : i64} {
  func.func @_sc1_body(%arg0: i32, %arg1: i32, %arg2: memref<331776xi32, #tpu.memory_space<hbm>>, %arg3: memref<331776xi32, #tpu.memory_space<hbm>>, %arg4: memref<10000x16xf32, #tpu.memory_space<hbm>>, %arg5: memref<10000x16xf32, #tpu.memory_space<hbm>>, %arg6: memref<8x16xf32, #tpu.memory_space<hbm>>, %arg7: memref<331776x16xf32, #tpu.memory_space<hbm>>, %arg8: memref<2x10240x16xf32, #tpu.memory_space<hbm>>, %arg9: memref<128xi32, #tpu.memory_space<vmem>>, %arg10: memref<128xi32, #tpu.memory_space<vmem>>, %arg11: memref<128x16xf32, #tpu.memory_space<vmem>>, %arg12: memref<128x16xf32, #tpu.memory_space<vmem>>, %arg13: memref<128x16xf32, #tpu.memory_space<vmem>>, %arg14: memref<1x16xf32, #tpu.memory_space<vmem>>, %arg15: memref<640x16xf32, #tpu.memory_space<vmem>>, %arg16: memref<10240x16xf32, #tpu.memory_space<vmem_shared>>) attributes {dimension_semantics = [#tpu.dimension_semantics<core_parallel>, #tpu.dimension_semantics<subcore_parallel>], iteration_bounds = array<i64: 2, 16>, scalar_prefetch = 0 : i64, scratch_operands = 8 : i64, tpu.core_type = #tpu.core_type<sc_vector_subcore>, window_params = [{transform_indices = #map}, {transform_indices = #map}, {transform_indices = #map1}, {transform_indices = #map1}, {transform_indices = #map1}, {transform_indices = #map1}, {transform_indices = #map2}]} {
    %mul3A = arith.constant 2 : i32
    %mul3A_0 = arith.muli %arg1, %mul3A : i32
    %add3A = arith.addi %mul3A_0, %arg0 : i32
    %scan3A = arith.constant 0 : i32
    %scan3A_1 = arith.constant 0 : i32
    %scan3A_2 = arith.constant 640 : i32
    %scan3A_3 = arith.addi %scan3A_1, %scan3A_2 : i32
    %scan3A_4 = arith.constant 1 : i32
    scf.for %scan3A_21 = %scan3A_1 to %scan3A_3 step %scan3A_4  : i32 {
      %broadcast_in_dim3A = arith.constant 0.000000e+00 : f32
      %broadcast_in_dim3A_22 = vector.broadcast %broadcast_in_dim3A : f32 to vector<16xf32>
      %swap3A = arith.index_cast %scan3A_21 : i32 to index
      %swap3A_23 = arith.constant 0 : index
      %swap3A_24 = tpu.vector_load %arg15[%swap3A, %swap3A_23] {strides = array<i32>} : memref<640x16xf32, #tpu.memory_space<vmem>>, vector<1x16xf32>,
      %swap3A_25 = vector.shape_cast %swap3A_24 : vector<1x16xf32> to vector<16xf32>
      %swap3A_26 = vector.shape_cast %broadcast_in_dim3A_22 : vector<16xf32> to vector<1x16xf32>
      tpu.vector_store %arg15[%swap3A, %swap3A_23], %swap3A_26 {strides = array<i32>} : memref<640x16xf32, #tpu.memory_space<vmem>>, vector<1x16xf32>,
    }
    %scan3A_5 = arith.constant 640 : i32
    %mul3A_6 = arith.constant 640 : i32
    %mul3A_7 = arith.muli %arg1, %mul3A_6 : i32
    "tpu.region"() ({
      %run_scoped3A = tpu.sem_alloc : memref<!tpu.dma_semaphore, #tpu.memory_space<semaphore_mem>>
      %dma_start3A = arith.constant 0 : i32
      %dma_start3A_21 = tpu.memref_slice %arg16[%mul3A_7, %dma_start3A] : memref<10240x16xf32, #tpu.memory_space<vmem_shared>> -> memref<640x16xf32, #tpu.memory_space<vmem_shared>>
      %dma_start3A_22 = arith.constant 0 : i32
      %dma_start3A_23 = tpu.memref_slice %arg16[%mul3A_7, %dma_start3A_22] : memref<10240x16xf32, #tpu.memory_space<vmem_shared>> -> memref<640x16xf32, #tpu.memory_space<vmem_shared>>
      tpu.enqueue_dma source(%arg15 : memref<640x16xf32, #tpu.memory_space<vmem>>) target(%dma_start3A_23 : memref<640x16xf32, #tpu.memory_space<vmem_shared>>) target_semaphore(%run_scoped3A : memref<!tpu.dma_semaphore, #tpu.memory_space<semaphore_mem>>)
      %dma_wait3A = arith.constant 0 : i32
      %dma_wait3A_24 = tpu.memref_slice %arg16[%mul3A_7, %dma_wait3A] : memref<10240x16xf32, #tpu.memory_space<vmem_shared>> -> memref<640x16xf32, #tpu.memory_space<vmem_shared>>
      %dma_wait3A_25 = arith.constant 0 : i32
      %dma_wait3A_26 = tpu.memref_slice %arg16[%mul3A_7, %dma_wait3A_25] : memref<10240x16xf32, #tpu.memory_space<vmem_shared>> -> memref<640x16xf32, #tpu.memory_space<vmem_shared>>
      tpu.wait_dma2 semaphore(%run_scoped3A : memref<!tpu.dma_semaphore, #tpu.memory_space<semaphore_mem>>) src(%arg15 : memref<640x16xf32, #tpu.memory_space<vmem>>) dst(%dma_wait3A_26 : memref<640x16xf32, #tpu.memory_space<vmem_shared>>)
      tpu.yield
    }) : () -> ()
    %barrier3A = arith.constant 0 : index
    tpu.barrier barrier_id(%barrier3A)
    "tpu.region"() ({
      %run_scoped3A = tpu.sem_alloc : memref<!tpu.dma_semaphore, #tpu.memory_space<semaphore_mem>>
      %dma_start3A = arith.constant 0 : i32
      %dma_start3A_21 = arith.constant 0 : i32
      %dma_start3A_22 = tpu.memref_slice %arg6[%dma_start3A, %dma_start3A_21] : memref<8x16xf32, #tpu.memory_space<hbm>> -> memref<1x16xf32, #tpu.memory_space<hbm>>
      %dma_start3A_23 = arith.constant 0 : i32
      %dma_start3A_24 = arith.constant 0 : i32
      %dma_start3A_25 = tpu.memref_slice %arg6[%dma_start3A_23, %dma_start3A_24] : memref<8x16xf32, #tpu.memory_space<hbm>> -> memref<1x16xf32, #tpu.memory_space<hbm>>
      tpu.enqueue_dma source(%dma_start3A_25 : memref<1x16xf32, #tpu.memory_space<hbm>>) target(%arg14 : memref<1x16xf32, #tpu.memory_space<vmem>>) target_semaphore(%run_scoped3A : memref<!tpu.dma_semaphore, #tpu.memory_space<semaphore_mem>>)
      %dma_wait3A = arith.constant 0 : i32
      %dma_wait3A_26 = arith.constant 0 : i32
      %dma_wait3A_27 = tpu.memref_slice %arg6[%dma_wait3A, %dma_wait3A_26] : memref<8x16xf32, #tpu.memory_space<hbm>> -> memref<1x16xf32, #tpu.memory_space<hbm>>
      %dma_wait3A_28 = arith.constant 0 : i32
      %dma_wait3A_29 = arith.constant 0 : i32
      %dma_wait3A_30 = tpu.memref_slice %arg6[%dma_wait3A_28, %dma_wait3A_29] : memref<8x16xf32, #tpu.memory_space<hbm>> -> memref<1x16xf32, #tpu.memory_space<hbm>>
      tpu.wait_dma2 semaphore(%run_scoped3A : memref<!tpu.dma_semaphore, #tpu.memory_space<semaphore_mem>>) src(%dma_wait3A_30 : memref<1x16xf32, #tpu.memory_space<hbm>>) dst(%arg14 : memref<1x16xf32, #tpu.memory_space<vmem>>)
      tpu.yield
    }) : () -> ()
    %mul3A_8 = arith.constant 10368 : i32
    %mul3A_9 = arith.muli %add3A, %mul3A_8 : i32
    %scan3A_10 = arith.constant 0 : i32
    %scan3A_11 = arith.constant 0 : i32
    %scan3A_12 = arith.constant 81 : i32
    %scan3A_13 = arith.addi %scan3A_11, %scan3A_12 : i32
    %scan3A_14 = arith.constant 1 : i32
    scf.for %scan3A_21 = %scan3A_11 to %scan3A_13 step %scan3A_14  : i32 {
      %mul3A_22 = arith.constant 128 : i32
      %mul3A_23 = arith.muli %scan3A_21, %mul3A_22 : i32
      %add3A_24 = arith.addi %mul3A_9, %mul3A_23 : i32
      "tpu.region"() ({
        %run_scoped3A = tpu.sem_alloc : memref<!tpu.dma_semaphore, #tpu.memory_space<semaphore_mem>>
        %dma_start3A = tpu.memref_slice %arg2[%add3A_24] : memref<331776xi32, #tpu.memory_space<hbm>> -> memref<128xi32, #tpu.memory_space<hbm>>
        %dma_start3A_42 = tpu.memref_slice %arg2[%add3A_24] : memref<331776xi32, #tpu.memory_space<hbm>> -> memref<128xi32, #tpu.memory_space<hbm>>
        tpu.enqueue_dma source(%dma_start3A_42 : memref<128xi32, #tpu.memory_space<hbm>>) target(%arg9 : memref<128xi32, #tpu.memory_space<vmem>>) target_semaphore(%run_scoped3A : memref<!tpu.dma_semaphore, #tpu.memory_space<semaphore_mem>>)
        %dma_wait3A = tpu.memref_slice %arg2[%add3A_24] : memref<331776xi32, #tpu.memory_space<hbm>> -> memref<128xi32, #tpu.memory_space<hbm>>
        %dma_wait3A_43 = tpu.memref_slice %arg2[%add3A_24] : memref<331776xi32, #tpu.memory_space<hbm>> -> memref<128xi32, #tpu.memory_space<hbm>>
        tpu.wait_dma2 semaphore(%run_scoped3A : memref<!tpu.dma_semaphore, #tpu.memory_space<semaphore_mem>>) src(%dma_wait3A_43 : memref<128xi32, #tpu.memory_space<hbm>>) dst(%arg9 : memref<128xi32, #tpu.memory_space<vmem>>)
        tpu.yield
      }) : () -> ()
      "tpu.region"() ({
        %run_scoped3A = tpu.sem_alloc : memref<!tpu.dma_semaphore, #tpu.memory_space<semaphore_mem>>
        %dma_start3A = tpu.memref_slice %arg3[%add3A_24] : memref<331776xi32, #tpu.memory_space<hbm>> -> memref<128xi32, #tpu.memory_space<hbm>>
        %dma_start3A_42 = tpu.memref_slice %arg3[%add3A_24] : memref<331776xi32, #tpu.memory_space<hbm>> -> memref<128xi32, #tpu.memory_space<hbm>>
        tpu.enqueue_dma source(%dma_start3A_42 : memref<128xi32, #tpu.memory_space<hbm>>) target(%arg10 : memref<128xi32, #tpu.memory_space<vmem>>) target_semaphore(%run_scoped3A : memref<!tpu.dma_semaphore, #tpu.memory_space<semaphore_mem>>)
        %dma_wait3A = tpu.memref_slice %arg3[%add3A_24] : memref<331776xi32, #tpu.memory_space<hbm>> -> memref<128xi32, #tpu.memory_space<hbm>>
        %dma_wait3A_43 = tpu.memref_slice %arg3[%add3A_24] : memref<331776xi32, #tpu.memory_space<hbm>> -> memref<128xi32, #tpu.memory_space<hbm>>
        tpu.wait_dma2 semaphore(%run_scoped3A : memref<!tpu.dma_semaphore, #tpu.memory_space<semaphore_mem>>) src(%dma_wait3A_43 : memref<128xi32, #tpu.memory_space<hbm>>) dst(%arg10 : memref<128xi32, #tpu.memory_space<vmem>>)
        tpu.yield
      }) : () -> ()
      "tpu.region"() ({
        %run_scoped3A = tpu.sem_alloc : memref<!tpu.dma_semaphore, #tpu.memory_space<semaphore_mem>>
        %dma_start3A = arith.constant 0 : i32
        %dma_start3A_42 = arith.constant 0 : i32
        %dma_start3A_43 = tpu.memref_slice %arg4[%dma_start3A, %dma_start3A_42] : memref<10000x16xf32, #tpu.memory_space<hbm>> -> memref<10000x16xf32, #tpu.memory_space<hbm>>
        tpu.enqueue_indirect_dma source(%dma_start3A_43 : memref<10000x16xf32, #tpu.memory_space<hbm>>) target(%arg11 : memref<128x16xf32, #tpu.memory_space<vmem>>) offsets(%arg9 : memref<128xi32, #tpu.memory_space<vmem>>) semaphore(%run_scoped3A : memref<!tpu.dma_semaphore, #tpu.memory_space<semaphore_mem>>)
        %dma_wait3A = arith.constant 0 : i32
        %dma_wait3A_44 = arith.constant 0 : i32
        %dma_wait3A_45 = tpu.memref_slice %arg4[%dma_wait3A, %dma_wait3A_44] : memref<10000x16xf32, #tpu.memory_space<hbm>> -> memref<10000x16xf32, #tpu.memory_space<hbm>>
        tpu.wait_indirect_dma semaphore(%run_scoped3A : memref<!tpu.dma_semaphore, #tpu.memory_space<semaphore_mem>>) src(%dma_wait3A_45 : memref<10000x16xf32, #tpu.memory_space<hbm>>) dst(%arg11 : memref<128x16xf32, #tpu.memory_space<vmem>>)
        tpu.yield
      }) : () -> ()
      "tpu.region"() ({
        %run_scoped3A = tpu.sem_alloc : memref<!tpu.dma_semaphore, #tpu.memory_space<semaphore_mem>>
        %dma_start3A = arith.constant 0 : i32
        %dma_start3A_42 = arith.constant 0 : i32
        %dma_start3A_43 = tpu.memref_slice %arg5[%dma_start3A, %dma_start3A_42] : memref<10000x16xf32, #tpu.memory_space<hbm>> -> memref<10000x16xf32, #tpu.memory_space<hbm>>
        tpu.enqueue_indirect_dma source(%dma_start3A_43 : memref<10000x16xf32, #tpu.memory_space<hbm>>) target(%arg12 : memref<128x16xf32, #tpu.memory_space<vmem>>) offsets(%arg10 : memref<128xi32, #tpu.memory_space<vmem>>) semaphore(%run_scoped3A : memref<!tpu.dma_semaphore, #tpu.memory_space<semaphore_mem>>)
        %dma_wait3A = arith.constant 0 : i32
        %dma_wait3A_44 = arith.constant 0 : i32
        %dma_wait3A_45 = tpu.memref_slice %arg5[%dma_wait3A, %dma_wait3A_44] : memref<10000x16xf32, #tpu.memory_space<hbm>> -> memref<10000x16xf32, #tpu.memory_space<hbm>>
        tpu.wait_indirect_dma semaphore(%run_scoped3A : memref<!tpu.dma_semaphore, #tpu.memory_space<semaphore_mem>>) src(%dma_wait3A_45 : memref<10000x16xf32, #tpu.memory_space<hbm>>) dst(%arg12 : memref<128x16xf32, #tpu.memory_space<vmem>>)
        tpu.yield
      }) : () -> ()
      %scan3A_25 = arith.constant 0 : i32
      %scan3A_26 = arith.constant 0 : i32
      %scan3A_27 = arith.constant 128 : i32
      %scan3A_28 = arith.addi %scan3A_26, %scan3A_27 : i32
      %scan3A_29 = arith.constant 1 : i32
      scf.for %scan3A_42 = %scan3A_26 to %scan3A_28 step %scan3A_29  : i32 {
        %get3A = arith.index_cast %scan3A_42 : i32 to index
        %get3A_43 = arith.constant 0 : index
        %get3A_44 = tpu.vector_load %arg12[%get3A, %get3A_43] {strides = array<i32>} : memref<128x16xf32, #tpu.memory_space<vmem>>, vector<1x16xf32>,
        %get3A_45 = vector.shape_cast %get3A_44 : vector<1x16xf32> to vector<16xf32>
        %get3A_46 = arith.index_cast %scan3A_42 : i32 to index
        %get3A_47 = arith.constant 0 : index
        %get3A_48 = tpu.vector_load %arg11[%get3A_46, %get3A_47] {strides = array<i32>} : memref<128x16xf32, #tpu.memory_space<vmem>>, vector<1x16xf32>,
        %get3A_49 = vector.shape_cast %get3A_48 : vector<1x16xf32> to vector<16xf32>
        %add3A_50 = arith.addf %get3A_49, %get3A_45 : vector<16xf32>
        %ge3A = arith.constant 0.000000e+00 : f32
        %ge3A_51 = vector.broadcast %ge3A : f32 to vector<16xf32>
        %ge3A_52 = arith.cmpf oge, %add3A_50, %ge3A_51 : vector<16xf32>
        %mul3A_53 = arith.constant 2.000000e-01 : f32
        %mul3A_54 = vector.broadcast %mul3A_53 : f32 to vector<16xf32>
        %mul3A_55 = arith.mulf %mul3A_54, %add3A_50 : vector<16xf32>
        %select_n3A = arith.select %ge3A_52, %add3A_50, %mul3A_55 : vector<16xi1>, vector<16xf32>
        %get3A_56 = arith.constant 0 : i32
        %get3A_57 = arith.index_cast %get3A_56 : i32 to index
        %get3A_58 = arith.constant 0 : index
        %get3A_59 = tpu.vector_load %arg14[%get3A_57, %get3A_58] {strides = array<i32>} : memref<1x16xf32, #tpu.memory_space<vmem>>, vector<1x16xf32>,
        %get3A_60 = vector.shape_cast %get3A_59 : vector<1x16xf32> to vector<16xf32>
        %add3A_61 = arith.addf %get3A_60, %get3A_45 : vector<16xf32>
        %ge3A_62 = arith.constant 0.000000e+00 : f32
        %ge3A_63 = vector.broadcast %ge3A_62 : f32 to vector<16xf32>
        %ge3A_64 = arith.cmpf oge, %add3A_61, %ge3A_63 : vector<16xf32>
        %mul3A_65 = arith.constant 2.000000e-01 : f32
        %mul3A_66 = vector.broadcast %mul3A_65 : f32 to vector<16xf32>
        %mul3A_67 = arith.mulf %mul3A_66, %add3A_61 : vector<16xf32>
        %select_n3A_68 = arith.select %ge3A_64, %add3A_61, %mul3A_67 : vector<16xi1>, vector<16xf32>
        %sub3A_69 = arith.subf %select_n3A, %select_n3A_68 : vector<16xf32>
        %exp3A = math.exp %sub3A_69 : vector<16xf32>
        %iota3A = tpu.iota {dimensions = array<i32: 0>} : vector<16xi32>
        %lt3A = arith.constant 12 : i32
        %lt3A_70 = vector.broadcast %lt3A : i32 to vector<16xi32>
        %lt3A_71 = arith.cmpi slt, %iota3A, %lt3A_70 : vector<16xi32>
        %jit3A_72 = arith.constant 1.000000e+00 : f32
        %jit3A_73 = arith.constant 0.000000e+00 : f32
        %broadcast_in_dim3A = vector.broadcast %jit3A_72 : f32 to vector<16xf32>
        %broadcast_in_dim3A_74 = vector.broadcast %jit3A_73 : f32 to vector<16xf32>
        %select_n3A_75 = arith.select %lt3A_71, %broadcast_in_dim3A, %broadcast_in_dim3A_74 : vector<16xi1>, vector<16xf32>
        %mul3A_76 = arith.mulf %exp3A, %select_n3A_75 : vector<16xf32>
        %swap3A = arith.index_cast %scan3A_42 : i32 to index
        %swap3A_77 = arith.constant 0 : index
        %swap3A_78 = tpu.vector_load %arg13[%swap3A, %swap3A_77] {strides = array<i32>} : memref<128x16xf32, #tpu.memory_space<vmem>>, vector<1x16xf32>,
        %swap3A_79 = vector.shape_cast %swap3A_78 : vector<1x16xf32> to vector<16xf32>
        %swap3A_80 = vector.shape_cast %mul3A_76 : vector<16xf32> to vector<1x16xf32>
        tpu.vector_store %arg13[%swap3A, %swap3A_77], %swap3A_80 {strides = array<i32>} : memref<128x16xf32, #tpu.memory_space<vmem>>, vector<1x16xf32>,
      }
      %scan3A_30 = arith.constant 128 : i32
      %sub3A = arith.constant 330000 : i32
      %sub3A_31 = arith.subi %sub3A, %add3A_24 : i32
      %jit3A = arith.constant 0 : i32
      %jit3A_32 = arith.constant 128 : i32
      %max3A = arith.maxsi %jit3A, %sub3A_31 : i32
      %min3A = arith.minsi %jit3A_32, %max3A : i32
      %while3A = arith.constant 0 : i32
      %while3A_33 = arith.constant 128 : i32
      %while3A_34 = arith.subi %while3A_33, %min3A : i32
      %while3A_35 = arith.addi %min3A, %while3A_34 : i32
      %while3A_36 = arith.constant 1 : i32
      %while3A_37 = arith.divsi %while3A_34, %while3A_36 : i32
      %while3A_38 = arith.muli %while3A_37, %while3A_36 : i32
      %while3A_39 = arith.addi %min3A, %while3A_38 : i32
      %while3A_40 = arith.constant 1 : i32
      scf.for %while3A_42 = %min3A to %while3A_39 step %while3A_40  : i32 {
        %broadcast_in_dim3A = arith.constant 0.000000e+00 : f32
        %broadcast_in_dim3A_43 = vector.broadcast %broadcast_in_dim3A : f32 to vector<16xf32>
        %swap3A = arith.index_cast %while3A_42 : i32 to index
        %swap3A_44 = arith.constant 0 : index
        %swap3A_45 = tpu.vector_load %arg13[%swap3A, %swap3A_44] {strides = array<i32>} : memref<128x16xf32, #tpu.memory_space<vmem>>, vector<1x16xf32>,
        %swap3A_46 = vector.shape_cast %swap3A_45 : vector<1x16xf32> to vector<16xf32>
        %swap3A_47 = vector.shape_cast %broadcast_in_dim3A_43 : vector<16xf32> to vector<1x16xf32>
        tpu.vector_store %arg13[%swap3A, %swap3A_44], %swap3A_47 {strides = array<i32>} : memref<128x16xf32, #tpu.memory_space<vmem>>, vector<1x16xf32>,
      }
      %while3A_41 = arith.constant 1 : i32
      scf.for %while3A_42 = %while3A_39 to %while3A_35 step %while3A_41  : i32 {
        %broadcast_in_dim3A = arith.constant 0.000000e+00 : f32
        %broadcast_in_dim3A_43 = vector.broadcast %broadcast_in_dim3A : f32 to vector<16xf32>
        %swap3A = arith.index_cast %while3A_42 : i32 to index
        %swap3A_44 = arith.constant 0 : index
        %swap3A_45 = tpu.vector_load %arg13[%swap3A, %swap3A_44] {strides = array<i32>} : memref<128x16xf32, #tpu.memory_space<vmem>>, vector<1x16xf32>,
        %swap3A_46 = vector.shape_cast %swap3A_45 : vector<1x16xf32> to vector<16xf32>
        %swap3A_47 = vector.shape_cast %broadcast_in_dim3A_43 : vector<16xf32> to vector<1x16xf32>
        tpu.vector_store %arg13[%swap3A, %swap3A_44], %swap3A_47 {strides = array<i32>} : memref<128x16xf32, #tpu.memory_space<vmem>>, vector<1x16xf32>,
      }
      "tpu.region"() ({
        %run_scoped3A = tpu.sem_alloc : memref<!tpu.dma_semaphore, #tpu.memory_space<semaphore_mem>>
        %dma_start3A = arith.constant 0 : i32
        %dma_start3A_42 = arith.constant 0 : i32
        %dma_start3A_43 = tpu.memref_slice %arg16[%dma_start3A, %dma_start3A_42] : memref<10240x16xf32, #tpu.memory_space<vmem_shared>> -> memref<10240x16xf32, #tpu.memory_space<vmem_shared>>
        tpu.enqueue_indirect_dma source(%arg13 : memref<128x16xf32, #tpu.memory_space<vmem>>) target(%dma_start3A_43 : memref<10240x16xf32, #tpu.memory_space<vmem_shared>>) offsets(%arg10 : memref<128xi32, #tpu.memory_space<vmem>>) semaphore(%run_scoped3A : memref<!tpu.dma_semaphore, #tpu.memory_space<semaphore_mem>>) {add = true}
        %dma_wait3A = arith.constant 0 : i32
        %dma_wait3A_44 = arith.constant 0 : i32
        %dma_wait3A_45 = tpu.memref_slice %arg16[%dma_wait3A, %dma_wait3A_44] : memref<10240x16xf32, #tpu.memory_space<vmem_shared>> -> memref<10240x16xf32, #tpu.memory_space<vmem_shared>>
        tpu.wait_indirect_dma semaphore(%run_scoped3A : memref<!tpu.dma_semaphore, #tpu.memory_space<semaphore_mem>>) src(%arg13 : memref<128x16xf32, #tpu.memory_space<vmem>>) dst(%dma_wait3A_45 : memref<10240x16xf32, #tpu.memory_space<vmem_shared>>)
        tpu.yield
      }) : () -> ()
      "tpu.region"() ({
        %run_scoped3A = tpu.sem_alloc : memref<!tpu.dma_semaphore, #tpu.memory_space<semaphore_mem>>
        %dma_start3A = arith.constant 0 : i32
        %dma_start3A_42 = tpu.memref_slice %arg7[%add3A_24, %dma_start3A] : memref<331776x16xf32, #tpu.memory_space<hbm>> -> memref<128x16xf32, #tpu.memory_space<hbm>>
        %dma_start3A_43 = arith.constant 0 : i32
        %dma_start3A_44 = tpu.memref_slice %arg7[%add3A_24, %dma_start3A_43] : memref<331776x16xf32, #tpu.memory_space<hbm>> -> memref<128x16xf32, #tpu.memory_space<hbm>>
        tpu.enqueue_dma source(%arg13 : memref<128x16xf32, #tpu.memory_space<vmem>>) target(%dma_start3A_44 : memref<128x16xf32, #tpu.memory_space<hbm>>) target_semaphore(%run_scoped3A : memref<!tpu.dma_semaphore, #tpu.memory_space<semaphore_mem>>)
        %dma_wait3A = arith.constant 0 : i32
        %dma_wait3A_45 = tpu.memref_slice %arg7[%add3A_24, %dma_wait3A] : memref<331776x16xf32, #tpu.memory_space<hbm>> -> memref<128x16xf32, #tpu.memory_space<hbm>>
        %dma_wait3A_46 = arith.constant 0 : i32
        %dma_wait3A_47 = tpu.memref_slice %arg7[%add3A_24, %dma_wait3A_46] : memref<331776x16xf32, #tpu.memory_space<hbm>> -> memref<128x16xf32, #tpu.memory_space<hbm>>
        tpu.wait_dma2 semaphore(%run_scoped3A : memref<!tpu.dma_semaphore, #tpu.memory_space<semaphore_mem>>) src(%arg13 : memref<128x16xf32, #tpu.memory_space<vmem>>) dst(%dma_wait3A_47 : memref<128x16xf32, #tpu.memory_space<hbm>>)
        tpu.yield
      }) : () -> ()
    }
    %scan3A_15 = arith.constant 81 : i32
    %barrier3A_16 = arith.constant 0 : index
    tpu.barrier barrier_id(%barrier3A_16)
    %mul3A_17 = arith.constant 640 : i32
    %mul3A_18 = arith.muli %arg1, %mul3A_17 : i32
    %mul3A_19 = arith.constant 640 : i32
    %mul3A_20 = arith.muli %arg1, %mul3A_19 : i32
    "tpu.region"() ({
      %run_scoped3A = tpu.sem_alloc : memref<!tpu.dma_semaphore, #tpu.memory_space<semaphore_mem>>
      %dma_start3A = arith.constant 0 : i32
      %dma_start3A_21 = tpu.memref_slice %arg8[%arg0, %mul3A_20, %dma_start3A] : memref<2x10240x16xf32, #tpu.memory_space<hbm>> -> memref<1x640x16xf32, #tpu.memory_space<hbm>>
      %dma_start3A_22 = tpu.memref_squeeze %dma_start3A_21 : memref<1x640x16xf32, #tpu.memory_space<hbm>> -> memref<640x16xf32, #tpu.memory_space<hbm>>
      %dma_start3A_23 = arith.constant 0 : i32
      %dma_start3A_24 = tpu.memref_slice %arg16[%mul3A_18, %dma_start3A_23] : memref<10240x16xf32, #tpu.memory_space<vmem_shared>> -> memref<640x16xf32, #tpu.memory_space<vmem_shared>>
      tpu.enqueue_dma source(%dma_start3A_24 : memref<640x16xf32, #tpu.memory_space<vmem_shared>>) target(%dma_start3A_22 : memref<640x16xf32, #tpu.memory_space<hbm>>) target_semaphore(%run_scoped3A : memref<!tpu.dma_semaphore, #tpu.memory_space<semaphore_mem>>)
      %dma_wait3A = arith.constant 0 : i32
      %dma_wait3A_25 = tpu.memref_slice %arg8[%arg0, %mul3A_20, %dma_wait3A] : memref<2x10240x16xf32, #tpu.memory_space<hbm>> -> memref<1x640x16xf32, #tpu.memory_space<hbm>>
      %dma_wait3A_26 = tpu.memref_squeeze %dma_wait3A_25 : memref<1x640x16xf32, #tpu.memory_space<hbm>> -> memref<640x16xf32, #tpu.memory_space<hbm>>
      %dma_wait3A_27 = arith.constant 0 : i32
      %dma_wait3A_28 = tpu.memref_slice %arg16[%mul3A_18, %dma_wait3A_27] : memref<10240x16xf32, #tpu.memory_space<vmem_shared>> -> memref<640x16xf32, #tpu.memory_space<vmem_shared>>
      tpu.wait_dma2 semaphore(%run_scoped3A : memref<!tpu.dma_semaphore, #tpu.memory_space<semaphore_mem>>) src(%dma_wait3A_28 : memref<640x16xf32, #tpu.memory_space<vmem_shared>>) dst(%dma_wait3A_26 : memref<640x16xf32, #tpu.memory_space<hbm>>)
      tpu.yield
    }) : () -> ()
    return
  }
}

#map = affine_map<(d0, d1) -> (0, 0)>
#map1 = affine_map<(d0, d1) -> (0, 0, 0)>
module attributes {stable_mosaic.version = 14 : i64} {
  func.func @_sc2_body(%arg0: i32, %arg1: i32, %arg2: memref<13824x24xi32, #tpu.memory_space<hbm>>, %arg3: memref<13824x24xi32, #tpu.memory_space<hbm>>, %arg4: memref<10000x1536xbf16, #tpu.memory_space<hbm>>, %arg5: memref<331776x16xf32, #tpu.memory_space<hbm>>, %arg6: memref<10240x16xf32, #tpu.memory_space<hbm>>, %arg7: memref<2x10240x128xf32, #tpu.memory_space<hbm>>, %arg8: memref<8x24xi32, #tpu.memory_space<vmem>>, %arg9: memref<8x24xi32, #tpu.memory_space<vmem>>, %arg10: memref<24x1536xbf16, #tpu.memory_space<vmem>>, %arg11: memref<24x1536xbf16, #tpu.memory_space<vmem>>, %arg12: memref<24x16xf32, #tpu.memory_space<vmem>>, %arg13: memref<24x16xf32, #tpu.memory_space<vmem>>, %arg14: memref<24x16xf32, #tpu.memory_space<vmem>>, %arg15: memref<24x16xf32, #tpu.memory_space<vmem>>, %arg16: memref<24x128xf32, #tpu.memory_space<vmem>>, %arg17: memref<24x128xf32, #tpu.memory_space<vmem>>, %arg18: memref<16x128xf32, #tpu.memory_space<vmem>>, %arg19: memref<10240x128xf32, #tpu.memory_space<vmem_shared>>, %arg20: memref<!tpu.dma_semaphore, #tpu.memory_space<semaphore_mem>>, %arg21: memref<!tpu.dma_semaphore, #tpu.memory_space<semaphore_mem>>, %arg22: memref<!tpu.dma_semaphore, #tpu.memory_space<semaphore_mem>>, %arg23: memref<!tpu.dma_semaphore, #tpu.memory_space<semaphore_mem>>) attributes {dimension_semantics = [#tpu.dimension_semantics<core_parallel>, #tpu.dimension_semantics<subcore_parallel>], iteration_bounds = array<i64: 2, 16>, scalar_prefetch = 0 : i64, scratch_operands = 16 : i64, tpu.core_type = #tpu.core_type<sc_vector_subcore>, window_params = [{transform_indices = #map}, {transform_indices = #map}, {transform_indices = #map}, {transform_indices = #map}, {transform_indices = #map}, {transform_indices = #map1}]} {
    %mul3A = arith.constant 2 : i32
    %mul3A_0 = arith.muli %arg1, %mul3A : i32
    %add3A = arith.addi %mul3A_0, %arg0 : i32
    %scan3A = arith.constant 0 : i32
    %scan3A_1 = arith.constant 0 : i32
    %scan3A_2 = arith.constant 16 : i32
    %scan3A_3 = arith.addi %scan3A_1, %scan3A_2 : i32
    %scan3A_4 = arith.constant 1 : i32
    scf.for %scan3A_177 = %scan3A_1 to %scan3A_3 step %scan3A_4  : i32 {
      %broadcast_in_dim3A = arith.constant 0.000000e+00 : f32
      %broadcast_in_dim3A_178 = vector.broadcast %broadcast_in_dim3A : f32 to vector<16xf32>
      %swap3A = arith.index_cast %scan3A_177 : i32 to index
      %swap3A_179 = arith.constant 0 : index
      %swap3A_180 = tpu.vector_load %arg18[%swap3A, %swap3A_179] {strides = array<i32>} : memref<16x128xf32, #tpu.memory_space<vmem>>, vector<16xf32>,
      tpu.vector_store %arg18[%swap3A, %swap3A_179], %broadcast_in_dim3A_178 {strides = array<i32>} : memref<16x128xf32, #tpu.memory_space<vmem>>, vector<16xf32>,
      %broadcast_in_dim3A_181 = arith.constant 0.000000e+00 : f32
      %broadcast_in_dim3A_182 = vector.broadcast %broadcast_in_dim3A_181 : f32 to vector<16xf32>
      %swap3A_183 = arith.index_cast %scan3A_177 : i32 to index
      %swap3A_184 = arith.constant 16 : index
      %swap3A_185 = tpu.vector_load %arg18[%swap3A_183, %swap3A_184] {strides = array<i32>} : memref<16x128xf32, #tpu.memory_space<vmem>>, vector<16xf32>,
      tpu.vector_store %arg18[%swap3A_183, %swap3A_184], %broadcast_in_dim3A_182 {strides = array<i32>} : memref<16x128xf32, #tpu.memory_space<vmem>>, vector<16xf32>,
      %broadcast_in_dim3A_186 = arith.constant 0.000000e+00 : f32
      %broadcast_in_dim3A_187 = vector.broadcast %broadcast_in_dim3A_186 : f32 to vector<16xf32>
      %swap3A_188 = arith.index_cast %scan3A_177 : i32 to index
      %swap3A_189 = arith.constant 32 : index
      %swap3A_190 = tpu.vector_load %arg18[%swap3A_188, %swap3A_189] {strides = array<i32>} : memref<16x128xf32, #tpu.memory_space<vmem>>, vector<16xf32>,
      tpu.vector_store %arg18[%swap3A_188, %swap3A_189], %broadcast_in_dim3A_187 {strides = array<i32>} : memref<16x128xf32, #tpu.memory_space<vmem>>, vector<16xf32>,
      %broadcast_in_dim3A_191 = arith.constant 0.000000e+00 : f32
      %broadcast_in_dim3A_192 = vector.broadcast %broadcast_in_dim3A_191 : f32 to vector<16xf32>
      %swap3A_193 = arith.index_cast %scan3A_177 : i32 to index
      %swap3A_194 = arith.constant 48 : index
      %swap3A_195 = tpu.vector_load %arg18[%swap3A_193, %swap3A_194] {strides = array<i32>} : memref<16x128xf32, #tpu.memory_space<vmem>>, vector<16xf32>,
      tpu.vector_store %arg18[%swap3A_193, %swap3A_194], %broadcast_in_dim3A_192 {strides = array<i32>} : memref<16x128xf32, #tpu.memory_space<vmem>>, vector<16xf32>,
      %broadcast_in_dim3A_196 = arith.constant 0.000000e+00 : f32
      %broadcast_in_dim3A_197 = vector.broadcast %broadcast_in_dim3A_196 : f32 to vector<16xf32>
      %swap3A_198 = arith.index_cast %scan3A_177 : i32 to index
      %swap3A_199 = arith.constant 64 : index
      %swap3A_200 = tpu.vector_load %arg18[%swap3A_198, %swap3A_199] {strides = array<i32>} : memref<16x128xf32, #tpu.memory_space<vmem>>, vector<16xf32>,
      tpu.vector_store %arg18[%swap3A_198, %swap3A_199], %broadcast_in_dim3A_197 {strides = array<i32>} : memref<16x128xf32, #tpu.memory_space<vmem>>, vector<16xf32>,
      %broadcast_in_dim3A_201 = arith.constant 0.000000e+00 : f32
      %broadcast_in_dim3A_202 = vector.broadcast %broadcast_in_dim3A_201 : f32 to vector<16xf32>
      %swap3A_203 = arith.index_cast %scan3A_177 : i32 to index
      %swap3A_204 = arith.constant 80 : index
      %swap3A_205 = tpu.vector_load %arg18[%swap3A_203, %swap3A_204] {strides = array<i32>} : memref<16x128xf32, #tpu.memory_space<vmem>>, vector<16xf32>,
      tpu.vector_store %arg18[%swap3A_203, %swap3A_204], %broadcast_in_dim3A_202 {strides = array<i32>} : memref<16x128xf32, #tpu.memory_space<vmem>>, vector<16xf32>,
      %broadcast_in_dim3A_206 = arith.constant 0.000000e+00 : f32
      %broadcast_in_dim3A_207 = vector.broadcast %broadcast_in_dim3A_206 : f32 to vector<16xf32>
      %swap3A_208 = arith.index_cast %scan3A_177 : i32 to index
      %swap3A_209 = arith.constant 96 : index
      %swap3A_210 = tpu.vector_load %arg18[%swap3A_208, %swap3A_209] {strides = array<i32>} : memref<16x128xf32, #tpu.memory_space<vmem>>, vector<16xf32>,
      tpu.vector_store %arg18[%swap3A_208, %swap3A_209], %broadcast_in_dim3A_207 {strides = array<i32>} : memref<16x128xf32, #tpu.memory_space<vmem>>, vector<16xf32>,
      %broadcast_in_dim3A_211 = arith.constant 0.000000e+00 : f32
      %broadcast_in_dim3A_212 = vector.broadcast %broadcast_in_dim3A_211 : f32 to vector<16xf32>
      %swap3A_213 = arith.index_cast %scan3A_177 : i32 to index
      %swap3A_214 = arith.constant 112 : index
      %swap3A_215 = tpu.vector_load %arg18[%swap3A_213, %swap3A_214] {strides = array<i32>} : memref<16x128xf32, #tpu.memory_space<vmem>>, vector<16xf32>,
      tpu.vector_store %arg18[%swap3A_213, %swap3A_214], %broadcast_in_dim3A_212 {strides = array<i32>} : memref<16x128xf32, #tpu.memory_space<vmem>>, vector<16xf32>,
    }
    %scan3A_5 = arith.constant 16 : i32
    %mul3A_6 = arith.constant 640 : i32
    %mul3A_7 = arith.muli %arg1, %mul3A_6 : i32
    %add3A_8 = arith.constant 0 : i32
    %add3A_9 = arith.addi %mul3A_7, %add3A_8 : i32
    "tpu.region"() ({
      %run_scoped3A = tpu.sem_alloc : memref<!tpu.dma_semaphore, #tpu.memory_space<semaphore_mem>>
      %dma_start3A = arith.constant 0 : i32
      %dma_start3A_177 = tpu.memref_slice %arg19[%add3A_9, %dma_start3A] : memref<10240x128xf32, #tpu.memory_space<vmem_shared>> -> memref<16x128xf32, #tpu.memory_space<vmem_shared>>
      %dma_start3A_178 = arith.constant 0 : i32
      %dma_start3A_179 = tpu.memref_slice %arg19[%add3A_9, %dma_start3A_178] : memref<10240x128xf32, #tpu.memory_space<vmem_shared>> -> memref<16x128xf32, #tpu.memory_space<vmem_shared>>
      tpu.enqueue_dma source(%arg18 : memref<16x128xf32, #tpu.memory_space<vmem>>) target(%dma_start3A_179 : memref<16x128xf32, #tpu.memory_space<vmem_shared>>) target_semaphore(%run_scoped3A : memref<!tpu.dma_semaphore, #tpu.memory_space<semaphore_mem>>)
      %dma_wait3A = arith.constant 0 : i32
      %dma_wait3A_180 = tpu.memref_slice %arg19[%add3A_9, %dma_wait3A] : memref<10240x128xf32, #tpu.memory_space<vmem_shared>> -> memref<16x128xf32, #tpu.memory_space<vmem_shared>>
      %dma_wait3A_181 = arith.constant 0 : i32
      %dma_wait3A_182 = tpu.memref_slice %arg19[%add3A_9, %dma_wait3A_181] : memref<10240x128xf32, #tpu.memory_space<vmem_shared>> -> memref<16x128xf32, #tpu.memory_space<vmem_shared>>
      tpu.wait_dma2 semaphore(%run_scoped3A : memref<!tpu.dma_semaphore, #tpu.memory_space<semaphore_mem>>) src(%arg18 : memref<16x128xf32, #tpu.memory_space<vmem>>) dst(%dma_wait3A_182 : memref<16x128xf32, #tpu.memory_space<vmem_shared>>)
      tpu.yield
    }) : () -> ()
    %mul3A_10 = arith.constant 640 : i32
    %mul3A_11 = arith.muli %arg1, %mul3A_10 : i32
    %add3A_12 = arith.constant 16 : i32
    %add3A_13 = arith.addi %mul3A_11, %add3A_12 : i32
    "tpu.region"() ({
      %run_scoped3A = tpu.sem_alloc : memref<!tpu.dma_semaphore, #tpu.memory_space<semaphore_mem>>
      %dma_start3A = arith.constant 0 : i32
      %dma_start3A_177 = tpu.memref_slice %arg19[%add3A_13, %dma_start3A] : memref<10240x128xf32, #tpu.memory_space<vmem_shared>> -> memref<16x128xf32, #tpu.memory_space<vmem_shared>>
      %dma_start3A_178 = arith.constant 0 : i32
      %dma_start3A_179 = tpu.memref_slice %arg19[%add3A_13, %dma_start3A_178] : memref<10240x128xf32, #tpu.memory_space<vmem_shared>> -> memref<16x128xf32, #tpu.memory_space<vmem_shared>>
      tpu.enqueue_dma source(%arg18 : memref<16x128xf32, #tpu.memory_space<vmem>>) target(%dma_start3A_179 : memref<16x128xf32, #tpu.memory_space<vmem_shared>>) target_semaphore(%run_scoped3A : memref<!tpu.dma_semaphore, #tpu.memory_space<semaphore_mem>>)
      %dma_wait3A = arith.constant 0 : i32
      %dma_wait3A_180 = tpu.memref_slice %arg19[%add3A_13, %dma_wait3A] : memref<10240x128xf32, #tpu.memory_space<vmem_shared>> -> memref<16x128xf32, #tpu.memory_space<vmem_shared>>
      %dma_wait3A_181 = arith.constant 0 : i32
      %dma_wait3A_182 = tpu.memref_slice %arg19[%add3A_13, %dma_wait3A_181] : memref<10240x128xf32, #tpu.memory_space<vmem_shared>> -> memref<16x128xf32, #tpu.memory_space<vmem_shared>>
      tpu.wait_dma2 semaphore(%run_scoped3A : memref<!tpu.dma_semaphore, #tpu.memory_space<semaphore_mem>>) src(%arg18 : memref<16x128xf32, #tpu.memory_space<vmem>>) dst(%dma_wait3A_182 : memref<16x128xf32, #tpu.memory_space<vmem_shared>>)
      tpu.yield
    }) : () -> ()
    %mul3A_14 = arith.constant 640 : i32
    %mul3A_15 = arith.muli %arg1, %mul3A_14 : i32
    %add3A_16 = arith.constant 32 : i32
    %add3A_17 = arith.addi %mul3A_15, %add3A_16 : i32
    "tpu.region"() ({
      %run_scoped3A = tpu.sem_alloc : memref<!tpu.dma_semaphore, #tpu.memory_space<semaphore_mem>>
      %dma_start3A = arith.constant 0 : i32
      %dma_start3A_177 = tpu.memref_slice %arg19[%add3A_17, %dma_start3A] : memref<10240x128xf32, #tpu.memory_space<vmem_shared>> -> memref<16x128xf32, #tpu.memory_space<vmem_shared>>
      %dma_start3A_178 = arith.constant 0 : i32
      %dma_start3A_179 = tpu.memref_slice %arg19[%add3A_17, %dma_start3A_178] : memref<10240x128xf32, #tpu.memory_space<vmem_shared>> -> memref<16x128xf32, #tpu.memory_space<vmem_shared>>
      tpu.enqueue_dma source(%arg18 : memref<16x128xf32, #tpu.memory_space<vmem>>) target(%dma_start3A_179 : memref<16x128xf32, #tpu.memory_space<vmem_shared>>) target_semaphore(%run_scoped3A : memref<!tpu.dma_semaphore, #tpu.memory_space<semaphore_mem>>)
      %dma_wait3A = arith.constant 0 : i32
      %dma_wait3A_180 = tpu.memref_slice %arg19[%add3A_17, %dma_wait3A] : memref<10240x128xf32, #tpu.memory_space<vmem_shared>> -> memref<16x128xf32, #tpu.memory_space<vmem_shared>>
      %dma_wait3A_181 = arith.constant 0 : i32
      %dma_wait3A_182 = tpu.memref_slice %arg19[%add3A_17, %dma_wait3A_181] : memref<10240x128xf32, #tpu.memory_space<vmem_shared>> -> memref<16x128xf32, #tpu.memory_space<vmem_shared>>
      tpu.wait_dma2 semaphore(%run_scoped3A : memref<!tpu.dma_semaphore, #tpu.memory_space<semaphore_mem>>) src(%arg18 : memref<16x128xf32, #tpu.memory_space<vmem>>) dst(%dma_wait3A_182 : memref<16x128xf32, #tpu.memory_space<vmem_shared>>)
      tpu.yield
    }) : () -> ()
    %mul3A_18 = arith.constant 640 : i32
    %mul3A_19 = arith.muli %arg1, %mul3A_18 : i32
    %add3A_20 = arith.constant 48 : i32
    %add3A_21 = arith.addi %mul3A_19, %add3A_20 : i32
    "tpu.region"() ({
      %run_scoped3A = tpu.sem_alloc : memref<!tpu.dma_semaphore, #tpu.memory_space<semaphore_mem>>
      %dma_start3A = arith.constant 0 : i32
      %dma_start3A_177 = tpu.memref_slice %arg19[%add3A_21, %dma_start3A] : memref<10240x128xf32, #tpu.memory_space<vmem_shared>> -> memref<16x128xf32, #tpu.memory_space<vmem_shared>>
      %dma_start3A_178 = arith.constant 0 : i32
      %dma_start3A_179 = tpu.memref_slice %arg19[%add3A_21, %dma_start3A_178] : memref<10240x128xf32, #tpu.memory_space<vmem_shared>> -> memref<16x128xf32, #tpu.memory_space<vmem_shared>>
      tpu.enqueue_dma source(%arg18 : memref<16x128xf32, #tpu.memory_space<vmem>>) target(%dma_start3A_179 : memref<16x128xf32, #tpu.memory_space<vmem_shared>>) target_semaphore(%run_scoped3A : memref<!tpu.dma_semaphore, #tpu.memory_space<semaphore_mem>>)
      %dma_wait3A = arith.constant 0 : i32
      %dma_wait3A_180 = tpu.memref_slice %arg19[%add3A_21, %dma_wait3A] : memref<10240x128xf32, #tpu.memory_space<vmem_shared>> -> memref<16x128xf32, #tpu.memory_space<vmem_shared>>
      %dma_wait3A_181 = arith.constant 0 : i32
      %dma_wait3A_182 = tpu.memref_slice %arg19[%add3A_21, %dma_wait3A_181] : memref<10240x128xf32, #tpu.memory_space<vmem_shared>> -> memref<16x128xf32, #tpu.memory_space<vmem_shared>>
      tpu.wait_dma2 semaphore(%run_scoped3A : memref<!tpu.dma_semaphore, #tpu.memory_space<semaphore_mem>>) src(%arg18 : memref<16x128xf32, #tpu.memory_space<vmem>>) dst(%dma_wait3A_182 : memref<16x128xf32, #tpu.memory_space<vmem_shared>>)
      tpu.yield
    }) : () -> ()
    %mul3A_22 = arith.constant 640 : i32
    %mul3A_23 = arith.muli %arg1, %mul3A_22 : i32
    %add3A_24 = arith.constant 64 : i32
    %add3A_25 = arith.addi %mul3A_23, %add3A_24 : i32
    "tpu.region"() ({
      %run_scoped3A = tpu.sem_alloc : memref<!tpu.dma_semaphore, #tpu.memory_space<semaphore_mem>>
      %dma_start3A = arith.constant 0 : i32
      %dma_start3A_177 = tpu.memref_slice %arg19[%add3A_25, %dma_start3A] : memref<10240x128xf32, #tpu.memory_space<vmem_shared>> -> memref<16x128xf32, #tpu.memory_space<vmem_shared>>
      %dma_start3A_178 = arith.constant 0 : i32
      %dma_start3A_179 = tpu.memref_slice %arg19[%add3A_25, %dma_start3A_178] : memref<10240x128xf32, #tpu.memory_space<vmem_shared>> -> memref<16x128xf32, #tpu.memory_space<vmem_shared>>
      tpu.enqueue_dma source(%arg18 : memref<16x128xf32, #tpu.memory_space<vmem>>) target(%dma_start3A_179 : memref<16x128xf32, #tpu.memory_space<vmem_shared>>) target_semaphore(%run_scoped3A : memref<!tpu.dma_semaphore, #tpu.memory_space<semaphore_mem>>)
      %dma_wait3A = arith.constant 0 : i32
      %dma_wait3A_180 = tpu.memref_slice %arg19[%add3A_25, %dma_wait3A] : memref<10240x128xf32, #tpu.memory_space<vmem_shared>> -> memref<16x128xf32, #tpu.memory_space<vmem_shared>>
      %dma_wait3A_181 = arith.constant 0 : i32
      %dma_wait3A_182 = tpu.memref_slice %arg19[%add3A_25, %dma_wait3A_181] : memref<10240x128xf32, #tpu.memory_space<vmem_shared>> -> memref<16x128xf32, #tpu.memory_space<vmem_shared>>
      tpu.wait_dma2 semaphore(%run_scoped3A : memref<!tpu.dma_semaphore, #tpu.memory_space<semaphore_mem>>) src(%arg18 : memref<16x128xf32, #tpu.memory_space<vmem>>) dst(%dma_wait3A_182 : memref<16x128xf32, #tpu.memory_space<vmem_shared>>)
      tpu.yield
    }) : () -> ()
    %mul3A_26 = arith.constant 640 : i32
    %mul3A_27 = arith.muli %arg1, %mul3A_26 : i32
    %add3A_28 = arith.constant 80 : i32
    %add3A_29 = arith.addi %mul3A_27, %add3A_28 : i32
    "tpu.region"() ({
      %run_scoped3A = tpu.sem_alloc : memref<!tpu.dma_semaphore, #tpu.memory_space<semaphore_mem>>
      %dma_start3A = arith.constant 0 : i32
      %dma_start3A_177 = tpu.memref_slice %arg19[%add3A_29, %dma_start3A] : memref<10240x128xf32, #tpu.memory_space<vmem_shared>> -> memref<16x128xf32, #tpu.memory_space<vmem_shared>>
      %dma_start3A_178 = arith.constant 0 : i32
      %dma_start3A_179 = tpu.memref_slice %arg19[%add3A_29, %dma_start3A_178] : memref<10240x128xf32, #tpu.memory_space<vmem_shared>> -> memref<16x128xf32, #tpu.memory_space<vmem_shared>>
      tpu.enqueue_dma source(%arg18 : memref<16x128xf32, #tpu.memory_space<vmem>>) target(%dma_start3A_179 : memref<16x128xf32, #tpu.memory_space<vmem_shared>>) target_semaphore(%run_scoped3A : memref<!tpu.dma_semaphore, #tpu.memory_space<semaphore_mem>>)
      %dma_wait3A = arith.constant 0 : i32
      %dma_wait3A_180 = tpu.memref_slice %arg19[%add3A_29, %dma_wait3A] : memref<10240x128xf32, #tpu.memory_space<vmem_shared>> -> memref<16x128xf32, #tpu.memory_space<vmem_shared>>
      %dma_wait3A_181 = arith.constant 0 : i32
      %dma_wait3A_182 = tpu.memref_slice %arg19[%add3A_29, %dma_wait3A_181] : memref<10240x128xf32, #tpu.memory_space<vmem_shared>> -> memref<16x128xf32, #tpu.memory_space<vmem_shared>>
      tpu.wait_dma2 semaphore(%run_scoped3A : memref<!tpu.dma_semaphore, #tpu.memory_space<semaphore_mem>>) src(%arg18 : memref<16x128xf32, #tpu.memory_space<vmem>>) dst(%dma_wait3A_182 : memref<16x128xf32, #tpu.memory_space<vmem_shared>>)
      tpu.yield
    }) : () -> ()
    %mul3A_30 = arith.constant 640 : i32
    %mul3A_31 = arith.muli %arg1, %mul3A_30 : i32
    %add3A_32 = arith.constant 96 : i32
    %add3A_33 = arith.addi %mul3A_31, %add3A_32 : i32
    "tpu.region"() ({
      %run_scoped3A = tpu.sem_alloc : memref<!tpu.dma_semaphore, #tpu.memory_space<semaphore_mem>>
      %dma_start3A = arith.constant 0 : i32
      %dma_start3A_177 = tpu.memref_slice %arg19[%add3A_33, %dma_start3A] : memref<10240x128xf32, #tpu.memory_space<vmem_shared>> -> memref<16x128xf32, #tpu.memory_space<vmem_shared>>
      %dma_start3A_178 = arith.constant 0 : i32
      %dma_start3A_179 = tpu.memref_slice %arg19[%add3A_33, %dma_start3A_178] : memref<10240x128xf32, #tpu.memory_space<vmem_shared>> -> memref<16x128xf32, #tpu.memory_space<vmem_shared>>
      tpu.enqueue_dma source(%arg18 : memref<16x128xf32, #tpu.memory_space<vmem>>) target(%dma_start3A_179 : memref<16x128xf32, #tpu.memory_space<vmem_shared>>) target_semaphore(%run_scoped3A : memref<!tpu.dma_semaphore, #tpu.memory_space<semaphore_mem>>)
      %dma_wait3A = arith.constant 0 : i32
      %dma_wait3A_180 = tpu.memref_slice %arg19[%add3A_33, %dma_wait3A] : memref<10240x128xf32, #tpu.memory_space<vmem_shared>> -> memref<16x128xf32, #tpu.memory_space<vmem_shared>>
      %dma_wait3A_181 = arith.constant 0 : i32
      %dma_wait3A_182 = tpu.memref_slice %arg19[%add3A_33, %dma_wait3A_181] : memref<10240x128xf32, #tpu.memory_space<vmem_shared>> -> memref<16x128xf32, #tpu.memory_space<vmem_shared>>
      tpu.wait_dma2 semaphore(%run_scoped3A : memref<!tpu.dma_semaphore, #tpu.memory_space<semaphore_mem>>) src(%arg18 : memref<16x128xf32, #tpu.memory_space<vmem>>) dst(%dma_wait3A_182 : memref<16x128xf32, #tpu.memory_space<vmem_shared>>)
      tpu.yield
    }) : () -> ()
    %mul3A_34 = arith.constant 640 : i32
    %mul3A_35 = arith.muli %arg1, %mul3A_34 : i32
    %add3A_36 = arith.constant 112 : i32
    %add3A_37 = arith.addi %mul3A_35, %add3A_36 : i32
    "tpu.region"() ({
      %run_scoped3A = tpu.sem_alloc : memref<!tpu.dma_semaphore, #tpu.memory_space<semaphore_mem>>
      %dma_start3A = arith.constant 0 : i32
      %dma_start3A_177 = tpu.memref_slice %arg19[%add3A_37, %dma_start3A] : memref<10240x128xf32, #tpu.memory_space<vmem_shared>> -> memref<16x128xf32, #tpu.memory_space<vmem_shared>>
      %dma_start3A_178 = arith.constant 0 : i32
      %dma_start3A_179 = tpu.memref_slice %arg19[%add3A_37, %dma_start3A_178] : memref<10240x128xf32, #tpu.memory_space<vmem_shared>> -> memref<16x128xf32, #tpu.memory_space<vmem_shared>>
      tpu.enqueue_dma source(%arg18 : memref<16x128xf32, #tpu.memory_space<vmem>>) target(%dma_start3A_179 : memref<16x128xf32, #tpu.memory_space<vmem_shared>>) target_semaphore(%run_scoped3A : memref<!tpu.dma_semaphore, #tpu.memory_space<semaphore_mem>>)
      %dma_wait3A = arith.constant 0 : i32
      %dma_wait3A_180 = tpu.memref_slice %arg19[%add3A_37, %dma_wait3A] : memref<10240x128xf32, #tpu.memory_space<vmem_shared>> -> memref<16x128xf32, #tpu.memory_space<vmem_shared>>
      %dma_wait3A_181 = arith.constant 0 : i32
      %dma_wait3A_182 = tpu.memref_slice %arg19[%add3A_37, %dma_wait3A_181] : memref<10240x128xf32, #tpu.memory_space<vmem_shared>> -> memref<16x128xf32, #tpu.memory_space<vmem_shared>>
      tpu.wait_dma2 semaphore(%run_scoped3A : memref<!tpu.dma_semaphore, #tpu.memory_space<semaphore_mem>>) src(%arg18 : memref<16x128xf32, #tpu.memory_space<vmem>>) dst(%dma_wait3A_182 : memref<16x128xf32, #tpu.memory_space<vmem_shared>>)
      tpu.yield
    }) : () -> ()
    %mul3A_38 = arith.constant 640 : i32
    %mul3A_39 = arith.muli %arg1, %mul3A_38 : i32
    %add3A_40 = arith.constant 128 : i32
    %add3A_41 = arith.addi %mul3A_39, %add3A_40 : i32
    "tpu.region"() ({
      %run_scoped3A = tpu.sem_alloc : memref<!tpu.dma_semaphore, #tpu.memory_space<semaphore_mem>>
      %dma_start3A = arith.constant 0 : i32
      %dma_start3A_177 = tpu.memref_slice %arg19[%add3A_41, %dma_start3A] : memref<10240x128xf32, #tpu.memory_space<vmem_shared>> -> memref<16x128xf32, #tpu.memory_space<vmem_shared>>
      %dma_start3A_178 = arith.constant 0 : i32
      %dma_start3A_179 = tpu.memref_slice %arg19[%add3A_41, %dma_start3A_178] : memref<10240x128xf32, #tpu.memory_space<vmem_shared>> -> memref<16x128xf32, #tpu.memory_space<vmem_shared>>
      tpu.enqueue_dma source(%arg18 : memref<16x128xf32, #tpu.memory_space<vmem>>) target(%dma_start3A_179 : memref<16x128xf32, #tpu.memory_space<vmem_shared>>) target_semaphore(%run_scoped3A : memref<!tpu.dma_semaphore, #tpu.memory_space<semaphore_mem>>)
      %dma_wait3A = arith.constant 0 : i32
      %dma_wait3A_180 = tpu.memref_slice %arg19[%add3A_41, %dma_wait3A] : memref<10240x128xf32, #tpu.memory_space<vmem_shared>> -> memref<16x128xf32, #tpu.memory_space<vmem_shared>>
      %dma_wait3A_181 = arith.constant 0 : i32
      %dma_wait3A_182 = tpu.memref_slice %arg19[%add3A_41, %dma_wait3A_181] : memref<10240x128xf32, #tpu.memory_space<vmem_shared>> -> memref<16x128xf32, #tpu.memory_space<vmem_shared>>
      tpu.wait_dma2 semaphore(%run_scoped3A : memref<!tpu.dma_semaphore, #tpu.memory_space<semaphore_mem>>) src(%arg18 : memref<16x128xf32, #tpu.memory_space<vmem>>) dst(%dma_wait3A_182 : memref<16x128xf32, #tpu.memory_space<vmem_shared>>)
      tpu.yield
    }) : () -> ()
    %mul3A_42 = arith.constant 640 : i32
    %mul3A_43 = arith.muli %arg1, %mul3A_42 : i32
    %add3A_44 = arith.constant 144 : i32
    %add3A_45 = arith.addi %mul3A_43, %add3A_44 : i32
    "tpu.region"() ({
      %run_scoped3A = tpu.sem_alloc : memref<!tpu.dma_semaphore, #tpu.memory_space<semaphore_mem>>
      %dma_start3A = arith.constant 0 : i32
      %dma_start3A_177 = tpu.memref_slice %arg19[%add3A_45, %dma_start3A] : memref<10240x128xf32, #tpu.memory_space<vmem_shared>> -> memref<16x128xf32, #tpu.memory_space<vmem_shared>>
      %dma_start3A_178 = arith.constant 0 : i32
      %dma_start3A_179 = tpu.memref_slice %arg19[%add3A_45, %dma_start3A_178] : memref<10240x128xf32, #tpu.memory_space<vmem_shared>> -> memref<16x128xf32, #tpu.memory_space<vmem_shared>>
      tpu.enqueue_dma source(%arg18 : memref<16x128xf32, #tpu.memory_space<vmem>>) target(%dma_start3A_179 : memref<16x128xf32, #tpu.memory_space<vmem_shared>>) target_semaphore(%run_scoped3A : memref<!tpu.dma_semaphore, #tpu.memory_space<semaphore_mem>>)
      %dma_wait3A = arith.constant 0 : i32
      %dma_wait3A_180 = tpu.memref_slice %arg19[%add3A_45, %dma_wait3A] : memref<10240x128xf32, #tpu.memory_space<vmem_shared>> -> memref<16x128xf32, #tpu.memory_space<vmem_shared>>
      %dma_wait3A_181 = arith.constant 0 : i32
      %dma_wait3A_182 = tpu.memref_slice %arg19[%add3A_45, %dma_wait3A_181] : memref<10240x128xf32, #tpu.memory_space<vmem_shared>> -> memref<16x128xf32, #tpu.memory_space<vmem_shared>>
      tpu.wait_dma2 semaphore(%run_scoped3A : memref<!tpu.dma_semaphore, #tpu.memory_space<semaphore_mem>>) src(%arg18 : memref<16x128xf32, #tpu.memory_space<vmem>>) dst(%dma_wait3A_182 : memref<16x128xf32, #tpu.memory_space<vmem_shared>>)
      tpu.yield
    }) : () -> ()
    %mul3A_46 = arith.constant 640 : i32
    %mul3A_47 = arith.muli %arg1, %mul3A_46 : i32
    %add3A_48 = arith.constant 160 : i32
    %add3A_49 = arith.addi %mul3A_47, %add3A_48 : i32
    "tpu.region"() ({
      %run_scoped3A = tpu.sem_alloc : memref<!tpu.dma_semaphore, #tpu.memory_space<semaphore_mem>>
      %dma_start3A = arith.constant 0 : i32
      %dma_start3A_177 = tpu.memref_slice %arg19[%add3A_49, %dma_start3A] : memref<10240x128xf32, #tpu.memory_space<vmem_shared>> -> memref<16x128xf32, #tpu.memory_space<vmem_shared>>
      %dma_start3A_178 = arith.constant 0 : i32
      %dma_start3A_179 = tpu.memref_slice %arg19[%add3A_49, %dma_start3A_178] : memref<10240x128xf32, #tpu.memory_space<vmem_shared>> -> memref<16x128xf32, #tpu.memory_space<vmem_shared>>
      tpu.enqueue_dma source(%arg18 : memref<16x128xf32, #tpu.memory_space<vmem>>) target(%dma_start3A_179 : memref<16x128xf32, #tpu.memory_space<vmem_shared>>) target_semaphore(%run_scoped3A : memref<!tpu.dma_semaphore, #tpu.memory_space<semaphore_mem>>)
      %dma_wait3A = arith.constant 0 : i32
      %dma_wait3A_180 = tpu.memref_slice %arg19[%add3A_49, %dma_wait3A] : memref<10240x128xf32, #tpu.memory_space<vmem_shared>> -> memref<16x128xf32, #tpu.memory_space<vmem_shared>>
      %dma_wait3A_181 = arith.constant 0 : i32
      %dma_wait3A_182 = tpu.memref_slice %arg19[%add3A_49, %dma_wait3A_181] : memref<10240x128xf32, #tpu.memory_space<vmem_shared>> -> memref<16x128xf32, #tpu.memory_space<vmem_shared>>
      tpu.wait_dma2 semaphore(%run_scoped3A : memref<!tpu.dma_semaphore, #tpu.memory_space<semaphore_mem>>) src(%arg18 : memref<16x128xf32, #tpu.memory_space<vmem>>) dst(%dma_wait3A_182 : memref<16x128xf32, #tpu.memory_space<vmem_shared>>)
      tpu.yield
    }) : () -> ()
    %mul3A_50 = arith.constant 640 : i32
    %mul3A_51 = arith.muli %arg1, %mul3A_50 : i32
    %add3A_52 = arith.constant 176 : i32
    %add3A_53 = arith.addi %mul3A_51, %add3A_52 : i32
    "tpu.region"() ({
      %run_scoped3A = tpu.sem_alloc : memref<!tpu.dma_semaphore, #tpu.memory_space<semaphore_mem>>
      %dma_start3A = arith.constant 0 : i32
      %dma_start3A_177 = tpu.memref_slice %arg19[%add3A_53, %dma_start3A] : memref<10240x128xf32, #tpu.memory_space<vmem_shared>> -> memref<16x128xf32, #tpu.memory_space<vmem_shared>>
      %dma_start3A_178 = arith.constant 0 : i32
      %dma_start3A_179 = tpu.memref_slice %arg19[%add3A_53, %dma_start3A_178] : memref<10240x128xf32, #tpu.memory_space<vmem_shared>> -> memref<16x128xf32, #tpu.memory_space<vmem_shared>>
      tpu.enqueue_dma source(%arg18 : memref<16x128xf32, #tpu.memory_space<vmem>>) target(%dma_start3A_179 : memref<16x128xf32, #tpu.memory_space<vmem_shared>>) target_semaphore(%run_scoped3A : memref<!tpu.dma_semaphore, #tpu.memory_space<semaphore_mem>>)
      %dma_wait3A = arith.constant 0 : i32
      %dma_wait3A_180 = tpu.memref_slice %arg19[%add3A_53, %dma_wait3A] : memref<10240x128xf32, #tpu.memory_space<vmem_shared>> -> memref<16x128xf32, #tpu.memory_space<vmem_shared>>
      %dma_wait3A_181 = arith.constant 0 : i32
      %dma_wait3A_182 = tpu.memref_slice %arg19[%add3A_53, %dma_wait3A_181] : memref<10240x128xf32, #tpu.memory_space<vmem_shared>> -> memref<16x128xf32, #tpu.memory_space<vmem_shared>>
      tpu.wait_dma2 semaphore(%run_scoped3A : memref<!tpu.dma_semaphore, #tpu.memory_space<semaphore_mem>>) src(%arg18 : memref<16x128xf32, #tpu.memory_space<vmem>>) dst(%dma_wait3A_182 : memref<16x128xf32, #tpu.memory_space<vmem_shared>>)
      tpu.yield
    }) : () -> ()
    %mul3A_54 = arith.constant 640 : i32
    %mul3A_55 = arith.muli %arg1, %mul3A_54 : i32
    %add3A_56 = arith.constant 192 : i32
    %add3A_57 = arith.addi %mul3A_55, %add3A_56 : i32
    "tpu.region"() ({
      %run_scoped3A = tpu.sem_alloc : memref<!tpu.dma_semaphore, #tpu.memory_space<semaphore_mem>>
      %dma_start3A = arith.constant 0 : i32
      %dma_start3A_177 = tpu.memref_slice %arg19[%add3A_57, %dma_start3A] : memref<10240x128xf32, #tpu.memory_space<vmem_shared>> -> memref<16x128xf32, #tpu.memory_space<vmem_shared>>
      %dma_start3A_178 = arith.constant 0 : i32
      %dma_start3A_179 = tpu.memref_slice %arg19[%add3A_57, %dma_start3A_178] : memref<10240x128xf32, #tpu.memory_space<vmem_shared>> -> memref<16x128xf32, #tpu.memory_space<vmem_shared>>
      tpu.enqueue_dma source(%arg18 : memref<16x128xf32, #tpu.memory_space<vmem>>) target(%dma_start3A_179 : memref<16x128xf32, #tpu.memory_space<vmem_shared>>) target_semaphore(%run_scoped3A : memref<!tpu.dma_semaphore, #tpu.memory_space<semaphore_mem>>)
      %dma_wait3A = arith.constant 0 : i32
      %dma_wait3A_180 = tpu.memref_slice %arg19[%add3A_57, %dma_wait3A] : memref<10240x128xf32, #tpu.memory_space<vmem_shared>> -> memref<16x128xf32, #tpu.memory_space<vmem_shared>>
      %dma_wait3A_181 = arith.constant 0 : i32
      %dma_wait3A_182 = tpu.memref_slice %arg19[%add3A_57, %dma_wait3A_181] : memref<10240x128xf32, #tpu.memory_space<vmem_shared>> -> memref<16x128xf32, #tpu.memory_space<vmem_shared>>
      tpu.wait_dma2 semaphore(%run_scoped3A : memref<!tpu.dma_semaphore, #tpu.memory_space<semaphore_mem>>) src(%arg18 : memref<16x128xf32, #tpu.memory_space<vmem>>) dst(%dma_wait3A_182 : memref<16x128xf32, #tpu.memory_space<vmem_shared>>)
      tpu.yield
    }) : () -> ()
    %mul3A_58 = arith.constant 640 : i32
    %mul3A_59 = arith.muli %arg1, %mul3A_58 : i32
    %add3A_60 = arith.constant 208 : i32
    %add3A_61 = arith.addi %mul3A_59, %add3A_60 : i32
    "tpu.region"() ({
      %run_scoped3A = tpu.sem_alloc : memref<!tpu.dma_semaphore, #tpu.memory_space<semaphore_mem>>
      %dma_start3A = arith.constant 0 : i32
      %dma_start3A_177 = tpu.memref_slice %arg19[%add3A_61, %dma_start3A] : memref<10240x128xf32, #tpu.memory_space<vmem_shared>> -> memref<16x128xf32, #tpu.memory_space<vmem_shared>>
      %dma_start3A_178 = arith.constant 0 : i32
      %dma_start3A_179 = tpu.memref_slice %arg19[%add3A_61, %dma_start3A_178] : memref<10240x128xf32, #tpu.memory_space<vmem_shared>> -> memref<16x128xf32, #tpu.memory_space<vmem_shared>>
      tpu.enqueue_dma source(%arg18 : memref<16x128xf32, #tpu.memory_space<vmem>>) target(%dma_start3A_179 : memref<16x128xf32, #tpu.memory_space<vmem_shared>>) target_semaphore(%run_scoped3A : memref<!tpu.dma_semaphore, #tpu.memory_space<semaphore_mem>>)
      %dma_wait3A = arith.constant 0 : i32
      %dma_wait3A_180 = tpu.memref_slice %arg19[%add3A_61, %dma_wait3A] : memref<10240x128xf32, #tpu.memory_space<vmem_shared>> -> memref<16x128xf32, #tpu.memory_space<vmem_shared>>
      %dma_wait3A_181 = arith.constant 0 : i32
      %dma_wait3A_182 = tpu.memref_slice %arg19[%add3A_61, %dma_wait3A_181] : memref<10240x128xf32, #tpu.memory_space<vmem_shared>> -> memref<16x128xf32, #tpu.memory_space<vmem_shared>>
      tpu.wait_dma2 semaphore(%run_scoped3A : memref<!tpu.dma_semaphore, #tpu.memory_space<semaphore_mem>>) src(%arg18 : memref<16x128xf32, #tpu.memory_space<vmem>>) dst(%dma_wait3A_182 : memref<16x128xf32, #tpu.memory_space<vmem_shared>>)
      tpu.yield
    }) : () -> ()
    %mul3A_62 = arith.constant 640 : i32
    %mul3A_63 = arith.muli %arg1, %mul3A_62 : i32
    %add3A_64 = arith.constant 224 : i32
    %add3A_65 = arith.addi %mul3A_63, %add3A_64 : i32
    "tpu.region"() ({
      %run_scoped3A = tpu.sem_alloc : memref<!tpu.dma_semaphore, #tpu.memory_space<semaphore_mem>>
      %dma_start3A = arith.constant 0 : i32
      %dma_start3A_177 = tpu.memref_slice %arg19[%add3A_65, %dma_start3A] : memref<10240x128xf32, #tpu.memory_space<vmem_shared>> -> memref<16x128xf32, #tpu.memory_space<vmem_shared>>
      %dma_start3A_178 = arith.constant 0 : i32
      %dma_start3A_179 = tpu.memref_slice %arg19[%add3A_65, %dma_start3A_178] : memref<10240x128xf32, #tpu.memory_space<vmem_shared>> -> memref<16x128xf32, #tpu.memory_space<vmem_shared>>
      tpu.enqueue_dma source(%arg18 : memref<16x128xf32, #tpu.memory_space<vmem>>) target(%dma_start3A_179 : memref<16x128xf32, #tpu.memory_space<vmem_shared>>) target_semaphore(%run_scoped3A : memref<!tpu.dma_semaphore, #tpu.memory_space<semaphore_mem>>)
      %dma_wait3A = arith.constant 0 : i32
      %dma_wait3A_180 = tpu.memref_slice %arg19[%add3A_65, %dma_wait3A] : memref<10240x128xf32, #tpu.memory_space<vmem_shared>> -> memref<16x128xf32, #tpu.memory_space<vmem_shared>>
      %dma_wait3A_181 = arith.constant 0 : i32
      %dma_wait3A_182 = tpu.memref_slice %arg19[%add3A_65, %dma_wait3A_181] : memref<10240x128xf32, #tpu.memory_space<vmem_shared>> -> memref<16x128xf32, #tpu.memory_space<vmem_shared>>
      tpu.wait_dma2 semaphore(%run_scoped3A : memref<!tpu.dma_semaphore, #tpu.memory_space<semaphore_mem>>) src(%arg18 : memref<16x128xf32, #tpu.memory_space<vmem>>) dst(%dma_wait3A_182 : memref<16x128xf32, #tpu.memory_space<vmem_shared>>)
      tpu.yield
    }) : () -> ()
    %mul3A_66 = arith.constant 640 : i32
    %mul3A_67 = arith.muli %arg1, %mul3A_66 : i32
    %add3A_68 = arith.constant 240 : i32
    %add3A_69 = arith.addi %mul3A_67, %add3A_68 : i32
    "tpu.region"() ({
      %run_scoped3A = tpu.sem_alloc : memref<!tpu.dma_semaphore, #tpu.memory_space<semaphore_mem>>
      %dma_start3A = arith.constant 0 : i32
      %dma_start3A_177 = tpu.memref_slice %arg19[%add3A_69, %dma_start3A] : memref<10240x128xf32, #tpu.memory_space<vmem_shared>> -> memref<16x128xf32, #tpu.memory_space<vmem_shared>>
      %dma_start3A_178 = arith.constant 0 : i32
      %dma_start3A_179 = tpu.memref_slice %arg19[%add3A_69, %dma_start3A_178] : memref<10240x128xf32, #tpu.memory_space<vmem_shared>> -> memref<16x128xf32, #tpu.memory_space<vmem_shared>>
      tpu.enqueue_dma source(%arg18 : memref<16x128xf32, #tpu.memory_space<vmem>>) target(%dma_start3A_179 : memref<16x128xf32, #tpu.memory_space<vmem_shared>>) target_semaphore(%run_scoped3A : memref<!tpu.dma_semaphore, #tpu.memory_space<semaphore_mem>>)
      %dma_wait3A = arith.constant 0 : i32
      %dma_wait3A_180 = tpu.memref_slice %arg19[%add3A_69, %dma_wait3A] : memref<10240x128xf32, #tpu.memory_space<vmem_shared>> -> memref<16x128xf32, #tpu.memory_space<vmem_shared>>
      %dma_wait3A_181 = arith.constant 0 : i32
      %dma_wait3A_182 = tpu.memref_slice %arg19[%add3A_69, %dma_wait3A_181] : memref<10240x128xf32, #tpu.memory_space<vmem_shared>> -> memref<16x128xf32, #tpu.memory_space<vmem_shared>>
      tpu.wait_dma2 semaphore(%run_scoped3A : memref<!tpu.dma_semaphore, #tpu.memory_space<semaphore_mem>>) src(%arg18 : memref<16x128xf32, #tpu.memory_space<vmem>>) dst(%dma_wait3A_182 : memref<16x128xf32, #tpu.memory_space<vmem_shared>>)
      tpu.yield
    }) : () -> ()
    %mul3A_70 = arith.constant 640 : i32
    %mul3A_71 = arith.muli %arg1, %mul3A_70 : i32
    %add3A_72 = arith.constant 256 : i32
    %add3A_73 = arith.addi %mul3A_71, %add3A_72 : i32
    "tpu.region"() ({
      %run_scoped3A = tpu.sem_alloc : memref<!tpu.dma_semaphore, #tpu.memory_space<semaphore_mem>>
      %dma_start3A = arith.constant 0 : i32
      %dma_start3A_177 = tpu.memref_slice %arg19[%add3A_73, %dma_start3A] : memref<10240x128xf32, #tpu.memory_space<vmem_shared>> -> memref<16x128xf32, #tpu.memory_space<vmem_shared>>
      %dma_start3A_178 = arith.constant 0 : i32
      %dma_start3A_179 = tpu.memref_slice %arg19[%add3A_73, %dma_start3A_178] : memref<10240x128xf32, #tpu.memory_space<vmem_shared>> -> memref<16x128xf32, #tpu.memory_space<vmem_shared>>
      tpu.enqueue_dma source(%arg18 : memref<16x128xf32, #tpu.memory_space<vmem>>) target(%dma_start3A_179 : memref<16x128xf32, #tpu.memory_space<vmem_shared>>) target_semaphore(%run_scoped3A : memref<!tpu.dma_semaphore, #tpu.memory_space<semaphore_mem>>)
      %dma_wait3A = arith.constant 0 : i32
      %dma_wait3A_180 = tpu.memref_slice %arg19[%add3A_73, %dma_wait3A] : memref<10240x128xf32, #tpu.memory_space<vmem_shared>> -> memref<16x128xf32, #tpu.memory_space<vmem_shared>>
      %dma_wait3A_181 = arith.constant 0 : i32
      %dma_wait3A_182 = tpu.memref_slice %arg19[%add3A_73, %dma_wait3A_181] : memref<10240x128xf32, #tpu.memory_space<vmem_shared>> -> memref<16x128xf32, #tpu.memory_space<vmem_shared>>
      tpu.wait_dma2 semaphore(%run_scoped3A : memref<!tpu.dma_semaphore, #tpu.memory_space<semaphore_mem>>) src(%arg18 : memref<16x128xf32, #tpu.memory_space<vmem>>) dst(%dma_wait3A_182 : memref<16x128xf32, #tpu.memory_space<vmem_shared>>)
      tpu.yield
    }) : () -> ()
    %mul3A_74 = arith.constant 640 : i32
    %mul3A_75 = arith.muli %arg1, %mul3A_74 : i32
    %add3A_76 = arith.constant 272 : i32
    %add3A_77 = arith.addi %mul3A_75, %add3A_76 : i32
    "tpu.region"() ({
      %run_scoped3A = tpu.sem_alloc : memref<!tpu.dma_semaphore, #tpu.memory_space<semaphore_mem>>
      %dma_start3A = arith.constant 0 : i32
      %dma_start3A_177 = tpu.memref_slice %arg19[%add3A_77, %dma_start3A] : memref<10240x128xf32, #tpu.memory_space<vmem_shared>> -> memref<16x128xf32, #tpu.memory_space<vmem_shared>>
      %dma_start3A_178 = arith.constant 0 : i32
      %dma_start3A_179 = tpu.memref_slice %arg19[%add3A_77, %dma_start3A_178] : memref<10240x128xf32, #tpu.memory_space<vmem_shared>> -> memref<16x128xf32, #tpu.memory_space<vmem_shared>>
      tpu.enqueue_dma source(%arg18 : memref<16x128xf32, #tpu.memory_space<vmem>>) target(%dma_start3A_179 : memref<16x128xf32, #tpu.memory_space<vmem_shared>>) target_semaphore(%run_scoped3A : memref<!tpu.dma_semaphore, #tpu.memory_space<semaphore_mem>>)
      %dma_wait3A = arith.constant 0 : i32
      %dma_wait3A_180 = tpu.memref_slice %arg19[%add3A_77, %dma_wait3A] : memref<10240x128xf32, #tpu.memory_space<vmem_shared>> -> memref<16x128xf32, #tpu.memory_space<vmem_shared>>
      %dma_wait3A_181 = arith.constant 0 : i32
      %dma_wait3A_182 = tpu.memref_slice %arg19[%add3A_77, %dma_wait3A_181] : memref<10240x128xf32, #tpu.memory_space<vmem_shared>> -> memref<16x128xf32, #tpu.memory_space<vmem_shared>>
      tpu.wait_dma2 semaphore(%run_scoped3A : memref<!tpu.dma_semaphore, #tpu.memory_space<semaphore_mem>>) src(%arg18 : memref<16x128xf32, #tpu.memory_space<vmem>>) dst(%dma_wait3A_182 : memref<16x128xf32, #tpu.memory_space<vmem_shared>>)
      tpu.yield
    }) : () -> ()
    %mul3A_78 = arith.constant 640 : i32
    %mul3A_79 = arith.muli %arg1, %mul3A_78 : i32
    %add3A_80 = arith.constant 288 : i32
    %add3A_81 = arith.addi %mul3A_79, %add3A_80 : i32
    "tpu.region"() ({
      %run_scoped3A = tpu.sem_alloc : memref<!tpu.dma_semaphore, #tpu.memory_space<semaphore_mem>>
      %dma_start3A = arith.constant 0 : i32
      %dma_start3A_177 = tpu.memref_slice %arg19[%add3A_81, %dma_start3A] : memref<10240x128xf32, #tpu.memory_space<vmem_shared>> -> memref<16x128xf32, #tpu.memory_space<vmem_shared>>
      %dma_start3A_178 = arith.constant 0 : i32
      %dma_start3A_179 = tpu.memref_slice %arg19[%add3A_81, %dma_start3A_178] : memref<10240x128xf32, #tpu.memory_space<vmem_shared>> -> memref<16x128xf32, #tpu.memory_space<vmem_shared>>
      tpu.enqueue_dma source(%arg18 : memref<16x128xf32, #tpu.memory_space<vmem>>) target(%dma_start3A_179 : memref<16x128xf32, #tpu.memory_space<vmem_shared>>) target_semaphore(%run_scoped3A : memref<!tpu.dma_semaphore, #tpu.memory_space<semaphore_mem>>)
      %dma_wait3A = arith.constant 0 : i32
      %dma_wait3A_180 = tpu.memref_slice %arg19[%add3A_81, %dma_wait3A] : memref<10240x128xf32, #tpu.memory_space<vmem_shared>> -> memref<16x128xf32, #tpu.memory_space<vmem_shared>>
      %dma_wait3A_181 = arith.constant 0 : i32
      %dma_wait3A_182 = tpu.memref_slice %arg19[%add3A_81, %dma_wait3A_181] : memref<10240x128xf32, #tpu.memory_space<vmem_shared>> -> memref<16x128xf32, #tpu.memory_space<vmem_shared>>
      tpu.wait_dma2 semaphore(%run_scoped3A : memref<!tpu.dma_semaphore, #tpu.memory_space<semaphore_mem>>) src(%arg18 : memref<16x128xf32, #tpu.memory_space<vmem>>) dst(%dma_wait3A_182 : memref<16x128xf32, #tpu.memory_space<vmem_shared>>)
      tpu.yield
    }) : () -> ()
    %mul3A_82 = arith.constant 640 : i32
    %mul3A_83 = arith.muli %arg1, %mul3A_82 : i32
    %add3A_84 = arith.constant 304 : i32
    %add3A_85 = arith.addi %mul3A_83, %add3A_84 : i32
    "tpu.region"() ({
      %run_scoped3A = tpu.sem_alloc : memref<!tpu.dma_semaphore, #tpu.memory_space<semaphore_mem>>
      %dma_start3A = arith.constant 0 : i32
      %dma_start3A_177 = tpu.memref_slice %arg19[%add3A_85, %dma_start3A] : memref<10240x128xf32, #tpu.memory_space<vmem_shared>> -> memref<16x128xf32, #tpu.memory_space<vmem_shared>>
      %dma_start3A_178 = arith.constant 0 : i32
      %dma_start3A_179 = tpu.memref_slice %arg19[%add3A_85, %dma_start3A_178] : memref<10240x128xf32, #tpu.memory_space<vmem_shared>> -> memref<16x128xf32, #tpu.memory_space<vmem_shared>>
      tpu.enqueue_dma source(%arg18 : memref<16x128xf32, #tpu.memory_space<vmem>>) target(%dma_start3A_179 : memref<16x128xf32, #tpu.memory_space<vmem_shared>>) target_semaphore(%run_scoped3A : memref<!tpu.dma_semaphore, #tpu.memory_space<semaphore_mem>>)
      %dma_wait3A = arith.constant 0 : i32
      %dma_wait3A_180 = tpu.memref_slice %arg19[%add3A_85, %dma_wait3A] : memref<10240x128xf32, #tpu.memory_space<vmem_shared>> -> memref<16x128xf32, #tpu.memory_space<vmem_shared>>
      %dma_wait3A_181 = arith.constant 0 : i32
      %dma_wait3A_182 = tpu.memref_slice %arg19[%add3A_85, %dma_wait3A_181] : memref<10240x128xf32, #tpu.memory_space<vmem_shared>> -> memref<16x128xf32, #tpu.memory_space<vmem_shared>>
      tpu.wait_dma2 semaphore(%run_scoped3A : memref<!tpu.dma_semaphore, #tpu.memory_space<semaphore_mem>>) src(%arg18 : memref<16x128xf32, #tpu.memory_space<vmem>>) dst(%dma_wait3A_182 : memref<16x128xf32, #tpu.memory_space<vmem_shared>>)
      tpu.yield
    }) : () -> ()
    %mul3A_86 = arith.constant 640 : i32
    %mul3A_87 = arith.muli %arg1, %mul3A_86 : i32
    %add3A_88 = arith.constant 320 : i32
    %add3A_89 = arith.addi %mul3A_87, %add3A_88 : i32
    "tpu.region"() ({
      %run_scoped3A = tpu.sem_alloc : memref<!tpu.dma_semaphore, #tpu.memory_space<semaphore_mem>>
      %dma_start3A = arith.constant 0 : i32
      %dma_start3A_177 = tpu.memref_slice %arg19[%add3A_89, %dma_start3A] : memref<10240x128xf32, #tpu.memory_space<vmem_shared>> -> memref<16x128xf32, #tpu.memory_space<vmem_shared>>
      %dma_start3A_178 = arith.constant 0 : i32
      %dma_start3A_179 = tpu.memref_slice %arg19[%add3A_89, %dma_start3A_178] : memref<10240x128xf32, #tpu.memory_space<vmem_shared>> -> memref<16x128xf32, #tpu.memory_space<vmem_shared>>
      tpu.enqueue_dma source(%arg18 : memref<16x128xf32, #tpu.memory_space<vmem>>) target(%dma_start3A_179 : memref<16x128xf32, #tpu.memory_space<vmem_shared>>) target_semaphore(%run_scoped3A : memref<!tpu.dma_semaphore, #tpu.memory_space<semaphore_mem>>)
      %dma_wait3A = arith.constant 0 : i32
      %dma_wait3A_180 = tpu.memref_slice %arg19[%add3A_89, %dma_wait3A] : memref<10240x128xf32, #tpu.memory_space<vmem_shared>> -> memref<16x128xf32, #tpu.memory_space<vmem_shared>>
      %dma_wait3A_181 = arith.constant 0 : i32
      %dma_wait3A_182 = tpu.memref_slice %arg19[%add3A_89, %dma_wait3A_181] : memref<10240x128xf32, #tpu.memory_space<vmem_shared>> -> memref<16x128xf32, #tpu.memory_space<vmem_shared>>
      tpu.wait_dma2 semaphore(%run_scoped3A : memref<!tpu.dma_semaphore, #tpu.memory_space<semaphore_mem>>) src(%arg18 : memref<16x128xf32, #tpu.memory_space<vmem>>) dst(%dma_wait3A_182 : memref<16x128xf32, #tpu.memory_space<vmem_shared>>)
      tpu.yield
    }) : () -> ()
    %mul3A_90 = arith.constant 640 : i32
    %mul3A_91 = arith.muli %arg1, %mul3A_90 : i32
    %add3A_92 = arith.constant 336 : i32
    %add3A_93 = arith.addi %mul3A_91, %add3A_92 : i32
    "tpu.region"() ({
      %run_scoped3A = tpu.sem_alloc : memref<!tpu.dma_semaphore, #tpu.memory_space<semaphore_mem>>
      %dma_start3A = arith.constant 0 : i32
      %dma_start3A_177 = tpu.memref_slice %arg19[%add3A_93, %dma_start3A] : memref<10240x128xf32, #tpu.memory_space<vmem_shared>> -> memref<16x128xf32, #tpu.memory_space<vmem_shared>>
      %dma_start3A_178 = arith.constant 0 : i32
      %dma_start3A_179 = tpu.memref_slice %arg19[%add3A_93, %dma_start3A_178] : memref<10240x128xf32, #tpu.memory_space<vmem_shared>> -> memref<16x128xf32, #tpu.memory_space<vmem_shared>>
      tpu.enqueue_dma source(%arg18 : memref<16x128xf32, #tpu.memory_space<vmem>>) target(%dma_start3A_179 : memref<16x128xf32, #tpu.memory_space<vmem_shared>>) target_semaphore(%run_scoped3A : memref<!tpu.dma_semaphore, #tpu.memory_space<semaphore_mem>>)
      %dma_wait3A = arith.constant 0 : i32
      %dma_wait3A_180 = tpu.memref_slice %arg19[%add3A_93, %dma_wait3A] : memref<10240x128xf32, #tpu.memory_space<vmem_shared>> -> memref<16x128xf32, #tpu.memory_space<vmem_shared>>
      %dma_wait3A_181 = arith.constant 0 : i32
      %dma_wait3A_182 = tpu.memref_slice %arg19[%add3A_93, %dma_wait3A_181] : memref<10240x128xf32, #tpu.memory_space<vmem_shared>> -> memref<16x128xf32, #tpu.memory_space<vmem_shared>>
      tpu.wait_dma2 semaphore(%run_scoped3A : memref<!tpu.dma_semaphore, #tpu.memory_space<semaphore_mem>>) src(%arg18 : memref<16x128xf32, #tpu.memory_space<vmem>>) dst(%dma_wait3A_182 : memref<16x128xf32, #tpu.memory_space<vmem_shared>>)
      tpu.yield
    }) : () -> ()
    %mul3A_94 = arith.constant 640 : i32
    %mul3A_95 = arith.muli %arg1, %mul3A_94 : i32
    %add3A_96 = arith.constant 352 : i32
    %add3A_97 = arith.addi %mul3A_95, %add3A_96 : i32
    "tpu.region"() ({
      %run_scoped3A = tpu.sem_alloc : memref<!tpu.dma_semaphore, #tpu.memory_space<semaphore_mem>>
      %dma_start3A = arith.constant 0 : i32
      %dma_start3A_177 = tpu.memref_slice %arg19[%add3A_97, %dma_start3A] : memref<10240x128xf32, #tpu.memory_space<vmem_shared>> -> memref<16x128xf32, #tpu.memory_space<vmem_shared>>
      %dma_start3A_178 = arith.constant 0 : i32
      %dma_start3A_179 = tpu.memref_slice %arg19[%add3A_97, %dma_start3A_178] : memref<10240x128xf32, #tpu.memory_space<vmem_shared>> -> memref<16x128xf32, #tpu.memory_space<vmem_shared>>
      tpu.enqueue_dma source(%arg18 : memref<16x128xf32, #tpu.memory_space<vmem>>) target(%dma_start3A_179 : memref<16x128xf32, #tpu.memory_space<vmem_shared>>) target_semaphore(%run_scoped3A : memref<!tpu.dma_semaphore, #tpu.memory_space<semaphore_mem>>)
      %dma_wait3A = arith.constant 0 : i32
      %dma_wait3A_180 = tpu.memref_slice %arg19[%add3A_97, %dma_wait3A] : memref<10240x128xf32, #tpu.memory_space<vmem_shared>> -> memref<16x128xf32, #tpu.memory_space<vmem_shared>>
      %dma_wait3A_181 = arith.constant 0 : i32
      %dma_wait3A_182 = tpu.memref_slice %arg19[%add3A_97, %dma_wait3A_181] : memref<10240x128xf32, #tpu.memory_space<vmem_shared>> -> memref<16x128xf32, #tpu.memory_space<vmem_shared>>
      tpu.wait_dma2 semaphore(%run_scoped3A : memref<!tpu.dma_semaphore, #tpu.memory_space<semaphore_mem>>) src(%arg18 : memref<16x128xf32, #tpu.memory_space<vmem>>) dst(%dma_wait3A_182 : memref<16x128xf32, #tpu.memory_space<vmem_shared>>)
      tpu.yield
    }) : () -> ()
    %mul3A_98 = arith.constant 640 : i32
    %mul3A_99 = arith.muli %arg1, %mul3A_98 : i32
    %add3A_100 = arith.constant 368 : i32
    %add3A_101 = arith.addi %mul3A_99, %add3A_100 : i32
    "tpu.region"() ({
      %run_scoped3A = tpu.sem_alloc : memref<!tpu.dma_semaphore, #tpu.memory_space<semaphore_mem>>
      %dma_start3A = arith.constant 0 : i32
      %dma_start3A_177 = tpu.memref_slice %arg19[%add3A_101, %dma_start3A] : memref<10240x128xf32, #tpu.memory_space<vmem_shared>> -> memref<16x128xf32, #tpu.memory_space<vmem_shared>>
      %dma_start3A_178 = arith.constant 0 : i32
      %dma_start3A_179 = tpu.memref_slice %arg19[%add3A_101, %dma_start3A_178] : memref<10240x128xf32, #tpu.memory_space<vmem_shared>> -> memref<16x128xf32, #tpu.memory_space<vmem_shared>>
      tpu.enqueue_dma source(%arg18 : memref<16x128xf32, #tpu.memory_space<vmem>>) target(%dma_start3A_179 : memref<16x128xf32, #tpu.memory_space<vmem_shared>>) target_semaphore(%run_scoped3A : memref<!tpu.dma_semaphore, #tpu.memory_space<semaphore_mem>>)
      %dma_wait3A = arith.constant 0 : i32
      %dma_wait3A_180 = tpu.memref_slice %arg19[%add3A_101, %dma_wait3A] : memref<10240x128xf32, #tpu.memory_space<vmem_shared>> -> memref<16x128xf32, #tpu.memory_space<vmem_shared>>
      %dma_wait3A_181 = arith.constant 0 : i32
      %dma_wait3A_182 = tpu.memref_slice %arg19[%add3A_101, %dma_wait3A_181] : memref<10240x128xf32, #tpu.memory_space<vmem_shared>> -> memref<16x128xf32, #tpu.memory_space<vmem_shared>>
      tpu.wait_dma2 semaphore(%run_scoped3A : memref<!tpu.dma_semaphore, #tpu.memory_space<semaphore_mem>>) src(%arg18 : memref<16x128xf32, #tpu.memory_space<vmem>>) dst(%dma_wait3A_182 : memref<16x128xf32, #tpu.memory_space<vmem_shared>>)
      tpu.yield
    }) : () -> ()
    %mul3A_102 = arith.constant 640 : i32
    %mul3A_103 = arith.muli %arg1, %mul3A_102 : i32
    %add3A_104 = arith.constant 384 : i32
    %add3A_105 = arith.addi %mul3A_103, %add3A_104 : i32
    "tpu.region"() ({
      %run_scoped3A = tpu.sem_alloc : memref<!tpu.dma_semaphore, #tpu.memory_space<semaphore_mem>>
      %dma_start3A = arith.constant 0 : i32
      %dma_start3A_177 = tpu.memref_slice %arg19[%add3A_105, %dma_start3A] : memref<10240x128xf32, #tpu.memory_space<vmem_shared>> -> memref<16x128xf32, #tpu.memory_space<vmem_shared>>
      %dma_start3A_178 = arith.constant 0 : i32
      %dma_start3A_179 = tpu.memref_slice %arg19[%add3A_105, %dma_start3A_178] : memref<10240x128xf32, #tpu.memory_space<vmem_shared>> -> memref<16x128xf32, #tpu.memory_space<vmem_shared>>
      tpu.enqueue_dma source(%arg18 : memref<16x128xf32, #tpu.memory_space<vmem>>) target(%dma_start3A_179 : memref<16x128xf32, #tpu.memory_space<vmem_shared>>) target_semaphore(%run_scoped3A : memref<!tpu.dma_semaphore, #tpu.memory_space<semaphore_mem>>)
      %dma_wait3A = arith.constant 0 : i32
      %dma_wait3A_180 = tpu.memref_slice %arg19[%add3A_105, %dma_wait3A] : memref<10240x128xf32, #tpu.memory_space<vmem_shared>> -> memref<16x128xf32, #tpu.memory_space<vmem_shared>>
      %dma_wait3A_181 = arith.constant 0 : i32
      %dma_wait3A_182 = tpu.memref_slice %arg19[%add3A_105, %dma_wait3A_181] : memref<10240x128xf32, #tpu.memory_space<vmem_shared>> -> memref<16x128xf32, #tpu.memory_space<vmem_shared>>
      tpu.wait_dma2 semaphore(%run_scoped3A : memref<!tpu.dma_semaphore, #tpu.memory_space<semaphore_mem>>) src(%arg18 : memref<16x128xf32, #tpu.memory_space<vmem>>) dst(%dma_wait3A_182 : memref<16x128xf32, #tpu.memory_space<vmem_shared>>)
      tpu.yield
    }) : () -> ()
    %mul3A_106 = arith.constant 640 : i32
    %mul3A_107 = arith.muli %arg1, %mul3A_106 : i32
    %add3A_108 = arith.constant 400 : i32
    %add3A_109 = arith.addi %mul3A_107, %add3A_108 : i32
    "tpu.region"() ({
      %run_scoped3A = tpu.sem_alloc : memref<!tpu.dma_semaphore, #tpu.memory_space<semaphore_mem>>
      %dma_start3A = arith.constant 0 : i32
      %dma_start3A_177 = tpu.memref_slice %arg19[%add3A_109, %dma_start3A] : memref<10240x128xf32, #tpu.memory_space<vmem_shared>> -> memref<16x128xf32, #tpu.memory_space<vmem_shared>>
      %dma_start3A_178 = arith.constant 0 : i32
      %dma_start3A_179 = tpu.memref_slice %arg19[%add3A_109, %dma_start3A_178] : memref<10240x128xf32, #tpu.memory_space<vmem_shared>> -> memref<16x128xf32, #tpu.memory_space<vmem_shared>>
      tpu.enqueue_dma source(%arg18 : memref<16x128xf32, #tpu.memory_space<vmem>>) target(%dma_start3A_179 : memref<16x128xf32, #tpu.memory_space<vmem_shared>>) target_semaphore(%run_scoped3A : memref<!tpu.dma_semaphore, #tpu.memory_space<semaphore_mem>>)
      %dma_wait3A = arith.constant 0 : i32
      %dma_wait3A_180 = tpu.memref_slice %arg19[%add3A_109, %dma_wait3A] : memref<10240x128xf32, #tpu.memory_space<vmem_shared>> -> memref<16x128xf32, #tpu.memory_space<vmem_shared>>
      %dma_wait3A_181 = arith.constant 0 : i32
      %dma_wait3A_182 = tpu.memref_slice %arg19[%add3A_109, %dma_wait3A_181] : memref<10240x128xf32, #tpu.memory_space<vmem_shared>> -> memref<16x128xf32, #tpu.memory_space<vmem_shared>>
      tpu.wait_dma2 semaphore(%run_scoped3A : memref<!tpu.dma_semaphore, #tpu.memory_space<semaphore_mem>>) src(%arg18 : memref<16x128xf32, #tpu.memory_space<vmem>>) dst(%dma_wait3A_182 : memref<16x128xf32, #tpu.memory_space<vmem_shared>>)
      tpu.yield
    }) : () -> ()
    %mul3A_110 = arith.constant 640 : i32
    %mul3A_111 = arith.muli %arg1, %mul3A_110 : i32
    %add3A_112 = arith.constant 416 : i32
    %add3A_113 = arith.addi %mul3A_111, %add3A_112 : i32
    "tpu.region"() ({
      %run_scoped3A = tpu.sem_alloc : memref<!tpu.dma_semaphore, #tpu.memory_space<semaphore_mem>>
      %dma_start3A = arith.constant 0 : i32
      %dma_start3A_177 = tpu.memref_slice %arg19[%add3A_113, %dma_start3A] : memref<10240x128xf32, #tpu.memory_space<vmem_shared>> -> memref<16x128xf32, #tpu.memory_space<vmem_shared>>
      %dma_start3A_178 = arith.constant 0 : i32
      %dma_start3A_179 = tpu.memref_slice %arg19[%add3A_113, %dma_start3A_178] : memref<10240x128xf32, #tpu.memory_space<vmem_shared>> -> memref<16x128xf32, #tpu.memory_space<vmem_shared>>
      tpu.enqueue_dma source(%arg18 : memref<16x128xf32, #tpu.memory_space<vmem>>) target(%dma_start3A_179 : memref<16x128xf32, #tpu.memory_space<vmem_shared>>) target_semaphore(%run_scoped3A : memref<!tpu.dma_semaphore, #tpu.memory_space<semaphore_mem>>)
      %dma_wait3A = arith.constant 0 : i32
      %dma_wait3A_180 = tpu.memref_slice %arg19[%add3A_113, %dma_wait3A] : memref<10240x128xf32, #tpu.memory_space<vmem_shared>> -> memref<16x128xf32, #tpu.memory_space<vmem_shared>>
      %dma_wait3A_181 = arith.constant 0 : i32
      %dma_wait3A_182 = tpu.memref_slice %arg19[%add3A_113, %dma_wait3A_181] : memref<10240x128xf32, #tpu.memory_space<vmem_shared>> -> memref<16x128xf32, #tpu.memory_space<vmem_shared>>
      tpu.wait_dma2 semaphore(%run_scoped3A : memref<!tpu.dma_semaphore, #tpu.memory_space<semaphore_mem>>) src(%arg18 : memref<16x128xf32, #tpu.memory_space<vmem>>) dst(%dma_wait3A_182 : memref<16x128xf32, #tpu.memory_space<vmem_shared>>)
      tpu.yield
    }) : () -> ()
    %mul3A_114 = arith.constant 640 : i32
    %mul3A_115 = arith.muli %arg1, %mul3A_114 : i32
    %add3A_116 = arith.constant 432 : i32
    %add3A_117 = arith.addi %mul3A_115, %add3A_116 : i32
    "tpu.region"() ({
      %run_scoped3A = tpu.sem_alloc : memref<!tpu.dma_semaphore, #tpu.memory_space<semaphore_mem>>
      %dma_start3A = arith.constant 0 : i32
      %dma_start3A_177 = tpu.memref_slice %arg19[%add3A_117, %dma_start3A] : memref<10240x128xf32, #tpu.memory_space<vmem_shared>> -> memref<16x128xf32, #tpu.memory_space<vmem_shared>>
      %dma_start3A_178 = arith.constant 0 : i32
      %dma_start3A_179 = tpu.memref_slice %arg19[%add3A_117, %dma_start3A_178] : memref<10240x128xf32, #tpu.memory_space<vmem_shared>> -> memref<16x128xf32, #tpu.memory_space<vmem_shared>>
      tpu.enqueue_dma source(%arg18 : memref<16x128xf32, #tpu.memory_space<vmem>>) target(%dma_start3A_179 : memref<16x128xf32, #tpu.memory_space<vmem_shared>>) target_semaphore(%run_scoped3A : memref<!tpu.dma_semaphore, #tpu.memory_space<semaphore_mem>>)
      %dma_wait3A = arith.constant 0 : i32
      %dma_wait3A_180 = tpu.memref_slice %arg19[%add3A_117, %dma_wait3A] : memref<10240x128xf32, #tpu.memory_space<vmem_shared>> -> memref<16x128xf32, #tpu.memory_space<vmem_shared>>
      %dma_wait3A_181 = arith.constant 0 : i32
      %dma_wait3A_182 = tpu.memref_slice %arg19[%add3A_117, %dma_wait3A_181] : memref<10240x128xf32, #tpu.memory_space<vmem_shared>> -> memref<16x128xf32, #tpu.memory_space<vmem_shared>>
      tpu.wait_dma2 semaphore(%run_scoped3A : memref<!tpu.dma_semaphore, #tpu.memory_space<semaphore_mem>>) src(%arg18 : memref<16x128xf32, #tpu.memory_space<vmem>>) dst(%dma_wait3A_182 : memref<16x128xf32, #tpu.memory_space<vmem_shared>>)
      tpu.yield
    }) : () -> ()
    %mul3A_118 = arith.constant 640 : i32
    %mul3A_119 = arith.muli %arg1, %mul3A_118 : i32
    %add3A_120 = arith.constant 448 : i32
    %add3A_121 = arith.addi %mul3A_119, %add3A_120 : i32
    "tpu.region"() ({
      %run_scoped3A = tpu.sem_alloc : memref<!tpu.dma_semaphore, #tpu.memory_space<semaphore_mem>>
      %dma_start3A = arith.constant 0 : i32
      %dma_start3A_177 = tpu.memref_slice %arg19[%add3A_121, %dma_start3A] : memref<10240x128xf32, #tpu.memory_space<vmem_shared>> -> memref<16x128xf32, #tpu.memory_space<vmem_shared>>
      %dma_start3A_178 = arith.constant 0 : i32
      %dma_start3A_179 = tpu.memref_slice %arg19[%add3A_121, %dma_start3A_178] : memref<10240x128xf32, #tpu.memory_space<vmem_shared>> -> memref<16x128xf32, #tpu.memory_space<vmem_shared>>
      tpu.enqueue_dma source(%arg18 : memref<16x128xf32, #tpu.memory_space<vmem>>) target(%dma_start3A_179 : memref<16x128xf32, #tpu.memory_space<vmem_shared>>) target_semaphore(%run_scoped3A : memref<!tpu.dma_semaphore, #tpu.memory_space<semaphore_mem>>)
      %dma_wait3A = arith.constant 0 : i32
      %dma_wait3A_180 = tpu.memref_slice %arg19[%add3A_121, %dma_wait3A] : memref<10240x128xf32, #tpu.memory_space<vmem_shared>> -> memref<16x128xf32, #tpu.memory_space<vmem_shared>>
      %dma_wait3A_181 = arith.constant 0 : i32
      %dma_wait3A_182 = tpu.memref_slice %arg19[%add3A_121, %dma_wait3A_181] : memref<10240x128xf32, #tpu.memory_space<vmem_shared>> -> memref<16x128xf32, #tpu.memory_space<vmem_shared>>
      tpu.wait_dma2 semaphore(%run_scoped3A : memref<!tpu.dma_semaphore, #tpu.memory_space<semaphore_mem>>) src(%arg18 : memref<16x128xf32, #tpu.memory_space<vmem>>) dst(%dma_wait3A_182 : memref<16x128xf32, #tpu.memory_space<vmem_shared>>)
      tpu.yield
    }) : () -> ()
    %mul3A_122 = arith.constant 640 : i32
    %mul3A_123 = arith.muli %arg1, %mul3A_122 : i32
    %add3A_124 = arith.constant 464 : i32
    %add3A_125 = arith.addi %mul3A_123, %add3A_124 : i32
    "tpu.region"() ({
      %run_scoped3A = tpu.sem_alloc : memref<!tpu.dma_semaphore, #tpu.memory_space<semaphore_mem>>
      %dma_start3A = arith.constant 0 : i32
      %dma_start3A_177 = tpu.memref_slice %arg19[%add3A_125, %dma_start3A] : memref<10240x128xf32, #tpu.memory_space<vmem_shared>> -> memref<16x128xf32, #tpu.memory_space<vmem_shared>>
      %dma_start3A_178 = arith.constant 0 : i32
      %dma_start3A_179 = tpu.memref_slice %arg19[%add3A_125, %dma_start3A_178] : memref<10240x128xf32, #tpu.memory_space<vmem_shared>> -> memref<16x128xf32, #tpu.memory_space<vmem_shared>>
      tpu.enqueue_dma source(%arg18 : memref<16x128xf32, #tpu.memory_space<vmem>>) target(%dma_start3A_179 : memref<16x128xf32, #tpu.memory_space<vmem_shared>>) target_semaphore(%run_scoped3A : memref<!tpu.dma_semaphore, #tpu.memory_space<semaphore_mem>>)
      %dma_wait3A = arith.constant 0 : i32
      %dma_wait3A_180 = tpu.memref_slice %arg19[%add3A_125, %dma_wait3A] : memref<10240x128xf32, #tpu.memory_space<vmem_shared>> -> memref<16x128xf32, #tpu.memory_space<vmem_shared>>
      %dma_wait3A_181 = arith.constant 0 : i32
      %dma_wait3A_182 = tpu.memref_slice %arg19[%add3A_125, %dma_wait3A_181] : memref<10240x128xf32, #tpu.memory_space<vmem_shared>> -> memref<16x128xf32, #tpu.memory_space<vmem_shared>>
      tpu.wait_dma2 semaphore(%run_scoped3A : memref<!tpu.dma_semaphore, #tpu.memory_space<semaphore_mem>>) src(%arg18 : memref<16x128xf32, #tpu.memory_space<vmem>>) dst(%dma_wait3A_182 : memref<16x128xf32, #tpu.memory_space<vmem_shared>>)
      tpu.yield
    }) : () -> ()
    %mul3A_126 = arith.constant 640 : i32
    %mul3A_127 = arith.muli %arg1, %mul3A_126 : i32
    %add3A_128 = arith.constant 480 : i32
    %add3A_129 = arith.addi %mul3A_127, %add3A_128 : i32
    "tpu.region"() ({
      %run_scoped3A = tpu.sem_alloc : memref<!tpu.dma_semaphore, #tpu.memory_space<semaphore_mem>>
      %dma_start3A = arith.constant 0 : i32
      %dma_start3A_177 = tpu.memref_slice %arg19[%add3A_129, %dma_start3A] : memref<10240x128xf32, #tpu.memory_space<vmem_shared>> -> memref<16x128xf32, #tpu.memory_space<vmem_shared>>
      %dma_start3A_178 = arith.constant 0 : i32
      %dma_start3A_179 = tpu.memref_slice %arg19[%add3A_129, %dma_start3A_178] : memref<10240x128xf32, #tpu.memory_space<vmem_shared>> -> memref<16x128xf32, #tpu.memory_space<vmem_shared>>
      tpu.enqueue_dma source(%arg18 : memref<16x128xf32, #tpu.memory_space<vmem>>) target(%dma_start3A_179 : memref<16x128xf32, #tpu.memory_space<vmem_shared>>) target_semaphore(%run_scoped3A : memref<!tpu.dma_semaphore, #tpu.memory_space<semaphore_mem>>)
      %dma_wait3A = arith.constant 0 : i32
      %dma_wait3A_180 = tpu.memref_slice %arg19[%add3A_129, %dma_wait3A] : memref<10240x128xf32, #tpu.memory_space<vmem_shared>> -> memref<16x128xf32, #tpu.memory_space<vmem_shared>>
      %dma_wait3A_181 = arith.constant 0 : i32
      %dma_wait3A_182 = tpu.memref_slice %arg19[%add3A_129, %dma_wait3A_181] : memref<10240x128xf32, #tpu.memory_space<vmem_shared>> -> memref<16x128xf32, #tpu.memory_space<vmem_shared>>
      tpu.wait_dma2 semaphore(%run_scoped3A : memref<!tpu.dma_semaphore, #tpu.memory_space<semaphore_mem>>) src(%arg18 : memref<16x128xf32, #tpu.memory_space<vmem>>) dst(%dma_wait3A_182 : memref<16x128xf32, #tpu.memory_space<vmem_shared>>)
      tpu.yield
    }) : () -> ()
    %mul3A_130 = arith.constant 640 : i32
    %mul3A_131 = arith.muli %arg1, %mul3A_130 : i32
    %add3A_132 = arith.constant 496 : i32
    %add3A_133 = arith.addi %mul3A_131, %add3A_132 : i32
    "tpu.region"() ({
      %run_scoped3A = tpu.sem_alloc : memref<!tpu.dma_semaphore, #tpu.memory_space<semaphore_mem>>
      %dma_start3A = arith.constant 0 : i32
      %dma_start3A_177 = tpu.memref_slice %arg19[%add3A_133, %dma_start3A] : memref<10240x128xf32, #tpu.memory_space<vmem_shared>> -> memref<16x128xf32, #tpu.memory_space<vmem_shared>>
      %dma_start3A_178 = arith.constant 0 : i32
      %dma_start3A_179 = tpu.memref_slice %arg19[%add3A_133, %dma_start3A_178] : memref<10240x128xf32, #tpu.memory_space<vmem_shared>> -> memref<16x128xf32, #tpu.memory_space<vmem_shared>>
      tpu.enqueue_dma source(%arg18 : memref<16x128xf32, #tpu.memory_space<vmem>>) target(%dma_start3A_179 : memref<16x128xf32, #tpu.memory_space<vmem_shared>>) target_semaphore(%run_scoped3A : memref<!tpu.dma_semaphore, #tpu.memory_space<semaphore_mem>>)
      %dma_wait3A = arith.constant 0 : i32
      %dma_wait3A_180 = tpu.memref_slice %arg19[%add3A_133, %dma_wait3A] : memref<10240x128xf32, #tpu.memory_space<vmem_shared>> -> memref<16x128xf32, #tpu.memory_space<vmem_shared>>
      %dma_wait3A_181 = arith.constant 0 : i32
      %dma_wait3A_182 = tpu.memref_slice %arg19[%add3A_133, %dma_wait3A_181] : memref<10240x128xf32, #tpu.memory_space<vmem_shared>> -> memref<16x128xf32, #tpu.memory_space<vmem_shared>>
      tpu.wait_dma2 semaphore(%run_scoped3A : memref<!tpu.dma_semaphore, #tpu.memory_space<semaphore_mem>>) src(%arg18 : memref<16x128xf32, #tpu.memory_space<vmem>>) dst(%dma_wait3A_182 : memref<16x128xf32, #tpu.memory_space<vmem_shared>>)
      tpu.yield
    }) : () -> ()
    %mul3A_134 = arith.constant 640 : i32
    %mul3A_135 = arith.muli %arg1, %mul3A_134 : i32
    %add3A_136 = arith.constant 512 : i32
    %add3A_137 = arith.addi %mul3A_135, %add3A_136 : i32
    "tpu.region"() ({
      %run_scoped3A = tpu.sem_alloc : memref<!tpu.dma_semaphore, #tpu.memory_space<semaphore_mem>>
      %dma_start3A = arith.constant 0 : i32
      %dma_start3A_177 = tpu.memref_slice %arg19[%add3A_137, %dma_start3A] : memref<10240x128xf32, #tpu.memory_space<vmem_shared>> -> memref<16x128xf32, #tpu.memory_space<vmem_shared>>
      %dma_start3A_178 = arith.constant 0 : i32
      %dma_start3A_179 = tpu.memref_slice %arg19[%add3A_137, %dma_start3A_178] : memref<10240x128xf32, #tpu.memory_space<vmem_shared>> -> memref<16x128xf32, #tpu.memory_space<vmem_shared>>
      tpu.enqueue_dma source(%arg18 : memref<16x128xf32, #tpu.memory_space<vmem>>) target(%dma_start3A_179 : memref<16x128xf32, #tpu.memory_space<vmem_shared>>) target_semaphore(%run_scoped3A : memref<!tpu.dma_semaphore, #tpu.memory_space<semaphore_mem>>)
      %dma_wait3A = arith.constant 0 : i32
      %dma_wait3A_180 = tpu.memref_slice %arg19[%add3A_137, %dma_wait3A] : memref<10240x128xf32, #tpu.memory_space<vmem_shared>> -> memref<16x128xf32, #tpu.memory_space<vmem_shared>>
      %dma_wait3A_181 = arith.constant 0 : i32
      %dma_wait3A_182 = tpu.memref_slice %arg19[%add3A_137, %dma_wait3A_181] : memref<10240x128xf32, #tpu.memory_space<vmem_shared>> -> memref<16x128xf32, #tpu.memory_space<vmem_shared>>
      tpu.wait_dma2 semaphore(%run_scoped3A : memref<!tpu.dma_semaphore, #tpu.memory_space<semaphore_mem>>) src(%arg18 : memref<16x128xf32, #tpu.memory_space<vmem>>) dst(%dma_wait3A_182 : memref<16x128xf32, #tpu.memory_space<vmem_shared>>)
      tpu.yield
    }) : () -> ()
    %mul3A_138 = arith.constant 640 : i32
    %mul3A_139 = arith.muli %arg1, %mul3A_138 : i32
    %add3A_140 = arith.constant 528 : i32
    %add3A_141 = arith.addi %mul3A_139, %add3A_140 : i32
    "tpu.region"() ({
      %run_scoped3A = tpu.sem_alloc : memref<!tpu.dma_semaphore, #tpu.memory_space<semaphore_mem>>
      %dma_start3A = arith.constant 0 : i32
      %dma_start3A_177 = tpu.memref_slice %arg19[%add3A_141, %dma_start3A] : memref<10240x128xf32, #tpu.memory_space<vmem_shared>> -> memref<16x128xf32, #tpu.memory_space<vmem_shared>>
      %dma_start3A_178 = arith.constant 0 : i32
      %dma_start3A_179 = tpu.memref_slice %arg19[%add3A_141, %dma_start3A_178] : memref<10240x128xf32, #tpu.memory_space<vmem_shared>> -> memref<16x128xf32, #tpu.memory_space<vmem_shared>>
      tpu.enqueue_dma source(%arg18 : memref<16x128xf32, #tpu.memory_space<vmem>>) target(%dma_start3A_179 : memref<16x128xf32, #tpu.memory_space<vmem_shared>>) target_semaphore(%run_scoped3A : memref<!tpu.dma_semaphore, #tpu.memory_space<semaphore_mem>>)
      %dma_wait3A = arith.constant 0 : i32
      %dma_wait3A_180 = tpu.memref_slice %arg19[%add3A_141, %dma_wait3A] : memref<10240x128xf32, #tpu.memory_space<vmem_shared>> -> memref<16x128xf32, #tpu.memory_space<vmem_shared>>
      %dma_wait3A_181 = arith.constant 0 : i32
      %dma_wait3A_182 = tpu.memref_slice %arg19[%add3A_141, %dma_wait3A_181] : memref<10240x128xf32, #tpu.memory_space<vmem_shared>> -> memref<16x128xf32, #tpu.memory_space<vmem_shared>>
      tpu.wait_dma2 semaphore(%run_scoped3A : memref<!tpu.dma_semaphore, #tpu.memory_space<semaphore_mem>>) src(%arg18 : memref<16x128xf32, #tpu.memory_space<vmem>>) dst(%dma_wait3A_182 : memref<16x128xf32, #tpu.memory_space<vmem_shared>>)
      tpu.yield
    }) : () -> ()
    %mul3A_142 = arith.constant 640 : i32
    %mul3A_143 = arith.muli %arg1, %mul3A_142 : i32
    %add3A_144 = arith.constant 544 : i32
    %add3A_145 = arith.addi %mul3A_143, %add3A_144 : i32
    "tpu.region"() ({
      %run_scoped3A = tpu.sem_alloc : memref<!tpu.dma_semaphore, #tpu.memory_space<semaphore_mem>>
      %dma_start3A = arith.constant 0 : i32
      %dma_start3A_177 = tpu.memref_slice %arg19[%add3A_145, %dma_start3A] : memref<10240x128xf32, #tpu.memory_space<vmem_shared>> -> memref<16x128xf32, #tpu.memory_space<vmem_shared>>
      %dma_start3A_178 = arith.constant 0 : i32
      %dma_start3A_179 = tpu.memref_slice %arg19[%add3A_145, %dma_start3A_178] : memref<10240x128xf32, #tpu.memory_space<vmem_shared>> -> memref<16x128xf32, #tpu.memory_space<vmem_shared>>
      tpu.enqueue_dma source(%arg18 : memref<16x128xf32, #tpu.memory_space<vmem>>) target(%dma_start3A_179 : memref<16x128xf32, #tpu.memory_space<vmem_shared>>) target_semaphore(%run_scoped3A : memref<!tpu.dma_semaphore, #tpu.memory_space<semaphore_mem>>)
      %dma_wait3A = arith.constant 0 : i32
      %dma_wait3A_180 = tpu.memref_slice %arg19[%add3A_145, %dma_wait3A] : memref<10240x128xf32, #tpu.memory_space<vmem_shared>> -> memref<16x128xf32, #tpu.memory_space<vmem_shared>>
      %dma_wait3A_181 = arith.constant 0 : i32
      %dma_wait3A_182 = tpu.memref_slice %arg19[%add3A_145, %dma_wait3A_181] : memref<10240x128xf32, #tpu.memory_space<vmem_shared>> -> memref<16x128xf32, #tpu.memory_space<vmem_shared>>
      tpu.wait_dma2 semaphore(%run_scoped3A : memref<!tpu.dma_semaphore, #tpu.memory_space<semaphore_mem>>) src(%arg18 : memref<16x128xf32, #tpu.memory_space<vmem>>) dst(%dma_wait3A_182 : memref<16x128xf32, #tpu.memory_space<vmem_shared>>)
      tpu.yield
    }) : () -> ()
    %mul3A_146 = arith.constant 640 : i32
    %mul3A_147 = arith.muli %arg1, %mul3A_146 : i32
    %add3A_148 = arith.constant 560 : i32
    %add3A_149 = arith.addi %mul3A_147, %add3A_148 : i32
    "tpu.region"() ({
      %run_scoped3A = tpu.sem_alloc : memref<!tpu.dma_semaphore, #tpu.memory_space<semaphore_mem>>
      %dma_start3A = arith.constant 0 : i32
      %dma_start3A_177 = tpu.memref_slice %arg19[%add3A_149, %dma_start3A] : memref<10240x128xf32, #tpu.memory_space<vmem_shared>> -> memref<16x128xf32, #tpu.memory_space<vmem_shared>>
      %dma_start3A_178 = arith.constant 0 : i32
      %dma_start3A_179 = tpu.memref_slice %arg19[%add3A_149, %dma_start3A_178] : memref<10240x128xf32, #tpu.memory_space<vmem_shared>> -> memref<16x128xf32, #tpu.memory_space<vmem_shared>>
      tpu.enqueue_dma source(%arg18 : memref<16x128xf32, #tpu.memory_space<vmem>>) target(%dma_start3A_179 : memref<16x128xf32, #tpu.memory_space<vmem_shared>>) target_semaphore(%run_scoped3A : memref<!tpu.dma_semaphore, #tpu.memory_space<semaphore_mem>>)
      %dma_wait3A = arith.constant 0 : i32
      %dma_wait3A_180 = tpu.memref_slice %arg19[%add3A_149, %dma_wait3A] : memref<10240x128xf32, #tpu.memory_space<vmem_shared>> -> memref<16x128xf32, #tpu.memory_space<vmem_shared>>
      %dma_wait3A_181 = arith.constant 0 : i32
      %dma_wait3A_182 = tpu.memref_slice %arg19[%add3A_149, %dma_wait3A_181] : memref<10240x128xf32, #tpu.memory_space<vmem_shared>> -> memref<16x128xf32, #tpu.memory_space<vmem_shared>>
      tpu.wait_dma2 semaphore(%run_scoped3A : memref<!tpu.dma_semaphore, #tpu.memory_space<semaphore_mem>>) src(%arg18 : memref<16x128xf32, #tpu.memory_space<vmem>>) dst(%dma_wait3A_182 : memref<16x128xf32, #tpu.memory_space<vmem_shared>>)
      tpu.yield
    }) : () -> ()
    %mul3A_150 = arith.constant 640 : i32
    %mul3A_151 = arith.muli %arg1, %mul3A_150 : i32
    %add3A_152 = arith.constant 576 : i32
    %add3A_153 = arith.addi %mul3A_151, %add3A_152 : i32
    "tpu.region"() ({
      %run_scoped3A = tpu.sem_alloc : memref<!tpu.dma_semaphore, #tpu.memory_space<semaphore_mem>>
      %dma_start3A = arith.constant 0 : i32
      %dma_start3A_177 = tpu.memref_slice %arg19[%add3A_153, %dma_start3A] : memref<10240x128xf32, #tpu.memory_space<vmem_shared>> -> memref<16x128xf32, #tpu.memory_space<vmem_shared>>
      %dma_start3A_178 = arith.constant 0 : i32
      %dma_start3A_179 = tpu.memref_slice %arg19[%add3A_153, %dma_start3A_178] : memref<10240x128xf32, #tpu.memory_space<vmem_shared>> -> memref<16x128xf32, #tpu.memory_space<vmem_shared>>
      tpu.enqueue_dma source(%arg18 : memref<16x128xf32, #tpu.memory_space<vmem>>) target(%dma_start3A_179 : memref<16x128xf32, #tpu.memory_space<vmem_shared>>) target_semaphore(%run_scoped3A : memref<!tpu.dma_semaphore, #tpu.memory_space<semaphore_mem>>)
      %dma_wait3A = arith.constant 0 : i32
      %dma_wait3A_180 = tpu.memref_slice %arg19[%add3A_153, %dma_wait3A] : memref<10240x128xf32, #tpu.memory_space<vmem_shared>> -> memref<16x128xf32, #tpu.memory_space<vmem_shared>>
      %dma_wait3A_181 = arith.constant 0 : i32
      %dma_wait3A_182 = tpu.memref_slice %arg19[%add3A_153, %dma_wait3A_181] : memref<10240x128xf32, #tpu.memory_space<vmem_shared>> -> memref<16x128xf32, #tpu.memory_space<vmem_shared>>
      tpu.wait_dma2 semaphore(%run_scoped3A : memref<!tpu.dma_semaphore, #tpu.memory_space<semaphore_mem>>) src(%arg18 : memref<16x128xf32, #tpu.memory_space<vmem>>) dst(%dma_wait3A_182 : memref<16x128xf32, #tpu.memory_space<vmem_shared>>)
      tpu.yield
    }) : () -> ()
    %mul3A_154 = arith.constant 640 : i32
    %mul3A_155 = arith.muli %arg1, %mul3A_154 : i32
    %add3A_156 = arith.constant 592 : i32
    %add3A_157 = arith.addi %mul3A_155, %add3A_156 : i32
    "tpu.region"() ({
      %run_scoped3A = tpu.sem_alloc : memref<!tpu.dma_semaphore, #tpu.memory_space<semaphore_mem>>
      %dma_start3A = arith.constant 0 : i32
      %dma_start3A_177 = tpu.memref_slice %arg19[%add3A_157, %dma_start3A] : memref<10240x128xf32, #tpu.memory_space<vmem_shared>> -> memref<16x128xf32, #tpu.memory_space<vmem_shared>>
      %dma_start3A_178 = arith.constant 0 : i32
      %dma_start3A_179 = tpu.memref_slice %arg19[%add3A_157, %dma_start3A_178] : memref<10240x128xf32, #tpu.memory_space<vmem_shared>> -> memref<16x128xf32, #tpu.memory_space<vmem_shared>>
      tpu.enqueue_dma source(%arg18 : memref<16x128xf32, #tpu.memory_space<vmem>>) target(%dma_start3A_179 : memref<16x128xf32, #tpu.memory_space<vmem_shared>>) target_semaphore(%run_scoped3A : memref<!tpu.dma_semaphore, #tpu.memory_space<semaphore_mem>>)
      %dma_wait3A = arith.constant 0 : i32
      %dma_wait3A_180 = tpu.memref_slice %arg19[%add3A_157, %dma_wait3A] : memref<10240x128xf32, #tpu.memory_space<vmem_shared>> -> memref<16x128xf32, #tpu.memory_space<vmem_shared>>
      %dma_wait3A_181 = arith.constant 0 : i32
      %dma_wait3A_182 = tpu.memref_slice %arg19[%add3A_157, %dma_wait3A_181] : memref<10240x128xf32, #tpu.memory_space<vmem_shared>> -> memref<16x128xf32, #tpu.memory_space<vmem_shared>>
      tpu.wait_dma2 semaphore(%run_scoped3A : memref<!tpu.dma_semaphore, #tpu.memory_space<semaphore_mem>>) src(%arg18 : memref<16x128xf32, #tpu.memory_space<vmem>>) dst(%dma_wait3A_182 : memref<16x128xf32, #tpu.memory_space<vmem_shared>>)
      tpu.yield
    }) : () -> ()
    %mul3A_158 = arith.constant 640 : i32
    %mul3A_159 = arith.muli %arg1, %mul3A_158 : i32
    %add3A_160 = arith.constant 608 : i32
    %add3A_161 = arith.addi %mul3A_159, %add3A_160 : i32
    "tpu.region"() ({
      %run_scoped3A = tpu.sem_alloc : memref<!tpu.dma_semaphore, #tpu.memory_space<semaphore_mem>>
      %dma_start3A = arith.constant 0 : i32
      %dma_start3A_177 = tpu.memref_slice %arg19[%add3A_161, %dma_start3A] : memref<10240x128xf32, #tpu.memory_space<vmem_shared>> -> memref<16x128xf32, #tpu.memory_space<vmem_shared>>
      %dma_start3A_178 = arith.constant 0 : i32
      %dma_start3A_179 = tpu.memref_slice %arg19[%add3A_161, %dma_start3A_178] : memref<10240x128xf32, #tpu.memory_space<vmem_shared>> -> memref<16x128xf32, #tpu.memory_space<vmem_shared>>
      tpu.enqueue_dma source(%arg18 : memref<16x128xf32, #tpu.memory_space<vmem>>) target(%dma_start3A_179 : memref<16x128xf32, #tpu.memory_space<vmem_shared>>) target_semaphore(%run_scoped3A : memref<!tpu.dma_semaphore, #tpu.memory_space<semaphore_mem>>)
      %dma_wait3A = arith.constant 0 : i32
      %dma_wait3A_180 = tpu.memref_slice %arg19[%add3A_161, %dma_wait3A] : memref<10240x128xf32, #tpu.memory_space<vmem_shared>> -> memref<16x128xf32, #tpu.memory_space<vmem_shared>>
      %dma_wait3A_181 = arith.constant 0 : i32
      %dma_wait3A_182 = tpu.memref_slice %arg19[%add3A_161, %dma_wait3A_181] : memref<10240x128xf32, #tpu.memory_space<vmem_shared>> -> memref<16x128xf32, #tpu.memory_space<vmem_shared>>
      tpu.wait_dma2 semaphore(%run_scoped3A : memref<!tpu.dma_semaphore, #tpu.memory_space<semaphore_mem>>) src(%arg18 : memref<16x128xf32, #tpu.memory_space<vmem>>) dst(%dma_wait3A_182 : memref<16x128xf32, #tpu.memory_space<vmem_shared>>)
      tpu.yield
    }) : () -> ()
    %mul3A_162 = arith.constant 640 : i32
    %mul3A_163 = arith.muli %arg1, %mul3A_162 : i32
    %add3A_164 = arith.constant 624 : i32
    %add3A_165 = arith.addi %mul3A_163, %add3A_164 : i32
    "tpu.region"() ({
      %run_scoped3A = tpu.sem_alloc : memref<!tpu.dma_semaphore, #tpu.memory_space<semaphore_mem>>
      %dma_start3A = arith.constant 0 : i32
      %dma_start3A_177 = tpu.memref_slice %arg19[%add3A_165, %dma_start3A] : memref<10240x128xf32, #tpu.memory_space<vmem_shared>> -> memref<16x128xf32, #tpu.memory_space<vmem_shared>>
      %dma_start3A_178 = arith.constant 0 : i32
      %dma_start3A_179 = tpu.memref_slice %arg19[%add3A_165, %dma_start3A_178] : memref<10240x128xf32, #tpu.memory_space<vmem_shared>> -> memref<16x128xf32, #tpu.memory_space<vmem_shared>>
      tpu.enqueue_dma source(%arg18 : memref<16x128xf32, #tpu.memory_space<vmem>>) target(%dma_start3A_179 : memref<16x128xf32, #tpu.memory_space<vmem_shared>>) target_semaphore(%run_scoped3A : memref<!tpu.dma_semaphore, #tpu.memory_space<semaphore_mem>>)
      %dma_wait3A = arith.constant 0 : i32
      %dma_wait3A_180 = tpu.memref_slice %arg19[%add3A_165, %dma_wait3A] : memref<10240x128xf32, #tpu.memory_space<vmem_shared>> -> memref<16x128xf32, #tpu.memory_space<vmem_shared>>
      %dma_wait3A_181 = arith.constant 0 : i32
      %dma_wait3A_182 = tpu.memref_slice %arg19[%add3A_165, %dma_wait3A_181] : memref<10240x128xf32, #tpu.memory_space<vmem_shared>> -> memref<16x128xf32, #tpu.memory_space<vmem_shared>>
      tpu.wait_dma2 semaphore(%run_scoped3A : memref<!tpu.dma_semaphore, #tpu.memory_space<semaphore_mem>>) src(%arg18 : memref<16x128xf32, #tpu.memory_space<vmem>>) dst(%dma_wait3A_182 : memref<16x128xf32, #tpu.memory_space<vmem_shared>>)
      tpu.yield
    }) : () -> ()
    %barrier3A = arith.constant 0 : index
    tpu.barrier barrier_id(%barrier3A)
    %scan3A_166 = arith.constant 0 : i32
    %scan3A_167 = arith.constant 0 : i32
    %scan3A_168 = arith.constant 54 : i32
    %scan3A_169 = arith.addi %scan3A_167, %scan3A_168 : i32
    %scan3A_170 = arith.constant 1 : i32
    scf.for %scan3A_177 = %scan3A_167 to %scan3A_169 step %scan3A_170  : i32 {
      %mul3A_178 = arith.constant 432 : i32
      %mul3A_179 = arith.muli %add3A, %mul3A_178 : i32
      %mul3A_180 = arith.constant 8 : i32
      %mul3A_181 = arith.muli %scan3A_177, %mul3A_180 : i32
      %add3A_182 = arith.addi %mul3A_179, %mul3A_181 : i32
      "tpu.region"() ({
        %run_scoped3A = tpu.sem_alloc : memref<!tpu.dma_semaphore, #tpu.memory_space<semaphore_mem>>
        %dma_start3A_245 = arith.constant 0 : i32
        %dma_start3A_246 = tpu.memref_slice %arg2[%add3A_182, %dma_start3A_245] : memref<13824x24xi32, #tpu.memory_space<hbm>> -> memref<8x24xi32, #tpu.memory_space<hbm>>
        %dma_start3A_247 = arith.constant 0 : i32
        %dma_start3A_248 = tpu.memref_slice %arg2[%add3A_182, %dma_start3A_247] : memref<13824x24xi32, #tpu.memory_space<hbm>> -> memref<8x24xi32, #tpu.memory_space<hbm>>
        tpu.enqueue_dma source(%dma_start3A_248 : memref<8x24xi32, #tpu.memory_space<hbm>>) target(%arg8 : memref<8x24xi32, #tpu.memory_space<vmem>>) target_semaphore(%run_scoped3A : memref<!tpu.dma_semaphore, #tpu.memory_space<semaphore_mem>>)
        %dma_wait3A_249 = arith.constant 0 : i32
        %dma_wait3A_250 = tpu.memref_slice %arg2[%add3A_182, %dma_wait3A_249] : memref<13824x24xi32, #tpu.memory_space<hbm>> -> memref<8x24xi32, #tpu.memory_space<hbm>>
        %dma_wait3A_251 = arith.constant 0 : i32
        %dma_wait3A_252 = tpu.memref_slice %arg2[%add3A_182, %dma_wait3A_251] : memref<13824x24xi32, #tpu.memory_space<hbm>> -> memref<8x24xi32, #tpu.memory_space<hbm>>
        tpu.wait_dma2 semaphore(%run_scoped3A : memref<!tpu.dma_semaphore, #tpu.memory_space<semaphore_mem>>) src(%dma_wait3A_252 : memref<8x24xi32, #tpu.memory_space<hbm>>) dst(%arg8 : memref<8x24xi32, #tpu.memory_space<vmem>>)
        tpu.yield
      }) : () -> ()
      "tpu.region"() ({
        %run_scoped3A = tpu.sem_alloc : memref<!tpu.dma_semaphore, #tpu.memory_space<semaphore_mem>>
        %dma_start3A_245 = arith.constant 0 : i32
        %dma_start3A_246 = tpu.memref_slice %arg3[%add3A_182, %dma_start3A_245] : memref<13824x24xi32, #tpu.memory_space<hbm>> -> memref<8x24xi32, #tpu.memory_space<hbm>>
        %dma_start3A_247 = arith.constant 0 : i32
        %dma_start3A_248 = tpu.memref_slice %arg3[%add3A_182, %dma_start3A_247] : memref<13824x24xi32, #tpu.memory_space<hbm>> -> memref<8x24xi32, #tpu.memory_space<hbm>>
        tpu.enqueue_dma source(%dma_start3A_248 : memref<8x24xi32, #tpu.memory_space<hbm>>) target(%arg9 : memref<8x24xi32, #tpu.memory_space<vmem>>) target_semaphore(%run_scoped3A : memref<!tpu.dma_semaphore, #tpu.memory_space<semaphore_mem>>)
        %dma_wait3A_249 = arith.constant 0 : i32
        %dma_wait3A_250 = tpu.memref_slice %arg3[%add3A_182, %dma_wait3A_249] : memref<13824x24xi32, #tpu.memory_space<hbm>> -> memref<8x24xi32, #tpu.memory_space<hbm>>
        %dma_wait3A_251 = arith.constant 0 : i32
        %dma_wait3A_252 = tpu.memref_slice %arg3[%add3A_182, %dma_wait3A_251] : memref<13824x24xi32, #tpu.memory_space<hbm>> -> memref<8x24xi32, #tpu.memory_space<hbm>>
        tpu.wait_dma2 semaphore(%run_scoped3A : memref<!tpu.dma_semaphore, #tpu.memory_space<semaphore_mem>>) src(%dma_wait3A_252 : memref<8x24xi32, #tpu.memory_space<hbm>>) dst(%arg9 : memref<8x24xi32, #tpu.memory_space<vmem>>)
        tpu.yield
      }) : () -> ()
      %dma_start3A = arith.constant 0 : i32
      %dma_start3A_183 = arith.constant 0 : i32
      %dma_start3A_184 = tpu.memref_slice %arg8[%dma_start3A, %dma_start3A_183] : memref<8x24xi32, #tpu.memory_space<vmem>> -> memref<1x24xi32, #tpu.memory_space<vmem>>
      %dma_start3A_185 = tpu.memref_squeeze %dma_start3A_184 : memref<1x24xi32, #tpu.memory_space<vmem>> -> memref<24xi32, #tpu.memory_space<vmem>>
      %dma_start3A_186 = arith.constant 0 : i32
      %dma_start3A_187 = arith.constant 0 : i32
      %dma_start3A_188 = tpu.memref_slice %arg4[%dma_start3A_186, %dma_start3A_187] : memref<10000x1536xbf16, #tpu.memory_space<hbm>> -> memref<10000x1536xbf16, #tpu.memory_space<hbm>>
      tpu.enqueue_indirect_dma source(%dma_start3A_188 : memref<10000x1536xbf16, #tpu.memory_space<hbm>>) target(%arg10 : memref<24x1536xbf16, #tpu.memory_space<vmem>>) offsets(%dma_start3A_185 : memref<24xi32, #tpu.memory_space<vmem>>) semaphore(%arg20 : memref<!tpu.dma_semaphore, #tpu.memory_space<semaphore_mem>>)
      %dma_start3A_189 = arith.constant 0 : i32
      %dma_start3A_190 = arith.constant 0 : i32
      %dma_start3A_191 = tpu.memref_slice %arg9[%dma_start3A_189, %dma_start3A_190] : memref<8x24xi32, #tpu.memory_space<vmem>> -> memref<1x24xi32, #tpu.memory_space<vmem>>
      %dma_start3A_192 = tpu.memref_squeeze %dma_start3A_191 : memref<1x24xi32, #tpu.memory_space<vmem>> -> memref<24xi32, #tpu.memory_space<vmem>>
      %dma_start3A_193 = arith.constant 0 : i32
      %dma_start3A_194 = arith.constant 0 : i32
      %dma_start3A_195 = tpu.memref_slice %arg6[%dma_start3A_193, %dma_start3A_194] : memref<10240x16xf32, #tpu.memory_space<hbm>> -> memref<10240x16xf32, #tpu.memory_space<hbm>>
      tpu.enqueue_indirect_dma source(%dma_start3A_195 : memref<10240x16xf32, #tpu.memory_space<hbm>>) target(%arg14 : memref<24x16xf32, #tpu.memory_space<vmem>>) offsets(%dma_start3A_192 : memref<24xi32, #tpu.memory_space<vmem>>) semaphore(%arg20 : memref<!tpu.dma_semaphore, #tpu.memory_space<semaphore_mem>>)
      %add3A_196 = arith.constant 0 : i32
      %add3A_197 = arith.addi %add3A_182, %add3A_196 : i32
      %mul3A_198 = arith.constant 24 : i32
      %mul3A_199 = arith.muli %add3A_197, %mul3A_198 : i32
      %dma_start3A_200 = arith.constant 0 : i32
      %dma_start3A_201 = tpu.memref_slice %arg5[%mul3A_199, %dma_start3A_200] : memref<331776x16xf32, #tpu.memory_space<hbm>> -> memref<24x16xf32, #tpu.memory_space<hbm>>
      %dma_start3A_202 = arith.constant 0 : i32
      %dma_start3A_203 = tpu.memref_slice %arg5[%mul3A_199, %dma_start3A_202] : memref<331776x16xf32, #tpu.memory_space<hbm>> -> memref<24x16xf32, #tpu.memory_space<hbm>>
      tpu.enqueue_dma source(%dma_start3A_203 : memref<24x16xf32, #tpu.memory_space<hbm>>) target(%arg12 : memref<24x16xf32, #tpu.memory_space<vmem>>) target_semaphore(%arg20 : memref<!tpu.dma_semaphore, #tpu.memory_space<semaphore_mem>>)
      %dma_start3A_204 = arith.constant 1 : i32
      %dma_start3A_205 = arith.constant 0 : i32
      %dma_start3A_206 = tpu.memref_slice %arg8[%dma_start3A_204, %dma_start3A_205] : memref<8x24xi32, #tpu.memory_space<vmem>> -> memref<1x24xi32, #tpu.memory_space<vmem>>
      %dma_start3A_207 = tpu.memref_squeeze %dma_start3A_206 : memref<1x24xi32, #tpu.memory_space<vmem>> -> memref<24xi32, #tpu.memory_space<vmem>>
      %dma_start3A_208 = arith.constant 0 : i32
      %dma_start3A_209 = arith.constant 0 : i32
      %dma_start3A_210 = tpu.memref_slice %arg4[%dma_start3A_208, %dma_start3A_209] : memref<10000x1536xbf16, #tpu.memory_space<hbm>> -> memref<10000x1536xbf16, #tpu.memory_space<hbm>>
      tpu.enqueue_indirect_dma source(%dma_start3A_210 : memref<10000x1536xbf16, #tpu.memory_space<hbm>>) target(%arg11 : memref<24x1536xbf16, #tpu.memory_space<vmem>>) offsets(%dma_start3A_207 : memref<24xi32, #tpu.memory_space<vmem>>) semaphore(%arg21 : memref<!tpu.dma_semaphore, #tpu.memory_space<semaphore_mem>>)
      %dma_start3A_211 = arith.constant 1 : i32
      %dma_start3A_212 = arith.constant 0 : i32
      %dma_start3A_213 = tpu.memref_slice %arg9[%dma_start3A_211, %dma_start3A_212] : memref<8x24xi32, #tpu.memory_space<vmem>> -> memref<1x24xi32, #tpu.memory_space<vmem>>
      %dma_start3A_214 = tpu.memref_squeeze %dma_start3A_213 : memref<1x24xi32, #tpu.memory_space<vmem>> -> memref<24xi32, #tpu.memory_space<vmem>>
      %dma_start3A_215 = arith.constant 0 : i32
      %dma_start3A_216 = arith.constant 0 : i32
      %dma_start3A_217 = tpu.memref_slice %arg6[%dma_start3A_215, %dma_start3A_216] : memref<10240x16xf32, #tpu.memory_space<hbm>> -> memref<10240x16xf32, #tpu.memory_space<hbm>>
      tpu.enqueue_indirect_dma source(%dma_start3A_217 : memref<10240x16xf32, #tpu.memory_space<hbm>>) target(%arg15 : memref<24x16xf32, #tpu.memory_space<vmem>>) offsets(%dma_start3A_214 : memref<24xi32, #tpu.memory_space<vmem>>) semaphore(%arg21 : memref<!tpu.dma_semaphore, #tpu.memory_space<semaphore_mem>>)
      %add3A_218 = arith.constant 1 : i32
      %add3A_219 = arith.addi %add3A_182, %add3A_218 : i32
      %mul3A_220 = arith.constant 24 : i32
      %mul3A_221 = arith.muli %add3A_219, %mul3A_220 : i32
      %dma_start3A_222 = arith.constant 0 : i32
      %dma_start3A_223 = tpu.memref_slice %arg5[%mul3A_221, %dma_start3A_222] : memref<331776x16xf32, #tpu.memory_space<hbm>> -> memref<24x16xf32, #tpu.memory_space<hbm>>
      %dma_start3A_224 = arith.constant 0 : i32
      %dma_start3A_225 = tpu.memref_slice %arg5[%mul3A_221, %dma_start3A_224] : memref<331776x16xf32, #tpu.memory_space<hbm>> -> memref<24x16xf32, #tpu.memory_space<hbm>>
      tpu.enqueue_dma source(%dma_start3A_225 : memref<24x16xf32, #tpu.memory_space<hbm>>) target(%arg13 : memref<24x16xf32, #tpu.memory_space<vmem>>) target_semaphore(%arg21 : memref<!tpu.dma_semaphore, #tpu.memory_space<semaphore_mem>>)
      %scan3A_226 = arith.constant 0 : i32
      %scan3A_227 = arith.constant 0 : i32
      %scan3A_228 = arith.constant 4 : i32
      %scan3A_229 = arith.addi %scan3A_227, %scan3A_228 : i32
      %scan3A_230 = arith.constant 1 : i32
      scf.for %scan3A_245 = %scan3A_227 to %scan3A_229 step %scan3A_230  : i32 {
        %mul3A_246 = arith.constant 2 : i32
        %mul3A_247 = arith.muli %mul3A_246, %scan3A_245 : i32
        %add3A_248 = arith.constant 0 : i32
        %add3A_249 = arith.addi %mul3A_247, %add3A_248 : i32
        %dma_wait3A_250 = arith.constant 0 : i32
        %dma_wait3A_251 = tpu.memref_slice %arg8[%add3A_249, %dma_wait3A_250] : memref<8x24xi32, #tpu.memory_space<vmem>> -> memref<1x24xi32, #tpu.memory_space<vmem>>
        %dma_wait3A_252 = tpu.memref_squeeze %dma_wait3A_251 : memref<1x24xi32, #tpu.memory_space<vmem>> -> memref<24xi32, #tpu.memory_space<vmem>>
        %dma_wait3A_253 = arith.constant 0 : i32
        %dma_wait3A_254 = arith.constant 0 : i32
        %dma_wait3A_255 = tpu.memref_slice %arg4[%dma_wait3A_253, %dma_wait3A_254] : memref<10000x1536xbf16, #tpu.memory_space<hbm>> -> memref<10000x1536xbf16, #tpu.memory_space<hbm>>
        tpu.wait_indirect_dma semaphore(%arg20 : memref<!tpu.dma_semaphore, #tpu.memory_space<semaphore_mem>>) src(%dma_wait3A_255 : memref<10000x1536xbf16, #tpu.memory_space<hbm>>) dst(%arg10 : memref<24x1536xbf16, #tpu.memory_space<vmem>>)
        %dma_wait3A_256 = arith.constant 0 : i32
        %dma_wait3A_257 = tpu.memref_slice %arg9[%add3A_249, %dma_wait3A_256] : memref<8x24xi32, #tpu.memory_space<vmem>> -> memref<1x24xi32, #tpu.memory_space<vmem>>
        %dma_wait3A_258 = tpu.memref_squeeze %dma_wait3A_257 : memref<1x24xi32, #tpu.memory_space<vmem>> -> memref<24xi32, #tpu.memory_space<vmem>>
        %dma_wait3A_259 = arith.constant 0 : i32
        %dma_wait3A_260 = arith.constant 0 : i32
        %dma_wait3A_261 = tpu.memref_slice %arg6[%dma_wait3A_259, %dma_wait3A_260] : memref<10240x16xf32, #tpu.memory_space<hbm>> -> memref<10240x16xf32, #tpu.memory_space<hbm>>
        tpu.wait_indirect_dma semaphore(%arg20 : memref<!tpu.dma_semaphore, #tpu.memory_space<semaphore_mem>>) src(%dma_wait3A_261 : memref<10240x16xf32, #tpu.memory_space<hbm>>) dst(%arg14 : memref<24x16xf32, #tpu.memory_space<vmem>>)
        %add3A_262 = arith.addi %add3A_182, %add3A_249 : i32
        %mul3A_263 = arith.constant 24 : i32
        %mul3A_264 = arith.muli %add3A_262, %mul3A_263 : i32
        %dma_wait3A_265 = arith.constant 0 : i32
        %dma_wait3A_266 = tpu.memref_slice %arg5[%mul3A_264, %dma_wait3A_265] : memref<331776x16xf32, #tpu.memory_space<hbm>> -> memref<24x16xf32, #tpu.memory_space<hbm>>
        %dma_wait3A_267 = arith.constant 0 : i32
        %dma_wait3A_268 = tpu.memref_slice %arg5[%mul3A_264, %dma_wait3A_267] : memref<331776x16xf32, #tpu.memory_space<hbm>> -> memref<24x16xf32, #tpu.memory_space<hbm>>
        tpu.wait_dma2 semaphore(%arg20 : memref<!tpu.dma_semaphore, #tpu.memory_space<semaphore_mem>>) src(%dma_wait3A_268 : memref<24x16xf32, #tpu.memory_space<hbm>>) dst(%arg12 : memref<24x16xf32, #tpu.memory_space<vmem>>)
        %gt3A = arith.constant 0 : i32
        %gt3A_269 = arith.cmpi sgt, %scan3A_245, %gt3A : i32
        %convert_element_type3A = arith.extui %gt3A_269 : i1 to i32
        %cond3A = arith.constant 0 : i32
        %cond3A_270 = arith.cmpi ne, %convert_element_type3A, %cond3A : i32
        scf.if %cond3A_270 {
          %dma_wait3A_336 = arith.constant 0 : i32
          %dma_wait3A_337 = tpu.memref_slice %arg9[%add3A_249, %dma_wait3A_336] : memref<8x24xi32, #tpu.memory_space<vmem>> -> memref<1x24xi32, #tpu.memory_space<vmem>>
          %dma_wait3A_338 = tpu.memref_squeeze %dma_wait3A_337 : memref<1x24xi32, #tpu.memory_space<vmem>> -> memref<24xi32, #tpu.memory_space<vmem>>
          %dma_wait3A_339 = arith.constant 0 : i32
          %dma_wait3A_340 = arith.constant 0 : i32
          %dma_wait3A_341 = tpu.memref_slice %arg19[%dma_wait3A_339, %dma_wait3A_340] : memref<10240x128xf32, #tpu.memory_space<vmem_shared>> -> memref<10240x128xf32, #tpu.memory_space<vmem_shared>>
          tpu.wait_indirect_dma semaphore(%arg22 : memref<!tpu.dma_semaphore, #tpu.memory_space<semaphore_mem>>) src(%arg16 : memref<24x128xf32, #tpu.memory_space<vmem>>) dst(%dma_wait3A_341 : memref<10240x128xf32, #tpu.memory_space<vmem_shared>>)
        } else {
        }
        %scan3A_271 = arith.constant 0 : i32
        %scan3A_272 = arith.constant 0 : i32
        %scan3A_273 = arith.constant 24 : i32
        %scan3A_274 = arith.addi %scan3A_272, %scan3A_273 : i32
        %scan3A_275 = arith.constant 1 : i32
        scf.for %scan3A_336 = %scan3A_272 to %scan3A_274 step %scan3A_275  : i32 {
          %get3A = arith.index_cast %scan3A_336 : i32 to index
          %get3A_337 = arith.constant 0 : index
          %get3A_338 = tpu.vector_load %arg12[%get3A, %get3A_337] {strides = array<i32>} : memref<24x16xf32, #tpu.memory_space<vmem>>, vector<16xf32>,
          %get3A_339 = arith.index_cast %scan3A_336 : i32 to index
          %get3A_340 = arith.constant 0 : index
          %get3A_341 = tpu.vector_load %arg14[%get3A_339, %get3A_340] {strides = array<i32>} : memref<24x16xf32, #tpu.memory_space<vmem>>, vector<16xf32>,
          %mul3A_342 = arith.mulf %get3A_338, %get3A_341 : vector<16xf32>
          %slice3A = vector.extract_strided_slice %mul3A_342 {offsets = [0], sizes = [1], strides = [1]} : vector<16xf32> to vector<1xf32>
          %squeeze3A = vector.extract %slice3A[0] : f32 from vector<1xf32>
          %slice3A_343 = vector.extract_strided_slice %mul3A_342 {offsets = [1], sizes = [1], strides = [1]} : vector<16xf32> to vector<1xf32>
          %squeeze3A_344 = vector.extract %slice3A_343[0] : f32 from vector<1xf32>
          %slice3A_345 = vector.extract_strided_slice %mul3A_342 {offsets = [2], sizes = [1], strides = [1]} : vector<16xf32> to vector<1xf32>
          %squeeze3A_346 = vector.extract %slice3A_345[0] : f32 from vector<1xf32>
          %slice3A_347 = vector.extract_strided_slice %mul3A_342 {offsets = [3], sizes = [1], strides = [1]} : vector<16xf32> to vector<1xf32>
          %squeeze3A_348 = vector.extract %slice3A_347[0] : f32 from vector<1xf32>
          %slice3A_349 = vector.extract_strided_slice %mul3A_342 {offsets = [4], sizes = [1], strides = [1]} : vector<16xf32> to vector<1xf32>
          %squeeze3A_350 = vector.extract %slice3A_349[0] : f32 from vector<1xf32>
          %slice3A_351 = vector.extract_strided_slice %mul3A_342 {offsets = [5], sizes = [1], strides = [1]} : vector<16xf32> to vector<1xf32>
          %squeeze3A_352 = vector.extract %slice3A_351[0] : f32 from vector<1xf32>
          %slice3A_353 = vector.extract_strided_slice %mul3A_342 {offsets = [6], sizes = [1], strides = [1]} : vector<16xf32> to vector<1xf32>
          %squeeze3A_354 = vector.extract %slice3A_353[0] : f32 from vector<1xf32>
          %slice3A_355 = vector.extract_strided_slice %mul3A_342 {offsets = [7], sizes = [1], strides = [1]} : vector<16xf32> to vector<1xf32>
          %squeeze3A_356 = vector.extract %slice3A_355[0] : f32 from vector<1xf32>
          %slice3A_357 = vector.extract_strided_slice %mul3A_342 {offsets = [8], sizes = [1], strides = [1]} : vector<16xf32> to vector<1xf32>
          %squeeze3A_358 = vector.extract %slice3A_357[0] : f32 from vector<1xf32>
          %slice3A_359 = vector.extract_strided_slice %mul3A_342 {offsets = [9], sizes = [1], strides = [1]} : vector<16xf32> to vector<1xf32>
          %squeeze3A_360 = vector.extract %slice3A_359[0] : f32 from vector<1xf32>
          %slice3A_361 = vector.extract_strided_slice %mul3A_342 {offsets = [10], sizes = [1], strides = [1]} : vector<16xf32> to vector<1xf32>
          %squeeze3A_362 = vector.extract %slice3A_361[0] : f32 from vector<1xf32>
          %slice3A_363 = vector.extract_strided_slice %mul3A_342 {offsets = [11], sizes = [1], strides = [1]} : vector<16xf32> to vector<1xf32>
          %squeeze3A_364 = vector.extract %slice3A_363[0] : f32 from vector<1xf32>
          %get3A_365 = arith.index_cast %scan3A_336 : i32 to index
          %get3A_366 = arith.constant 0 : index
          %get3A_367 = tpu.vector_load %arg10[%get3A_365, %get3A_366] {strides = array<i32>} : memref<24x1536xbf16, #tpu.memory_space<vmem>>, vector<32xbf16>,
          %bitcast3A = vector.bitcast %get3A_367 : vector<32xbf16> to vector<16xi32>
          %shift_left3A = arith.constant 16 : i32
          %shift_left3A_368 = vector.broadcast %shift_left3A : i32 to vector<16xi32>
          %shift_left3A_369 = arith.shli %bitcast3A, %shift_left3A_368 : vector<16xi32>
          %bitcast3A_370 = vector.bitcast %shift_left3A_369 : vector<16xi32> to vector<16xf32>
          %and3A = arith.constant -65536 : i32
          %and3A_371 = vector.broadcast %and3A : i32 to vector<16xi32>
          %and3A_372 = arith.andi %bitcast3A, %and3A_371 : vector<16xi32>
          %bitcast3A_373 = vector.bitcast %and3A_372 : vector<16xi32> to vector<16xf32>
          %mul3A_374 = vector.broadcast %squeeze3A : f32 to vector<16xf32>
          %mul3A_375 = arith.mulf %mul3A_374, %bitcast3A_370 : vector<16xf32>
          %mul3A_376 = vector.broadcast %squeeze3A : f32 to vector<16xf32>
          %mul3A_377 = arith.mulf %mul3A_376, %bitcast3A_373 : vector<16xf32>
          %get3A_378 = arith.index_cast %scan3A_336 : i32 to index
          %get3A_379 = arith.constant 128 : index
          %get3A_380 = tpu.vector_load %arg10[%get3A_378, %get3A_379] {strides = array<i32>} : memref<24x1536xbf16, #tpu.memory_space<vmem>>, vector<32xbf16>,
          %bitcast3A_381 = vector.bitcast %get3A_380 : vector<32xbf16> to vector<16xi32>
          %shift_left3A_382 = arith.constant 16 : i32
          %shift_left3A_383 = vector.broadcast %shift_left3A_382 : i32 to vector<16xi32>
          %shift_left3A_384 = arith.shli %bitcast3A_381, %shift_left3A_383 : vector<16xi32>
          %bitcast3A_385 = vector.bitcast %shift_left3A_384 : vector<16xi32> to vector<16xf32>
          %and3A_386 = arith.constant -65536 : i32
          %and3A_387 = vector.broadcast %and3A_386 : i32 to vector<16xi32>
          %and3A_388 = arith.andi %bitcast3A_381, %and3A_387 : vector<16xi32>
          %bitcast3A_389 = vector.bitcast %and3A_388 : vector<16xi32> to vector<16xf32>
          %mul3A_390 = vector.broadcast %squeeze3A_344 : f32 to vector<16xf32>
          %mul3A_391 = arith.mulf %mul3A_390, %bitcast3A_385 : vector<16xf32>
          %add3A_392 = arith.addf %mul3A_375, %mul3A_391 : vector<16xf32>
          %mul3A_393 = vector.broadcast %squeeze3A_344 : f32 to vector<16xf32>
          %mul3A_394 = arith.mulf %mul3A_393, %bitcast3A_389 : vector<16xf32>
          %add3A_395 = arith.addf %mul3A_377, %mul3A_394 : vector<16xf32>
          %get3A_396 = arith.index_cast %scan3A_336 : i32 to index
          %get3A_397 = arith.constant 256 : index
          %get3A_398 = tpu.vector_load %arg10[%get3A_396, %get3A_397] {strides = array<i32>} : memref<24x1536xbf16, #tpu.memory_space<vmem>>, vector<32xbf16>,
          %bitcast3A_399 = vector.bitcast %get3A_398 : vector<32xbf16> to vector<16xi32>
          %shift_left3A_400 = arith.constant 16 : i32
          %shift_left3A_401 = vector.broadcast %shift_left3A_400 : i32 to vector<16xi32>
          %shift_left3A_402 = arith.shli %bitcast3A_399, %shift_left3A_401 : vector<16xi32>
          %bitcast3A_403 = vector.bitcast %shift_left3A_402 : vector<16xi32> to vector<16xf32>
          %and3A_404 = arith.constant -65536 : i32
          %and3A_405 = vector.broadcast %and3A_404 : i32 to vector<16xi32>
          %and3A_406 = arith.andi %bitcast3A_399, %and3A_405 : vector<16xi32>
          %bitcast3A_407 = vector.bitcast %and3A_406 : vector<16xi32> to vector<16xf32>
          %mul3A_408 = vector.broadcast %squeeze3A_346 : f32 to vector<16xf32>
          %mul3A_409 = arith.mulf %mul3A_408, %bitcast3A_403 : vector<16xf32>
          %add3A_410 = arith.addf %add3A_392, %mul3A_409 : vector<16xf32>
          %mul3A_411 = vector.broadcast %squeeze3A_346 : f32 to vector<16xf32>
          %mul3A_412 = arith.mulf %mul3A_411, %bitcast3A_407 : vector<16xf32>
          %add3A_413 = arith.addf %add3A_395, %mul3A_412 : vector<16xf32>
          %get3A_414 = arith.index_cast %scan3A_336 : i32 to index
          %get3A_415 = arith.constant 384 : index
          %get3A_416 = tpu.vector_load %arg10[%get3A_414, %get3A_415] {strides = array<i32>} : memref<24x1536xbf16, #tpu.memory_space<vmem>>, vector<32xbf16>,
          %bitcast3A_417 = vector.bitcast %get3A_416 : vector<32xbf16> to vector<16xi32>
          %shift_left3A_418 = arith.constant 16 : i32
          %shift_left3A_419 = vector.broadcast %shift_left3A_418 : i32 to vector<16xi32>
          %shift_left3A_420 = arith.shli %bitcast3A_417, %shift_left3A_419 : vector<16xi32>
          %bitcast3A_421 = vector.bitcast %shift_left3A_420 : vector<16xi32> to vector<16xf32>
          %and3A_422 = arith.constant -65536 : i32
          %and3A_423 = vector.broadcast %and3A_422 : i32 to vector<16xi32>
          %and3A_424 = arith.andi %bitcast3A_417, %and3A_423 : vector<16xi32>
          %bitcast3A_425 = vector.bitcast %and3A_424 : vector<16xi32> to vector<16xf32>
          %mul3A_426 = vector.broadcast %squeeze3A_348 : f32 to vector<16xf32>
          %mul3A_427 = arith.mulf %mul3A_426, %bitcast3A_421 : vector<16xf32>
          %add3A_428 = arith.addf %add3A_410, %mul3A_427 : vector<16xf32>
          %mul3A_429 = vector.broadcast %squeeze3A_348 : f32 to vector<16xf32>
          %mul3A_430 = arith.mulf %mul3A_429, %bitcast3A_425 : vector<16xf32>
          %add3A_431 = arith.addf %add3A_413, %mul3A_430 : vector<16xf32>
          %get3A_432 = arith.index_cast %scan3A_336 : i32 to index
          %get3A_433 = arith.constant 512 : index
          %get3A_434 = tpu.vector_load %arg10[%get3A_432, %get3A_433] {strides = array<i32>} : memref<24x1536xbf16, #tpu.memory_space<vmem>>, vector<32xbf16>,
          %bitcast3A_435 = vector.bitcast %get3A_434 : vector<32xbf16> to vector<16xi32>
          %shift_left3A_436 = arith.constant 16 : i32
          %shift_left3A_437 = vector.broadcast %shift_left3A_436 : i32 to vector<16xi32>
          %shift_left3A_438 = arith.shli %bitcast3A_435, %shift_left3A_437 : vector<16xi32>
          %bitcast3A_439 = vector.bitcast %shift_left3A_438 : vector<16xi32> to vector<16xf32>
          %and3A_440 = arith.constant -65536 : i32
          %and3A_441 = vector.broadcast %and3A_440 : i32 to vector<16xi32>
          %and3A_442 = arith.andi %bitcast3A_435, %and3A_441 : vector<16xi32>
          %bitcast3A_443 = vector.bitcast %and3A_442 : vector<16xi32> to vector<16xf32>
          %mul3A_444 = vector.broadcast %squeeze3A_350 : f32 to vector<16xf32>
          %mul3A_445 = arith.mulf %mul3A_444, %bitcast3A_439 : vector<16xf32>
          %add3A_446 = arith.addf %add3A_428, %mul3A_445 : vector<16xf32>
          %mul3A_447 = vector.broadcast %squeeze3A_350 : f32 to vector<16xf32>
          %mul3A_448 = arith.mulf %mul3A_447, %bitcast3A_443 : vector<16xf32>
          %add3A_449 = arith.addf %add3A_431, %mul3A_448 : vector<16xf32>
          %get3A_450 = arith.index_cast %scan3A_336 : i32 to index
          %get3A_451 = arith.constant 640 : index
          %get3A_452 = tpu.vector_load %arg10[%get3A_450, %get3A_451] {strides = array<i32>} : memref<24x1536xbf16, #tpu.memory_space<vmem>>, vector<32xbf16>,
          %bitcast3A_453 = vector.bitcast %get3A_452 : vector<32xbf16> to vector<16xi32>
          %shift_left3A_454 = arith.constant 16 : i32
          %shift_left3A_455 = vector.broadcast %shift_left3A_454 : i32 to vector<16xi32>
          %shift_left3A_456 = arith.shli %bitcast3A_453, %shift_left3A_455 : vector<16xi32>
          %bitcast3A_457 = vector.bitcast %shift_left3A_456 : vector<16xi32> to vector<16xf32>
          %and3A_458 = arith.constant -65536 : i32
          %and3A_459 = vector.broadcast %and3A_458 : i32 to vector<16xi32>
          %and3A_460 = arith.andi %bitcast3A_453, %and3A_459 : vector<16xi32>
          %bitcast3A_461 = vector.bitcast %and3A_460 : vector<16xi32> to vector<16xf32>
          %mul3A_462 = vector.broadcast %squeeze3A_352 : f32 to vector<16xf32>
          %mul3A_463 = arith.mulf %mul3A_462, %bitcast3A_457 : vector<16xf32>
          %add3A_464 = arith.addf %add3A_446, %mul3A_463 : vector<16xf32>
          %mul3A_465 = vector.broadcast %squeeze3A_352 : f32 to vector<16xf32>
          %mul3A_466 = arith.mulf %mul3A_465, %bitcast3A_461 : vector<16xf32>
          %add3A_467 = arith.addf %add3A_449, %mul3A_466 : vector<16xf32>
          %get3A_468 = arith.index_cast %scan3A_336 : i32 to index
          %get3A_469 = arith.constant 768 : index
          %get3A_470 = tpu.vector_load %arg10[%get3A_468, %get3A_469] {strides = array<i32>} : memref<24x1536xbf16, #tpu.memory_space<vmem>>, vector<32xbf16>,
          %bitcast3A_471 = vector.bitcast %get3A_470 : vector<32xbf16> to vector<16xi32>
          %shift_left3A_472 = arith.constant 16 : i32
          %shift_left3A_473 = vector.broadcast %shift_left3A_472 : i32 to vector<16xi32>
          %shift_left3A_474 = arith.shli %bitcast3A_471, %shift_left3A_473 : vector<16xi32>
          %bitcast3A_475 = vector.bitcast %shift_left3A_474 : vector<16xi32> to vector<16xf32>
          %and3A_476 = arith.constant -65536 : i32
          %and3A_477 = vector.broadcast %and3A_476 : i32 to vector<16xi32>
          %and3A_478 = arith.andi %bitcast3A_471, %and3A_477 : vector<16xi32>
          %bitcast3A_479 = vector.bitcast %and3A_478 : vector<16xi32> to vector<16xf32>
          %mul3A_480 = vector.broadcast %squeeze3A_354 : f32 to vector<16xf32>
          %mul3A_481 = arith.mulf %mul3A_480, %bitcast3A_475 : vector<16xf32>
          %add3A_482 = arith.addf %add3A_464, %mul3A_481 : vector<16xf32>
          %mul3A_483 = vector.broadcast %squeeze3A_354 : f32 to vector<16xf32>
          %mul3A_484 = arith.mulf %mul3A_483, %bitcast3A_479 : vector<16xf32>
          %add3A_485 = arith.addf %add3A_467, %mul3A_484 : vector<16xf32>
          %get3A_486 = arith.index_cast %scan3A_336 : i32 to index
          %get3A_487 = arith.constant 896 : index
          %get3A_488 = tpu.vector_load %arg10[%get3A_486, %get3A_487] {strides = array<i32>} : memref<24x1536xbf16, #tpu.memory_space<vmem>>, vector<32xbf16>,
          %bitcast3A_489 = vector.bitcast %get3A_488 : vector<32xbf16> to vector<16xi32>
          %shift_left3A_490 = arith.constant 16 : i32
          %shift_left3A_491 = vector.broadcast %shift_left3A_490 : i32 to vector<16xi32>
          %shift_left3A_492 = arith.shli %bitcast3A_489, %shift_left3A_491 : vector<16xi32>
          %bitcast3A_493 = vector.bitcast %shift_left3A_492 : vector<16xi32> to vector<16xf32>
          %and3A_494 = arith.constant -65536 : i32
          %and3A_495 = vector.broadcast %and3A_494 : i32 to vector<16xi32>
          %and3A_496 = arith.andi %bitcast3A_489, %and3A_495 : vector<16xi32>
          %bitcast3A_497 = vector.bitcast %and3A_496 : vector<16xi32> to vector<16xf32>
          %mul3A_498 = vector.broadcast %squeeze3A_356 : f32 to vector<16xf32>
          %mul3A_499 = arith.mulf %mul3A_498, %bitcast3A_493 : vector<16xf32>
          %add3A_500 = arith.addf %add3A_482, %mul3A_499 : vector<16xf32>
          %mul3A_501 = vector.broadcast %squeeze3A_356 : f32 to vector<16xf32>
          %mul3A_502 = arith.mulf %mul3A_501, %bitcast3A_497 : vector<16xf32>
          %add3A_503 = arith.addf %add3A_485, %mul3A_502 : vector<16xf32>
          %get3A_504 = arith.index_cast %scan3A_336 : i32 to index
          %get3A_505 = arith.constant 1024 : index
          %get3A_506 = tpu.vector_load %arg10[%get3A_504, %get3A_505] {strides = array<i32>} : memref<24x1536xbf16, #tpu.memory_space<vmem>>, vector<32xbf16>,
          %bitcast3A_507 = vector.bitcast %get3A_506 : vector<32xbf16> to vector<16xi32>
          %shift_left3A_508 = arith.constant 16 : i32
          %shift_left3A_509 = vector.broadcast %shift_left3A_508 : i32 to vector<16xi32>
          %shift_left3A_510 = arith.shli %bitcast3A_507, %shift_left3A_509 : vector<16xi32>
          %bitcast3A_511 = vector.bitcast %shift_left3A_510 : vector<16xi32> to vector<16xf32>
          %and3A_512 = arith.constant -65536 : i32
          %and3A_513 = vector.broadcast %and3A_512 : i32 to vector<16xi32>
          %and3A_514 = arith.andi %bitcast3A_507, %and3A_513 : vector<16xi32>
          %bitcast3A_515 = vector.bitcast %and3A_514 : vector<16xi32> to vector<16xf32>
          %mul3A_516 = vector.broadcast %squeeze3A_358 : f32 to vector<16xf32>
          %mul3A_517 = arith.mulf %mul3A_516, %bitcast3A_511 : vector<16xf32>
          %add3A_518 = arith.addf %add3A_500, %mul3A_517 : vector<16xf32>
          %mul3A_519 = vector.broadcast %squeeze3A_358 : f32 to vector<16xf32>
          %mul3A_520 = arith.mulf %mul3A_519, %bitcast3A_515 : vector<16xf32>
          %add3A_521 = arith.addf %add3A_503, %mul3A_520 : vector<16xf32>
          %get3A_522 = arith.index_cast %scan3A_336 : i32 to index
          %get3A_523 = arith.constant 1152 : index
          %get3A_524 = tpu.vector_load %arg10[%get3A_522, %get3A_523] {strides = array<i32>} : memref<24x1536xbf16, #tpu.memory_space<vmem>>, vector<32xbf16>,
          %bitcast3A_525 = vector.bitcast %get3A_524 : vector<32xbf16> to vector<16xi32>
          %shift_left3A_526 = arith.constant 16 : i32
          %shift_left3A_527 = vector.broadcast %shift_left3A_526 : i32 to vector<16xi32>
          %shift_left3A_528 = arith.shli %bitcast3A_525, %shift_left3A_527 : vector<16xi32>
          %bitcast3A_529 = vector.bitcast %shift_left3A_528 : vector<16xi32> to vector<16xf32>
          %and3A_530 = arith.constant -65536 : i32
          %and3A_531 = vector.broadcast %and3A_530 : i32 to vector<16xi32>
          %and3A_532 = arith.andi %bitcast3A_525, %and3A_531 : vector<16xi32>
          %bitcast3A_533 = vector.bitcast %and3A_532 : vector<16xi32> to vector<16xf32>
          %mul3A_534 = vector.broadcast %squeeze3A_360 : f32 to vector<16xf32>
          %mul3A_535 = arith.mulf %mul3A_534, %bitcast3A_529 : vector<16xf32>
          %add3A_536 = arith.addf %add3A_518, %mul3A_535 : vector<16xf32>
          %mul3A_537 = vector.broadcast %squeeze3A_360 : f32 to vector<16xf32>
          %mul3A_538 = arith.mulf %mul3A_537, %bitcast3A_533 : vector<16xf32>
          %add3A_539 = arith.addf %add3A_521, %mul3A_538 : vector<16xf32>
          %get3A_540 = arith.index_cast %scan3A_336 : i32 to index
          %get3A_541 = arith.constant 1280 : index
          %get3A_542 = tpu.vector_load %arg10[%get3A_540, %get3A_541] {strides = array<i32>} : memref<24x1536xbf16, #tpu.memory_space<vmem>>, vector<32xbf16>,
          %bitcast3A_543 = vector.bitcast %get3A_542 : vector<32xbf16> to vector<16xi32>
          %shift_left3A_544 = arith.constant 16 : i32
          %shift_left3A_545 = vector.broadcast %shift_left3A_544 : i32 to vector<16xi32>
          %shift_left3A_546 = arith.shli %bitcast3A_543, %shift_left3A_545 : vector<16xi32>
          %bitcast3A_547 = vector.bitcast %shift_left3A_546 : vector<16xi32> to vector<16xf32>
          %and3A_548 = arith.constant -65536 : i32
          %and3A_549 = vector.broadcast %and3A_548 : i32 to vector<16xi32>
          %and3A_550 = arith.andi %bitcast3A_543, %and3A_549 : vector<16xi32>
          %bitcast3A_551 = vector.bitcast %and3A_550 : vector<16xi32> to vector<16xf32>
          %mul3A_552 = vector.broadcast %squeeze3A_362 : f32 to vector<16xf32>
          %mul3A_553 = arith.mulf %mul3A_552, %bitcast3A_547 : vector<16xf32>
          %add3A_554 = arith.addf %add3A_536, %mul3A_553 : vector<16xf32>
          %mul3A_555 = vector.broadcast %squeeze3A_362 : f32 to vector<16xf32>
          %mul3A_556 = arith.mulf %mul3A_555, %bitcast3A_551 : vector<16xf32>
          %add3A_557 = arith.addf %add3A_539, %mul3A_556 : vector<16xf32>
          %get3A_558 = arith.index_cast %scan3A_336 : i32 to index
          %get3A_559 = arith.constant 1408 : index
          %get3A_560 = tpu.vector_load %arg10[%get3A_558, %get3A_559] {strides = array<i32>} : memref<24x1536xbf16, #tpu.memory_space<vmem>>, vector<32xbf16>,
          %bitcast3A_561 = vector.bitcast %get3A_560 : vector<32xbf16> to vector<16xi32>
          %shift_left3A_562 = arith.constant 16 : i32
          %shift_left3A_563 = vector.broadcast %shift_left3A_562 : i32 to vector<16xi32>
          %shift_left3A_564 = arith.shli %bitcast3A_561, %shift_left3A_563 : vector<16xi32>
          %bitcast3A_565 = vector.bitcast %shift_left3A_564 : vector<16xi32> to vector<16xf32>
          %and3A_566 = arith.constant -65536 : i32
          %and3A_567 = vector.broadcast %and3A_566 : i32 to vector<16xi32>
          %and3A_568 = arith.andi %bitcast3A_561, %and3A_567 : vector<16xi32>
          %bitcast3A_569 = vector.bitcast %and3A_568 : vector<16xi32> to vector<16xf32>
          %mul3A_570 = vector.broadcast %squeeze3A_364 : f32 to vector<16xf32>
          %mul3A_571 = arith.mulf %mul3A_570, %bitcast3A_565 : vector<16xf32>
          %add3A_572 = arith.addf %add3A_554, %mul3A_571 : vector<16xf32>
          %mul3A_573 = vector.broadcast %squeeze3A_364 : f32 to vector<16xf32>
          %mul3A_574 = arith.mulf %mul3A_573, %bitcast3A_569 : vector<16xf32>
          %add3A_575 = arith.addf %add3A_557, %mul3A_574 : vector<16xf32>
          %swap3A = arith.index_cast %scan3A_336 : i32 to index
          %swap3A_576 = arith.constant 0 : index
          %swap3A_577 = tpu.vector_load %arg16[%swap3A, %swap3A_576] {strides = array<i32>} : memref<24x128xf32, #tpu.memory_space<vmem>>, vector<16xf32>,
          tpu.vector_store %arg16[%swap3A, %swap3A_576], %add3A_572 {strides = array<i32>} : memref<24x128xf32, #tpu.memory_space<vmem>>, vector<16xf32>,
          %swap3A_578 = arith.index_cast %scan3A_336 : i32 to index
          %swap3A_579 = arith.constant 16 : index
          %swap3A_580 = tpu.vector_load %arg16[%swap3A_578, %swap3A_579] {strides = array<i32>} : memref<24x128xf32, #tpu.memory_space<vmem>>, vector<16xf32>,
          tpu.vector_store %arg16[%swap3A_578, %swap3A_579], %add3A_575 {strides = array<i32>} : memref<24x128xf32, #tpu.memory_space<vmem>>, vector<16xf32>,
          %get3A_581 = arith.index_cast %scan3A_336 : i32 to index
          %get3A_582 = arith.constant 32 : index
          %get3A_583 = tpu.vector_load %arg10[%get3A_581, %get3A_582] {strides = array<i32>} : memref<24x1536xbf16, #tpu.memory_space<vmem>>, vector<32xbf16>,
          %bitcast3A_584 = vector.bitcast %get3A_583 : vector<32xbf16> to vector<16xi32>
          %shift_left3A_585 = arith.constant 16 : i32
          %shift_left3A_586 = vector.broadcast %shift_left3A_585 : i32 to vector<16xi32>
          %shift_left3A_587 = arith.shli %bitcast3A_584, %shift_left3A_586 : vector<16xi32>
          %bitcast3A_588 = vector.bitcast %shift_left3A_587 : vector<16xi32> to vector<16xf32>
          %and3A_589 = arith.constant -65536 : i32
          %and3A_590 = vector.broadcast %and3A_589 : i32 to vector<16xi32>
          %and3A_591 = arith.andi %bitcast3A_584, %and3A_590 : vector<16xi32>
          %bitcast3A_592 = vector.bitcast %and3A_591 : vector<16xi32> to vector<16xf32>
          %mul3A_593 = vector.broadcast %squeeze3A : f32 to vector<16xf32>
          %mul3A_594 = arith.mulf %mul3A_593, %bitcast3A_588 : vector<16xf32>
          %mul3A_595 = vector.broadcast %squeeze3A : f32 to vector<16xf32>
          %mul3A_596 = arith.mulf %mul3A_595, %bitcast3A_592 : vector<16xf32>
          %get3A_597 = arith.index_cast %scan3A_336 : i32 to index
          %get3A_598 = arith.constant 160 : index
          %get3A_599 = tpu.vector_load %arg10[%get3A_597, %get3A_598] {strides = array<i32>} : memref<24x1536xbf16, #tpu.memory_space<vmem>>, vector<32xbf16>,
          %bitcast3A_600 = vector.bitcast %get3A_599 : vector<32xbf16> to vector<16xi32>
          %shift_left3A_601 = arith.constant 16 : i32
          %shift_left3A_602 = vector.broadcast %shift_left3A_601 : i32 to vector<16xi32>
          %shift_left3A_603 = arith.shli %bitcast3A_600, %shift_left3A_602 : vector<16xi32>
          %bitcast3A_604 = vector.bitcast %shift_left3A_603 : vector<16xi32> to vector<16xf32>
          %and3A_605 = arith.constant -65536 : i32
          %and3A_606 = vector.broadcast %and3A_605 : i32 to vector<16xi32>
          %and3A_607 = arith.andi %bitcast3A_600, %and3A_606 : vector<16xi32>
          %bitcast3A_608 = vector.bitcast %and3A_607 : vector<16xi32> to vector<16xf32>
          %mul3A_609 = vector.broadcast %squeeze3A_344 : f32 to vector<16xf32>
          %mul3A_610 = arith.mulf %mul3A_609, %bitcast3A_604 : vector<16xf32>
          %add3A_611 = arith.addf %mul3A_594, %mul3A_610 : vector<16xf32>
          %mul3A_612 = vector.broadcast %squeeze3A_344 : f32 to vector<16xf32>
          %mul3A_613 = arith.mulf %mul3A_612, %bitcast3A_608 : vector<16xf32>
          %add3A_614 = arith.addf %mul3A_596, %mul3A_613 : vector<16xf32>
          %get3A_615 = arith.index_cast %scan3A_336 : i32 to index
          %get3A_616 = arith.constant 288 : index
          %get3A_617 = tpu.vector_load %arg10[%get3A_615, %get3A_616] {strides = array<i32>} : memref<24x1536xbf16, #tpu.memory_space<vmem>>, vector<32xbf16>,
          %bitcast3A_618 = vector.bitcast %get3A_617 : vector<32xbf16> to vector<16xi32>
          %shift_left3A_619 = arith.constant 16 : i32
          %shift_left3A_620 = vector.broadcast %shift_left3A_619 : i32 to vector<16xi32>
          %shift_left3A_621 = arith.shli %bitcast3A_618, %shift_left3A_620 : vector<16xi32>
          %bitcast3A_622 = vector.bitcast %shift_left3A_621 : vector<16xi32> to vector<16xf32>
          %and3A_623 = arith.constant -65536 : i32
          %and3A_624 = vector.broadcast %and3A_623 : i32 to vector<16xi32>
          %and3A_625 = arith.andi %bitcast3A_618, %and3A_624 : vector<16xi32>
          %bitcast3A_626 = vector.bitcast %and3A_625 : vector<16xi32> to vector<16xf32>
          %mul3A_627 = vector.broadcast %squeeze3A_346 : f32 to vector<16xf32>
          %mul3A_628 = arith.mulf %mul3A_627, %bitcast3A_622 : vector<16xf32>
          %add3A_629 = arith.addf %add3A_611, %mul3A_628 : vector<16xf32>
          %mul3A_630 = vector.broadcast %squeeze3A_346 : f32 to vector<16xf32>
          %mul3A_631 = arith.mulf %mul3A_630, %bitcast3A_626 : vector<16xf32>
          %add3A_632 = arith.addf %add3A_614, %mul3A_631 : vector<16xf32>
          %get3A_633 = arith.index_cast %scan3A_336 : i32 to index
          %get3A_634 = arith.constant 416 : index
          %get3A_635 = tpu.vector_load %arg10[%get3A_633, %get3A_634] {strides = array<i32>} : memref<24x1536xbf16, #tpu.memory_space<vmem>>, vector<32xbf16>,
          %bitcast3A_636 = vector.bitcast %get3A_635 : vector<32xbf16> to vector<16xi32>
          %shift_left3A_637 = arith.constant 16 : i32
          %shift_left3A_638 = vector.broadcast %shift_left3A_637 : i32 to vector<16xi32>
          %shift_left3A_639 = arith.shli %bitcast3A_636, %shift_left3A_638 : vector<16xi32>
          %bitcast3A_640 = vector.bitcast %shift_left3A_639 : vector<16xi32> to vector<16xf32>
          %and3A_641 = arith.constant -65536 : i32
          %and3A_642 = vector.broadcast %and3A_641 : i32 to vector<16xi32>
          %and3A_643 = arith.andi %bitcast3A_636, %and3A_642 : vector<16xi32>
          %bitcast3A_644 = vector.bitcast %and3A_643 : vector<16xi32> to vector<16xf32>
          %mul3A_645 = vector.broadcast %squeeze3A_348 : f32 to vector<16xf32>
          %mul3A_646 = arith.mulf %mul3A_645, %bitcast3A_640 : vector<16xf32>
          %add3A_647 = arith.addf %add3A_629, %mul3A_646 : vector<16xf32>
          %mul3A_648 = vector.broadcast %squeeze3A_348 : f32 to vector<16xf32>
          %mul3A_649 = arith.mulf %mul3A_648, %bitcast3A_644 : vector<16xf32>
          %add3A_650 = arith.addf %add3A_632, %mul3A_649 : vector<16xf32>
          %get3A_651 = arith.index_cast %scan3A_336 : i32 to index
          %get3A_652 = arith.constant 544 : index
          %get3A_653 = tpu.vector_load %arg10[%get3A_651, %get3A_652] {strides = array<i32>} : memref<24x1536xbf16, #tpu.memory_space<vmem>>, vector<32xbf16>,
          %bitcast3A_654 = vector.bitcast %get3A_653 : vector<32xbf16> to vector<16xi32>
          %shift_left3A_655 = arith.constant 16 : i32
          %shift_left3A_656 = vector.broadcast %shift_left3A_655 : i32 to vector<16xi32>
          %shift_left3A_657 = arith.shli %bitcast3A_654, %shift_left3A_656 : vector<16xi32>
          %bitcast3A_658 = vector.bitcast %shift_left3A_657 : vector<16xi32> to vector<16xf32>
          %and3A_659 = arith.constant -65536 : i32
          %and3A_660 = vector.broadcast %and3A_659 : i32 to vector<16xi32>
          %and3A_661 = arith.andi %bitcast3A_654, %and3A_660 : vector<16xi32>
          %bitcast3A_662 = vector.bitcast %and3A_661 : vector<16xi32> to vector<16xf32>
          %mul3A_663 = vector.broadcast %squeeze3A_350 : f32 to vector<16xf32>
          %mul3A_664 = arith.mulf %mul3A_663, %bitcast3A_658 : vector<16xf32>
          %add3A_665 = arith.addf %add3A_647, %mul3A_664 : vector<16xf32>
          %mul3A_666 = vector.broadcast %squeeze3A_350 : f32 to vector<16xf32>
          %mul3A_667 = arith.mulf %mul3A_666, %bitcast3A_662 : vector<16xf32>
          %add3A_668 = arith.addf %add3A_650, %mul3A_667 : vector<16xf32>
          %get3A_669 = arith.index_cast %scan3A_336 : i32 to index
          %get3A_670 = arith.constant 672 : index
          %get3A_671 = tpu.vector_load %arg10[%get3A_669, %get3A_670] {strides = array<i32>} : memref<24x1536xbf16, #tpu.memory_space<vmem>>, vector<32xbf16>,
          %bitcast3A_672 = vector.bitcast %get3A_671 : vector<32xbf16> to vector<16xi32>
          %shift_left3A_673 = arith.constant 16 : i32
          %shift_left3A_674 = vector.broadcast %shift_left3A_673 : i32 to vector<16xi32>
          %shift_left3A_675 = arith.shli %bitcast3A_672, %shift_left3A_674 : vector<16xi32>
          %bitcast3A_676 = vector.bitcast %shift_left3A_675 : vector<16xi32> to vector<16xf32>
          %and3A_677 = arith.constant -65536 : i32
          %and3A_678 = vector.broadcast %and3A_677 : i32 to vector<16xi32>
          %and3A_679 = arith.andi %bitcast3A_672, %and3A_678 : vector<16xi32>
          %bitcast3A_680 = vector.bitcast %and3A_679 : vector<16xi32> to vector<16xf32>
          %mul3A_681 = vector.broadcast %squeeze3A_352 : f32 to vector<16xf32>
          %mul3A_682 = arith.mulf %mul3A_681, %bitcast3A_676 : vector<16xf32>
          %add3A_683 = arith.addf %add3A_665, %mul3A_682 : vector<16xf32>
          %mul3A_684 = vector.broadcast %squeeze3A_352 : f32 to vector<16xf32>
          %mul3A_685 = arith.mulf %mul3A_684, %bitcast3A_680 : vector<16xf32>
          %add3A_686 = arith.addf %add3A_668, %mul3A_685 : vector<16xf32>
          %get3A_687 = arith.index_cast %scan3A_336 : i32 to index
          %get3A_688 = arith.constant 800 : index
          %get3A_689 = tpu.vector_load %arg10[%get3A_687, %get3A_688] {strides = array<i32>} : memref<24x1536xbf16, #tpu.memory_space<vmem>>, vector<32xbf16>,
          %bitcast3A_690 = vector.bitcast %get3A_689 : vector<32xbf16> to vector<16xi32>
          %shift_left3A_691 = arith.constant 16 : i32
          %shift_left3A_692 = vector.broadcast %shift_left3A_691 : i32 to vector<16xi32>
          %shift_left3A_693 = arith.shli %bitcast3A_690, %shift_left3A_692 : vector<16xi32>
          %bitcast3A_694 = vector.bitcast %shift_left3A_693 : vector<16xi32> to vector<16xf32>
          %and3A_695 = arith.constant -65536 : i32
          %and3A_696 = vector.broadcast %and3A_695 : i32 to vector<16xi32>
          %and3A_697 = arith.andi %bitcast3A_690, %and3A_696 : vector<16xi32>
          %bitcast3A_698 = vector.bitcast %and3A_697 : vector<16xi32> to vector<16xf32>
          %mul3A_699 = vector.broadcast %squeeze3A_354 : f32 to vector<16xf32>
          %mul3A_700 = arith.mulf %mul3A_699, %bitcast3A_694 : vector<16xf32>
          %add3A_701 = arith.addf %add3A_683, %mul3A_700 : vector<16xf32>
          %mul3A_702 = vector.broadcast %squeeze3A_354 : f32 to vector<16xf32>
          %mul3A_703 = arith.mulf %mul3A_702, %bitcast3A_698 : vector<16xf32>
          %add3A_704 = arith.addf %add3A_686, %mul3A_703 : vector<16xf32>
          %get3A_705 = arith.index_cast %scan3A_336 : i32 to index
          %get3A_706 = arith.constant 928 : index
          %get3A_707 = tpu.vector_load %arg10[%get3A_705, %get3A_706] {strides = array<i32>} : memref<24x1536xbf16, #tpu.memory_space<vmem>>, vector<32xbf16>,
          %bitcast3A_708 = vector.bitcast %get3A_707 : vector<32xbf16> to vector<16xi32>
          %shift_left3A_709 = arith.constant 16 : i32
          %shift_left3A_710 = vector.broadcast %shift_left3A_709 : i32 to vector<16xi32>
          %shift_left3A_711 = arith.shli %bitcast3A_708, %shift_left3A_710 : vector<16xi32>
          %bitcast3A_712 = vector.bitcast %shift_left3A_711 : vector<16xi32> to vector<16xf32>
          %and3A_713 = arith.constant -65536 : i32
          %and3A_714 = vector.broadcast %and3A_713 : i32 to vector<16xi32>
          %and3A_715 = arith.andi %bitcast3A_708, %and3A_714 : vector<16xi32>
          %bitcast3A_716 = vector.bitcast %and3A_715 : vector<16xi32> to vector<16xf32>
          %mul3A_717 = vector.broadcast %squeeze3A_356 : f32 to vector<16xf32>
          %mul3A_718 = arith.mulf %mul3A_717, %bitcast3A_712 : vector<16xf32>
          %add3A_719 = arith.addf %add3A_701, %mul3A_718 : vector<16xf32>
          %mul3A_720 = vector.broadcast %squeeze3A_356 : f32 to vector<16xf32>
          %mul3A_721 = arith.mulf %mul3A_720, %bitcast3A_716 : vector<16xf32>
          %add3A_722 = arith.addf %add3A_704, %mul3A_721 : vector<16xf32>
          %get3A_723 = arith.index_cast %scan3A_336 : i32 to index
          %get3A_724 = arith.constant 1056 : index
          %get3A_725 = tpu.vector_load %arg10[%get3A_723, %get3A_724] {strides = array<i32>} : memref<24x1536xbf16, #tpu.memory_space<vmem>>, vector<32xbf16>,
          %bitcast3A_726 = vector.bitcast %get3A_725 : vector<32xbf16> to vector<16xi32>
          %shift_left3A_727 = arith.constant 16 : i32
          %shift_left3A_728 = vector.broadcast %shift_left3A_727 : i32 to vector<16xi32>
          %shift_left3A_729 = arith.shli %bitcast3A_726, %shift_left3A_728 : vector<16xi32>
          %bitcast3A_730 = vector.bitcast %shift_left3A_729 : vector<16xi32> to vector<16xf32>
          %and3A_731 = arith.constant -65536 : i32
          %and3A_732 = vector.broadcast %and3A_731 : i32 to vector<16xi32>
          %and3A_733 = arith.andi %bitcast3A_726, %and3A_732 : vector<16xi32>
          %bitcast3A_734 = vector.bitcast %and3A_733 : vector<16xi32> to vector<16xf32>
          %mul3A_735 = vector.broadcast %squeeze3A_358 : f32 to vector<16xf32>
          %mul3A_736 = arith.mulf %mul3A_735, %bitcast3A_730 : vector<16xf32>
          %add3A_737 = arith.addf %add3A_719, %mul3A_736 : vector<16xf32>
          %mul3A_738 = vector.broadcast %squeeze3A_358 : f32 to vector<16xf32>
          %mul3A_739 = arith.mulf %mul3A_738, %bitcast3A_734 : vector<16xf32>
          %add3A_740 = arith.addf %add3A_722, %mul3A_739 : vector<16xf32>
          %get3A_741 = arith.index_cast %scan3A_336 : i32 to index
          %get3A_742 = arith.constant 1184 : index
          %get3A_743 = tpu.vector_load %arg10[%get3A_741, %get3A_742] {strides = array<i32>} : memref<24x1536xbf16, #tpu.memory_space<vmem>>, vector<32xbf16>,
          %bitcast3A_744 = vector.bitcast %get3A_743 : vector<32xbf16> to vector<16xi32>
          %shift_left3A_745 = arith.constant 16 : i32
          %shift_left3A_746 = vector.broadcast %shift_left3A_745 : i32 to vector<16xi32>
          %shift_left3A_747 = arith.shli %bitcast3A_744, %shift_left3A_746 : vector<16xi32>
          %bitcast3A_748 = vector.bitcast %shift_left3A_747 : vector<16xi32> to vector<16xf32>
          %and3A_749 = arith.constant -65536 : i32
          %and3A_750 = vector.broadcast %and3A_749 : i32 to vector<16xi32>
          %and3A_751 = arith.andi %bitcast3A_744, %and3A_750 : vector<16xi32>
          %bitcast3A_752 = vector.bitcast %and3A_751 : vector<16xi32> to vector<16xf32>
          %mul3A_753 = vector.broadcast %squeeze3A_360 : f32 to vector<16xf32>
          %mul3A_754 = arith.mulf %mul3A_753, %bitcast3A_748 : vector<16xf32>
          %add3A_755 = arith.addf %add3A_737, %mul3A_754 : vector<16xf32>
          %mul3A_756 = vector.broadcast %squeeze3A_360 : f32 to vector<16xf32>
          %mul3A_757 = arith.mulf %mul3A_756, %bitcast3A_752 : vector<16xf32>
          %add3A_758 = arith.addf %add3A_740, %mul3A_757 : vector<16xf32>
          %get3A_759 = arith.index_cast %scan3A_336 : i32 to index
          %get3A_760 = arith.constant 1312 : index
          %get3A_761 = tpu.vector_load %arg10[%get3A_759, %get3A_760] {strides = array<i32>} : memref<24x1536xbf16, #tpu.memory_space<vmem>>, vector<32xbf16>,
          %bitcast3A_762 = vector.bitcast %get3A_761 : vector<32xbf16> to vector<16xi32>
          %shift_left3A_763 = arith.constant 16 : i32
          %shift_left3A_764 = vector.broadcast %shift_left3A_763 : i32 to vector<16xi32>
          %shift_left3A_765 = arith.shli %bitcast3A_762, %shift_left3A_764 : vector<16xi32>
          %bitcast3A_766 = vector.bitcast %shift_left3A_765 : vector<16xi32> to vector<16xf32>
          %and3A_767 = arith.constant -65536 : i32
          %and3A_768 = vector.broadcast %and3A_767 : i32 to vector<16xi32>
          %and3A_769 = arith.andi %bitcast3A_762, %and3A_768 : vector<16xi32>
          %bitcast3A_770 = vector.bitcast %and3A_769 : vector<16xi32> to vector<16xf32>
          %mul3A_771 = vector.broadcast %squeeze3A_362 : f32 to vector<16xf32>
          %mul3A_772 = arith.mulf %mul3A_771, %bitcast3A_766 : vector<16xf32>
          %add3A_773 = arith.addf %add3A_755, %mul3A_772 : vector<16xf32>
          %mul3A_774 = vector.broadcast %squeeze3A_362 : f32 to vector<16xf32>
          %mul3A_775 = arith.mulf %mul3A_774, %bitcast3A_770 : vector<16xf32>
          %add3A_776 = arith.addf %add3A_758, %mul3A_775 : vector<16xf32>
          %get3A_777 = arith.index_cast %scan3A_336 : i32 to index
          %get3A_778 = arith.constant 1440 : index
          %get3A_779 = tpu.vector_load %arg10[%get3A_777, %get3A_778] {strides = array<i32>} : memref<24x1536xbf16, #tpu.memory_space<vmem>>, vector<32xbf16>,
          %bitcast3A_780 = vector.bitcast %get3A_779 : vector<32xbf16> to vector<16xi32>
          %shift_left3A_781 = arith.constant 16 : i32
          %shift_left3A_782 = vector.broadcast %shift_left3A_781 : i32 to vector<16xi32>
          %shift_left3A_783 = arith.shli %bitcast3A_780, %shift_left3A_782 : vector<16xi32>
          %bitcast3A_784 = vector.bitcast %shift_left3A_783 : vector<16xi32> to vector<16xf32>
          %and3A_785 = arith.constant -65536 : i32
          %and3A_786 = vector.broadcast %and3A_785 : i32 to vector<16xi32>
          %and3A_787 = arith.andi %bitcast3A_780, %and3A_786 : vector<16xi32>
          %bitcast3A_788 = vector.bitcast %and3A_787 : vector<16xi32> to vector<16xf32>
          %mul3A_789 = vector.broadcast %squeeze3A_364 : f32 to vector<16xf32>
          %mul3A_790 = arith.mulf %mul3A_789, %bitcast3A_784 : vector<16xf32>
          %add3A_791 = arith.addf %add3A_773, %mul3A_790 : vector<16xf32>
          %mul3A_792 = vector.broadcast %squeeze3A_364 : f32 to vector<16xf32>
          %mul3A_793 = arith.mulf %mul3A_792, %bitcast3A_788 : vector<16xf32>
          %add3A_794 = arith.addf %add3A_776, %mul3A_793 : vector<16xf32>
          %swap3A_795 = arith.index_cast %scan3A_336 : i32 to index
          %swap3A_796 = arith.constant 32 : index
          %swap3A_797 = tpu.vector_load %arg16[%swap3A_795, %swap3A_796] {strides = array<i32>} : memref<24x128xf32, #tpu.memory_space<vmem>>, vector<16xf32>,
          tpu.vector_store %arg16[%swap3A_795, %swap3A_796], %add3A_791 {strides = array<i32>} : memref<24x128xf32, #tpu.memory_space<vmem>>, vector<16xf32>,
          %swap3A_798 = arith.index_cast %scan3A_336 : i32 to index
          %swap3A_799 = arith.constant 48 : index
          %swap3A_800 = tpu.vector_load %arg16[%swap3A_798, %swap3A_799] {strides = array<i32>} : memref<24x128xf32, #tpu.memory_space<vmem>>, vector<16xf32>,
          tpu.vector_store %arg16[%swap3A_798, %swap3A_799], %add3A_794 {strides = array<i32>} : memref<24x128xf32, #tpu.memory_space<vmem>>, vector<16xf32>,
          %get3A_801 = arith.index_cast %scan3A_336 : i32 to index
          %get3A_802 = arith.constant 64 : index
          %get3A_803 = tpu.vector_load %arg10[%get3A_801, %get3A_802] {strides = array<i32>} : memref<24x1536xbf16, #tpu.memory_space<vmem>>, vector<32xbf16>,
          %bitcast3A_804 = vector.bitcast %get3A_803 : vector<32xbf16> to vector<16xi32>
          %shift_left3A_805 = arith.constant 16 : i32
          %shift_left3A_806 = vector.broadcast %shift_left3A_805 : i32 to vector<16xi32>
          %shift_left3A_807 = arith.shli %bitcast3A_804, %shift_left3A_806 : vector<16xi32>
          %bitcast3A_808 = vector.bitcast %shift_left3A_807 : vector<16xi32> to vector<16xf32>
          %and3A_809 = arith.constant -65536 : i32
          %and3A_810 = vector.broadcast %and3A_809 : i32 to vector<16xi32>
          %and3A_811 = arith.andi %bitcast3A_804, %and3A_810 : vector<16xi32>
          %bitcast3A_812 = vector.bitcast %and3A_811 : vector<16xi32> to vector<16xf32>
          %mul3A_813 = vector.broadcast %squeeze3A : f32 to vector<16xf32>
          %mul3A_814 = arith.mulf %mul3A_813, %bitcast3A_808 : vector<16xf32>
          %mul3A_815 = vector.broadcast %squeeze3A : f32 to vector<16xf32>
          %mul3A_816 = arith.mulf %mul3A_815, %bitcast3A_812 : vector<16xf32>
          %get3A_817 = arith.index_cast %scan3A_336 : i32 to index
          %get3A_818 = arith.constant 192 : index
          %get3A_819 = tpu.vector_load %arg10[%get3A_817, %get3A_818] {strides = array<i32>} : memref<24x1536xbf16, #tpu.memory_space<vmem>>, vector<32xbf16>,
          %bitcast3A_820 = vector.bitcast %get3A_819 : vector<32xbf16> to vector<16xi32>
          %shift_left3A_821 = arith.constant 16 : i32
          %shift_left3A_822 = vector.broadcast %shift_left3A_821 : i32 to vector<16xi32>
          %shift_left3A_823 = arith.shli %bitcast3A_820, %shift_left3A_822 : vector<16xi32>
          %bitcast3A_824 = vector.bitcast %shift_left3A_823 : vector<16xi32> to vector<16xf32>
          %and3A_825 = arith.constant -65536 : i32
          %and3A_826 = vector.broadcast %and3A_825 : i32 to vector<16xi32>
          %and3A_827 = arith.andi %bitcast3A_820, %and3A_826 : vector<16xi32>
          %bitcast3A_828 = vector.bitcast %and3A_827 : vector<16xi32> to vector<16xf32>
          %mul3A_829 = vector.broadcast %squeeze3A_344 : f32 to vector<16xf32>
          %mul3A_830 = arith.mulf %mul3A_829, %bitcast3A_824 : vector<16xf32>
          %add3A_831 = arith.addf %mul3A_814, %mul3A_830 : vector<16xf32>
          %mul3A_832 = vector.broadcast %squeeze3A_344 : f32 to vector<16xf32>
          %mul3A_833 = arith.mulf %mul3A_832, %bitcast3A_828 : vector<16xf32>
          %add3A_834 = arith.addf %mul3A_816, %mul3A_833 : vector<16xf32>
          %get3A_835 = arith.index_cast %scan3A_336 : i32 to index
          %get3A_836 = arith.constant 320 : index
          %get3A_837 = tpu.vector_load %arg10[%get3A_835, %get3A_836] {strides = array<i32>} : memref<24x1536xbf16, #tpu.memory_space<vmem>>, vector<32xbf16>,
          %bitcast3A_838 = vector.bitcast %get3A_837 : vector<32xbf16> to vector<16xi32>
          %shift_left3A_839 = arith.constant 16 : i32
          %shift_left3A_840 = vector.broadcast %shift_left3A_839 : i32 to vector<16xi32>
          %shift_left3A_841 = arith.shli %bitcast3A_838, %shift_left3A_840 : vector<16xi32>
          %bitcast3A_842 = vector.bitcast %shift_left3A_841 : vector<16xi32> to vector<16xf32>
          %and3A_843 = arith.constant -65536 : i32
          %and3A_844 = vector.broadcast %and3A_843 : i32 to vector<16xi32>
          %and3A_845 = arith.andi %bitcast3A_838, %and3A_844 : vector<16xi32>
          %bitcast3A_846 = vector.bitcast %and3A_845 : vector<16xi32> to vector<16xf32>
          %mul3A_847 = vector.broadcast %squeeze3A_346 : f32 to vector<16xf32>
          %mul3A_848 = arith.mulf %mul3A_847, %bitcast3A_842 : vector<16xf32>
          %add3A_849 = arith.addf %add3A_831, %mul3A_848 : vector<16xf32>
          %mul3A_850 = vector.broadcast %squeeze3A_346 : f32 to vector<16xf32>
          %mul3A_851 = arith.mulf %mul3A_850, %bitcast3A_846 : vector<16xf32>
          %add3A_852 = arith.addf %add3A_834, %mul3A_851 : vector<16xf32>
          %get3A_853 = arith.index_cast %scan3A_336 : i32 to index
          %get3A_854 = arith.constant 448 : index
          %get3A_855 = tpu.vector_load %arg10[%get3A_853, %get3A_854] {strides = array<i32>} : memref<24x1536xbf16, #tpu.memory_space<vmem>>, vector<32xbf16>,
          %bitcast3A_856 = vector.bitcast %get3A_855 : vector<32xbf16> to vector<16xi32>
          %shift_left3A_857 = arith.constant 16 : i32
          %shift_left3A_858 = vector.broadcast %shift_left3A_857 : i32 to vector<16xi32>
          %shift_left3A_859 = arith.shli %bitcast3A_856, %shift_left3A_858 : vector<16xi32>
          %bitcast3A_860 = vector.bitcast %shift_left3A_859 : vector<16xi32> to vector<16xf32>
          %and3A_861 = arith.constant -65536 : i32
          %and3A_862 = vector.broadcast %and3A_861 : i32 to vector<16xi32>
          %and3A_863 = arith.andi %bitcast3A_856, %and3A_862 : vector<16xi32>
          %bitcast3A_864 = vector.bitcast %and3A_863 : vector<16xi32> to vector<16xf32>
          %mul3A_865 = vector.broadcast %squeeze3A_348 : f32 to vector<16xf32>
          %mul3A_866 = arith.mulf %mul3A_865, %bitcast3A_860 : vector<16xf32>
          %add3A_867 = arith.addf %add3A_849, %mul3A_866 : vector<16xf32>
          %mul3A_868 = vector.broadcast %squeeze3A_348 : f32 to vector<16xf32>
          %mul3A_869 = arith.mulf %mul3A_868, %bitcast3A_864 : vector<16xf32>
          %add3A_870 = arith.addf %add3A_852, %mul3A_869 : vector<16xf32>
          %get3A_871 = arith.index_cast %scan3A_336 : i32 to index
          %get3A_872 = arith.constant 576 : index
          %get3A_873 = tpu.vector_load %arg10[%get3A_871, %get3A_872] {strides = array<i32>} : memref<24x1536xbf16, #tpu.memory_space<vmem>>, vector<32xbf16>,
          %bitcast3A_874 = vector.bitcast %get3A_873 : vector<32xbf16> to vector<16xi32>
          %shift_left3A_875 = arith.constant 16 : i32
          %shift_left3A_876 = vector.broadcast %shift_left3A_875 : i32 to vector<16xi32>
          %shift_left3A_877 = arith.shli %bitcast3A_874, %shift_left3A_876 : vector<16xi32>
          %bitcast3A_878 = vector.bitcast %shift_left3A_877 : vector<16xi32> to vector<16xf32>
          %and3A_879 = arith.constant -65536 : i32
          %and3A_880 = vector.broadcast %and3A_879 : i32 to vector<16xi32>
          %and3A_881 = arith.andi %bitcast3A_874, %and3A_880 : vector<16xi32>
          %bitcast3A_882 = vector.bitcast %and3A_881 : vector<16xi32> to vector<16xf32>
          %mul3A_883 = vector.broadcast %squeeze3A_350 : f32 to vector<16xf32>
          %mul3A_884 = arith.mulf %mul3A_883, %bitcast3A_878 : vector<16xf32>
          %add3A_885 = arith.addf %add3A_867, %mul3A_884 : vector<16xf32>
          %mul3A_886 = vector.broadcast %squeeze3A_350 : f32 to vector<16xf32>
          %mul3A_887 = arith.mulf %mul3A_886, %bitcast3A_882 : vector<16xf32>
          %add3A_888 = arith.addf %add3A_870, %mul3A_887 : vector<16xf32>
          %get3A_889 = arith.index_cast %scan3A_336 : i32 to index
          %get3A_890 = arith.constant 704 : index
          %get3A_891 = tpu.vector_load %arg10[%get3A_889, %get3A_890] {strides = array<i32>} : memref<24x1536xbf16, #tpu.memory_space<vmem>>, vector<32xbf16>,
          %bitcast3A_892 = vector.bitcast %get3A_891 : vector<32xbf16> to vector<16xi32>
          %shift_left3A_893 = arith.constant 16 : i32
          %shift_left3A_894 = vector.broadcast %shift_left3A_893 : i32 to vector<16xi32>
          %shift_left3A_895 = arith.shli %bitcast3A_892, %shift_left3A_894 : vector<16xi32>
          %bitcast3A_896 = vector.bitcast %shift_left3A_895 : vector<16xi32> to vector<16xf32>
          %and3A_897 = arith.constant -65536 : i32
          %and3A_898 = vector.broadcast %and3A_897 : i32 to vector<16xi32>
          %and3A_899 = arith.andi %bitcast3A_892, %and3A_898 : vector<16xi32>
          %bitcast3A_900 = vector.bitcast %and3A_899 : vector<16xi32> to vector<16xf32>
          %mul3A_901 = vector.broadcast %squeeze3A_352 : f32 to vector<16xf32>
          %mul3A_902 = arith.mulf %mul3A_901, %bitcast3A_896 : vector<16xf32>
          %add3A_903 = arith.addf %add3A_885, %mul3A_902 : vector<16xf32>
          %mul3A_904 = vector.broadcast %squeeze3A_352 : f32 to vector<16xf32>
          %mul3A_905 = arith.mulf %mul3A_904, %bitcast3A_900 : vector<16xf32>
          %add3A_906 = arith.addf %add3A_888, %mul3A_905 : vector<16xf32>
          %get3A_907 = arith.index_cast %scan3A_336 : i32 to index
          %get3A_908 = arith.constant 832 : index
          %get3A_909 = tpu.vector_load %arg10[%get3A_907, %get3A_908] {strides = array<i32>} : memref<24x1536xbf16, #tpu.memory_space<vmem>>, vector<32xbf16>,
          %bitcast3A_910 = vector.bitcast %get3A_909 : vector<32xbf16> to vector<16xi32>
          %shift_left3A_911 = arith.constant 16 : i32
          %shift_left3A_912 = vector.broadcast %shift_left3A_911 : i32 to vector<16xi32>
          %shift_left3A_913 = arith.shli %bitcast3A_910, %shift_left3A_912 : vector<16xi32>
          %bitcast3A_914 = vector.bitcast %shift_left3A_913 : vector<16xi32> to vector<16xf32>
          %and3A_915 = arith.constant -65536 : i32
          %and3A_916 = vector.broadcast %and3A_915 : i32 to vector<16xi32>
          %and3A_917 = arith.andi %bitcast3A_910, %and3A_916 : vector<16xi32>
          %bitcast3A_918 = vector.bitcast %and3A_917 : vector<16xi32> to vector<16xf32>
          %mul3A_919 = vector.broadcast %squeeze3A_354 : f32 to vector<16xf32>
          %mul3A_920 = arith.mulf %mul3A_919, %bitcast3A_914 : vector<16xf32>
          %add3A_921 = arith.addf %add3A_903, %mul3A_920 : vector<16xf32>
          %mul3A_922 = vector.broadcast %squeeze3A_354 : f32 to vector<16xf32>
          %mul3A_923 = arith.mulf %mul3A_922, %bitcast3A_918 : vector<16xf32>
          %add3A_924 = arith.addf %add3A_906, %mul3A_923 : vector<16xf32>
          %get3A_925 = arith.index_cast %scan3A_336 : i32 to index
          %get3A_926 = arith.constant 960 : index
          %get3A_927 = tpu.vector_load %arg10[%get3A_925, %get3A_926] {strides = array<i32>} : memref<24x1536xbf16, #tpu.memory_space<vmem>>, vector<32xbf16>,
          %bitcast3A_928 = vector.bitcast %get3A_927 : vector<32xbf16> to vector<16xi32>
          %shift_left3A_929 = arith.constant 16 : i32
          %shift_left3A_930 = vector.broadcast %shift_left3A_929 : i32 to vector<16xi32>
          %shift_left3A_931 = arith.shli %bitcast3A_928, %shift_left3A_930 : vector<16xi32>
          %bitcast3A_932 = vector.bitcast %shift_left3A_931 : vector<16xi32> to vector<16xf32>
          %and3A_933 = arith.constant -65536 : i32
          %and3A_934 = vector.broadcast %and3A_933 : i32 to vector<16xi32>
          %and3A_935 = arith.andi %bitcast3A_928, %and3A_934 : vector<16xi32>
          %bitcast3A_936 = vector.bitcast %and3A_935 : vector<16xi32> to vector<16xf32>
          %mul3A_937 = vector.broadcast %squeeze3A_356 : f32 to vector<16xf32>
          %mul3A_938 = arith.mulf %mul3A_937, %bitcast3A_932 : vector<16xf32>
          %add3A_939 = arith.addf %add3A_921, %mul3A_938 : vector<16xf32>
          %mul3A_940 = vector.broadcast %squeeze3A_356 : f32 to vector<16xf32>
          %mul3A_941 = arith.mulf %mul3A_940, %bitcast3A_936 : vector<16xf32>
          %add3A_942 = arith.addf %add3A_924, %mul3A_941 : vector<16xf32>
          %get3A_943 = arith.index_cast %scan3A_336 : i32 to index
          %get3A_944 = arith.constant 1088 : index
          %get3A_945 = tpu.vector_load %arg10[%get3A_943, %get3A_944] {strides = array<i32>} : memref<24x1536xbf16, #tpu.memory_space<vmem>>, vector<32xbf16>,
          %bitcast3A_946 = vector.bitcast %get3A_945 : vector<32xbf16> to vector<16xi32>
          %shift_left3A_947 = arith.constant 16 : i32
          %shift_left3A_948 = vector.broadcast %shift_left3A_947 : i32 to vector<16xi32>
          %shift_left3A_949 = arith.shli %bitcast3A_946, %shift_left3A_948 : vector<16xi32>
          %bitcast3A_950 = vector.bitcast %shift_left3A_949 : vector<16xi32> to vector<16xf32>
          %and3A_951 = arith.constant -65536 : i32
          %and3A_952 = vector.broadcast %and3A_951 : i32 to vector<16xi32>
          %and3A_953 = arith.andi %bitcast3A_946, %and3A_952 : vector<16xi32>
          %bitcast3A_954 = vector.bitcast %and3A_953 : vector<16xi32> to vector<16xf32>
          %mul3A_955 = vector.broadcast %squeeze3A_358 : f32 to vector<16xf32>
          %mul3A_956 = arith.mulf %mul3A_955, %bitcast3A_950 : vector<16xf32>
          %add3A_957 = arith.addf %add3A_939, %mul3A_956 : vector<16xf32>
          %mul3A_958 = vector.broadcast %squeeze3A_358 : f32 to vector<16xf32>
          %mul3A_959 = arith.mulf %mul3A_958, %bitcast3A_954 : vector<16xf32>
          %add3A_960 = arith.addf %add3A_942, %mul3A_959 : vector<16xf32>
          %get3A_961 = arith.index_cast %scan3A_336 : i32 to index
          %get3A_962 = arith.constant 1216 : index
          %get3A_963 = tpu.vector_load %arg10[%get3A_961, %get3A_962] {strides = array<i32>} : memref<24x1536xbf16, #tpu.memory_space<vmem>>, vector<32xbf16>,
          %bitcast3A_964 = vector.bitcast %get3A_963 : vector<32xbf16> to vector<16xi32>
          %shift_left3A_965 = arith.constant 16 : i32
          %shift_left3A_966 = vector.broadcast %shift_left3A_965 : i32 to vector<16xi32>
          %shift_left3A_967 = arith.shli %bitcast3A_964, %shift_left3A_966 : vector<16xi32>
          %bitcast3A_968 = vector.bitcast %shift_left3A_967 : vector<16xi32> to vector<16xf32>
          %and3A_969 = arith.constant -65536 : i32
          %and3A_970 = vector.broadcast %and3A_969 : i32 to vector<16xi32>
          %and3A_971 = arith.andi %bitcast3A_964, %and3A_970 : vector<16xi32>
          %bitcast3A_972 = vector.bitcast %and3A_971 : vector<16xi32> to vector<16xf32>
          %mul3A_973 = vector.broadcast %squeeze3A_360 : f32 to vector<16xf32>
          %mul3A_974 = arith.mulf %mul3A_973, %bitcast3A_968 : vector<16xf32>
          %add3A_975 = arith.addf %add3A_957, %mul3A_974 : vector<16xf32>
          %mul3A_976 = vector.broadcast %squeeze3A_360 : f32 to vector<16xf32>
          %mul3A_977 = arith.mulf %mul3A_976, %bitcast3A_972 : vector<16xf32>
          %add3A_978 = arith.addf %add3A_960, %mul3A_977 : vector<16xf32>
          %get3A_979 = arith.index_cast %scan3A_336 : i32 to index
          %get3A_980 = arith.constant 1344 : index
          %get3A_981 = tpu.vector_load %arg10[%get3A_979, %get3A_980] {strides = array<i32>} : memref<24x1536xbf16, #tpu.memory_space<vmem>>, vector<32xbf16>,
          %bitcast3A_982 = vector.bitcast %get3A_981 : vector<32xbf16> to vector<16xi32>
          %shift_left3A_983 = arith.constant 16 : i32
          %shift_left3A_984 = vector.broadcast %shift_left3A_983 : i32 to vector<16xi32>
          %shift_left3A_985 = arith.shli %bitcast3A_982, %shift_left3A_984 : vector<16xi32>
          %bitcast3A_986 = vector.bitcast %shift_left3A_985 : vector<16xi32> to vector<16xf32>
          %and3A_987 = arith.constant -65536 : i32
          %and3A_988 = vector.broadcast %and3A_987 : i32 to vector<16xi32>
          %and3A_989 = arith.andi %bitcast3A_982, %and3A_988 : vector<16xi32>
          %bitcast3A_990 = vector.bitcast %and3A_989 : vector<16xi32> to vector<16xf32>
          %mul3A_991 = vector.broadcast %squeeze3A_362 : f32 to vector<16xf32>
          %mul3A_992 = arith.mulf %mul3A_991, %bitcast3A_986 : vector<16xf32>
          %add3A_993 = arith.addf %add3A_975, %mul3A_992 : vector<16xf32>
          %mul3A_994 = vector.broadcast %squeeze3A_362 : f32 to vector<16xf32>
          %mul3A_995 = arith.mulf %mul3A_994, %bitcast3A_990 : vector<16xf32>
          %add3A_996 = arith.addf %add3A_978, %mul3A_995 : vector<16xf32>
          %get3A_997 = arith.index_cast %scan3A_336 : i32 to index
          %get3A_998 = arith.constant 1472 : index
          %get3A_999 = tpu.vector_load %arg10[%get3A_997, %get3A_998] {strides = array<i32>} : memref<24x1536xbf16, #tpu.memory_space<vmem>>, vector<32xbf16>,
          %bitcast3A_1000 = vector.bitcast %get3A_999 : vector<32xbf16> to vector<16xi32>
          %shift_left3A_1001 = arith.constant 16 : i32
          %shift_left3A_1002 = vector.broadcast %shift_left3A_1001 : i32 to vector<16xi32>
          %shift_left3A_1003 = arith.shli %bitcast3A_1000, %shift_left3A_1002 : vector<16xi32>
          %bitcast3A_1004 = vector.bitcast %shift_left3A_1003 : vector<16xi32> to vector<16xf32>
          %and3A_1005 = arith.constant -65536 : i32
          %and3A_1006 = vector.broadcast %and3A_1005 : i32 to vector<16xi32>
          %and3A_1007 = arith.andi %bitcast3A_1000, %and3A_1006 : vector<16xi32>
          %bitcast3A_1008 = vector.bitcast %and3A_1007 : vector<16xi32> to vector<16xf32>
          %mul3A_1009 = vector.broadcast %squeeze3A_364 : f32 to vector<16xf32>
          %mul3A_1010 = arith.mulf %mul3A_1009, %bitcast3A_1004 : vector<16xf32>
          %add3A_1011 = arith.addf %add3A_993, %mul3A_1010 : vector<16xf32>
          %mul3A_1012 = vector.broadcast %squeeze3A_364 : f32 to vector<16xf32>
          %mul3A_1013 = arith.mulf %mul3A_1012, %bitcast3A_1008 : vector<16xf32>
          %add3A_1014 = arith.addf %add3A_996, %mul3A_1013 : vector<16xf32>
          %swap3A_1015 = arith.index_cast %scan3A_336 : i32 to index
          %swap3A_1016 = arith.constant 64 : index
          %swap3A_1017 = tpu.vector_load %arg16[%swap3A_1015, %swap3A_1016] {strides = array<i32>} : memref<24x128xf32, #tpu.memory_space<vmem>>, vector<16xf32>,
          tpu.vector_store %arg16[%swap3A_1015, %swap3A_1016], %add3A_1011 {strides = array<i32>} : memref<24x128xf32, #tpu.memory_space<vmem>>, vector<16xf32>,
          %swap3A_1018 = arith.index_cast %scan3A_336 : i32 to index
          %swap3A_1019 = arith.constant 80 : index
          %swap3A_1020 = tpu.vector_load %arg16[%swap3A_1018, %swap3A_1019] {strides = array<i32>} : memref<24x128xf32, #tpu.memory_space<vmem>>, vector<16xf32>,
          tpu.vector_store %arg16[%swap3A_1018, %swap3A_1019], %add3A_1014 {strides = array<i32>} : memref<24x128xf32, #tpu.memory_space<vmem>>, vector<16xf32>,
          %get3A_1021 = arith.index_cast %scan3A_336 : i32 to index
          %get3A_1022 = arith.constant 96 : index
          %get3A_1023 = tpu.vector_load %arg10[%get3A_1021, %get3A_1022] {strides = array<i32>} : memref<24x1536xbf16, #tpu.memory_space<vmem>>, vector<32xbf16>,
          %bitcast3A_1024 = vector.bitcast %get3A_1023 : vector<32xbf16> to vector<16xi32>
          %shift_left3A_1025 = arith.constant 16 : i32
          %shift_left3A_1026 = vector.broadcast %shift_left3A_1025 : i32 to vector<16xi32>
          %shift_left3A_1027 = arith.shli %bitcast3A_1024, %shift_left3A_1026 : vector<16xi32>
          %bitcast3A_1028 = vector.bitcast %shift_left3A_1027 : vector<16xi32> to vector<16xf32>
          %and3A_1029 = arith.constant -65536 : i32
          %and3A_1030 = vector.broadcast %and3A_1029 : i32 to vector<16xi32>
          %and3A_1031 = arith.andi %bitcast3A_1024, %and3A_1030 : vector<16xi32>
          %bitcast3A_1032 = vector.bitcast %and3A_1031 : vector<16xi32> to vector<16xf32>
          %mul3A_1033 = vector.broadcast %squeeze3A : f32 to vector<16xf32>
          %mul3A_1034 = arith.mulf %mul3A_1033, %bitcast3A_1028 : vector<16xf32>
          %mul3A_1035 = vector.broadcast %squeeze3A : f32 to vector<16xf32>
          %mul3A_1036 = arith.mulf %mul3A_1035, %bitcast3A_1032 : vector<16xf32>
          %get3A_1037 = arith.index_cast %scan3A_336 : i32 to index
          %get3A_1038 = arith.constant 224 : index
          %get3A_1039 = tpu.vector_load %arg10[%get3A_1037, %get3A_1038] {strides = array<i32>} : memref<24x1536xbf16, #tpu.memory_space<vmem>>, vector<32xbf16>,
          %bitcast3A_1040 = vector.bitcast %get3A_1039 : vector<32xbf16> to vector<16xi32>
          %shift_left3A_1041 = arith.constant 16 : i32
          %shift_left3A_1042 = vector.broadcast %shift_left3A_1041 : i32 to vector<16xi32>
          %shift_left3A_1043 = arith.shli %bitcast3A_1040, %shift_left3A_1042 : vector<16xi32>
          %bitcast3A_1044 = vector.bitcast %shift_left3A_1043 : vector<16xi32> to vector<16xf32>
          %and3A_1045 = arith.constant -65536 : i32
          %and3A_1046 = vector.broadcast %and3A_1045 : i32 to vector<16xi32>
          %and3A_1047 = arith.andi %bitcast3A_1040, %and3A_1046 : vector<16xi32>
          %bitcast3A_1048 = vector.bitcast %and3A_1047 : vector<16xi32> to vector<16xf32>
          %mul3A_1049 = vector.broadcast %squeeze3A_344 : f32 to vector<16xf32>
          %mul3A_1050 = arith.mulf %mul3A_1049, %bitcast3A_1044 : vector<16xf32>
          %add3A_1051 = arith.addf %mul3A_1034, %mul3A_1050 : vector<16xf32>
          %mul3A_1052 = vector.broadcast %squeeze3A_344 : f32 to vector<16xf32>
          %mul3A_1053 = arith.mulf %mul3A_1052, %bitcast3A_1048 : vector<16xf32>
          %add3A_1054 = arith.addf %mul3A_1036, %mul3A_1053 : vector<16xf32>
          %get3A_1055 = arith.index_cast %scan3A_336 : i32 to index
          %get3A_1056 = arith.constant 352 : index
          %get3A_1057 = tpu.vector_load %arg10[%get3A_1055, %get3A_1056] {strides = array<i32>} : memref<24x1536xbf16, #tpu.memory_space<vmem>>, vector<32xbf16>,
          %bitcast3A_1058 = vector.bitcast %get3A_1057 : vector<32xbf16> to vector<16xi32>
          %shift_left3A_1059 = arith.constant 16 : i32
          %shift_left3A_1060 = vector.broadcast %shift_left3A_1059 : i32 to vector<16xi32>
          %shift_left3A_1061 = arith.shli %bitcast3A_1058, %shift_left3A_1060 : vector<16xi32>
          %bitcast3A_1062 = vector.bitcast %shift_left3A_1061 : vector<16xi32> to vector<16xf32>
          %and3A_1063 = arith.constant -65536 : i32
          %and3A_1064 = vector.broadcast %and3A_1063 : i32 to vector<16xi32>
          %and3A_1065 = arith.andi %bitcast3A_1058, %and3A_1064 : vector<16xi32>
          %bitcast3A_1066 = vector.bitcast %and3A_1065 : vector<16xi32> to vector<16xf32>
          %mul3A_1067 = vector.broadcast %squeeze3A_346 : f32 to vector<16xf32>
          %mul3A_1068 = arith.mulf %mul3A_1067, %bitcast3A_1062 : vector<16xf32>
          %add3A_1069 = arith.addf %add3A_1051, %mul3A_1068 : vector<16xf32>
          %mul3A_1070 = vector.broadcast %squeeze3A_346 : f32 to vector<16xf32>
          %mul3A_1071 = arith.mulf %mul3A_1070, %bitcast3A_1066 : vector<16xf32>
          %add3A_1072 = arith.addf %add3A_1054, %mul3A_1071 : vector<16xf32>
          %get3A_1073 = arith.index_cast %scan3A_336 : i32 to index
          %get3A_1074 = arith.constant 480 : index
          %get3A_1075 = tpu.vector_load %arg10[%get3A_1073, %get3A_1074] {strides = array<i32>} : memref<24x1536xbf16, #tpu.memory_space<vmem>>, vector<32xbf16>,
          %bitcast3A_1076 = vector.bitcast %get3A_1075 : vector<32xbf16> to vector<16xi32>
          %shift_left3A_1077 = arith.constant 16 : i32
          %shift_left3A_1078 = vector.broadcast %shift_left3A_1077 : i32 to vector<16xi32>
          %shift_left3A_1079 = arith.shli %bitcast3A_1076, %shift_left3A_1078 : vector<16xi32>
          %bitcast3A_1080 = vector.bitcast %shift_left3A_1079 : vector<16xi32> to vector<16xf32>
          %and3A_1081 = arith.constant -65536 : i32
          %and3A_1082 = vector.broadcast %and3A_1081 : i32 to vector<16xi32>
          %and3A_1083 = arith.andi %bitcast3A_1076, %and3A_1082 : vector<16xi32>
          %bitcast3A_1084 = vector.bitcast %and3A_1083 : vector<16xi32> to vector<16xf32>
          %mul3A_1085 = vector.broadcast %squeeze3A_348 : f32 to vector<16xf32>
          %mul3A_1086 = arith.mulf %mul3A_1085, %bitcast3A_1080 : vector<16xf32>
          %add3A_1087 = arith.addf %add3A_1069, %mul3A_1086 : vector<16xf32>
          %mul3A_1088 = vector.broadcast %squeeze3A_348 : f32 to vector<16xf32>
          %mul3A_1089 = arith.mulf %mul3A_1088, %bitcast3A_1084 : vector<16xf32>
          %add3A_1090 = arith.addf %add3A_1072, %mul3A_1089 : vector<16xf32>
          %get3A_1091 = arith.index_cast %scan3A_336 : i32 to index
          %get3A_1092 = arith.constant 608 : index
          %get3A_1093 = tpu.vector_load %arg10[%get3A_1091, %get3A_1092] {strides = array<i32>} : memref<24x1536xbf16, #tpu.memory_space<vmem>>, vector<32xbf16>,
          %bitcast3A_1094 = vector.bitcast %get3A_1093 : vector<32xbf16> to vector<16xi32>
          %shift_left3A_1095 = arith.constant 16 : i32
          %shift_left3A_1096 = vector.broadcast %shift_left3A_1095 : i32 to vector<16xi32>
          %shift_left3A_1097 = arith.shli %bitcast3A_1094, %shift_left3A_1096 : vector<16xi32>
          %bitcast3A_1098 = vector.bitcast %shift_left3A_1097 : vector<16xi32> to vector<16xf32>
          %and3A_1099 = arith.constant -65536 : i32
          %and3A_1100 = vector.broadcast %and3A_1099 : i32 to vector<16xi32>
          %and3A_1101 = arith.andi %bitcast3A_1094, %and3A_1100 : vector<16xi32>
          %bitcast3A_1102 = vector.bitcast %and3A_1101 : vector<16xi32> to vector<16xf32>
          %mul3A_1103 = vector.broadcast %squeeze3A_350 : f32 to vector<16xf32>
          %mul3A_1104 = arith.mulf %mul3A_1103, %bitcast3A_1098 : vector<16xf32>
          %add3A_1105 = arith.addf %add3A_1087, %mul3A_1104 : vector<16xf32>
          %mul3A_1106 = vector.broadcast %squeeze3A_350 : f32 to vector<16xf32>
          %mul3A_1107 = arith.mulf %mul3A_1106, %bitcast3A_1102 : vector<16xf32>
          %add3A_1108 = arith.addf %add3A_1090, %mul3A_1107 : vector<16xf32>
          %get3A_1109 = arith.index_cast %scan3A_336 : i32 to index
          %get3A_1110 = arith.constant 736 : index
          %get3A_1111 = tpu.vector_load %arg10[%get3A_1109, %get3A_1110] {strides = array<i32>} : memref<24x1536xbf16, #tpu.memory_space<vmem>>, vector<32xbf16>,
          %bitcast3A_1112 = vector.bitcast %get3A_1111 : vector<32xbf16> to vector<16xi32>
          %shift_left3A_1113 = arith.constant 16 : i32
          %shift_left3A_1114 = vector.broadcast %shift_left3A_1113 : i32 to vector<16xi32>
          %shift_left3A_1115 = arith.shli %bitcast3A_1112, %shift_left3A_1114 : vector<16xi32>
          %bitcast3A_1116 = vector.bitcast %shift_left3A_1115 : vector<16xi32> to vector<16xf32>
          %and3A_1117 = arith.constant -65536 : i32
          %and3A_1118 = vector.broadcast %and3A_1117 : i32 to vector<16xi32>
          %and3A_1119 = arith.andi %bitcast3A_1112, %and3A_1118 : vector<16xi32>
          %bitcast3A_1120 = vector.bitcast %and3A_1119 : vector<16xi32> to vector<16xf32>
          %mul3A_1121 = vector.broadcast %squeeze3A_352 : f32 to vector<16xf32>
          %mul3A_1122 = arith.mulf %mul3A_1121, %bitcast3A_1116 : vector<16xf32>
          %add3A_1123 = arith.addf %add3A_1105, %mul3A_1122 : vector<16xf32>
          %mul3A_1124 = vector.broadcast %squeeze3A_352 : f32 to vector<16xf32>
          %mul3A_1125 = arith.mulf %mul3A_1124, %bitcast3A_1120 : vector<16xf32>
          %add3A_1126 = arith.addf %add3A_1108, %mul3A_1125 : vector<16xf32>
          %get3A_1127 = arith.index_cast %scan3A_336 : i32 to index
          %get3A_1128 = arith.constant 864 : index
          %get3A_1129 = tpu.vector_load %arg10[%get3A_1127, %get3A_1128] {strides = array<i32>} : memref<24x1536xbf16, #tpu.memory_space<vmem>>, vector<32xbf16>,
          %bitcast3A_1130 = vector.bitcast %get3A_1129 : vector<32xbf16> to vector<16xi32>
          %shift_left3A_1131 = arith.constant 16 : i32
          %shift_left3A_1132 = vector.broadcast %shift_left3A_1131 : i32 to vector<16xi32>
          %shift_left3A_1133 = arith.shli %bitcast3A_1130, %shift_left3A_1132 : vector<16xi32>
          %bitcast3A_1134 = vector.bitcast %shift_left3A_1133 : vector<16xi32> to vector<16xf32>
          %and3A_1135 = arith.constant -65536 : i32
          %and3A_1136 = vector.broadcast %and3A_1135 : i32 to vector<16xi32>
          %and3A_1137 = arith.andi %bitcast3A_1130, %and3A_1136 : vector<16xi32>
          %bitcast3A_1138 = vector.bitcast %and3A_1137 : vector<16xi32> to vector<16xf32>
          %mul3A_1139 = vector.broadcast %squeeze3A_354 : f32 to vector<16xf32>
          %mul3A_1140 = arith.mulf %mul3A_1139, %bitcast3A_1134 : vector<16xf32>
          %add3A_1141 = arith.addf %add3A_1123, %mul3A_1140 : vector<16xf32>
          %mul3A_1142 = vector.broadcast %squeeze3A_354 : f32 to vector<16xf32>
          %mul3A_1143 = arith.mulf %mul3A_1142, %bitcast3A_1138 : vector<16xf32>
          %add3A_1144 = arith.addf %add3A_1126, %mul3A_1143 : vector<16xf32>
          %get3A_1145 = arith.index_cast %scan3A_336 : i32 to index
          %get3A_1146 = arith.constant 992 : index
          %get3A_1147 = tpu.vector_load %arg10[%get3A_1145, %get3A_1146] {strides = array<i32>} : memref<24x1536xbf16, #tpu.memory_space<vmem>>, vector<32xbf16>,
          %bitcast3A_1148 = vector.bitcast %get3A_1147 : vector<32xbf16> to vector<16xi32>
          %shift_left3A_1149 = arith.constant 16 : i32
          %shift_left3A_1150 = vector.broadcast %shift_left3A_1149 : i32 to vector<16xi32>
          %shift_left3A_1151 = arith.shli %bitcast3A_1148, %shift_left3A_1150 : vector<16xi32>
          %bitcast3A_1152 = vector.bitcast %shift_left3A_1151 : vector<16xi32> to vector<16xf32>
          %and3A_1153 = arith.constant -65536 : i32
          %and3A_1154 = vector.broadcast %and3A_1153 : i32 to vector<16xi32>
          %and3A_1155 = arith.andi %bitcast3A_1148, %and3A_1154 : vector<16xi32>
          %bitcast3A_1156 = vector.bitcast %and3A_1155 : vector<16xi32> to vector<16xf32>
          %mul3A_1157 = vector.broadcast %squeeze3A_356 : f32 to vector<16xf32>
          %mul3A_1158 = arith.mulf %mul3A_1157, %bitcast3A_1152 : vector<16xf32>
          %add3A_1159 = arith.addf %add3A_1141, %mul3A_1158 : vector<16xf32>
          %mul3A_1160 = vector.broadcast %squeeze3A_356 : f32 to vector<16xf32>
          %mul3A_1161 = arith.mulf %mul3A_1160, %bitcast3A_1156 : vector<16xf32>
          %add3A_1162 = arith.addf %add3A_1144, %mul3A_1161 : vector<16xf32>
          %get3A_1163 = arith.index_cast %scan3A_336 : i32 to index
          %get3A_1164 = arith.constant 1120 : index
          %get3A_1165 = tpu.vector_load %arg10[%get3A_1163, %get3A_1164] {strides = array<i32>} : memref<24x1536xbf16, #tpu.memory_space<vmem>>, vector<32xbf16>,
          %bitcast3A_1166 = vector.bitcast %get3A_1165 : vector<32xbf16> to vector<16xi32>
          %shift_left3A_1167 = arith.constant 16 : i32
          %shift_left3A_1168 = vector.broadcast %shift_left3A_1167 : i32 to vector<16xi32>
          %shift_left3A_1169 = arith.shli %bitcast3A_1166, %shift_left3A_1168 : vector<16xi32>
          %bitcast3A_1170 = vector.bitcast %shift_left3A_1169 : vector<16xi32> to vector<16xf32>
          %and3A_1171 = arith.constant -65536 : i32
          %and3A_1172 = vector.broadcast %and3A_1171 : i32 to vector<16xi32>
          %and3A_1173 = arith.andi %bitcast3A_1166, %and3A_1172 : vector<16xi32>
          %bitcast3A_1174 = vector.bitcast %and3A_1173 : vector<16xi32> to vector<16xf32>
          %mul3A_1175 = vector.broadcast %squeeze3A_358 : f32 to vector<16xf32>
          %mul3A_1176 = arith.mulf %mul3A_1175, %bitcast3A_1170 : vector<16xf32>
          %add3A_1177 = arith.addf %add3A_1159, %mul3A_1176 : vector<16xf32>
          %mul3A_1178 = vector.broadcast %squeeze3A_358 : f32 to vector<16xf32>
          %mul3A_1179 = arith.mulf %mul3A_1178, %bitcast3A_1174 : vector<16xf32>
          %add3A_1180 = arith.addf %add3A_1162, %mul3A_1179 : vector<16xf32>
          %get3A_1181 = arith.index_cast %scan3A_336 : i32 to index
          %get3A_1182 = arith.constant 1248 : index
          %get3A_1183 = tpu.vector_load %arg10[%get3A_1181, %get3A_1182] {strides = array<i32>} : memref<24x1536xbf16, #tpu.memory_space<vmem>>, vector<32xbf16>,
          %bitcast3A_1184 = vector.bitcast %get3A_1183 : vector<32xbf16> to vector<16xi32>
          %shift_left3A_1185 = arith.constant 16 : i32
          %shift_left3A_1186 = vector.broadcast %shift_left3A_1185 : i32 to vector<16xi32>
          %shift_left3A_1187 = arith.shli %bitcast3A_1184, %shift_left3A_1186 : vector<16xi32>
          %bitcast3A_1188 = vector.bitcast %shift_left3A_1187 : vector<16xi32> to vector<16xf32>
          %and3A_1189 = arith.constant -65536 : i32
          %and3A_1190 = vector.broadcast %and3A_1189 : i32 to vector<16xi32>
          %and3A_1191 = arith.andi %bitcast3A_1184, %and3A_1190 : vector<16xi32>
          %bitcast3A_1192 = vector.bitcast %and3A_1191 : vector<16xi32> to vector<16xf32>
          %mul3A_1193 = vector.broadcast %squeeze3A_360 : f32 to vector<16xf32>
          %mul3A_1194 = arith.mulf %mul3A_1193, %bitcast3A_1188 : vector<16xf32>
          %add3A_1195 = arith.addf %add3A_1177, %mul3A_1194 : vector<16xf32>
          %mul3A_1196 = vector.broadcast %squeeze3A_360 : f32 to vector<16xf32>
          %mul3A_1197 = arith.mulf %mul3A_1196, %bitcast3A_1192 : vector<16xf32>
          %add3A_1198 = arith.addf %add3A_1180, %mul3A_1197 : vector<16xf32>
          %get3A_1199 = arith.index_cast %scan3A_336 : i32 to index
          %get3A_1200 = arith.constant 1376 : index
          %get3A_1201 = tpu.vector_load %arg10[%get3A_1199, %get3A_1200] {strides = array<i32>} : memref<24x1536xbf16, #tpu.memory_space<vmem>>, vector<32xbf16>,
          %bitcast3A_1202 = vector.bitcast %get3A_1201 : vector<32xbf16> to vector<16xi32>
          %shift_left3A_1203 = arith.constant 16 : i32
          %shift_left3A_1204 = vector.broadcast %shift_left3A_1203 : i32 to vector<16xi32>
          %shift_left3A_1205 = arith.shli %bitcast3A_1202, %shift_left3A_1204 : vector<16xi32>
          %bitcast3A_1206 = vector.bitcast %shift_left3A_1205 : vector<16xi32> to vector<16xf32>
          %and3A_1207 = arith.constant -65536 : i32
          %and3A_1208 = vector.broadcast %and3A_1207 : i32 to vector<16xi32>
          %and3A_1209 = arith.andi %bitcast3A_1202, %and3A_1208 : vector<16xi32>
          %bitcast3A_1210 = vector.bitcast %and3A_1209 : vector<16xi32> to vector<16xf32>
          %mul3A_1211 = vector.broadcast %squeeze3A_362 : f32 to vector<16xf32>
          %mul3A_1212 = arith.mulf %mul3A_1211, %bitcast3A_1206 : vector<16xf32>
          %add3A_1213 = arith.addf %add3A_1195, %mul3A_1212 : vector<16xf32>
          %mul3A_1214 = vector.broadcast %squeeze3A_362 : f32 to vector<16xf32>
          %mul3A_1215 = arith.mulf %mul3A_1214, %bitcast3A_1210 : vector<16xf32>
          %add3A_1216 = arith.addf %add3A_1198, %mul3A_1215 : vector<16xf32>
          %get3A_1217 = arith.index_cast %scan3A_336 : i32 to index
          %get3A_1218 = arith.constant 1504 : index
          %get3A_1219 = tpu.vector_load %arg10[%get3A_1217, %get3A_1218] {strides = array<i32>} : memref<24x1536xbf16, #tpu.memory_space<vmem>>, vector<32xbf16>,
          %bitcast3A_1220 = vector.bitcast %get3A_1219 : vector<32xbf16> to vector<16xi32>
          %shift_left3A_1221 = arith.constant 16 : i32
          %shift_left3A_1222 = vector.broadcast %shift_left3A_1221 : i32 to vector<16xi32>
          %shift_left3A_1223 = arith.shli %bitcast3A_1220, %shift_left3A_1222 : vector<16xi32>
          %bitcast3A_1224 = vector.bitcast %shift_left3A_1223 : vector<16xi32> to vector<16xf32>
          %and3A_1225 = arith.constant -65536 : i32
          %and3A_1226 = vector.broadcast %and3A_1225 : i32 to vector<16xi32>
          %and3A_1227 = arith.andi %bitcast3A_1220, %and3A_1226 : vector<16xi32>
          %bitcast3A_1228 = vector.bitcast %and3A_1227 : vector<16xi32> to vector<16xf32>
          %mul3A_1229 = vector.broadcast %squeeze3A_364 : f32 to vector<16xf32>
          %mul3A_1230 = arith.mulf %mul3A_1229, %bitcast3A_1224 : vector<16xf32>
          %add3A_1231 = arith.addf %add3A_1213, %mul3A_1230 : vector<16xf32>
          %mul3A_1232 = vector.broadcast %squeeze3A_364 : f32 to vector<16xf32>
          %mul3A_1233 = arith.mulf %mul3A_1232, %bitcast3A_1228 : vector<16xf32>
          %add3A_1234 = arith.addf %add3A_1216, %mul3A_1233 : vector<16xf32>
          %swap3A_1235 = arith.index_cast %scan3A_336 : i32 to index
          %swap3A_1236 = arith.constant 96 : index
          %swap3A_1237 = tpu.vector_load %arg16[%swap3A_1235, %swap3A_1236] {strides = array<i32>} : memref<24x128xf32, #tpu.memory_space<vmem>>, vector<16xf32>,
          tpu.vector_store %arg16[%swap3A_1235, %swap3A_1236], %add3A_1231 {strides = array<i32>} : memref<24x128xf32, #tpu.memory_space<vmem>>, vector<16xf32>,
          %swap3A_1238 = arith.index_cast %scan3A_336 : i32 to index
          %swap3A_1239 = arith.constant 112 : index
          %swap3A_1240 = tpu.vector_load %arg16[%swap3A_1238, %swap3A_1239] {strides = array<i32>} : memref<24x128xf32, #tpu.memory_space<vmem>>, vector<16xf32>,
          tpu.vector_store %arg16[%swap3A_1238, %swap3A_1239], %add3A_1234 {strides = array<i32>} : memref<24x128xf32, #tpu.memory_space<vmem>>, vector<16xf32>,
        }
        %scan3A_276 = arith.constant 24 : i32
        %dma_start3A_277 = arith.constant 0 : i32
        %dma_start3A_278 = tpu.memref_slice %arg9[%add3A_249, %dma_start3A_277] : memref<8x24xi32, #tpu.memory_space<vmem>> -> memref<1x24xi32, #tpu.memory_space<vmem>>
        %dma_start3A_279 = tpu.memref_squeeze %dma_start3A_278 : memref<1x24xi32, #tpu.memory_space<vmem>> -> memref<24xi32, #tpu.memory_space<vmem>>
        %dma_start3A_280 = arith.constant 0 : i32
        %dma_start3A_281 = arith.constant 0 : i32
        %dma_start3A_282 = tpu.memref_slice %arg19[%dma_start3A_280, %dma_start3A_281] : memref<10240x128xf32, #tpu.memory_space<vmem_shared>> -> memref<10240x128xf32, #tpu.memory_space<vmem_shared>>
        tpu.enqueue_indirect_dma source(%arg16 : memref<24x128xf32, #tpu.memory_space<vmem>>) target(%dma_start3A_282 : memref<10240x128xf32, #tpu.memory_space<vmem_shared>>) offsets(%dma_start3A_279 : memref<24xi32, #tpu.memory_space<vmem>>) semaphore(%arg22 : memref<!tpu.dma_semaphore, #tpu.memory_space<semaphore_mem>>) {add = true}
        %add3A_283 = arith.constant 2 : i32
        %add3A_284 = arith.addi %add3A_249, %add3A_283 : i32
        %lt3A = arith.constant 8 : i32
        %lt3A_285 = arith.cmpi slt, %add3A_284, %lt3A : i32
        %convert_element_type3A_286 = arith.extui %lt3A_285 : i1 to i32
        %cond3A_287 = arith.constant 0 : i32
        %cond3A_288 = arith.cmpi ne, %convert_element_type3A_286, %cond3A_287 : i32
        scf.if %cond3A_288 {
          %add3A_336 = arith.constant 2 : i32
          %add3A_337 = arith.addi %add3A_249, %add3A_336 : i32
          %dma_start3A_338 = arith.constant 0 : i32
          %dma_start3A_339 = tpu.memref_slice %arg8[%add3A_337, %dma_start3A_338] : memref<8x24xi32, #tpu.memory_space<vmem>> -> memref<1x24xi32, #tpu.memory_space<vmem>>
          %dma_start3A_340 = tpu.memref_squeeze %dma_start3A_339 : memref<1x24xi32, #tpu.memory_space<vmem>> -> memref<24xi32, #tpu.memory_space<vmem>>
          %dma_start3A_341 = arith.constant 0 : i32
          %dma_start3A_342 = arith.constant 0 : i32
          %dma_start3A_343 = tpu.memref_slice %arg4[%dma_start3A_341, %dma_start3A_342] : memref<10000x1536xbf16, #tpu.memory_space<hbm>> -> memref<10000x1536xbf16, #tpu.memory_space<hbm>>
          tpu.enqueue_indirect_dma source(%dma_start3A_343 : memref<10000x1536xbf16, #tpu.memory_space<hbm>>) target(%arg10 : memref<24x1536xbf16, #tpu.memory_space<vmem>>) offsets(%dma_start3A_340 : memref<24xi32, #tpu.memory_space<vmem>>) semaphore(%arg20 : memref<!tpu.dma_semaphore, #tpu.memory_space<semaphore_mem>>)
          %dma_start3A_344 = arith.constant 0 : i32
          %dma_start3A_345 = tpu.memref_slice %arg9[%add3A_337, %dma_start3A_344] : memref<8x24xi32, #tpu.memory_space<vmem>> -> memref<1x24xi32, #tpu.memory_space<vmem>>
          %dma_start3A_346 = tpu.memref_squeeze %dma_start3A_345 : memref<1x24xi32, #tpu.memory_space<vmem>> -> memref<24xi32, #tpu.memory_space<vmem>>
          %dma_start3A_347 = arith.constant 0 : i32
          %dma_start3A_348 = arith.constant 0 : i32
          %dma_start3A_349 = tpu.memref_slice %arg6[%dma_start3A_347, %dma_start3A_348] : memref<10240x16xf32, #tpu.memory_space<hbm>> -> memref<10240x16xf32, #tpu.memory_space<hbm>>
          tpu.enqueue_indirect_dma source(%dma_start3A_349 : memref<10240x16xf32, #tpu.memory_space<hbm>>) target(%arg14 : memref<24x16xf32, #tpu.memory_space<vmem>>) offsets(%dma_start3A_346 : memref<24xi32, #tpu.memory_space<vmem>>) semaphore(%arg20 : memref<!tpu.dma_semaphore, #tpu.memory_space<semaphore_mem>>)
          %add3A_350 = arith.addi %add3A_182, %add3A_249 : i32
          %add3A_351 = arith.constant 2 : i32
          %add3A_352 = arith.addi %add3A_350, %add3A_351 : i32
          %mul3A_353 = arith.constant 24 : i32
          %mul3A_354 = arith.muli %add3A_352, %mul3A_353 : i32
          %dma_start3A_355 = arith.constant 0 : i32
          %dma_start3A_356 = tpu.memref_slice %arg5[%mul3A_354, %dma_start3A_355] : memref<331776x16xf32, #tpu.memory_space<hbm>> -> memref<24x16xf32, #tpu.memory_space<hbm>>
          %dma_start3A_357 = arith.constant 0 : i32
          %dma_start3A_358 = tpu.memref_slice %arg5[%mul3A_354, %dma_start3A_357] : memref<331776x16xf32, #tpu.memory_space<hbm>> -> memref<24x16xf32, #tpu.memory_space<hbm>>
          tpu.enqueue_dma source(%dma_start3A_358 : memref<24x16xf32, #tpu.memory_space<hbm>>) target(%arg12 : memref<24x16xf32, #tpu.memory_space<vmem>>) target_semaphore(%arg20 : memref<!tpu.dma_semaphore, #tpu.memory_space<semaphore_mem>>)
        } else {
        }
        %mul3A_289 = arith.constant 2 : i32
        %mul3A_290 = arith.muli %mul3A_289, %scan3A_245 : i32
        %add3A_291 = arith.constant 1 : i32
        %add3A_292 = arith.addi %mul3A_290, %add3A_291 : i32
        %dma_wait3A_293 = arith.constant 0 : i32
        %dma_wait3A_294 = tpu.memref_slice %arg8[%add3A_292, %dma_wait3A_293] : memref<8x24xi32, #tpu.memory_space<vmem>> -> memref<1x24xi32, #tpu.memory_space<vmem>>
        %dma_wait3A_295 = tpu.memref_squeeze %dma_wait3A_294 : memref<1x24xi32, #tpu.memory_space<vmem>> -> memref<24xi32, #tpu.memory_space<vmem>>
        %dma_wait3A_296 = arith.constant 0 : i32
        %dma_wait3A_297 = arith.constant 0 : i32
        %dma_wait3A_298 = tpu.memref_slice %arg4[%dma_wait3A_296, %dma_wait3A_297] : memref<10000x1536xbf16, #tpu.memory_space<hbm>> -> memref<10000x1536xbf16, #tpu.memory_space<hbm>>
        tpu.wait_indirect_dma semaphore(%arg21 : memref<!tpu.dma_semaphore, #tpu.memory_space<semaphore_mem>>) src(%dma_wait3A_298 : memref<10000x1536xbf16, #tpu.memory_space<hbm>>) dst(%arg11 : memref<24x1536xbf16, #tpu.memory_space<vmem>>)
        %dma_wait3A_299 = arith.constant 0 : i32
        %dma_wait3A_300 = tpu.memref_slice %arg9[%add3A_292, %dma_wait3A_299] : memref<8x24xi32, #tpu.memory_space<vmem>> -> memref<1x24xi32, #tpu.memory_space<vmem>>
        %dma_wait3A_301 = tpu.memref_squeeze %dma_wait3A_300 : memref<1x24xi32, #tpu.memory_space<vmem>> -> memref<24xi32, #tpu.memory_space<vmem>>
        %dma_wait3A_302 = arith.constant 0 : i32
        %dma_wait3A_303 = arith.constant 0 : i32
        %dma_wait3A_304 = tpu.memref_slice %arg6[%dma_wait3A_302, %dma_wait3A_303] : memref<10240x16xf32, #tpu.memory_space<hbm>> -> memref<10240x16xf32, #tpu.memory_space<hbm>>
        tpu.wait_indirect_dma semaphore(%arg21 : memref<!tpu.dma_semaphore, #tpu.memory_space<semaphore_mem>>) src(%dma_wait3A_304 : memref<10240x16xf32, #tpu.memory_space<hbm>>) dst(%arg15 : memref<24x16xf32, #tpu.memory_space<vmem>>)
        %add3A_305 = arith.addi %add3A_182, %add3A_292 : i32
        %mul3A_306 = arith.constant 24 : i32
        %mul3A_307 = arith.muli %add3A_305, %mul3A_306 : i32
        %dma_wait3A_308 = arith.constant 0 : i32
        %dma_wait3A_309 = tpu.memref_slice %arg5[%mul3A_307, %dma_wait3A_308] : memref<331776x16xf32, #tpu.memory_space<hbm>> -> memref<24x16xf32, #tpu.memory_space<hbm>>
        %dma_wait3A_310 = arith.constant 0 : i32
        %dma_wait3A_311 = tpu.memref_slice %arg5[%mul3A_307, %dma_wait3A_310] : memref<331776x16xf32, #tpu.memory_space<hbm>> -> memref<24x16xf32, #tpu.memory_space<hbm>>
        tpu.wait_dma2 semaphore(%arg21 : memref<!tpu.dma_semaphore, #tpu.memory_space<semaphore_mem>>) src(%dma_wait3A_311 : memref<24x16xf32, #tpu.memory_space<hbm>>) dst(%arg13 : memref<24x16xf32, #tpu.memory_space<vmem>>)
        %gt3A_312 = arith.constant 0 : i32
        %gt3A_313 = arith.cmpi sgt, %scan3A_245, %gt3A_312 : i32
        %convert_element_type3A_314 = arith.extui %gt3A_313 : i1 to i32
        %cond3A_315 = arith.constant 0 : i32
        %cond3A_316 = arith.cmpi ne, %convert_element_type3A_314, %cond3A_315 : i32
        scf.if %cond3A_316 {
          %dma_wait3A_336 = arith.constant 0 : i32
          %dma_wait3A_337 = tpu.memref_slice %arg9[%add3A_292, %dma_wait3A_336] : memref<8x24xi32, #tpu.memory_space<vmem>> -> memref<1x24xi32, #tpu.memory_space<vmem>>
          %dma_wait3A_338 = tpu.memref_squeeze %dma_wait3A_337 : memref<1x24xi32, #tpu.memory_space<vmem>> -> memref<24xi32, #tpu.memory_space<vmem>>
          %dma_wait3A_339 = arith.constant 0 : i32
          %dma_wait3A_340 = arith.constant 0 : i32
          %dma_wait3A_341 = tpu.memref_slice %arg19[%dma_wait3A_339, %dma_wait3A_340] : memref<10240x128xf32, #tpu.memory_space<vmem_shared>> -> memref<10240x128xf32, #tpu.memory_space<vmem_shared>>
          tpu.wait_indirect_dma semaphore(%arg23 : memref<!tpu.dma_semaphore, #tpu.memory_space<semaphore_mem>>) src(%arg17 : memref<24x128xf32, #tpu.memory_space<vmem>>) dst(%dma_wait3A_341 : memref<10240x128xf32, #tpu.memory_space<vmem_shared>>)
        } else {
        }
        %scan3A_317 = arith.constant 0 : i32
        %scan3A_318 = arith.constant 0 : i32
        %scan3A_319 = arith.constant 24 : i32
        %scan3A_320 = arith.addi %scan3A_318, %scan3A_319 : i32
        %scan3A_321 = arith.constant 1 : i32
        scf.for %scan3A_336 = %scan3A_318 to %scan3A_320 step %scan3A_321  : i32 {
          %get3A = arith.index_cast %scan3A_336 : i32 to index
          %get3A_337 = arith.constant 0 : index
          %get3A_338 = tpu.vector_load %arg13[%get3A, %get3A_337] {strides = array<i32>} : memref<24x16xf32, #tpu.memory_space<vmem>>, vector<16xf32>,
          %get3A_339 = arith.index_cast %scan3A_336 : i32 to index
          %get3A_340 = arith.constant 0 : index
          %get3A_341 = tpu.vector_load %arg15[%get3A_339, %get3A_340] {strides = array<i32>} : memref<24x16xf32, #tpu.memory_space<vmem>>, vector<16xf32>,
          %mul3A_342 = arith.mulf %get3A_338, %get3A_341 : vector<16xf32>
          %slice3A = vector.extract_strided_slice %mul3A_342 {offsets = [0], sizes = [1], strides = [1]} : vector<16xf32> to vector<1xf32>
          %squeeze3A = vector.extract %slice3A[0] : f32 from vector<1xf32>
          %slice3A_343 = vector.extract_strided_slice %mul3A_342 {offsets = [1], sizes = [1], strides = [1]} : vector<16xf32> to vector<1xf32>
          %squeeze3A_344 = vector.extract %slice3A_343[0] : f32 from vector<1xf32>
          %slice3A_345 = vector.extract_strided_slice %mul3A_342 {offsets = [2], sizes = [1], strides = [1]} : vector<16xf32> to vector<1xf32>
          %squeeze3A_346 = vector.extract %slice3A_345[0] : f32 from vector<1xf32>
          %slice3A_347 = vector.extract_strided_slice %mul3A_342 {offsets = [3], sizes = [1], strides = [1]} : vector<16xf32> to vector<1xf32>
          %squeeze3A_348 = vector.extract %slice3A_347[0] : f32 from vector<1xf32>
          %slice3A_349 = vector.extract_strided_slice %mul3A_342 {offsets = [4], sizes = [1], strides = [1]} : vector<16xf32> to vector<1xf32>
          %squeeze3A_350 = vector.extract %slice3A_349[0] : f32 from vector<1xf32>
          %slice3A_351 = vector.extract_strided_slice %mul3A_342 {offsets = [5], sizes = [1], strides = [1]} : vector<16xf32> to vector<1xf32>
          %squeeze3A_352 = vector.extract %slice3A_351[0] : f32 from vector<1xf32>
          %slice3A_353 = vector.extract_strided_slice %mul3A_342 {offsets = [6], sizes = [1], strides = [1]} : vector<16xf32> to vector<1xf32>
          %squeeze3A_354 = vector.extract %slice3A_353[0] : f32 from vector<1xf32>
          %slice3A_355 = vector.extract_strided_slice %mul3A_342 {offsets = [7], sizes = [1], strides = [1]} : vector<16xf32> to vector<1xf32>
          %squeeze3A_356 = vector.extract %slice3A_355[0] : f32 from vector<1xf32>
          %slice3A_357 = vector.extract_strided_slice %mul3A_342 {offsets = [8], sizes = [1], strides = [1]} : vector<16xf32> to vector<1xf32>
          %squeeze3A_358 = vector.extract %slice3A_357[0] : f32 from vector<1xf32>
          %slice3A_359 = vector.extract_strided_slice %mul3A_342 {offsets = [9], sizes = [1], strides = [1]} : vector<16xf32> to vector<1xf32>
          %squeeze3A_360 = vector.extract %slice3A_359[0] : f32 from vector<1xf32>
          %slice3A_361 = vector.extract_strided_slice %mul3A_342 {offsets = [10], sizes = [1], strides = [1]} : vector<16xf32> to vector<1xf32>
          %squeeze3A_362 = vector.extract %slice3A_361[0] : f32 from vector<1xf32>
          %slice3A_363 = vector.extract_strided_slice %mul3A_342 {offsets = [11], sizes = [1], strides = [1]} : vector<16xf32> to vector<1xf32>
          %squeeze3A_364 = vector.extract %slice3A_363[0] : f32 from vector<1xf32>
          %get3A_365 = arith.index_cast %scan3A_336 : i32 to index
          %get3A_366 = arith.constant 0 : index
          %get3A_367 = tpu.vector_load %arg11[%get3A_365, %get3A_366] {strides = array<i32>} : memref<24x1536xbf16, #tpu.memory_space<vmem>>, vector<32xbf16>,
          %bitcast3A = vector.bitcast %get3A_367 : vector<32xbf16> to vector<16xi32>
          %shift_left3A = arith.constant 16 : i32
          %shift_left3A_368 = vector.broadcast %shift_left3A : i32 to vector<16xi32>
          %shift_left3A_369 = arith.shli %bitcast3A, %shift_left3A_368 : vector<16xi32>
          %bitcast3A_370 = vector.bitcast %shift_left3A_369 : vector<16xi32> to vector<16xf32>
          %and3A = arith.constant -65536 : i32
          %and3A_371 = vector.broadcast %and3A : i32 to vector<16xi32>
          %and3A_372 = arith.andi %bitcast3A, %and3A_371 : vector<16xi32>
          %bitcast3A_373 = vector.bitcast %and3A_372 : vector<16xi32> to vector<16xf32>
          %mul3A_374 = vector.broadcast %squeeze3A : f32 to vector<16xf32>
          %mul3A_375 = arith.mulf %mul3A_374, %bitcast3A_370 : vector<16xf32>
          %mul3A_376 = vector.broadcast %squeeze3A : f32 to vector<16xf32>
          %mul3A_377 = arith.mulf %mul3A_376, %bitcast3A_373 : vector<16xf32>
          %get3A_378 = arith.index_cast %scan3A_336 : i32 to index
          %get3A_379 = arith.constant 128 : index
          %get3A_380 = tpu.vector_load %arg11[%get3A_378, %get3A_379] {strides = array<i32>} : memref<24x1536xbf16, #tpu.memory_space<vmem>>, vector<32xbf16>,
          %bitcast3A_381 = vector.bitcast %get3A_380 : vector<32xbf16> to vector<16xi32>
          %shift_left3A_382 = arith.constant 16 : i32
          %shift_left3A_383 = vector.broadcast %shift_left3A_382 : i32 to vector<16xi32>
          %shift_left3A_384 = arith.shli %bitcast3A_381, %shift_left3A_383 : vector<16xi32>
          %bitcast3A_385 = vector.bitcast %shift_left3A_384 : vector<16xi32> to vector<16xf32>
          %and3A_386 = arith.constant -65536 : i32
          %and3A_387 = vector.broadcast %and3A_386 : i32 to vector<16xi32>
          %and3A_388 = arith.andi %bitcast3A_381, %and3A_387 : vector<16xi32>
          %bitcast3A_389 = vector.bitcast %and3A_388 : vector<16xi32> to vector<16xf32>
          %mul3A_390 = vector.broadcast %squeeze3A_344 : f32 to vector<16xf32>
          %mul3A_391 = arith.mulf %mul3A_390, %bitcast3A_385 : vector<16xf32>
          %add3A_392 = arith.addf %mul3A_375, %mul3A_391 : vector<16xf32>
          %mul3A_393 = vector.broadcast %squeeze3A_344 : f32 to vector<16xf32>
          %mul3A_394 = arith.mulf %mul3A_393, %bitcast3A_389 : vector<16xf32>
          %add3A_395 = arith.addf %mul3A_377, %mul3A_394 : vector<16xf32>
          %get3A_396 = arith.index_cast %scan3A_336 : i32 to index
          %get3A_397 = arith.constant 256 : index
          %get3A_398 = tpu.vector_load %arg11[%get3A_396, %get3A_397] {strides = array<i32>} : memref<24x1536xbf16, #tpu.memory_space<vmem>>, vector<32xbf16>,
          %bitcast3A_399 = vector.bitcast %get3A_398 : vector<32xbf16> to vector<16xi32>
          %shift_left3A_400 = arith.constant 16 : i32
          %shift_left3A_401 = vector.broadcast %shift_left3A_400 : i32 to vector<16xi32>
          %shift_left3A_402 = arith.shli %bitcast3A_399, %shift_left3A_401 : vector<16xi32>
          %bitcast3A_403 = vector.bitcast %shift_left3A_402 : vector<16xi32> to vector<16xf32>
          %and3A_404 = arith.constant -65536 : i32
          %and3A_405 = vector.broadcast %and3A_404 : i32 to vector<16xi32>
          %and3A_406 = arith.andi %bitcast3A_399, %and3A_405 : vector<16xi32>
          %bitcast3A_407 = vector.bitcast %and3A_406 : vector<16xi32> to vector<16xf32>
          %mul3A_408 = vector.broadcast %squeeze3A_346 : f32 to vector<16xf32>
          %mul3A_409 = arith.mulf %mul3A_408, %bitcast3A_403 : vector<16xf32>
          %add3A_410 = arith.addf %add3A_392, %mul3A_409 : vector<16xf32>
          %mul3A_411 = vector.broadcast %squeeze3A_346 : f32 to vector<16xf32>
          %mul3A_412 = arith.mulf %mul3A_411, %bitcast3A_407 : vector<16xf32>
          %add3A_413 = arith.addf %add3A_395, %mul3A_412 : vector<16xf32>
          %get3A_414 = arith.index_cast %scan3A_336 : i32 to index
          %get3A_415 = arith.constant 384 : index
          %get3A_416 = tpu.vector_load %arg11[%get3A_414, %get3A_415] {strides = array<i32>} : memref<24x1536xbf16, #tpu.memory_space<vmem>>, vector<32xbf16>,
          %bitcast3A_417 = vector.bitcast %get3A_416 : vector<32xbf16> to vector<16xi32>
          %shift_left3A_418 = arith.constant 16 : i32
          %shift_left3A_419 = vector.broadcast %shift_left3A_418 : i32 to vector<16xi32>
          %shift_left3A_420 = arith.shli %bitcast3A_417, %shift_left3A_419 : vector<16xi32>
          %bitcast3A_421 = vector.bitcast %shift_left3A_420 : vector<16xi32> to vector<16xf32>
          %and3A_422 = arith.constant -65536 : i32
          %and3A_423 = vector.broadcast %and3A_422 : i32 to vector<16xi32>
          %and3A_424 = arith.andi %bitcast3A_417, %and3A_423 : vector<16xi32>
          %bitcast3A_425 = vector.bitcast %and3A_424 : vector<16xi32> to vector<16xf32>
          %mul3A_426 = vector.broadcast %squeeze3A_348 : f32 to vector<16xf32>
          %mul3A_427 = arith.mulf %mul3A_426, %bitcast3A_421 : vector<16xf32>
          %add3A_428 = arith.addf %add3A_410, %mul3A_427 : vector<16xf32>
          %mul3A_429 = vector.broadcast %squeeze3A_348 : f32 to vector<16xf32>
          %mul3A_430 = arith.mulf %mul3A_429, %bitcast3A_425 : vector<16xf32>
          %add3A_431 = arith.addf %add3A_413, %mul3A_430 : vector<16xf32>
          %get3A_432 = arith.index_cast %scan3A_336 : i32 to index
          %get3A_433 = arith.constant 512 : index
          %get3A_434 = tpu.vector_load %arg11[%get3A_432, %get3A_433] {strides = array<i32>} : memref<24x1536xbf16, #tpu.memory_space<vmem>>, vector<32xbf16>,
          %bitcast3A_435 = vector.bitcast %get3A_434 : vector<32xbf16> to vector<16xi32>
          %shift_left3A_436 = arith.constant 16 : i32
          %shift_left3A_437 = vector.broadcast %shift_left3A_436 : i32 to vector<16xi32>
          %shift_left3A_438 = arith.shli %bitcast3A_435, %shift_left3A_437 : vector<16xi32>
          %bitcast3A_439 = vector.bitcast %shift_left3A_438 : vector<16xi32> to vector<16xf32>
          %and3A_440 = arith.constant -65536 : i32
          %and3A_441 = vector.broadcast %and3A_440 : i32 to vector<16xi32>
          %and3A_442 = arith.andi %bitcast3A_435, %and3A_441 : vector<16xi32>
          %bitcast3A_443 = vector.bitcast %and3A_442 : vector<16xi32> to vector<16xf32>
          %mul3A_444 = vector.broadcast %squeeze3A_350 : f32 to vector<16xf32>
          %mul3A_445 = arith.mulf %mul3A_444, %bitcast3A_439 : vector<16xf32>
          %add3A_446 = arith.addf %add3A_428, %mul3A_445 : vector<16xf32>
          %mul3A_447 = vector.broadcast %squeeze3A_350 : f32 to vector<16xf32>
          %mul3A_448 = arith.mulf %mul3A_447, %bitcast3A_443 : vector<16xf32>
          %add3A_449 = arith.addf %add3A_431, %mul3A_448 : vector<16xf32>
          %get3A_450 = arith.index_cast %scan3A_336 : i32 to index
          %get3A_451 = arith.constant 640 : index
          %get3A_452 = tpu.vector_load %arg11[%get3A_450, %get3A_451] {strides = array<i32>} : memref<24x1536xbf16, #tpu.memory_space<vmem>>, vector<32xbf16>,
          %bitcast3A_453 = vector.bitcast %get3A_452 : vector<32xbf16> to vector<16xi32>
          %shift_left3A_454 = arith.constant 16 : i32
          %shift_left3A_455 = vector.broadcast %shift_left3A_454 : i32 to vector<16xi32>
          %shift_left3A_456 = arith.shli %bitcast3A_453, %shift_left3A_455 : vector<16xi32>
          %bitcast3A_457 = vector.bitcast %shift_left3A_456 : vector<16xi32> to vector<16xf32>
          %and3A_458 = arith.constant -65536 : i32
          %and3A_459 = vector.broadcast %and3A_458 : i32 to vector<16xi32>
          %and3A_460 = arith.andi %bitcast3A_453, %and3A_459 : vector<16xi32>
          %bitcast3A_461 = vector.bitcast %and3A_460 : vector<16xi32> to vector<16xf32>
          %mul3A_462 = vector.broadcast %squeeze3A_352 : f32 to vector<16xf32>
          %mul3A_463 = arith.mulf %mul3A_462, %bitcast3A_457 : vector<16xf32>
          %add3A_464 = arith.addf %add3A_446, %mul3A_463 : vector<16xf32>
          %mul3A_465 = vector.broadcast %squeeze3A_352 : f32 to vector<16xf32>
          %mul3A_466 = arith.mulf %mul3A_465, %bitcast3A_461 : vector<16xf32>
          %add3A_467 = arith.addf %add3A_449, %mul3A_466 : vector<16xf32>
          %get3A_468 = arith.index_cast %scan3A_336 : i32 to index
          %get3A_469 = arith.constant 768 : index
          %get3A_470 = tpu.vector_load %arg11[%get3A_468, %get3A_469] {strides = array<i32>} : memref<24x1536xbf16, #tpu.memory_space<vmem>>, vector<32xbf16>,
          %bitcast3A_471 = vector.bitcast %get3A_470 : vector<32xbf16> to vector<16xi32>
          %shift_left3A_472 = arith.constant 16 : i32
          %shift_left3A_473 = vector.broadcast %shift_left3A_472 : i32 to vector<16xi32>
          %shift_left3A_474 = arith.shli %bitcast3A_471, %shift_left3A_473 : vector<16xi32>
          %bitcast3A_475 = vector.bitcast %shift_left3A_474 : vector<16xi32> to vector<16xf32>
          %and3A_476 = arith.constant -65536 : i32
          %and3A_477 = vector.broadcast %and3A_476 : i32 to vector<16xi32>
          %and3A_478 = arith.andi %bitcast3A_471, %and3A_477 : vector<16xi32>
          %bitcast3A_479 = vector.bitcast %and3A_478 : vector<16xi32> to vector<16xf32>
          %mul3A_480 = vector.broadcast %squeeze3A_354 : f32 to vector<16xf32>
          %mul3A_481 = arith.mulf %mul3A_480, %bitcast3A_475 : vector<16xf32>
          %add3A_482 = arith.addf %add3A_464, %mul3A_481 : vector<16xf32>
          %mul3A_483 = vector.broadcast %squeeze3A_354 : f32 to vector<16xf32>
          %mul3A_484 = arith.mulf %mul3A_483, %bitcast3A_479 : vector<16xf32>
          %add3A_485 = arith.addf %add3A_467, %mul3A_484 : vector<16xf32>
          %get3A_486 = arith.index_cast %scan3A_336 : i32 to index
          %get3A_487 = arith.constant 896 : index
          %get3A_488 = tpu.vector_load %arg11[%get3A_486, %get3A_487] {strides = array<i32>} : memref<24x1536xbf16, #tpu.memory_space<vmem>>, vector<32xbf16>,
          %bitcast3A_489 = vector.bitcast %get3A_488 : vector<32xbf16> to vector<16xi32>
          %shift_left3A_490 = arith.constant 16 : i32
          %shift_left3A_491 = vector.broadcast %shift_left3A_490 : i32 to vector<16xi32>
          %shift_left3A_492 = arith.shli %bitcast3A_489, %shift_left3A_491 : vector<16xi32>
          %bitcast3A_493 = vector.bitcast %shift_left3A_492 : vector<16xi32> to vector<16xf32>
          %and3A_494 = arith.constant -65536 : i32
          %and3A_495 = vector.broadcast %and3A_494 : i32 to vector<16xi32>
          %and3A_496 = arith.andi %bitcast3A_489, %and3A_495 : vector<16xi32>
          %bitcast3A_497 = vector.bitcast %and3A_496 : vector<16xi32> to vector<16xf32>
          %mul3A_498 = vector.broadcast %squeeze3A_356 : f32 to vector<16xf32>
          %mul3A_499 = arith.mulf %mul3A_498, %bitcast3A_493 : vector<16xf32>
          %add3A_500 = arith.addf %add3A_482, %mul3A_499 : vector<16xf32>
          %mul3A_501 = vector.broadcast %squeeze3A_356 : f32 to vector<16xf32>
          %mul3A_502 = arith.mulf %mul3A_501, %bitcast3A_497 : vector<16xf32>
          %add3A_503 = arith.addf %add3A_485, %mul3A_502 : vector<16xf32>
          %get3A_504 = arith.index_cast %scan3A_336 : i32 to index
          %get3A_505 = arith.constant 1024 : index
          %get3A_506 = tpu.vector_load %arg11[%get3A_504, %get3A_505] {strides = array<i32>} : memref<24x1536xbf16, #tpu.memory_space<vmem>>, vector<32xbf16>,
          %bitcast3A_507 = vector.bitcast %get3A_506 : vector<32xbf16> to vector<16xi32>
          %shift_left3A_508 = arith.constant 16 : i32
          %shift_left3A_509 = vector.broadcast %shift_left3A_508 : i32 to vector<16xi32>
          %shift_left3A_510 = arith.shli %bitcast3A_507, %shift_left3A_509 : vector<16xi32>
          %bitcast3A_511 = vector.bitcast %shift_left3A_510 : vector<16xi32> to vector<16xf32>
          %and3A_512 = arith.constant -65536 : i32
          %and3A_513 = vector.broadcast %and3A_512 : i32 to vector<16xi32>
          %and3A_514 = arith.andi %bitcast3A_507, %and3A_513 : vector<16xi32>
          %bitcast3A_515 = vector.bitcast %and3A_514 : vector<16xi32> to vector<16xf32>
          %mul3A_516 = vector.broadcast %squeeze3A_358 : f32 to vector<16xf32>
          %mul3A_517 = arith.mulf %mul3A_516, %bitcast3A_511 : vector<16xf32>
          %add3A_518 = arith.addf %add3A_500, %mul3A_517 : vector<16xf32>
          %mul3A_519 = vector.broadcast %squeeze3A_358 : f32 to vector<16xf32>
          %mul3A_520 = arith.mulf %mul3A_519, %bitcast3A_515 : vector<16xf32>
          %add3A_521 = arith.addf %add3A_503, %mul3A_520 : vector<16xf32>
          %get3A_522 = arith.index_cast %scan3A_336 : i32 to index
          %get3A_523 = arith.constant 1152 : index
          %get3A_524 = tpu.vector_load %arg11[%get3A_522, %get3A_523] {strides = array<i32>} : memref<24x1536xbf16, #tpu.memory_space<vmem>>, vector<32xbf16>,
          %bitcast3A_525 = vector.bitcast %get3A_524 : vector<32xbf16> to vector<16xi32>
          %shift_left3A_526 = arith.constant 16 : i32
          %shift_left3A_527 = vector.broadcast %shift_left3A_526 : i32 to vector<16xi32>
          %shift_left3A_528 = arith.shli %bitcast3A_525, %shift_left3A_527 : vector<16xi32>
          %bitcast3A_529 = vector.bitcast %shift_left3A_528 : vector<16xi32> to vector<16xf32>
          %and3A_530 = arith.constant -65536 : i32
          %and3A_531 = vector.broadcast %and3A_530 : i32 to vector<16xi32>
          %and3A_532 = arith.andi %bitcast3A_525, %and3A_531 : vector<16xi32>
          %bitcast3A_533 = vector.bitcast %and3A_532 : vector<16xi32> to vector<16xf32>
          %mul3A_534 = vector.broadcast %squeeze3A_360 : f32 to vector<16xf32>
          %mul3A_535 = arith.mulf %mul3A_534, %bitcast3A_529 : vector<16xf32>
          %add3A_536 = arith.addf %add3A_518, %mul3A_535 : vector<16xf32>
          %mul3A_537 = vector.broadcast %squeeze3A_360 : f32 to vector<16xf32>
          %mul3A_538 = arith.mulf %mul3A_537, %bitcast3A_533 : vector<16xf32>
          %add3A_539 = arith.addf %add3A_521, %mul3A_538 : vector<16xf32>
          %get3A_540 = arith.index_cast %scan3A_336 : i32 to index
          %get3A_541 = arith.constant 1280 : index
          %get3A_542 = tpu.vector_load %arg11[%get3A_540, %get3A_541] {strides = array<i32>} : memref<24x1536xbf16, #tpu.memory_space<vmem>>, vector<32xbf16>,
          %bitcast3A_543 = vector.bitcast %get3A_542 : vector<32xbf16> to vector<16xi32>
          %shift_left3A_544 = arith.constant 16 : i32
          %shift_left3A_545 = vector.broadcast %shift_left3A_544 : i32 to vector<16xi32>
          %shift_left3A_546 = arith.shli %bitcast3A_543, %shift_left3A_545 : vector<16xi32>
          %bitcast3A_547 = vector.bitcast %shift_left3A_546 : vector<16xi32> to vector<16xf32>
          %and3A_548 = arith.constant -65536 : i32
          %and3A_549 = vector.broadcast %and3A_548 : i32 to vector<16xi32>
          %and3A_550 = arith.andi %bitcast3A_543, %and3A_549 : vector<16xi32>
          %bitcast3A_551 = vector.bitcast %and3A_550 : vector<16xi32> to vector<16xf32>
          %mul3A_552 = vector.broadcast %squeeze3A_362 : f32 to vector<16xf32>
          %mul3A_553 = arith.mulf %mul3A_552, %bitcast3A_547 : vector<16xf32>
          %add3A_554 = arith.addf %add3A_536, %mul3A_553 : vector<16xf32>
          %mul3A_555 = vector.broadcast %squeeze3A_362 : f32 to vector<16xf32>
          %mul3A_556 = arith.mulf %mul3A_555, %bitcast3A_551 : vector<16xf32>
          %add3A_557 = arith.addf %add3A_539, %mul3A_556 : vector<16xf32>
          %get3A_558 = arith.index_cast %scan3A_336 : i32 to index
          %get3A_559 = arith.constant 1408 : index
          %get3A_560 = tpu.vector_load %arg11[%get3A_558, %get3A_559] {strides = array<i32>} : memref<24x1536xbf16, #tpu.memory_space<vmem>>, vector<32xbf16>,
          %bitcast3A_561 = vector.bitcast %get3A_560 : vector<32xbf16> to vector<16xi32>
          %shift_left3A_562 = arith.constant 16 : i32
          %shift_left3A_563 = vector.broadcast %shift_left3A_562 : i32 to vector<16xi32>
          %shift_left3A_564 = arith.shli %bitcast3A_561, %shift_left3A_563 : vector<16xi32>
          %bitcast3A_565 = vector.bitcast %shift_left3A_564 : vector<16xi32> to vector<16xf32>
          %and3A_566 = arith.constant -65536 : i32
          %and3A_567 = vector.broadcast %and3A_566 : i32 to vector<16xi32>
          %and3A_568 = arith.andi %bitcast3A_561, %and3A_567 : vector<16xi32>
          %bitcast3A_569 = vector.bitcast %and3A_568 : vector<16xi32> to vector<16xf32>
          %mul3A_570 = vector.broadcast %squeeze3A_364 : f32 to vector<16xf32>
          %mul3A_571 = arith.mulf %mul3A_570, %bitcast3A_565 : vector<16xf32>
          %add3A_572 = arith.addf %add3A_554, %mul3A_571 : vector<16xf32>
          %mul3A_573 = vector.broadcast %squeeze3A_364 : f32 to vector<16xf32>
          %mul3A_574 = arith.mulf %mul3A_573, %bitcast3A_569 : vector<16xf32>
          %add3A_575 = arith.addf %add3A_557, %mul3A_574 : vector<16xf32>
          %swap3A = arith.index_cast %scan3A_336 : i32 to index
          %swap3A_576 = arith.constant 0 : index
          %swap3A_577 = tpu.vector_load %arg17[%swap3A, %swap3A_576] {strides = array<i32>} : memref<24x128xf32, #tpu.memory_space<vmem>>, vector<16xf32>,
          tpu.vector_store %arg17[%swap3A, %swap3A_576], %add3A_572 {strides = array<i32>} : memref<24x128xf32, #tpu.memory_space<vmem>>, vector<16xf32>,
          %swap3A_578 = arith.index_cast %scan3A_336 : i32 to index
          %swap3A_579 = arith.constant 16 : index
          %swap3A_580 = tpu.vector_load %arg17[%swap3A_578, %swap3A_579] {strides = array<i32>} : memref<24x128xf32, #tpu.memory_space<vmem>>, vector<16xf32>,
          tpu.vector_store %arg17[%swap3A_578, %swap3A_579], %add3A_575 {strides = array<i32>} : memref<24x128xf32, #tpu.memory_space<vmem>>, vector<16xf32>,
          %get3A_581 = arith.index_cast %scan3A_336 : i32 to index
          %get3A_582 = arith.constant 32 : index
          %get3A_583 = tpu.vector_load %arg11[%get3A_581, %get3A_582] {strides = array<i32>} : memref<24x1536xbf16, #tpu.memory_space<vmem>>, vector<32xbf16>,
          %bitcast3A_584 = vector.bitcast %get3A_583 : vector<32xbf16> to vector<16xi32>
          %shift_left3A_585 = arith.constant 16 : i32
          %shift_left3A_586 = vector.broadcast %shift_left3A_585 : i32 to vector<16xi32>
          %shift_left3A_587 = arith.shli %bitcast3A_584, %shift_left3A_586 : vector<16xi32>
          %bitcast3A_588 = vector.bitcast %shift_left3A_587 : vector<16xi32> to vector<16xf32>
          %and3A_589 = arith.constant -65536 : i32
          %and3A_590 = vector.broadcast %and3A_589 : i32 to vector<16xi32>
          %and3A_591 = arith.andi %bitcast3A_584, %and3A_590 : vector<16xi32>
          %bitcast3A_592 = vector.bitcast %and3A_591 : vector<16xi32> to vector<16xf32>
          %mul3A_593 = vector.broadcast %squeeze3A : f32 to vector<16xf32>
          %mul3A_594 = arith.mulf %mul3A_593, %bitcast3A_588 : vector<16xf32>
          %mul3A_595 = vector.broadcast %squeeze3A : f32 to vector<16xf32>
          %mul3A_596 = arith.mulf %mul3A_595, %bitcast3A_592 : vector<16xf32>
          %get3A_597 = arith.index_cast %scan3A_336 : i32 to index
          %get3A_598 = arith.constant 160 : index
          %get3A_599 = tpu.vector_load %arg11[%get3A_597, %get3A_598] {strides = array<i32>} : memref<24x1536xbf16, #tpu.memory_space<vmem>>, vector<32xbf16>,
          %bitcast3A_600 = vector.bitcast %get3A_599 : vector<32xbf16> to vector<16xi32>
          %shift_left3A_601 = arith.constant 16 : i32
          %shift_left3A_602 = vector.broadcast %shift_left3A_601 : i32 to vector<16xi32>
          %shift_left3A_603 = arith.shli %bitcast3A_600, %shift_left3A_602 : vector<16xi32>
          %bitcast3A_604 = vector.bitcast %shift_left3A_603 : vector<16xi32> to vector<16xf32>
          %and3A_605 = arith.constant -65536 : i32
          %and3A_606 = vector.broadcast %and3A_605 : i32 to vector<16xi32>
          %and3A_607 = arith.andi %bitcast3A_600, %and3A_606 : vector<16xi32>
          %bitcast3A_608 = vector.bitcast %and3A_607 : vector<16xi32> to vector<16xf32>
          %mul3A_609 = vector.broadcast %squeeze3A_344 : f32 to vector<16xf32>
          %mul3A_610 = arith.mulf %mul3A_609, %bitcast3A_604 : vector<16xf32>
          %add3A_611 = arith.addf %mul3A_594, %mul3A_610 : vector<16xf32>
          %mul3A_612 = vector.broadcast %squeeze3A_344 : f32 to vector<16xf32>
          %mul3A_613 = arith.mulf %mul3A_612, %bitcast3A_608 : vector<16xf32>
          %add3A_614 = arith.addf %mul3A_596, %mul3A_613 : vector<16xf32>
          %get3A_615 = arith.index_cast %scan3A_336 : i32 to index
          %get3A_616 = arith.constant 288 : index
          %get3A_617 = tpu.vector_load %arg11[%get3A_615, %get3A_616] {strides = array<i32>} : memref<24x1536xbf16, #tpu.memory_space<vmem>>, vector<32xbf16>,
          %bitcast3A_618 = vector.bitcast %get3A_617 : vector<32xbf16> to vector<16xi32>
          %shift_left3A_619 = arith.constant 16 : i32
          %shift_left3A_620 = vector.broadcast %shift_left3A_619 : i32 to vector<16xi32>
          %shift_left3A_621 = arith.shli %bitcast3A_618, %shift_left3A_620 : vector<16xi32>
          %bitcast3A_622 = vector.bitcast %shift_left3A_621 : vector<16xi32> to vector<16xf32>
          %and3A_623 = arith.constant -65536 : i32
          %and3A_624 = vector.broadcast %and3A_623 : i32 to vector<16xi32>
          %and3A_625 = arith.andi %bitcast3A_618, %and3A_624 : vector<16xi32>
          %bitcast3A_626 = vector.bitcast %and3A_625 : vector<16xi32> to vector<16xf32>
          %mul3A_627 = vector.broadcast %squeeze3A_346 : f32 to vector<16xf32>
          %mul3A_628 = arith.mulf %mul3A_627, %bitcast3A_622 : vector<16xf32>
          %add3A_629 = arith.addf %add3A_611, %mul3A_628 : vector<16xf32>
          %mul3A_630 = vector.broadcast %squeeze3A_346 : f32 to vector<16xf32>
          %mul3A_631 = arith.mulf %mul3A_630, %bitcast3A_626 : vector<16xf32>
          %add3A_632 = arith.addf %add3A_614, %mul3A_631 : vector<16xf32>
          %get3A_633 = arith.index_cast %scan3A_336 : i32 to index
          %get3A_634 = arith.constant 416 : index
          %get3A_635 = tpu.vector_load %arg11[%get3A_633, %get3A_634] {strides = array<i32>} : memref<24x1536xbf16, #tpu.memory_space<vmem>>, vector<32xbf16>,
          %bitcast3A_636 = vector.bitcast %get3A_635 : vector<32xbf16> to vector<16xi32>
          %shift_left3A_637 = arith.constant 16 : i32
          %shift_left3A_638 = vector.broadcast %shift_left3A_637 : i32 to vector<16xi32>
          %shift_left3A_639 = arith.shli %bitcast3A_636, %shift_left3A_638 : vector<16xi32>
          %bitcast3A_640 = vector.bitcast %shift_left3A_639 : vector<16xi32> to vector<16xf32>
          %and3A_641 = arith.constant -65536 : i32
          %and3A_642 = vector.broadcast %and3A_641 : i32 to vector<16xi32>
          %and3A_643 = arith.andi %bitcast3A_636, %and3A_642 : vector<16xi32>
          %bitcast3A_644 = vector.bitcast %and3A_643 : vector<16xi32> to vector<16xf32>
          %mul3A_645 = vector.broadcast %squeeze3A_348 : f32 to vector<16xf32>
          %mul3A_646 = arith.mulf %mul3A_645, %bitcast3A_640 : vector<16xf32>
          %add3A_647 = arith.addf %add3A_629, %mul3A_646 : vector<16xf32>
          %mul3A_648 = vector.broadcast %squeeze3A_348 : f32 to vector<16xf32>
          %mul3A_649 = arith.mulf %mul3A_648, %bitcast3A_644 : vector<16xf32>
          %add3A_650 = arith.addf %add3A_632, %mul3A_649 : vector<16xf32>
          %get3A_651 = arith.index_cast %scan3A_336 : i32 to index
          %get3A_652 = arith.constant 544 : index
          %get3A_653 = tpu.vector_load %arg11[%get3A_651, %get3A_652] {strides = array<i32>} : memref<24x1536xbf16, #tpu.memory_space<vmem>>, vector<32xbf16>,
          %bitcast3A_654 = vector.bitcast %get3A_653 : vector<32xbf16> to vector<16xi32>
          %shift_left3A_655 = arith.constant 16 : i32
          %shift_left3A_656 = vector.broadcast %shift_left3A_655 : i32 to vector<16xi32>
          %shift_left3A_657 = arith.shli %bitcast3A_654, %shift_left3A_656 : vector<16xi32>
          %bitcast3A_658 = vector.bitcast %shift_left3A_657 : vector<16xi32> to vector<16xf32>
          %and3A_659 = arith.constant -65536 : i32
          %and3A_660 = vector.broadcast %and3A_659 : i32 to vector<16xi32>
          %and3A_661 = arith.andi %bitcast3A_654, %and3A_660 : vector<16xi32>
          %bitcast3A_662 = vector.bitcast %and3A_661 : vector<16xi32> to vector<16xf32>
          %mul3A_663 = vector.broadcast %squeeze3A_350 : f32 to vector<16xf32>
          %mul3A_664 = arith.mulf %mul3A_663, %bitcast3A_658 : vector<16xf32>
          %add3A_665 = arith.addf %add3A_647, %mul3A_664 : vector<16xf32>
          %mul3A_666 = vector.broadcast %squeeze3A_350 : f32 to vector<16xf32>
          %mul3A_667 = arith.mulf %mul3A_666, %bitcast3A_662 : vector<16xf32>
          %add3A_668 = arith.addf %add3A_650, %mul3A_667 : vector<16xf32>
          %get3A_669 = arith.index_cast %scan3A_336 : i32 to index
          %get3A_670 = arith.constant 672 : index
          %get3A_671 = tpu.vector_load %arg11[%get3A_669, %get3A_670] {strides = array<i32>} : memref<24x1536xbf16, #tpu.memory_space<vmem>>, vector<32xbf16>,
          %bitcast3A_672 = vector.bitcast %get3A_671 : vector<32xbf16> to vector<16xi32>
          %shift_left3A_673 = arith.constant 16 : i32
          %shift_left3A_674 = vector.broadcast %shift_left3A_673 : i32 to vector<16xi32>
          %shift_left3A_675 = arith.shli %bitcast3A_672, %shift_left3A_674 : vector<16xi32>
          %bitcast3A_676 = vector.bitcast %shift_left3A_675 : vector<16xi32> to vector<16xf32>
          %and3A_677 = arith.constant -65536 : i32
          %and3A_678 = vector.broadcast %and3A_677 : i32 to vector<16xi32>
          %and3A_679 = arith.andi %bitcast3A_672, %and3A_678 : vector<16xi32>
          %bitcast3A_680 = vector.bitcast %and3A_679 : vector<16xi32> to vector<16xf32>
          %mul3A_681 = vector.broadcast %squeeze3A_352 : f32 to vector<16xf32>
          %mul3A_682 = arith.mulf %mul3A_681, %bitcast3A_676 : vector<16xf32>
          %add3A_683 = arith.addf %add3A_665, %mul3A_682 : vector<16xf32>
          %mul3A_684 = vector.broadcast %squeeze3A_352 : f32 to vector<16xf32>
          %mul3A_685 = arith.mulf %mul3A_684, %bitcast3A_680 : vector<16xf32>
          %add3A_686 = arith.addf %add3A_668, %mul3A_685 : vector<16xf32>
          %get3A_687 = arith.index_cast %scan3A_336 : i32 to index
          %get3A_688 = arith.constant 800 : index
          %get3A_689 = tpu.vector_load %arg11[%get3A_687, %get3A_688] {strides = array<i32>} : memref<24x1536xbf16, #tpu.memory_space<vmem>>, vector<32xbf16>,
          %bitcast3A_690 = vector.bitcast %get3A_689 : vector<32xbf16> to vector<16xi32>
          %shift_left3A_691 = arith.constant 16 : i32
          %shift_left3A_692 = vector.broadcast %shift_left3A_691 : i32 to vector<16xi32>
          %shift_left3A_693 = arith.shli %bitcast3A_690, %shift_left3A_692 : vector<16xi32>
          %bitcast3A_694 = vector.bitcast %shift_left3A_693 : vector<16xi32> to vector<16xf32>
          %and3A_695 = arith.constant -65536 : i32
          %and3A_696 = vector.broadcast %and3A_695 : i32 to vector<16xi32>
          %and3A_697 = arith.andi %bitcast3A_690, %and3A_696 : vector<16xi32>
          %bitcast3A_698 = vector.bitcast %and3A_697 : vector<16xi32> to vector<16xf32>
          %mul3A_699 = vector.broadcast %squeeze3A_354 : f32 to vector<16xf32>
          %mul3A_700 = arith.mulf %mul3A_699, %bitcast3A_694 : vector<16xf32>
          %add3A_701 = arith.addf %add3A_683, %mul3A_700 : vector<16xf32>
          %mul3A_702 = vector.broadcast %squeeze3A_354 : f32 to vector<16xf32>
          %mul3A_703 = arith.mulf %mul3A_702, %bitcast3A_698 : vector<16xf32>
          %add3A_704 = arith.addf %add3A_686, %mul3A_703 : vector<16xf32>
          %get3A_705 = arith.index_cast %scan3A_336 : i32 to index
          %get3A_706 = arith.constant 928 : index
          %get3A_707 = tpu.vector_load %arg11[%get3A_705, %get3A_706] {strides = array<i32>} : memref<24x1536xbf16, #tpu.memory_space<vmem>>, vector<32xbf16>,
          %bitcast3A_708 = vector.bitcast %get3A_707 : vector<32xbf16> to vector<16xi32>
          %shift_left3A_709 = arith.constant 16 : i32
          %shift_left3A_710 = vector.broadcast %shift_left3A_709 : i32 to vector<16xi32>
          %shift_left3A_711 = arith.shli %bitcast3A_708, %shift_left3A_710 : vector<16xi32>
          %bitcast3A_712 = vector.bitcast %shift_left3A_711 : vector<16xi32> to vector<16xf32>
          %and3A_713 = arith.constant -65536 : i32
          %and3A_714 = vector.broadcast %and3A_713 : i32 to vector<16xi32>
          %and3A_715 = arith.andi %bitcast3A_708, %and3A_714 : vector<16xi32>
          %bitcast3A_716 = vector.bitcast %and3A_715 : vector<16xi32> to vector<16xf32>
          %mul3A_717 = vector.broadcast %squeeze3A_356 : f32 to vector<16xf32>
          %mul3A_718 = arith.mulf %mul3A_717, %bitcast3A_712 : vector<16xf32>
          %add3A_719 = arith.addf %add3A_701, %mul3A_718 : vector<16xf32>
          %mul3A_720 = vector.broadcast %squeeze3A_356 : f32 to vector<16xf32>
          %mul3A_721 = arith.mulf %mul3A_720, %bitcast3A_716 : vector<16xf32>
          %add3A_722 = arith.addf %add3A_704, %mul3A_721 : vector<16xf32>
          %get3A_723 = arith.index_cast %scan3A_336 : i32 to index
          %get3A_724 = arith.constant 1056 : index
          %get3A_725 = tpu.vector_load %arg11[%get3A_723, %get3A_724] {strides = array<i32>} : memref<24x1536xbf16, #tpu.memory_space<vmem>>, vector<32xbf16>,
          %bitcast3A_726 = vector.bitcast %get3A_725 : vector<32xbf16> to vector<16xi32>
          %shift_left3A_727 = arith.constant 16 : i32
          %shift_left3A_728 = vector.broadcast %shift_left3A_727 : i32 to vector<16xi32>
          %shift_left3A_729 = arith.shli %bitcast3A_726, %shift_left3A_728 : vector<16xi32>
          %bitcast3A_730 = vector.bitcast %shift_left3A_729 : vector<16xi32> to vector<16xf32>
          %and3A_731 = arith.constant -65536 : i32
          %and3A_732 = vector.broadcast %and3A_731 : i32 to vector<16xi32>
          %and3A_733 = arith.andi %bitcast3A_726, %and3A_732 : vector<16xi32>
          %bitcast3A_734 = vector.bitcast %and3A_733 : vector<16xi32> to vector<16xf32>
          %mul3A_735 = vector.broadcast %squeeze3A_358 : f32 to vector<16xf32>
          %mul3A_736 = arith.mulf %mul3A_735, %bitcast3A_730 : vector<16xf32>
          %add3A_737 = arith.addf %add3A_719, %mul3A_736 : vector<16xf32>
          %mul3A_738 = vector.broadcast %squeeze3A_358 : f32 to vector<16xf32>
          %mul3A_739 = arith.mulf %mul3A_738, %bitcast3A_734 : vector<16xf32>
          %add3A_740 = arith.addf %add3A_722, %mul3A_739 : vector<16xf32>
          %get3A_741 = arith.index_cast %scan3A_336 : i32 to index
          %get3A_742 = arith.constant 1184 : index
          %get3A_743 = tpu.vector_load %arg11[%get3A_741, %get3A_742] {strides = array<i32>} : memref<24x1536xbf16, #tpu.memory_space<vmem>>, vector<32xbf16>,
          %bitcast3A_744 = vector.bitcast %get3A_743 : vector<32xbf16> to vector<16xi32>
          %shift_left3A_745 = arith.constant 16 : i32
          %shift_left3A_746 = vector.broadcast %shift_left3A_745 : i32 to vector<16xi32>
          %shift_left3A_747 = arith.shli %bitcast3A_744, %shift_left3A_746 : vector<16xi32>
          %bitcast3A_748 = vector.bitcast %shift_left3A_747 : vector<16xi32> to vector<16xf32>
          %and3A_749 = arith.constant -65536 : i32
          %and3A_750 = vector.broadcast %and3A_749 : i32 to vector<16xi32>
          %and3A_751 = arith.andi %bitcast3A_744, %and3A_750 : vector<16xi32>
          %bitcast3A_752 = vector.bitcast %and3A_751 : vector<16xi32> to vector<16xf32>
          %mul3A_753 = vector.broadcast %squeeze3A_360 : f32 to vector<16xf32>
          %mul3A_754 = arith.mulf %mul3A_753, %bitcast3A_748 : vector<16xf32>
          %add3A_755 = arith.addf %add3A_737, %mul3A_754 : vector<16xf32>
          %mul3A_756 = vector.broadcast %squeeze3A_360 : f32 to vector<16xf32>
          %mul3A_757 = arith.mulf %mul3A_756, %bitcast3A_752 : vector<16xf32>
          %add3A_758 = arith.addf %add3A_740, %mul3A_757 : vector<16xf32>
          %get3A_759 = arith.index_cast %scan3A_336 : i32 to index
          %get3A_760 = arith.constant 1312 : index
          %get3A_761 = tpu.vector_load %arg11[%get3A_759, %get3A_760] {strides = array<i32>} : memref<24x1536xbf16, #tpu.memory_space<vmem>>, vector<32xbf16>,
          %bitcast3A_762 = vector.bitcast %get3A_761 : vector<32xbf16> to vector<16xi32>
          %shift_left3A_763 = arith.constant 16 : i32
          %shift_left3A_764 = vector.broadcast %shift_left3A_763 : i32 to vector<16xi32>
          %shift_left3A_765 = arith.shli %bitcast3A_762, %shift_left3A_764 : vector<16xi32>
          %bitcast3A_766 = vector.bitcast %shift_left3A_765 : vector<16xi32> to vector<16xf32>
          %and3A_767 = arith.constant -65536 : i32
          %and3A_768 = vector.broadcast %and3A_767 : i32 to vector<16xi32>
          %and3A_769 = arith.andi %bitcast3A_762, %and3A_768 : vector<16xi32>
          %bitcast3A_770 = vector.bitcast %and3A_769 : vector<16xi32> to vector<16xf32>
          %mul3A_771 = vector.broadcast %squeeze3A_362 : f32 to vector<16xf32>
          %mul3A_772 = arith.mulf %mul3A_771, %bitcast3A_766 : vector<16xf32>
          %add3A_773 = arith.addf %add3A_755, %mul3A_772 : vector<16xf32>
          %mul3A_774 = vector.broadcast %squeeze3A_362 : f32 to vector<16xf32>
          %mul3A_775 = arith.mulf %mul3A_774, %bitcast3A_770 : vector<16xf32>
          %add3A_776 = arith.addf %add3A_758, %mul3A_775 : vector<16xf32>
          %get3A_777 = arith.index_cast %scan3A_336 : i32 to index
          %get3A_778 = arith.constant 1440 : index
          %get3A_779 = tpu.vector_load %arg11[%get3A_777, %get3A_778] {strides = array<i32>} : memref<24x1536xbf16, #tpu.memory_space<vmem>>, vector<32xbf16>,
          %bitcast3A_780 = vector.bitcast %get3A_779 : vector<32xbf16> to vector<16xi32>
          %shift_left3A_781 = arith.constant 16 : i32
          %shift_left3A_782 = vector.broadcast %shift_left3A_781 : i32 to vector<16xi32>
          %shift_left3A_783 = arith.shli %bitcast3A_780, %shift_left3A_782 : vector<16xi32>
          %bitcast3A_784 = vector.bitcast %shift_left3A_783 : vector<16xi32> to vector<16xf32>
          %and3A_785 = arith.constant -65536 : i32
          %and3A_786 = vector.broadcast %and3A_785 : i32 to vector<16xi32>
          %and3A_787 = arith.andi %bitcast3A_780, %and3A_786 : vector<16xi32>
          %bitcast3A_788 = vector.bitcast %and3A_787 : vector<16xi32> to vector<16xf32>
          %mul3A_789 = vector.broadcast %squeeze3A_364 : f32 to vector<16xf32>
          %mul3A_790 = arith.mulf %mul3A_789, %bitcast3A_784 : vector<16xf32>
          %add3A_791 = arith.addf %add3A_773, %mul3A_790 : vector<16xf32>
          %mul3A_792 = vector.broadcast %squeeze3A_364 : f32 to vector<16xf32>
          %mul3A_793 = arith.mulf %mul3A_792, %bitcast3A_788 : vector<16xf32>
          %add3A_794 = arith.addf %add3A_776, %mul3A_793 : vector<16xf32>
          %swap3A_795 = arith.index_cast %scan3A_336 : i32 to index
          %swap3A_796 = arith.constant 32 : index
          %swap3A_797 = tpu.vector_load %arg17[%swap3A_795, %swap3A_796] {strides = array<i32>} : memref<24x128xf32, #tpu.memory_space<vmem>>, vector<16xf32>,
          tpu.vector_store %arg17[%swap3A_795, %swap3A_796], %add3A_791 {strides = array<i32>} : memref<24x128xf32, #tpu.memory_space<vmem>>, vector<16xf32>,
          %swap3A_798 = arith.index_cast %scan3A_336 : i32 to index
          %swap3A_799 = arith.constant 48 : index
          %swap3A_800 = tpu.vector_load %arg17[%swap3A_798, %swap3A_799] {strides = array<i32>} : memref<24x128xf32, #tpu.memory_space<vmem>>, vector<16xf32>,
          tpu.vector_store %arg17[%swap3A_798, %swap3A_799], %add3A_794 {strides = array<i32>} : memref<24x128xf32, #tpu.memory_space<vmem>>, vector<16xf32>,
          %get3A_801 = arith.index_cast %scan3A_336 : i32 to index
          %get3A_802 = arith.constant 64 : index
          %get3A_803 = tpu.vector_load %arg11[%get3A_801, %get3A_802] {strides = array<i32>} : memref<24x1536xbf16, #tpu.memory_space<vmem>>, vector<32xbf16>,
          %bitcast3A_804 = vector.bitcast %get3A_803 : vector<32xbf16> to vector<16xi32>
          %shift_left3A_805 = arith.constant 16 : i32
          %shift_left3A_806 = vector.broadcast %shift_left3A_805 : i32 to vector<16xi32>
          %shift_left3A_807 = arith.shli %bitcast3A_804, %shift_left3A_806 : vector<16xi32>
          %bitcast3A_808 = vector.bitcast %shift_left3A_807 : vector<16xi32> to vector<16xf32>
          %and3A_809 = arith.constant -65536 : i32
          %and3A_810 = vector.broadcast %and3A_809 : i32 to vector<16xi32>
          %and3A_811 = arith.andi %bitcast3A_804, %and3A_810 : vector<16xi32>
          %bitcast3A_812 = vector.bitcast %and3A_811 : vector<16xi32> to vector<16xf32>
          %mul3A_813 = vector.broadcast %squeeze3A : f32 to vector<16xf32>
          %mul3A_814 = arith.mulf %mul3A_813, %bitcast3A_808 : vector<16xf32>
          %mul3A_815 = vector.broadcast %squeeze3A : f32 to vector<16xf32>
          %mul3A_816 = arith.mulf %mul3A_815, %bitcast3A_812 : vector<16xf32>
          %get3A_817 = arith.index_cast %scan3A_336 : i32 to index
          %get3A_818 = arith.constant 192 : index
          %get3A_819 = tpu.vector_load %arg11[%get3A_817, %get3A_818] {strides = array<i32>} : memref<24x1536xbf16, #tpu.memory_space<vmem>>, vector<32xbf16>,
          %bitcast3A_820 = vector.bitcast %get3A_819 : vector<32xbf16> to vector<16xi32>
          %shift_left3A_821 = arith.constant 16 : i32
          %shift_left3A_822 = vector.broadcast %shift_left3A_821 : i32 to vector<16xi32>
          %shift_left3A_823 = arith.shli %bitcast3A_820, %shift_left3A_822 : vector<16xi32>
          %bitcast3A_824 = vector.bitcast %shift_left3A_823 : vector<16xi32> to vector<16xf32>
          %and3A_825 = arith.constant -65536 : i32
          %and3A_826 = vector.broadcast %and3A_825 : i32 to vector<16xi32>
          %and3A_827 = arith.andi %bitcast3A_820, %and3A_826 : vector<16xi32>
          %bitcast3A_828 = vector.bitcast %and3A_827 : vector<16xi32> to vector<16xf32>
          %mul3A_829 = vector.broadcast %squeeze3A_344 : f32 to vector<16xf32>
          %mul3A_830 = arith.mulf %mul3A_829, %bitcast3A_824 : vector<16xf32>
          %add3A_831 = arith.addf %mul3A_814, %mul3A_830 : vector<16xf32>
          %mul3A_832 = vector.broadcast %squeeze3A_344 : f32 to vector<16xf32>
          %mul3A_833 = arith.mulf %mul3A_832, %bitcast3A_828 : vector<16xf32>
          %add3A_834 = arith.addf %mul3A_816, %mul3A_833 : vector<16xf32>
          %get3A_835 = arith.index_cast %scan3A_336 : i32 to index
          %get3A_836 = arith.constant 320 : index
          %get3A_837 = tpu.vector_load %arg11[%get3A_835, %get3A_836] {strides = array<i32>} : memref<24x1536xbf16, #tpu.memory_space<vmem>>, vector<32xbf16>,
          %bitcast3A_838 = vector.bitcast %get3A_837 : vector<32xbf16> to vector<16xi32>
          %shift_left3A_839 = arith.constant 16 : i32
          %shift_left3A_840 = vector.broadcast %shift_left3A_839 : i32 to vector<16xi32>
          %shift_left3A_841 = arith.shli %bitcast3A_838, %shift_left3A_840 : vector<16xi32>
          %bitcast3A_842 = vector.bitcast %shift_left3A_841 : vector<16xi32> to vector<16xf32>
          %and3A_843 = arith.constant -65536 : i32
          %and3A_844 = vector.broadcast %and3A_843 : i32 to vector<16xi32>
          %and3A_845 = arith.andi %bitcast3A_838, %and3A_844 : vector<16xi32>
          %bitcast3A_846 = vector.bitcast %and3A_845 : vector<16xi32> to vector<16xf32>
          %mul3A_847 = vector.broadcast %squeeze3A_346 : f32 to vector<16xf32>
          %mul3A_848 = arith.mulf %mul3A_847, %bitcast3A_842 : vector<16xf32>
          %add3A_849 = arith.addf %add3A_831, %mul3A_848 : vector<16xf32>
          %mul3A_850 = vector.broadcast %squeeze3A_346 : f32 to vector<16xf32>
          %mul3A_851 = arith.mulf %mul3A_850, %bitcast3A_846 : vector<16xf32>
          %add3A_852 = arith.addf %add3A_834, %mul3A_851 : vector<16xf32>
          %get3A_853 = arith.index_cast %scan3A_336 : i32 to index
          %get3A_854 = arith.constant 448 : index
          %get3A_855 = tpu.vector_load %arg11[%get3A_853, %get3A_854] {strides = array<i32>} : memref<24x1536xbf16, #tpu.memory_space<vmem>>, vector<32xbf16>,
          %bitcast3A_856 = vector.bitcast %get3A_855 : vector<32xbf16> to vector<16xi32>
          %shift_left3A_857 = arith.constant 16 : i32
          %shift_left3A_858 = vector.broadcast %shift_left3A_857 : i32 to vector<16xi32>
          %shift_left3A_859 = arith.shli %bitcast3A_856, %shift_left3A_858 : vector<16xi32>
          %bitcast3A_860 = vector.bitcast %shift_left3A_859 : vector<16xi32> to vector<16xf32>
          %and3A_861 = arith.constant -65536 : i32
          %and3A_862 = vector.broadcast %and3A_861 : i32 to vector<16xi32>
          %and3A_863 = arith.andi %bitcast3A_856, %and3A_862 : vector<16xi32>
          %bitcast3A_864 = vector.bitcast %and3A_863 : vector<16xi32> to vector<16xf32>
          %mul3A_865 = vector.broadcast %squeeze3A_348 : f32 to vector<16xf32>
          %mul3A_866 = arith.mulf %mul3A_865, %bitcast3A_860 : vector<16xf32>
          %add3A_867 = arith.addf %add3A_849, %mul3A_866 : vector<16xf32>
          %mul3A_868 = vector.broadcast %squeeze3A_348 : f32 to vector<16xf32>
          %mul3A_869 = arith.mulf %mul3A_868, %bitcast3A_864 : vector<16xf32>
          %add3A_870 = arith.addf %add3A_852, %mul3A_869 : vector<16xf32>
          %get3A_871 = arith.index_cast %scan3A_336 : i32 to index
          %get3A_872 = arith.constant 576 : index
          %get3A_873 = tpu.vector_load %arg11[%get3A_871, %get3A_872] {strides = array<i32>} : memref<24x1536xbf16, #tpu.memory_space<vmem>>, vector<32xbf16>,
          %bitcast3A_874 = vector.bitcast %get3A_873 : vector<32xbf16> to vector<16xi32>
          %shift_left3A_875 = arith.constant 16 : i32
          %shift_left3A_876 = vector.broadcast %shift_left3A_875 : i32 to vector<16xi32>
          %shift_left3A_877 = arith.shli %bitcast3A_874, %shift_left3A_876 : vector<16xi32>
          %bitcast3A_878 = vector.bitcast %shift_left3A_877 : vector<16xi32> to vector<16xf32>
          %and3A_879 = arith.constant -65536 : i32
          %and3A_880 = vector.broadcast %and3A_879 : i32 to vector<16xi32>
          %and3A_881 = arith.andi %bitcast3A_874, %and3A_880 : vector<16xi32>
          %bitcast3A_882 = vector.bitcast %and3A_881 : vector<16xi32> to vector<16xf32>
          %mul3A_883 = vector.broadcast %squeeze3A_350 : f32 to vector<16xf32>
          %mul3A_884 = arith.mulf %mul3A_883, %bitcast3A_878 : vector<16xf32>
          %add3A_885 = arith.addf %add3A_867, %mul3A_884 : vector<16xf32>
          %mul3A_886 = vector.broadcast %squeeze3A_350 : f32 to vector<16xf32>
          %mul3A_887 = arith.mulf %mul3A_886, %bitcast3A_882 : vector<16xf32>
          %add3A_888 = arith.addf %add3A_870, %mul3A_887 : vector<16xf32>
          %get3A_889 = arith.index_cast %scan3A_336 : i32 to index
          %get3A_890 = arith.constant 704 : index
          %get3A_891 = tpu.vector_load %arg11[%get3A_889, %get3A_890] {strides = array<i32>} : memref<24x1536xbf16, #tpu.memory_space<vmem>>, vector<32xbf16>,
          %bitcast3A_892 = vector.bitcast %get3A_891 : vector<32xbf16> to vector<16xi32>
          %shift_left3A_893 = arith.constant 16 : i32
          %shift_left3A_894 = vector.broadcast %shift_left3A_893 : i32 to vector<16xi32>
          %shift_left3A_895 = arith.shli %bitcast3A_892, %shift_left3A_894 : vector<16xi32>
          %bitcast3A_896 = vector.bitcast %shift_left3A_895 : vector<16xi32> to vector<16xf32>
          %and3A_897 = arith.constant -65536 : i32
          %and3A_898 = vector.broadcast %and3A_897 : i32 to vector<16xi32>
          %and3A_899 = arith.andi %bitcast3A_892, %and3A_898 : vector<16xi32>
          %bitcast3A_900 = vector.bitcast %and3A_899 : vector<16xi32> to vector<16xf32>
          %mul3A_901 = vector.broadcast %squeeze3A_352 : f32 to vector<16xf32>
          %mul3A_902 = arith.mulf %mul3A_901, %bitcast3A_896 : vector<16xf32>
          %add3A_903 = arith.addf %add3A_885, %mul3A_902 : vector<16xf32>
          %mul3A_904 = vector.broadcast %squeeze3A_352 : f32 to vector<16xf32>
          %mul3A_905 = arith.mulf %mul3A_904, %bitcast3A_900 : vector<16xf32>
          %add3A_906 = arith.addf %add3A_888, %mul3A_905 : vector<16xf32>
          %get3A_907 = arith.index_cast %scan3A_336 : i32 to index
          %get3A_908 = arith.constant 832 : index
          %get3A_909 = tpu.vector_load %arg11[%get3A_907, %get3A_908] {strides = array<i32>} : memref<24x1536xbf16, #tpu.memory_space<vmem>>, vector<32xbf16>,
          %bitcast3A_910 = vector.bitcast %get3A_909 : vector<32xbf16> to vector<16xi32>
          %shift_left3A_911 = arith.constant 16 : i32
          %shift_left3A_912 = vector.broadcast %shift_left3A_911 : i32 to vector<16xi32>
          %shift_left3A_913 = arith.shli %bitcast3A_910, %shift_left3A_912 : vector<16xi32>
          %bitcast3A_914 = vector.bitcast %shift_left3A_913 : vector<16xi32> to vector<16xf32>
          %and3A_915 = arith.constant -65536 : i32
          %and3A_916 = vector.broadcast %and3A_915 : i32 to vector<16xi32>
          %and3A_917 = arith.andi %bitcast3A_910, %and3A_916 : vector<16xi32>
          %bitcast3A_918 = vector.bitcast %and3A_917 : vector<16xi32> to vector<16xf32>
          %mul3A_919 = vector.broadcast %squeeze3A_354 : f32 to vector<16xf32>
          %mul3A_920 = arith.mulf %mul3A_919, %bitcast3A_914 : vector<16xf32>
          %add3A_921 = arith.addf %add3A_903, %mul3A_920 : vector<16xf32>
          %mul3A_922 = vector.broadcast %squeeze3A_354 : f32 to vector<16xf32>
          %mul3A_923 = arith.mulf %mul3A_922, %bitcast3A_918 : vector<16xf32>
          %add3A_924 = arith.addf %add3A_906, %mul3A_923 : vector<16xf32>
          %get3A_925 = arith.index_cast %scan3A_336 : i32 to index
          %get3A_926 = arith.constant 960 : index
          %get3A_927 = tpu.vector_load %arg11[%get3A_925, %get3A_926] {strides = array<i32>} : memref<24x1536xbf16, #tpu.memory_space<vmem>>, vector<32xbf16>,
          %bitcast3A_928 = vector.bitcast %get3A_927 : vector<32xbf16> to vector<16xi32>
          %shift_left3A_929 = arith.constant 16 : i32
          %shift_left3A_930 = vector.broadcast %shift_left3A_929 : i32 to vector<16xi32>
          %shift_left3A_931 = arith.shli %bitcast3A_928, %shift_left3A_930 : vector<16xi32>
          %bitcast3A_932 = vector.bitcast %shift_left3A_931 : vector<16xi32> to vector<16xf32>
          %and3A_933 = arith.constant -65536 : i32
          %and3A_934 = vector.broadcast %and3A_933 : i32 to vector<16xi32>
          %and3A_935 = arith.andi %bitcast3A_928, %and3A_934 : vector<16xi32>
          %bitcast3A_936 = vector.bitcast %and3A_935 : vector<16xi32> to vector<16xf32>
          %mul3A_937 = vector.broadcast %squeeze3A_356 : f32 to vector<16xf32>
          %mul3A_938 = arith.mulf %mul3A_937, %bitcast3A_932 : vector<16xf32>
          %add3A_939 = arith.addf %add3A_921, %mul3A_938 : vector<16xf32>
          %mul3A_940 = vector.broadcast %squeeze3A_356 : f32 to vector<16xf32>
          %mul3A_941 = arith.mulf %mul3A_940, %bitcast3A_936 : vector<16xf32>
          %add3A_942 = arith.addf %add3A_924, %mul3A_941 : vector<16xf32>
          %get3A_943 = arith.index_cast %scan3A_336 : i32 to index
          %get3A_944 = arith.constant 1088 : index
          %get3A_945 = tpu.vector_load %arg11[%get3A_943, %get3A_944] {strides = array<i32>} : memref<24x1536xbf16, #tpu.memory_space<vmem>>, vector<32xbf16>,
          %bitcast3A_946 = vector.bitcast %get3A_945 : vector<32xbf16> to vector<16xi32>
          %shift_left3A_947 = arith.constant 16 : i32
          %shift_left3A_948 = vector.broadcast %shift_left3A_947 : i32 to vector<16xi32>
          %shift_left3A_949 = arith.shli %bitcast3A_946, %shift_left3A_948 : vector<16xi32>
          %bitcast3A_950 = vector.bitcast %shift_left3A_949 : vector<16xi32> to vector<16xf32>
          %and3A_951 = arith.constant -65536 : i32
          %and3A_952 = vector.broadcast %and3A_951 : i32 to vector<16xi32>
          %and3A_953 = arith.andi %bitcast3A_946, %and3A_952 : vector<16xi32>
          %bitcast3A_954 = vector.bitcast %and3A_953 : vector<16xi32> to vector<16xf32>
          %mul3A_955 = vector.broadcast %squeeze3A_358 : f32 to vector<16xf32>
          %mul3A_956 = arith.mulf %mul3A_955, %bitcast3A_950 : vector<16xf32>
          %add3A_957 = arith.addf %add3A_939, %mul3A_956 : vector<16xf32>
          %mul3A_958 = vector.broadcast %squeeze3A_358 : f32 to vector<16xf32>
          %mul3A_959 = arith.mulf %mul3A_958, %bitcast3A_954 : vector<16xf32>
          %add3A_960 = arith.addf %add3A_942, %mul3A_959 : vector<16xf32>
          %get3A_961 = arith.index_cast %scan3A_336 : i32 to index
          %get3A_962 = arith.constant 1216 : index
          %get3A_963 = tpu.vector_load %arg11[%get3A_961, %get3A_962] {strides = array<i32>} : memref<24x1536xbf16, #tpu.memory_space<vmem>>, vector<32xbf16>,
          %bitcast3A_964 = vector.bitcast %get3A_963 : vector<32xbf16> to vector<16xi32>
          %shift_left3A_965 = arith.constant 16 : i32
          %shift_left3A_966 = vector.broadcast %shift_left3A_965 : i32 to vector<16xi32>
          %shift_left3A_967 = arith.shli %bitcast3A_964, %shift_left3A_966 : vector<16xi32>
          %bitcast3A_968 = vector.bitcast %shift_left3A_967 : vector<16xi32> to vector<16xf32>
          %and3A_969 = arith.constant -65536 : i32
          %and3A_970 = vector.broadcast %and3A_969 : i32 to vector<16xi32>
          %and3A_971 = arith.andi %bitcast3A_964, %and3A_970 : vector<16xi32>
          %bitcast3A_972 = vector.bitcast %and3A_971 : vector<16xi32> to vector<16xf32>
          %mul3A_973 = vector.broadcast %squeeze3A_360 : f32 to vector<16xf32>
          %mul3A_974 = arith.mulf %mul3A_973, %bitcast3A_968 : vector<16xf32>
          %add3A_975 = arith.addf %add3A_957, %mul3A_974 : vector<16xf32>
          %mul3A_976 = vector.broadcast %squeeze3A_360 : f32 to vector<16xf32>
          %mul3A_977 = arith.mulf %mul3A_976, %bitcast3A_972 : vector<16xf32>
          %add3A_978 = arith.addf %add3A_960, %mul3A_977 : vector<16xf32>
          %get3A_979 = arith.index_cast %scan3A_336 : i32 to index
          %get3A_980 = arith.constant 1344 : index
          %get3A_981 = tpu.vector_load %arg11[%get3A_979, %get3A_980] {strides = array<i32>} : memref<24x1536xbf16, #tpu.memory_space<vmem>>, vector<32xbf16>,
          %bitcast3A_982 = vector.bitcast %get3A_981 : vector<32xbf16> to vector<16xi32>
          %shift_left3A_983 = arith.constant 16 : i32
          %shift_left3A_984 = vector.broadcast %shift_left3A_983 : i32 to vector<16xi32>
          %shift_left3A_985 = arith.shli %bitcast3A_982, %shift_left3A_984 : vector<16xi32>
          %bitcast3A_986 = vector.bitcast %shift_left3A_985 : vector<16xi32> to vector<16xf32>
          %and3A_987 = arith.constant -65536 : i32
          %and3A_988 = vector.broadcast %and3A_987 : i32 to vector<16xi32>
          %and3A_989 = arith.andi %bitcast3A_982, %and3A_988 : vector<16xi32>
          %bitcast3A_990 = vector.bitcast %and3A_989 : vector<16xi32> to vector<16xf32>
          %mul3A_991 = vector.broadcast %squeeze3A_362 : f32 to vector<16xf32>
          %mul3A_992 = arith.mulf %mul3A_991, %bitcast3A_986 : vector<16xf32>
          %add3A_993 = arith.addf %add3A_975, %mul3A_992 : vector<16xf32>
          %mul3A_994 = vector.broadcast %squeeze3A_362 : f32 to vector<16xf32>
          %mul3A_995 = arith.mulf %mul3A_994, %bitcast3A_990 : vector<16xf32>
          %add3A_996 = arith.addf %add3A_978, %mul3A_995 : vector<16xf32>
          %get3A_997 = arith.index_cast %scan3A_336 : i32 to index
          %get3A_998 = arith.constant 1472 : index
          %get3A_999 = tpu.vector_load %arg11[%get3A_997, %get3A_998] {strides = array<i32>} : memref<24x1536xbf16, #tpu.memory_space<vmem>>, vector<32xbf16>,
          %bitcast3A_1000 = vector.bitcast %get3A_999 : vector<32xbf16> to vector<16xi32>
          %shift_left3A_1001 = arith.constant 16 : i32
          %shift_left3A_1002 = vector.broadcast %shift_left3A_1001 : i32 to vector<16xi32>
          %shift_left3A_1003 = arith.shli %bitcast3A_1000, %shift_left3A_1002 : vector<16xi32>
          %bitcast3A_1004 = vector.bitcast %shift_left3A_1003 : vector<16xi32> to vector<16xf32>
          %and3A_1005 = arith.constant -65536 : i32
          %and3A_1006 = vector.broadcast %and3A_1005 : i32 to vector<16xi32>
          %and3A_1007 = arith.andi %bitcast3A_1000, %and3A_1006 : vector<16xi32>
          %bitcast3A_1008 = vector.bitcast %and3A_1007 : vector<16xi32> to vector<16xf32>
          %mul3A_1009 = vector.broadcast %squeeze3A_364 : f32 to vector<16xf32>
          %mul3A_1010 = arith.mulf %mul3A_1009, %bitcast3A_1004 : vector<16xf32>
          %add3A_1011 = arith.addf %add3A_993, %mul3A_1010 : vector<16xf32>
          %mul3A_1012 = vector.broadcast %squeeze3A_364 : f32 to vector<16xf32>
          %mul3A_1013 = arith.mulf %mul3A_1012, %bitcast3A_1008 : vector<16xf32>
          %add3A_1014 = arith.addf %add3A_996, %mul3A_1013 : vector<16xf32>
          %swap3A_1015 = arith.index_cast %scan3A_336 : i32 to index
          %swap3A_1016 = arith.constant 64 : index
          %swap3A_1017 = tpu.vector_load %arg17[%swap3A_1015, %swap3A_1016] {strides = array<i32>} : memref<24x128xf32, #tpu.memory_space<vmem>>, vector<16xf32>,
          tpu.vector_store %arg17[%swap3A_1015, %swap3A_1016], %add3A_1011 {strides = array<i32>} : memref<24x128xf32, #tpu.memory_space<vmem>>, vector<16xf32>,
          %swap3A_1018 = arith.index_cast %scan3A_336 : i32 to index
          %swap3A_1019 = arith.constant 80 : index
          %swap3A_1020 = tpu.vector_load %arg17[%swap3A_1018, %swap3A_1019] {strides = array<i32>} : memref<24x128xf32, #tpu.memory_space<vmem>>, vector<16xf32>,
          tpu.vector_store %arg17[%swap3A_1018, %swap3A_1019], %add3A_1014 {strides = array<i32>} : memref<24x128xf32, #tpu.memory_space<vmem>>, vector<16xf32>,
          %get3A_1021 = arith.index_cast %scan3A_336 : i32 to index
          %get3A_1022 = arith.constant 96 : index
          %get3A_1023 = tpu.vector_load %arg11[%get3A_1021, %get3A_1022] {strides = array<i32>} : memref<24x1536xbf16, #tpu.memory_space<vmem>>, vector<32xbf16>,
          %bitcast3A_1024 = vector.bitcast %get3A_1023 : vector<32xbf16> to vector<16xi32>
          %shift_left3A_1025 = arith.constant 16 : i32
          %shift_left3A_1026 = vector.broadcast %shift_left3A_1025 : i32 to vector<16xi32>
          %shift_left3A_1027 = arith.shli %bitcast3A_1024, %shift_left3A_1026 : vector<16xi32>
          %bitcast3A_1028 = vector.bitcast %shift_left3A_1027 : vector<16xi32> to vector<16xf32>
          %and3A_1029 = arith.constant -65536 : i32
          %and3A_1030 = vector.broadcast %and3A_1029 : i32 to vector<16xi32>
          %and3A_1031 = arith.andi %bitcast3A_1024, %and3A_1030 : vector<16xi32>
          %bitcast3A_1032 = vector.bitcast %and3A_1031 : vector<16xi32> to vector<16xf32>
          %mul3A_1033 = vector.broadcast %squeeze3A : f32 to vector<16xf32>
          %mul3A_1034 = arith.mulf %mul3A_1033, %bitcast3A_1028 : vector<16xf32>
          %mul3A_1035 = vector.broadcast %squeeze3A : f32 to vector<16xf32>
          %mul3A_1036 = arith.mulf %mul3A_1035, %bitcast3A_1032 : vector<16xf32>
          %get3A_1037 = arith.index_cast %scan3A_336 : i32 to index
          %get3A_1038 = arith.constant 224 : index
          %get3A_1039 = tpu.vector_load %arg11[%get3A_1037, %get3A_1038] {strides = array<i32>} : memref<24x1536xbf16, #tpu.memory_space<vmem>>, vector<32xbf16>,
          %bitcast3A_1040 = vector.bitcast %get3A_1039 : vector<32xbf16> to vector<16xi32>
          %shift_left3A_1041 = arith.constant 16 : i32
          %shift_left3A_1042 = vector.broadcast %shift_left3A_1041 : i32 to vector<16xi32>
          %shift_left3A_1043 = arith.shli %bitcast3A_1040, %shift_left3A_1042 : vector<16xi32>
          %bitcast3A_1044 = vector.bitcast %shift_left3A_1043 : vector<16xi32> to vector<16xf32>
          %and3A_1045 = arith.constant -65536 : i32
          %and3A_1046 = vector.broadcast %and3A_1045 : i32 to vector<16xi32>
          %and3A_1047 = arith.andi %bitcast3A_1040, %and3A_1046 : vector<16xi32>
          %bitcast3A_1048 = vector.bitcast %and3A_1047 : vector<16xi32> to vector<16xf32>
          %mul3A_1049 = vector.broadcast %squeeze3A_344 : f32 to vector<16xf32>
          %mul3A_1050 = arith.mulf %mul3A_1049, %bitcast3A_1044 : vector<16xf32>
          %add3A_1051 = arith.addf %mul3A_1034, %mul3A_1050 : vector<16xf32>
          %mul3A_1052 = vector.broadcast %squeeze3A_344 : f32 to vector<16xf32>
          %mul3A_1053 = arith.mulf %mul3A_1052, %bitcast3A_1048 : vector<16xf32>
          %add3A_1054 = arith.addf %mul3A_1036, %mul3A_1053 : vector<16xf32>
          %get3A_1055 = arith.index_cast %scan3A_336 : i32 to index
          %get3A_1056 = arith.constant 352 : index
          %get3A_1057 = tpu.vector_load %arg11[%get3A_1055, %get3A_1056] {strides = array<i32>} : memref<24x1536xbf16, #tpu.memory_space<vmem>>, vector<32xbf16>,
          %bitcast3A_1058 = vector.bitcast %get3A_1057 : vector<32xbf16> to vector<16xi32>
          %shift_left3A_1059 = arith.constant 16 : i32
          %shift_left3A_1060 = vector.broadcast %shift_left3A_1059 : i32 to vector<16xi32>
          %shift_left3A_1061 = arith.shli %bitcast3A_1058, %shift_left3A_1060 : vector<16xi32>
          %bitcast3A_1062 = vector.bitcast %shift_left3A_1061 : vector<16xi32> to vector<16xf32>
          %and3A_1063 = arith.constant -65536 : i32
          %and3A_1064 = vector.broadcast %and3A_1063 : i32 to vector<16xi32>
          %and3A_1065 = arith.andi %bitcast3A_1058, %and3A_1064 : vector<16xi32>
          %bitcast3A_1066 = vector.bitcast %and3A_1065 : vector<16xi32> to vector<16xf32>
          %mul3A_1067 = vector.broadcast %squeeze3A_346 : f32 to vector<16xf32>
          %mul3A_1068 = arith.mulf %mul3A_1067, %bitcast3A_1062 : vector<16xf32>
          %add3A_1069 = arith.addf %add3A_1051, %mul3A_1068 : vector<16xf32>
          %mul3A_1070 = vector.broadcast %squeeze3A_346 : f32 to vector<16xf32>
          %mul3A_1071 = arith.mulf %mul3A_1070, %bitcast3A_1066 : vector<16xf32>
          %add3A_1072 = arith.addf %add3A_1054, %mul3A_1071 : vector<16xf32>
          %get3A_1073 = arith.index_cast %scan3A_336 : i32 to index
          %get3A_1074 = arith.constant 480 : index
          %get3A_1075 = tpu.vector_load %arg11[%get3A_1073, %get3A_1074] {strides = array<i32>} : memref<24x1536xbf16, #tpu.memory_space<vmem>>, vector<32xbf16>,
          %bitcast3A_1076 = vector.bitcast %get3A_1075 : vector<32xbf16> to vector<16xi32>
          %shift_left3A_1077 = arith.constant 16 : i32
          %shift_left3A_1078 = vector.broadcast %shift_left3A_1077 : i32 to vector<16xi32>
          %shift_left3A_1079 = arith.shli %bitcast3A_1076, %shift_left3A_1078 : vector<16xi32>
          %bitcast3A_1080 = vector.bitcast %shift_left3A_1079 : vector<16xi32> to vector<16xf32>
          %and3A_1081 = arith.constant -65536 : i32
          %and3A_1082 = vector.broadcast %and3A_1081 : i32 to vector<16xi32>
          %and3A_1083 = arith.andi %bitcast3A_1076, %and3A_1082 : vector<16xi32>
          %bitcast3A_1084 = vector.bitcast %and3A_1083 : vector<16xi32> to vector<16xf32>
          %mul3A_1085 = vector.broadcast %squeeze3A_348 : f32 to vector<16xf32>
          %mul3A_1086 = arith.mulf %mul3A_1085, %bitcast3A_1080 : vector<16xf32>
          %add3A_1087 = arith.addf %add3A_1069, %mul3A_1086 : vector<16xf32>
          %mul3A_1088 = vector.broadcast %squeeze3A_348 : f32 to vector<16xf32>
          %mul3A_1089 = arith.mulf %mul3A_1088, %bitcast3A_1084 : vector<16xf32>
          %add3A_1090 = arith.addf %add3A_1072, %mul3A_1089 : vector<16xf32>
          %get3A_1091 = arith.index_cast %scan3A_336 : i32 to index
          %get3A_1092 = arith.constant 608 : index
          %get3A_1093 = tpu.vector_load %arg11[%get3A_1091, %get3A_1092] {strides = array<i32>} : memref<24x1536xbf16, #tpu.memory_space<vmem>>, vector<32xbf16>,
          %bitcast3A_1094 = vector.bitcast %get3A_1093 : vector<32xbf16> to vector<16xi32>
          %shift_left3A_1095 = arith.constant 16 : i32
          %shift_left3A_1096 = vector.broadcast %shift_left3A_1095 : i32 to vector<16xi32>
          %shift_left3A_1097 = arith.shli %bitcast3A_1094, %shift_left3A_1096 : vector<16xi32>
          %bitcast3A_1098 = vector.bitcast %shift_left3A_1097 : vector<16xi32> to vector<16xf32>
          %and3A_1099 = arith.constant -65536 : i32
          %and3A_1100 = vector.broadcast %and3A_1099 : i32 to vector<16xi32>
          %and3A_1101 = arith.andi %bitcast3A_1094, %and3A_1100 : vector<16xi32>
          %bitcast3A_1102 = vector.bitcast %and3A_1101 : vector<16xi32> to vector<16xf32>
          %mul3A_1103 = vector.broadcast %squeeze3A_350 : f32 to vector<16xf32>
          %mul3A_1104 = arith.mulf %mul3A_1103, %bitcast3A_1098 : vector<16xf32>
          %add3A_1105 = arith.addf %add3A_1087, %mul3A_1104 : vector<16xf32>
          %mul3A_1106 = vector.broadcast %squeeze3A_350 : f32 to vector<16xf32>
          %mul3A_1107 = arith.mulf %mul3A_1106, %bitcast3A_1102 : vector<16xf32>
          %add3A_1108 = arith.addf %add3A_1090, %mul3A_1107 : vector<16xf32>
          %get3A_1109 = arith.index_cast %scan3A_336 : i32 to index
          %get3A_1110 = arith.constant 736 : index
          %get3A_1111 = tpu.vector_load %arg11[%get3A_1109, %get3A_1110] {strides = array<i32>} : memref<24x1536xbf16, #tpu.memory_space<vmem>>, vector<32xbf16>,
          %bitcast3A_1112 = vector.bitcast %get3A_1111 : vector<32xbf16> to vector<16xi32>
          %shift_left3A_1113 = arith.constant 16 : i32
          %shift_left3A_1114 = vector.broadcast %shift_left3A_1113 : i32 to vector<16xi32>
          %shift_left3A_1115 = arith.shli %bitcast3A_1112, %shift_left3A_1114 : vector<16xi32>
          %bitcast3A_1116 = vector.bitcast %shift_left3A_1115 : vector<16xi32> to vector<16xf32>
          %and3A_1117 = arith.constant -65536 : i32
          %and3A_1118 = vector.broadcast %and3A_1117 : i32 to vector<16xi32>
          %and3A_1119 = arith.andi %bitcast3A_1112, %and3A_1118 : vector<16xi32>
          %bitcast3A_1120 = vector.bitcast %and3A_1119 : vector<16xi32> to vector<16xf32>
          %mul3A_1121 = vector.broadcast %squeeze3A_352 : f32 to vector<16xf32>
          %mul3A_1122 = arith.mulf %mul3A_1121, %bitcast3A_1116 : vector<16xf32>
          %add3A_1123 = arith.addf %add3A_1105, %mul3A_1122 : vector<16xf32>
          %mul3A_1124 = vector.broadcast %squeeze3A_352 : f32 to vector<16xf32>
          %mul3A_1125 = arith.mulf %mul3A_1124, %bitcast3A_1120 : vector<16xf32>
          %add3A_1126 = arith.addf %add3A_1108, %mul3A_1125 : vector<16xf32>
          %get3A_1127 = arith.index_cast %scan3A_336 : i32 to index
          %get3A_1128 = arith.constant 864 : index
          %get3A_1129 = tpu.vector_load %arg11[%get3A_1127, %get3A_1128] {strides = array<i32>} : memref<24x1536xbf16, #tpu.memory_space<vmem>>, vector<32xbf16>,
          %bitcast3A_1130 = vector.bitcast %get3A_1129 : vector<32xbf16> to vector<16xi32>
          %shift_left3A_1131 = arith.constant 16 : i32
          %shift_left3A_1132 = vector.broadcast %shift_left3A_1131 : i32 to vector<16xi32>
          %shift_left3A_1133 = arith.shli %bitcast3A_1130, %shift_left3A_1132 : vector<16xi32>
          %bitcast3A_1134 = vector.bitcast %shift_left3A_1133 : vector<16xi32> to vector<16xf32>
          %and3A_1135 = arith.constant -65536 : i32
          %and3A_1136 = vector.broadcast %and3A_1135 : i32 to vector<16xi32>
          %and3A_1137 = arith.andi %bitcast3A_1130, %and3A_1136 : vector<16xi32>
          %bitcast3A_1138 = vector.bitcast %and3A_1137 : vector<16xi32> to vector<16xf32>
          %mul3A_1139 = vector.broadcast %squeeze3A_354 : f32 to vector<16xf32>
          %mul3A_1140 = arith.mulf %mul3A_1139, %bitcast3A_1134 : vector<16xf32>
          %add3A_1141 = arith.addf %add3A_1123, %mul3A_1140 : vector<16xf32>
          %mul3A_1142 = vector.broadcast %squeeze3A_354 : f32 to vector<16xf32>
          %mul3A_1143 = arith.mulf %mul3A_1142, %bitcast3A_1138 : vector<16xf32>
          %add3A_1144 = arith.addf %add3A_1126, %mul3A_1143 : vector<16xf32>
          %get3A_1145 = arith.index_cast %scan3A_336 : i32 to index
          %get3A_1146 = arith.constant 992 : index
          %get3A_1147 = tpu.vector_load %arg11[%get3A_1145, %get3A_1146] {strides = array<i32>} : memref<24x1536xbf16, #tpu.memory_space<vmem>>, vector<32xbf16>,
          %bitcast3A_1148 = vector.bitcast %get3A_1147 : vector<32xbf16> to vector<16xi32>
          %shift_left3A_1149 = arith.constant 16 : i32
          %shift_left3A_1150 = vector.broadcast %shift_left3A_1149 : i32 to vector<16xi32>
          %shift_left3A_1151 = arith.shli %bitcast3A_1148, %shift_left3A_1150 : vector<16xi32>
          %bitcast3A_1152 = vector.bitcast %shift_left3A_1151 : vector<16xi32> to vector<16xf32>
          %and3A_1153 = arith.constant -65536 : i32
          %and3A_1154 = vector.broadcast %and3A_1153 : i32 to vector<16xi32>
          %and3A_1155 = arith.andi %bitcast3A_1148, %and3A_1154 : vector<16xi32>
          %bitcast3A_1156 = vector.bitcast %and3A_1155 : vector<16xi32> to vector<16xf32>
          %mul3A_1157 = vector.broadcast %squeeze3A_356 : f32 to vector<16xf32>
          %mul3A_1158 = arith.mulf %mul3A_1157, %bitcast3A_1152 : vector<16xf32>
          %add3A_1159 = arith.addf %add3A_1141, %mul3A_1158 : vector<16xf32>
          %mul3A_1160 = vector.broadcast %squeeze3A_356 : f32 to vector<16xf32>
          %mul3A_1161 = arith.mulf %mul3A_1160, %bitcast3A_1156 : vector<16xf32>
          %add3A_1162 = arith.addf %add3A_1144, %mul3A_1161 : vector<16xf32>
          %get3A_1163 = arith.index_cast %scan3A_336 : i32 to index
          %get3A_1164 = arith.constant 1120 : index
          %get3A_1165 = tpu.vector_load %arg11[%get3A_1163, %get3A_1164] {strides = array<i32>} : memref<24x1536xbf16, #tpu.memory_space<vmem>>, vector<32xbf16>,
          %bitcast3A_1166 = vector.bitcast %get3A_1165 : vector<32xbf16> to vector<16xi32>
          %shift_left3A_1167 = arith.constant 16 : i32
          %shift_left3A_1168 = vector.broadcast %shift_left3A_1167 : i32 to vector<16xi32>
          %shift_left3A_1169 = arith.shli %bitcast3A_1166, %shift_left3A_1168 : vector<16xi32>
          %bitcast3A_1170 = vector.bitcast %shift_left3A_1169 : vector<16xi32> to vector<16xf32>
          %and3A_1171 = arith.constant -65536 : i32
          %and3A_1172 = vector.broadcast %and3A_1171 : i32 to vector<16xi32>
          %and3A_1173 = arith.andi %bitcast3A_1166, %and3A_1172 : vector<16xi32>
          %bitcast3A_1174 = vector.bitcast %and3A_1173 : vector<16xi32> to vector<16xf32>
          %mul3A_1175 = vector.broadcast %squeeze3A_358 : f32 to vector<16xf32>
          %mul3A_1176 = arith.mulf %mul3A_1175, %bitcast3A_1170 : vector<16xf32>
          %add3A_1177 = arith.addf %add3A_1159, %mul3A_1176 : vector<16xf32>
          %mul3A_1178 = vector.broadcast %squeeze3A_358 : f32 to vector<16xf32>
          %mul3A_1179 = arith.mulf %mul3A_1178, %bitcast3A_1174 : vector<16xf32>
          %add3A_1180 = arith.addf %add3A_1162, %mul3A_1179 : vector<16xf32>
          %get3A_1181 = arith.index_cast %scan3A_336 : i32 to index
          %get3A_1182 = arith.constant 1248 : index
          %get3A_1183 = tpu.vector_load %arg11[%get3A_1181, %get3A_1182] {strides = array<i32>} : memref<24x1536xbf16, #tpu.memory_space<vmem>>, vector<32xbf16>,
          %bitcast3A_1184 = vector.bitcast %get3A_1183 : vector<32xbf16> to vector<16xi32>
          %shift_left3A_1185 = arith.constant 16 : i32
          %shift_left3A_1186 = vector.broadcast %shift_left3A_1185 : i32 to vector<16xi32>
          %shift_left3A_1187 = arith.shli %bitcast3A_1184, %shift_left3A_1186 : vector<16xi32>
          %bitcast3A_1188 = vector.bitcast %shift_left3A_1187 : vector<16xi32> to vector<16xf32>
          %and3A_1189 = arith.constant -65536 : i32
          %and3A_1190 = vector.broadcast %and3A_1189 : i32 to vector<16xi32>
          %and3A_1191 = arith.andi %bitcast3A_1184, %and3A_1190 : vector<16xi32>
          %bitcast3A_1192 = vector.bitcast %and3A_1191 : vector<16xi32> to vector<16xf32>
          %mul3A_1193 = vector.broadcast %squeeze3A_360 : f32 to vector<16xf32>
          %mul3A_1194 = arith.mulf %mul3A_1193, %bitcast3A_1188 : vector<16xf32>
          %add3A_1195 = arith.addf %add3A_1177, %mul3A_1194 : vector<16xf32>
          %mul3A_1196 = vector.broadcast %squeeze3A_360 : f32 to vector<16xf32>
          %mul3A_1197 = arith.mulf %mul3A_1196, %bitcast3A_1192 : vector<16xf32>
          %add3A_1198 = arith.addf %add3A_1180, %mul3A_1197 : vector<16xf32>
          %get3A_1199 = arith.index_cast %scan3A_336 : i32 to index
          %get3A_1200 = arith.constant 1376 : index
          %get3A_1201 = tpu.vector_load %arg11[%get3A_1199, %get3A_1200] {strides = array<i32>} : memref<24x1536xbf16, #tpu.memory_space<vmem>>, vector<32xbf16>,
          %bitcast3A_1202 = vector.bitcast %get3A_1201 : vector<32xbf16> to vector<16xi32>
          %shift_left3A_1203 = arith.constant 16 : i32
          %shift_left3A_1204 = vector.broadcast %shift_left3A_1203 : i32 to vector<16xi32>
          %shift_left3A_1205 = arith.shli %bitcast3A_1202, %shift_left3A_1204 : vector<16xi32>
          %bitcast3A_1206 = vector.bitcast %shift_left3A_1205 : vector<16xi32> to vector<16xf32>
          %and3A_1207 = arith.constant -65536 : i32
          %and3A_1208 = vector.broadcast %and3A_1207 : i32 to vector<16xi32>
          %and3A_1209 = arith.andi %bitcast3A_1202, %and3A_1208 : vector<16xi32>
          %bitcast3A_1210 = vector.bitcast %and3A_1209 : vector<16xi32> to vector<16xf32>
          %mul3A_1211 = vector.broadcast %squeeze3A_362 : f32 to vector<16xf32>
          %mul3A_1212 = arith.mulf %mul3A_1211, %bitcast3A_1206 : vector<16xf32>
          %add3A_1213 = arith.addf %add3A_1195, %mul3A_1212 : vector<16xf32>
          %mul3A_1214 = vector.broadcast %squeeze3A_362 : f32 to vector<16xf32>
          %mul3A_1215 = arith.mulf %mul3A_1214, %bitcast3A_1210 : vector<16xf32>
          %add3A_1216 = arith.addf %add3A_1198, %mul3A_1215 : vector<16xf32>
          %get3A_1217 = arith.index_cast %scan3A_336 : i32 to index
          %get3A_1218 = arith.constant 1504 : index
          %get3A_1219 = tpu.vector_load %arg11[%get3A_1217, %get3A_1218] {strides = array<i32>} : memref<24x1536xbf16, #tpu.memory_space<vmem>>, vector<32xbf16>,
          %bitcast3A_1220 = vector.bitcast %get3A_1219 : vector<32xbf16> to vector<16xi32>
          %shift_left3A_1221 = arith.constant 16 : i32
          %shift_left3A_1222 = vector.broadcast %shift_left3A_1221 : i32 to vector<16xi32>
          %shift_left3A_1223 = arith.shli %bitcast3A_1220, %shift_left3A_1222 : vector<16xi32>
          %bitcast3A_1224 = vector.bitcast %shift_left3A_1223 : vector<16xi32> to vector<16xf32>
          %and3A_1225 = arith.constant -65536 : i32
          %and3A_1226 = vector.broadcast %and3A_1225 : i32 to vector<16xi32>
          %and3A_1227 = arith.andi %bitcast3A_1220, %and3A_1226 : vector<16xi32>
          %bitcast3A_1228 = vector.bitcast %and3A_1227 : vector<16xi32> to vector<16xf32>
          %mul3A_1229 = vector.broadcast %squeeze3A_364 : f32 to vector<16xf32>
          %mul3A_1230 = arith.mulf %mul3A_1229, %bitcast3A_1224 : vector<16xf32>
          %add3A_1231 = arith.addf %add3A_1213, %mul3A_1230 : vector<16xf32>
          %mul3A_1232 = vector.broadcast %squeeze3A_364 : f32 to vector<16xf32>
          %mul3A_1233 = arith.mulf %mul3A_1232, %bitcast3A_1228 : vector<16xf32>
          %add3A_1234 = arith.addf %add3A_1216, %mul3A_1233 : vector<16xf32>
          %swap3A_1235 = arith.index_cast %scan3A_336 : i32 to index
          %swap3A_1236 = arith.constant 96 : index
          %swap3A_1237 = tpu.vector_load %arg17[%swap3A_1235, %swap3A_1236] {strides = array<i32>} : memref<24x128xf32, #tpu.memory_space<vmem>>, vector<16xf32>,
          tpu.vector_store %arg17[%swap3A_1235, %swap3A_1236], %add3A_1231 {strides = array<i32>} : memref<24x128xf32, #tpu.memory_space<vmem>>, vector<16xf32>,
          %swap3A_1238 = arith.index_cast %scan3A_336 : i32 to index
          %swap3A_1239 = arith.constant 112 : index
          %swap3A_1240 = tpu.vector_load %arg17[%swap3A_1238, %swap3A_1239] {strides = array<i32>} : memref<24x128xf32, #tpu.memory_space<vmem>>, vector<16xf32>,
          tpu.vector_store %arg17[%swap3A_1238, %swap3A_1239], %add3A_1234 {strides = array<i32>} : memref<24x128xf32, #tpu.memory_space<vmem>>, vector<16xf32>,
        }
        %scan3A_322 = arith.constant 24 : i32
        %dma_start3A_323 = arith.constant 0 : i32
        %dma_start3A_324 = tpu.memref_slice %arg9[%add3A_292, %dma_start3A_323] : memref<8x24xi32, #tpu.memory_space<vmem>> -> memref<1x24xi32, #tpu.memory_space<vmem>>
        %dma_start3A_325 = tpu.memref_squeeze %dma_start3A_324 : memref<1x24xi32, #tpu.memory_space<vmem>> -> memref<24xi32, #tpu.memory_space<vmem>>
        %dma_start3A_326 = arith.constant 0 : i32
        %dma_start3A_327 = arith.constant 0 : i32
        %dma_start3A_328 = tpu.memref_slice %arg19[%dma_start3A_326, %dma_start3A_327] : memref<10240x128xf32, #tpu.memory_space<vmem_shared>> -> memref<10240x128xf32, #tpu.memory_space<vmem_shared>>
        tpu.enqueue_indirect_dma source(%arg17 : memref<24x128xf32, #tpu.memory_space<vmem>>) target(%dma_start3A_328 : memref<10240x128xf32, #tpu.memory_space<vmem_shared>>) offsets(%dma_start3A_325 : memref<24xi32, #tpu.memory_space<vmem>>) semaphore(%arg23 : memref<!tpu.dma_semaphore, #tpu.memory_space<semaphore_mem>>) {add = true}
        %add3A_329 = arith.constant 2 : i32
        %add3A_330 = arith.addi %add3A_292, %add3A_329 : i32
        %lt3A_331 = arith.constant 8 : i32
        %lt3A_332 = arith.cmpi slt, %add3A_330, %lt3A_331 : i32
        %convert_element_type3A_333 = arith.extui %lt3A_332 : i1 to i32
        %cond3A_334 = arith.constant 0 : i32
        %cond3A_335 = arith.cmpi ne, %convert_element_type3A_333, %cond3A_334 : i32
        scf.if %cond3A_335 {
          %add3A_336 = arith.constant 2 : i32
          %add3A_337 = arith.addi %add3A_292, %add3A_336 : i32
          %dma_start3A_338 = arith.constant 0 : i32
          %dma_start3A_339 = tpu.memref_slice %arg8[%add3A_337, %dma_start3A_338] : memref<8x24xi32, #tpu.memory_space<vmem>> -> memref<1x24xi32, #tpu.memory_space<vmem>>
          %dma_start3A_340 = tpu.memref_squeeze %dma_start3A_339 : memref<1x24xi32, #tpu.memory_space<vmem>> -> memref<24xi32, #tpu.memory_space<vmem>>
          %dma_start3A_341 = arith.constant 0 : i32
          %dma_start3A_342 = arith.constant 0 : i32
          %dma_start3A_343 = tpu.memref_slice %arg4[%dma_start3A_341, %dma_start3A_342] : memref<10000x1536xbf16, #tpu.memory_space<hbm>> -> memref<10000x1536xbf16, #tpu.memory_space<hbm>>
          tpu.enqueue_indirect_dma source(%dma_start3A_343 : memref<10000x1536xbf16, #tpu.memory_space<hbm>>) target(%arg11 : memref<24x1536xbf16, #tpu.memory_space<vmem>>) offsets(%dma_start3A_340 : memref<24xi32, #tpu.memory_space<vmem>>) semaphore(%arg21 : memref<!tpu.dma_semaphore, #tpu.memory_space<semaphore_mem>>)
          %dma_start3A_344 = arith.constant 0 : i32
          %dma_start3A_345 = tpu.memref_slice %arg9[%add3A_337, %dma_start3A_344] : memref<8x24xi32, #tpu.memory_space<vmem>> -> memref<1x24xi32, #tpu.memory_space<vmem>>
          %dma_start3A_346 = tpu.memref_squeeze %dma_start3A_345 : memref<1x24xi32, #tpu.memory_space<vmem>> -> memref<24xi32, #tpu.memory_space<vmem>>
          %dma_start3A_347 = arith.constant 0 : i32
          %dma_start3A_348 = arith.constant 0 : i32
          %dma_start3A_349 = tpu.memref_slice %arg6[%dma_start3A_347, %dma_start3A_348] : memref<10240x16xf32, #tpu.memory_space<hbm>> -> memref<10240x16xf32, #tpu.memory_space<hbm>>
          tpu.enqueue_indirect_dma source(%dma_start3A_349 : memref<10240x16xf32, #tpu.memory_space<hbm>>) target(%arg15 : memref<24x16xf32, #tpu.memory_space<vmem>>) offsets(%dma_start3A_346 : memref<24xi32, #tpu.memory_space<vmem>>) semaphore(%arg21 : memref<!tpu.dma_semaphore, #tpu.memory_space<semaphore_mem>>)
          %add3A_350 = arith.addi %add3A_182, %add3A_292 : i32
          %add3A_351 = arith.constant 2 : i32
          %add3A_352 = arith.addi %add3A_350, %add3A_351 : i32
          %mul3A_353 = arith.constant 24 : i32
          %mul3A_354 = arith.muli %add3A_352, %mul3A_353 : i32
          %dma_start3A_355 = arith.constant 0 : i32
          %dma_start3A_356 = tpu.memref_slice %arg5[%mul3A_354, %dma_start3A_355] : memref<331776x16xf32, #tpu.memory_space<hbm>> -> memref<24x16xf32, #tpu.memory_space<hbm>>
          %dma_start3A_357 = arith.constant 0 : i32
          %dma_start3A_358 = tpu.memref_slice %arg5[%mul3A_354, %dma_start3A_357] : memref<331776x16xf32, #tpu.memory_space<hbm>> -> memref<24x16xf32, #tpu.memory_space<hbm>>
          tpu.enqueue_dma source(%dma_start3A_358 : memref<24x16xf32, #tpu.memory_space<hbm>>) target(%arg13 : memref<24x16xf32, #tpu.memory_space<vmem>>) target_semaphore(%arg21 : memref<!tpu.dma_semaphore, #tpu.memory_space<semaphore_mem>>)
        } else {
        }
      }
      %scan3A_231 = arith.constant 4 : i32
      %dma_wait3A = arith.constant 6 : i32
      %dma_wait3A_232 = arith.constant 0 : i32
      %dma_wait3A_233 = tpu.memref_slice %arg9[%dma_wait3A, %dma_wait3A_232] : memref<8x24xi32, #tpu.memory_space<vmem>> -> memref<1x24xi32, #tpu.memory_space<vmem>>
      %dma_wait3A_234 = tpu.memref_squeeze %dma_wait3A_233 : memref<1x24xi32, #tpu.memory_space<vmem>> -> memref<24xi32, #tpu.memory_space<vmem>>
      %dma_wait3A_235 = arith.constant 0 : i32
      %dma_wait3A_236 = arith.constant 0 : i32
      %dma_wait3A_237 = tpu.memref_slice %arg19[%dma_wait3A_235, %dma_wait3A_236] : memref<10240x128xf32, #tpu.memory_space<vmem_shared>> -> memref<10240x128xf32, #tpu.memory_space<vmem_shared>>
      tpu.wait_indirect_dma semaphore(%arg22 : memref<!tpu.dma_semaphore, #tpu.memory_space<semaphore_mem>>) src(%arg16 : memref<24x128xf32, #tpu.memory_space<vmem>>) dst(%dma_wait3A_237 : memref<10240x128xf32, #tpu.memory_space<vmem_shared>>)
      %dma_wait3A_238 = arith.constant 7 : i32
      %dma_wait3A_239 = arith.constant 0 : i32
      %dma_wait3A_240 = tpu.memref_slice %arg9[%dma_wait3A_238, %dma_wait3A_239] : memref<8x24xi32, #tpu.memory_space<vmem>> -> memref<1x24xi32, #tpu.memory_space<vmem>>
      %dma_wait3A_241 = tpu.memref_squeeze %dma_wait3A_240 : memref<1x24xi32, #tpu.memory_space<vmem>> -> memref<24xi32, #tpu.memory_space<vmem>>
      %dma_wait3A_242 = arith.constant 0 : i32
      %dma_wait3A_243 = arith.constant 0 : i32
      %dma_wait3A_244 = tpu.memref_slice %arg19[%dma_wait3A_242, %dma_wait3A_243] : memref<10240x128xf32, #tpu.memory_space<vmem_shared>> -> memref<10240x128xf32, #tpu.memory_space<vmem_shared>>
      tpu.wait_indirect_dma semaphore(%arg23 : memref<!tpu.dma_semaphore, #tpu.memory_space<semaphore_mem>>) src(%arg17 : memref<24x128xf32, #tpu.memory_space<vmem>>) dst(%dma_wait3A_244 : memref<10240x128xf32, #tpu.memory_space<vmem_shared>>)
    }
    %scan3A_171 = arith.constant 54 : i32
    %barrier3A_172 = arith.constant 0 : index
    tpu.barrier barrier_id(%barrier3A_172)
    %mul3A_173 = arith.constant 640 : i32
    %mul3A_174 = arith.muli %arg1, %mul3A_173 : i32
    %mul3A_175 = arith.constant 640 : i32
    %mul3A_176 = arith.muli %arg1, %mul3A_175 : i32
    "tpu.region"() ({
      %run_scoped3A = tpu.sem_alloc : memref<!tpu.dma_semaphore, #tpu.memory_space<semaphore_mem>>
      %dma_start3A = arith.constant 0 : i32
      %dma_start3A_177 = tpu.memref_slice %arg7[%arg0, %mul3A_176, %dma_start3A] : memref<2x10240x128xf32, #tpu.memory_space<hbm>> -> memref<1x640x128xf32, #tpu.memory_space<hbm>>
      %dma_start3A_178 = tpu.memref_squeeze %dma_start3A_177 : memref<1x640x128xf32, #tpu.memory_space<hbm>> -> memref<640x128xf32, #tpu.memory_space<hbm>>
      %dma_start3A_179 = arith.constant 0 : i32
      %dma_start3A_180 = tpu.memref_slice %arg19[%mul3A_174, %dma_start3A_179] : memref<10240x128xf32, #tpu.memory_space<vmem_shared>> -> memref<640x128xf32, #tpu.memory_space<vmem_shared>>
      tpu.enqueue_dma source(%dma_start3A_180 : memref<640x128xf32, #tpu.memory_space<vmem_shared>>) target(%dma_start3A_178 : memref<640x128xf32, #tpu.memory_space<hbm>>) target_semaphore(%run_scoped3A : memref<!tpu.dma_semaphore, #tpu.memory_space<semaphore_mem>>)
      %dma_wait3A = arith.constant 0 : i32
      %dma_wait3A_181 = tpu.memref_slice %arg7[%arg0, %mul3A_176, %dma_wait3A] : memref<2x10240x128xf32, #tpu.memory_space<hbm>> -> memref<1x640x128xf32, #tpu.memory_space<hbm>>
      %dma_wait3A_182 = tpu.memref_squeeze %dma_wait3A_181 : memref<1x640x128xf32, #tpu.memory_space<hbm>> -> memref<640x128xf32, #tpu.memory_space<hbm>>
      %dma_wait3A_183 = arith.constant 0 : i32
      %dma_wait3A_184 = tpu.memref_slice %arg19[%mul3A_174, %dma_wait3A_183] : memref<10240x128xf32, #tpu.memory_space<vmem_shared>> -> memref<640x128xf32, #tpu.memory_space<vmem_shared>>
      tpu.wait_dma2 semaphore(%run_scoped3A : memref<!tpu.dma_semaphore, #tpu.memory_space<semaphore_mem>>) src(%dma_wait3A_184 : memref<640x128xf32, #tpu.memory_space<vmem_shared>>) dst(%dma_wait3A_182 : memref<640x128xf32, #tpu.memory_space<hbm>>)
      tpu.yield
    }) : () -> ()
    return
  }
}

module attributes {stable_mosaic.version = 14 : i64} {
  func.func @_tc_prologue_body(%arg0: i32, %arg1: memref<2000x128xf32, #tpu.memory_space<vmem>>, %arg2: memref<128x128xf32, #tpu.memory_space<vmem>>, %arg3: memref<1x128xf32, #tpu.memory_space<vmem>>, %arg4: memref<128x1536xf32, #tpu.memory_space<vmem>>, %arg5: memref<1536x16xf32, #tpu.memory_space<vmem>>, %arg6: memref<1536x16xf32, #tpu.memory_space<vmem>>, %arg7: memref<2000x128xf32, #tpu.memory_space<vmem>>, %arg8: memref<2000x1536xbf16, #tpu.memory_space<vmem>>, %arg9: memref<2000x16xf32, #tpu.memory_space<vmem>>, %arg10: memref<2000x16xf32, #tpu.memory_space<vmem>>, %arg11: memref<8x16xf32, #tpu.memory_space<vmem>>) attributes {dimension_semantics = [#tpu.dimension_semantics<arbitrary>], iteration_bounds = array<i64: 5>, scalar_prefetch = 0 : i64, scratch_operands = 0 : i64, tpu.core_type = #tpu.core_type<tc>, window_params = [{transform_indices = @transform_0, window_bounds = array<i64: 2000, 128>}, {pipeline_mode = #tpu.pipeline_mode<synchronous>, transform_indices = @transform_1, window_bounds = array<i64: 128, 128>}, {pipeline_mode = #tpu.pipeline_mode<synchronous>, transform_indices = @transform_2, window_bounds = array<i64: 1, 128>}, {pipeline_mode = #tpu.pipeline_mode<synchronous>, transform_indices = @transform_3, window_bounds = array<i64: 128, 1536>}, {pipeline_mode = #tpu.pipeline_mode<synchronous>, transform_indices = @transform_4, window_bounds = array<i64: 1536, 16>}, {pipeline_mode = #tpu.pipeline_mode<synchronous>, transform_indices = @transform_5, window_bounds = array<i64: 1536, 16>}, {transform_indices = @transform_6, window_bounds = array<i64: 2000, 128>}, {transform_indices = @transform_7, window_bounds = array<i64: 2000, 1536>}, {transform_indices = @transform_8, window_bounds = array<i64: 2000, 16>}, {transform_indices = @transform_9, window_bounds = array<i64: 2000, 16>}, {pipeline_mode = #tpu.pipeline_mode<synchronous>, transform_indices = @transform_10, window_bounds = array<i64: 8, 16>}]} {
    %get3A = arith.constant 0 : index
    %get3A_0 = arith.constant 0 : index
    %get3A_1 = vector.load %arg1[%get3A, %get3A_0] : memref<2000x128xf32, #tpu.memory_space<vmem>>, vector<2000x128xf32>
    %get3A_2 = arith.constant 0 : index
    %get3A_3 = arith.constant 0 : index
    %get3A_4 = vector.load %arg2[%get3A_2, %get3A_3] : memref<128x128xf32, #tpu.memory_space<vmem>>, vector<128x128xf32>
    %dot_general3A = arith.constant dense<0.000000e+00> : vector<2000x128xf32>
    %dot_general3A_5 = tpu.matmul %get3A_1, %get3A_4, %dot_general3A {dimension_numbers = #tpu.dot_dimension_numbers<[1], [0], [0], [1], [0, 0, 1, 1], [], []>, transpose_lhs_hint = false} : vector<2000x128xf32>, vector<128x128xf32>, vector<2000x128xf32> -> vector<2000x128xf32>
    %get3A_6 = arith.constant 0 : index
    %get3A_7 = arith.constant 0 : index
    %get3A_8 = vector.load %arg3[%get3A_6, %get3A_7] : memref<1x128xf32, #tpu.memory_space<vmem>>, vector<1x128xf32>
    %add3A = vector.broadcast %get3A_8 : vector<1x128xf32> to vector<2000x128xf32>
    %add3A_9 = arith.addf %dot_general3A_5, %add3A : vector<2000x128xf32>
    %max3A = arith.constant 0.000000e+00 : f32
    %max3A_10 = vector.broadcast %max3A : f32 to vector<2000x128xf32>
    %max3A_11 = arith.maximumf %add3A_9, %max3A_10 : vector<2000x128xf32>
    %get3A_12 = arith.constant 0 : index
    %get3A_13 = arith.constant 0 : index
    %get3A_14 = vector.load %arg4[%get3A_12, %get3A_13] : memref<128x1536xf32, #tpu.memory_space<vmem>>, vector<128x1536xf32>
    %dot_general3A_15 = arith.constant dense<0.000000e+00> : vector<2000x1536xf32>
    %dot_general3A_16 = tpu.matmul %max3A_11, %get3A_14, %dot_general3A_15 {dimension_numbers = #tpu.dot_dimension_numbers<[1], [0], [0], [1], [0, 0, 1, 1], [], []>, transpose_lhs_hint = false} : vector<2000x128xf32>, vector<128x1536xf32>, vector<2000x1536xf32> -> vector<2000x1536xf32>
    %get3A_17 = arith.constant 0 : index
    %get3A_18 = arith.constant 0 : index
    %get3A_19 = vector.load %arg5[%get3A_17, %get3A_18] : memref<1536x16xf32, #tpu.memory_space<vmem>>, vector<1536x16xf32>
    %dot_general3A_20 = arith.constant dense<0.000000e+00> : vector<2000x16xf32>
    %dot_general3A_21 = tpu.matmul %dot_general3A_16, %get3A_19, %dot_general3A_20 {dimension_numbers = #tpu.dot_dimension_numbers<[1], [0], [0], [1], [0, 0, 1, 1], [], []>, transpose_lhs_hint = false} : vector<2000x1536xf32>, vector<1536x16xf32>, vector<2000x16xf32> -> vector<2000x16xf32>
    %get3A_22 = arith.constant 0 : index
    %get3A_23 = arith.constant 0 : index
    %get3A_24 = vector.load %arg6[%get3A_22, %get3A_23] : memref<1536x16xf32, #tpu.memory_space<vmem>>, vector<1536x16xf32>
    %dot_general3A_25 = arith.constant dense<0.000000e+00> : vector<2000x16xf32>
    %dot_general3A_26 = tpu.matmul %dot_general3A_16, %get3A_24, %dot_general3A_25 {dimension_numbers = #tpu.dot_dimension_numbers<[1], [0], [0], [1], [0, 0, 1, 1], [], []>, transpose_lhs_hint = false} : vector<2000x1536xf32>, vector<1536x16xf32>, vector<2000x16xf32> -> vector<2000x16xf32>
    %swap3A = arith.constant 0 : index
    %swap3A_27 = arith.constant 0 : index
    %swap3A_28 = vector.load %arg7[%swap3A, %swap3A_27] : memref<2000x128xf32, #tpu.memory_space<vmem>>, vector<2000x128xf32>
    tpu.vector_store %arg7[%swap3A, %swap3A_27], %max3A_11 {strides = array<i32>} : memref<2000x128xf32, #tpu.memory_space<vmem>>, vector<2000x128xf32>,
    %convert_element_type3A = arith.truncf %dot_general3A_16 : vector<2000x1536xf32> to vector<2000x1536xbf16>
    %swap3A_29 = arith.constant 0 : index
    %swap3A_30 = arith.constant 0 : index
    %swap3A_31 = vector.load %arg8[%swap3A_29, %swap3A_30] : memref<2000x1536xbf16, #tpu.memory_space<vmem>>, vector<2000x1536xbf16>
    tpu.vector_store %arg8[%swap3A_29, %swap3A_30], %convert_element_type3A {strides = array<i32>} : memref<2000x1536xbf16, #tpu.memory_space<vmem>>, vector<2000x1536xbf16>,
    %swap3A_32 = arith.constant 0 : index
    %swap3A_33 = arith.constant 0 : index
    %swap3A_34 = vector.load %arg9[%swap3A_32, %swap3A_33] : memref<2000x16xf32, #tpu.memory_space<vmem>>, vector<2000x16xf32>
    tpu.vector_store %arg9[%swap3A_32, %swap3A_33], %dot_general3A_21 {strides = array<i32>} : memref<2000x16xf32, #tpu.memory_space<vmem>>, vector<2000x16xf32>,
    %swap3A_35 = arith.constant 0 : index
    %swap3A_36 = arith.constant 0 : index
    %swap3A_37 = vector.load %arg10[%swap3A_35, %swap3A_36] : memref<2000x16xf32, #tpu.memory_space<vmem>>, vector<2000x16xf32>
    tpu.vector_store %arg10[%swap3A_35, %swap3A_36], %dot_general3A_26 {strides = array<i32>} : memref<2000x16xf32, #tpu.memory_space<vmem>>, vector<2000x16xf32>,
    %reduce_max3A = arith.constant dense<0xFF800000> : vector<16xf32>
    %reduce_max3A_38 = vector.multi_reduction <maximumf>, %dot_general3A_21, %reduce_max3A [0] : vector<2000x16xf32> to vector<16xf32>
    %broadcast_in_dim3A = vector.shape_cast %reduce_max3A_38 : vector<16xf32> to vector<1x16xf32>
    %broadcast_in_dim3A_39 = vector.broadcast %broadcast_in_dim3A : vector<1x16xf32> to vector<8x16xf32>
    %eq3A = arith.constant 0 : i32
    %eq3A_40 = arith.cmpi eq, %arg0, %eq3A : i32
    %convert_element_type3A_41 = arith.extui %eq3A_40 : i1 to i32
    %cond3A = arith.constant 0 : i32
    %cond3A_42 = arith.cmpi ne, %convert_element_type3A_41, %cond3A : i32
    scf.if %cond3A_42 {
      %swap3A_47 = arith.constant 0 : index
      %swap3A_48 = arith.constant 0 : index
      %swap3A_49 = vector.load %arg11[%swap3A_47, %swap3A_48] : memref<8x16xf32, #tpu.memory_space<vmem>>, vector<8x16xf32>
      tpu.vector_store %arg11[%swap3A_47, %swap3A_48], %broadcast_in_dim3A_39 {strides = array<i32>} : memref<8x16xf32, #tpu.memory_space<vmem>>, vector<8x16xf32>,
    } else {
    }
    %gt3A = arith.constant 0 : i32
    %gt3A_43 = arith.cmpi sgt, %arg0, %gt3A : i32
    %convert_element_type3A_44 = arith.extui %gt3A_43 : i1 to i32
    %cond3A_45 = arith.constant 0 : i32
    %cond3A_46 = arith.cmpi ne, %convert_element_type3A_44, %cond3A_45 : i32
    scf.if %cond3A_46 {
      %get3A_47 = arith.constant 0 : index
      %get3A_48 = arith.constant 0 : index
      %get3A_49 = vector.load %arg11[%get3A_47, %get3A_48] : memref<8x16xf32, #tpu.memory_space<vmem>>, vector<8x16xf32>
      %max3A_50 = arith.maximumf %get3A_49, %broadcast_in_dim3A_39 : vector<8x16xf32>
      %swap3A_51 = arith.constant 0 : index
      %swap3A_52 = arith.constant 0 : index
      %swap3A_53 = vector.load %arg11[%swap3A_51, %swap3A_52] : memref<8x16xf32, #tpu.memory_space<vmem>>, vector<8x16xf32>
      tpu.vector_store %arg11[%swap3A_51, %swap3A_52], %max3A_50 {strides = array<i32>} : memref<8x16xf32, #tpu.memory_space<vmem>>, vector<8x16xf32>,
    } else {
    }
    return
  }
  func.func @transform_0(%arg0: i32) -> (i32, i32) {
    %c0_i32 = arith.constant 0 : i32
    %c0_i32_0 = arith.constant 0 : i32
    return %arg0, %c0_i32 : i32, i32
  }
  func.func @transform_1(%arg0: i32) -> (i32, i32) {
    %c0_i32 = arith.constant 0 : i32
    %c0_i32_0 = arith.constant 0 : i32
    %c0_i32_1 = arith.constant 0 : i32
    return %c0_i32, %c0_i32_0 : i32, i32
  }
  func.func @transform_2(%arg0: i32) -> (i32, i32) {
    %c0_i32 = arith.constant 0 : i32
    %c0_i32_0 = arith.constant 0 : i32
    %c0_i32_1 = arith.constant 0 : i32
    return %c0_i32, %c0_i32_0 : i32, i32
  }
  func.func @transform_3(%arg0: i32) -> (i32, i32) {
    %c0_i32 = arith.constant 0 : i32
    %c0_i32_0 = arith.constant 0 : i32
    %c0_i32_1 = arith.constant 0 : i32
    return %c0_i32, %c0_i32_0 : i32, i32
  }
  func.func @transform_4(%arg0: i32) -> (i32, i32) {
    %c0_i32 = arith.constant 0 : i32
    %c0_i32_0 = arith.constant 0 : i32
    %c0_i32_1 = arith.constant 0 : i32
    return %c0_i32, %c0_i32_0 : i32, i32
  }
  func.func @transform_5(%arg0: i32) -> (i32, i32) {
    %c0_i32 = arith.constant 0 : i32
    %c0_i32_0 = arith.constant 0 : i32
    %c0_i32_1 = arith.constant 0 : i32
    return %c0_i32, %c0_i32_0 : i32, i32
  }
  func.func @transform_6(%arg0: i32) -> (i32, i32) {
    %c0_i32 = arith.constant 0 : i32
    %c0_i32_0 = arith.constant 0 : i32
    return %arg0, %c0_i32 : i32, i32
  }
  func.func @transform_7(%arg0: i32) -> (i32, i32) {
    %c0_i32 = arith.constant 0 : i32
    %c0_i32_0 = arith.constant 0 : i32
    return %arg0, %c0_i32 : i32, i32
  }
  func.func @transform_8(%arg0: i32) -> (i32, i32) {
    %c0_i32 = arith.constant 0 : i32
    %c0_i32_0 = arith.constant 0 : i32
    return %arg0, %c0_i32 : i32, i32
  }
  func.func @transform_9(%arg0: i32) -> (i32, i32) {
    %c0_i32 = arith.constant 0 : i32
    %c0_i32_0 = arith.constant 0 : i32
    return %arg0, %c0_i32 : i32, i32
  }
  func.func @transform_10(%arg0: i32) -> (i32, i32) {
    %c0_i32 = arith.constant 0 : i32
    %c0_i32_0 = arith.constant 0 : i32
    %c0_i32_1 = arith.constant 0 : i32
    return %c0_i32, %c0_i32_0 : i32, i32
  }
}

module attributes {stable_mosaic.version = 14 : i64} {
  func.func @_tc_invden_body(%arg0: i32, %arg1: memref<2x1280x16xf32, #tpu.memory_space<vmem>>, %arg2: memref<1280x16xf32, #tpu.memory_space<vmem>>) attributes {dimension_semantics = [#tpu.dimension_semantics<arbitrary>], iteration_bounds = array<i64: 8>, scalar_prefetch = 0 : i64, scratch_operands = 0 : i64, tpu.core_type = #tpu.core_type<tc>, window_params = [{transform_indices = @transform_0, window_bounds = array<i64: 2, 1280, 16>}, {transform_indices = @transform_1, window_bounds = array<i64: 1280, 16>}]} {
    %get3A = arith.constant 0 : index
    %get3A_0 = arith.constant 0 : index
    %get3A_1 = arith.constant 0 : index
    %get3A_2 = vector.load %arg1[%get3A, %get3A_0, %get3A_1] : memref<2x1280x16xf32, #tpu.memory_space<vmem>>, vector<1x1280x16xf32>
    %get3A_3 = vector.shape_cast %get3A_2 : vector<1x1280x16xf32> to vector<1280x16xf32>
    %get3A_4 = arith.constant 1 : index
    %get3A_5 = arith.constant 0 : index
    %get3A_6 = arith.constant 0 : index
    %get3A_7 = vector.load %arg1[%get3A_4, %get3A_5, %get3A_6] : memref<2x1280x16xf32, #tpu.memory_space<vmem>>, vector<1x1280x16xf32>
    %get3A_8 = vector.shape_cast %get3A_7 : vector<1x1280x16xf32> to vector<1280x16xf32>
    %add3A = arith.addf %get3A_3, %get3A_8 : vector<1280x16xf32>
    %add3A_9 = arith.constant 1.000000e-16 : f32
    %add3A_10 = vector.broadcast %add3A_9 : f32 to vector<1280x16xf32>
    %add3A_11 = arith.addf %add3A, %add3A_10 : vector<1280x16xf32>
    %div3A = arith.constant 1.000000e+00 : f32
    %div3A_12 = vector.broadcast %div3A : f32 to vector<1280x16xf32>
    %div3A_13 = arith.divf %div3A_12, %add3A_11 : vector<1280x16xf32>
    %swap3A = arith.constant 0 : index
    %swap3A_14 = arith.constant 0 : index
    %swap3A_15 = vector.load %arg2[%swap3A, %swap3A_14] : memref<1280x16xf32, #tpu.memory_space<vmem>>, vector<1280x16xf32>
    tpu.vector_store %arg2[%swap3A, %swap3A_14], %div3A_13 {strides = array<i32>} : memref<1280x16xf32, #tpu.memory_space<vmem>>, vector<1280x16xf32>,
    return
  }
  func.func @transform_0(%arg0: i32) -> (i32, i32, i32) {
    %c0_i32 = arith.constant 0 : i32
    %c0_i32_0 = arith.constant 0 : i32
    %c0_i32_1 = arith.constant 0 : i32
    return %c0_i32, %arg0, %c0_i32_0 : i32, i32, i32
  }
  func.func @transform_1(%arg0: i32) -> (i32, i32) {
    %c0_i32 = arith.constant 0 : i32
    %c0_i32_0 = arith.constant 0 : i32
    return %arg0, %c0_i32 : i32, i32
  }
}

module attributes {stable_mosaic.version = 14 : i64} {
  func.func @_tc_epilogue_body(%arg0: i32, %arg1: memref<2000x128xf32, #tpu.memory_space<vmem>>, %arg2: memref<2x2000x128xf32, #tpu.memory_space<vmem>>, %arg3: memref<128x128xf32, #tpu.memory_space<vmem>>, %arg4: memref<1x128xf32, #tpu.memory_space<vmem>>, %arg5: memref<2000x128xf32, #tpu.memory_space<vmem>>) attributes {dimension_semantics = [#tpu.dimension_semantics<arbitrary>], iteration_bounds = array<i64: 5>, scalar_prefetch = 0 : i64, scratch_operands = 0 : i64, tpu.core_type = #tpu.core_type<tc>, window_params = [{transform_indices = @transform_0, window_bounds = array<i64: 2000, 128>}, {transform_indices = @transform_1, window_bounds = array<i64: 2, 2000, 128>}, {pipeline_mode = #tpu.pipeline_mode<synchronous>, transform_indices = @transform_2, window_bounds = array<i64: 128, 128>}, {pipeline_mode = #tpu.pipeline_mode<synchronous>, transform_indices = @transform_3, window_bounds = array<i64: 1, 128>}, {transform_indices = @transform_4, window_bounds = array<i64: 2000, 128>}]} {
    %get3A = arith.constant 0 : index
    %get3A_0 = arith.constant 0 : index
    %get3A_1 = arith.constant 0 : index
    %get3A_2 = vector.load %arg2[%get3A, %get3A_0, %get3A_1] : memref<2x2000x128xf32, #tpu.memory_space<vmem>>, vector<1x2000x128xf32>
    %get3A_3 = vector.shape_cast %get3A_2 : vector<1x2000x128xf32> to vector<2000x128xf32>
    %get3A_4 = arith.constant 1 : index
    %get3A_5 = arith.constant 0 : index
    %get3A_6 = arith.constant 0 : index
    %get3A_7 = vector.load %arg2[%get3A_4, %get3A_5, %get3A_6] : memref<2x2000x128xf32, #tpu.memory_space<vmem>>, vector<1x2000x128xf32>
    %get3A_8 = vector.shape_cast %get3A_7 : vector<1x2000x128xf32> to vector<2000x128xf32>
    %add3A = arith.addf %get3A_3, %get3A_8 : vector<2000x128xf32>
    %get3A_9 = arith.constant 0 : index
    %get3A_10 = arith.constant 0 : index
    %get3A_11 = vector.load %arg3[%get3A_9, %get3A_10] : memref<128x128xf32, #tpu.memory_space<vmem>>, vector<128x128xf32>
    %dot_general3A = arith.constant dense<0.000000e+00> : vector<2000x128xf32>
    %dot_general3A_12 = tpu.matmul %add3A, %get3A_11, %dot_general3A {dimension_numbers = #tpu.dot_dimension_numbers<[1], [0], [0], [1], [0, 0, 1, 1], [], []>, transpose_lhs_hint = false} : vector<2000x128xf32>, vector<128x128xf32>, vector<2000x128xf32> -> vector<2000x128xf32>
    %mul3A = arith.constant 0.0833333358 : f32
    %mul3A_13 = vector.broadcast %mul3A : f32 to vector<2000x128xf32>
    %mul3A_14 = arith.mulf %dot_general3A_12, %mul3A_13 : vector<2000x128xf32>
    %get3A_15 = arith.constant 0 : index
    %get3A_16 = arith.constant 0 : index
    %get3A_17 = vector.load %arg4[%get3A_15, %get3A_16] : memref<1x128xf32, #tpu.memory_space<vmem>>, vector<1x128xf32>
    %add3A_18 = vector.broadcast %get3A_17 : vector<1x128xf32> to vector<2000x128xf32>
    %add3A_19 = arith.addf %mul3A_14, %add3A_18 : vector<2000x128xf32>
    %get3A_20 = arith.constant 0 : index
    %get3A_21 = arith.constant 0 : index
    %get3A_22 = vector.load %arg1[%get3A_20, %get3A_21] : memref<2000x128xf32, #tpu.memory_space<vmem>>, vector<2000x128xf32>
    %add3A_23 = arith.addf %get3A_22, %add3A_19 : vector<2000x128xf32>
    %max3A = arith.constant 0.000000e+00 : f32
    %max3A_24 = vector.broadcast %max3A : f32 to vector<2000x128xf32>
    %max3A_25 = arith.maximumf %add3A_23, %max3A_24 : vector<2000x128xf32>
    %swap3A = arith.constant 0 : index
    %swap3A_26 = arith.constant 0 : index
    %swap3A_27 = vector.load %arg5[%swap3A, %swap3A_26] : memref<2000x128xf32, #tpu.memory_space<vmem>>, vector<2000x128xf32>
    tpu.vector_store %arg5[%swap3A, %swap3A_26], %max3A_25 {strides = array<i32>} : memref<2000x128xf32, #tpu.memory_space<vmem>>, vector<2000x128xf32>,
    return
  }
  func.func @transform_0(%arg0: i32) -> (i32, i32) {
    %c0_i32 = arith.constant 0 : i32
    %c0_i32_0 = arith.constant 0 : i32
    return %arg0, %c0_i32 : i32, i32
  }
  func.func @transform_1(%arg0: i32) -> (i32, i32, i32) {
    %c0_i32 = arith.constant 0 : i32
    %c0_i32_0 = arith.constant 0 : i32
    %c0_i32_1 = arith.constant 0 : i32
    return %c0_i32, %arg0, %c0_i32_0 : i32, i32, i32
  }
  func.func @transform_2(%arg0: i32) -> (i32, i32) {
    %c0_i32 = arith.constant 0 : i32
    %c0_i32_0 = arith.constant 0 : i32
    %c0_i32_1 = arith.constant 0 : i32
    return %c0_i32, %c0_i32_0 : i32, i32
  }
  func.func @transform_3(%arg0: i32) -> (i32, i32) {
    %c0_i32 = arith.constant 0 : i32
    %c0_i32_0 = arith.constant 0 : i32
    %c0_i32_1 = arith.constant 0 : i32
    return %c0_i32, %c0_i32_0 : i32, i32
  }
  func.func @transform_4(%arg0: i32) -> (i32, i32) {
    %c0_i32 = arith.constant 0 : i32
    %c0_i32_0 = arith.constant 0 : i32
    return %arg0, %c0_i32 : i32, i32
  }
}

</mosaic_0001>

<sc_bundles>
// kernel: kernel.10.cloned.1.call-start
scs
__scs_entry_jumppad:
0x0: {  	(pc) =	sbr.rel $0x88, $3  }
0x1: {  	(tag) =	ssettag $0x0;
	lr =	simm.s32 $0x1  }
0x2: {  	[smem:$0x3F99] =	sst lr;
	_ =	strace $0xD0000000  }
0x3: {  	_ = 	snop  }
0x4: {  	_ = 	snop  }
0x5: {  	_ = 	snop  }
0x6: {  	_ = 	snop  }
0x7: {  	_ = 	snop  }
__scs_overlays_trampoline_lowered:
0x8: {  	[smem:$0x3FA8] =	sst s0  }
0x9: {  	[smem:$0x3FA9] =	sst s1  }
0xa: {  	[smem:$0x3FAA] =	sst s2  }
0xb: {  	[smem:$0x3FAB] =	sst s3  }
0xc: {  	[smem:$0x3FAC] =	sst s4  }
0xd: {  	[smem:$0x3FAD] =	sst s5  }
0xe: {  	[smem:$0x3FAE] =	sst s6  }
0xf: {  	[smem:$0x3FAF] =	sst s7  }
0x10: {  	[smem:$0x3FB0] =	sst s8  }
0x11: {  	[smem:$0x3FB1] =	sst s9;
	s0 =	simm.s32 @!p0 $0x0  }
0x12: {  	s1 =	sld [smem:$0x3F97];
	s0 =	simm.s32 @p0 $0x1  }
0x13: {  	[smem:$0x3FB2] =	sst s0;
	s0 =	simm.s32 @!p1 $0x0  }
0x14: {  	s2 =	sld [smem:$0x3F96];
	s0 =	simm.s32 @p1 $0x1  }
0x15: {  	[smem:$0x3FB3] =	sst s0;
	s0 =	simm.s32 @!p2 $0x0  }
0x16: {  	s3 =	sld [smem:$0x3FDB];
	s0 =	simm.s32 @p2 $0x1  }
0x17: {  	s4 =	simm.s32 $0x1BF5;
	[smem:$0x3FB5] =	sst s0  }
0x18: {  	s0 =	sld [smem:$0x3F98];
	_ =	swait.ge [sflag:s4], $0x0  }
0x19: {  	s7 =	sld [smem:$0x3F99]  }
0x1a: {  	s8 =	sadd.s32 $0xFFFFE003, lr  }
0x1b: {  	s9 =	sadd.s32 $0xFFFFFEF7, lr;
	s5 =	simm.s32 $0xFFFFFFFF;
	p2 =	slt.u32 s8, $0xFFFFF086  }
0x1c: {  	p1 =	slt.u32 s9, $0xF7A;
	s5 =	simm.s32 @!p2 $0x0  }
0x1d: {  	s5 =	simm.s32 @p1 $0x1;
	p0 =	seq.s32 s7, s2  }
0x1e: {  	s7 =	smul.u32 @!p0 $0xF7A, s2;
	p2 =	seq.s32 @!p0 s5, $0x0  }
0x1f: {  	s9 =	smul.u32 $0xF7A, s1;
	s8 =	simm.s32 @!p0 $0x1BF5;
	p2 =	por !p2, p0  }
0x20: {  	[sflag:s8] =	ssyncset.s32 @!p0 $0xFFFFF086;
	s6 =	sadd.s32 @!p0 s3, s7;
	s7 =	simm.s32 @!p0 $0x108  }
0x21: {  	s3 =	sadd.s32 s3, s9;
	s6 =	sadd.s32 @!p0 $0x88, s6;
	s7 =	simm.s32 @p2 $0x1082  }
0x22: {  	[simem:s7], [sflag:s8] =	dma.local @!p0 [hbm:s6], $0xF7A  }
0x23: {  	s9 =	sor.u32 $0xD0000000, s2;
	s6 =	simm.s32 $0x108;
	_ =	swait.ge @!p0 [sflag:s8], $0x0  }
0x24: {  	s3 =	sadd.s32 $0x88, s3;
	s6 =	simm.s32 @!p1 $0x1082;
	[sflag:s4] =	ssyncset.s32 $0xFFFFF086  }
0x25: {  	[simem:s6], [sflag:s4] =	dma.local [hbm:s3], $0xF7A  }
0x26: {  	[smem:$0x3F99] =	sst s1;
	(tag) =	ssettag s2;
	_ =	strace s9  }
0x27: {  	s1 =	sld [smem:$0x3FA9]  }
0x28: {  	s2 =	sld [smem:$0x3FAA]  }
0x29: {  	s4 =	sld [smem:$0x3FAC]  }
0x2a: {  	p0 =	seq.s32 s5, $0x0;
	s5 =	sld [smem:$0x3FAD]  }
0x2b: {  	s6 =	sld [smem:$0x3FAE]  }
0x2c: {  	s7 =	sld [smem:$0x3FAF]  }
0x2d: {  	s3 =	simm.s32 $0x108;
	s8 =	sld [smem:$0x3FB0]  }
0x2e: {  	s3 =	simm.s32 @!p0 $0x1082;
	s9 =	sld [smem:$0x3FB1]  }
0x2f: {  	lr =	sadd.s32 s0, s3;
	s0 =	sld [smem:$0x3FA8]  }
0x30: {  	s3 =	sld [smem:$0x3FAB]  }
0x31: {  	[smem:$0x3FB4] =	sst s10  }
0x32: {  	s10 =	sld [smem:$0x3FB2];
	_ =	sdelay $0x3  }
0x33: {  	p0 =	seq.s32 s10, $0x1;
	s10 =	sld [smem:$0x3FB4];
	_ =	sdelay $0x3  }
0x34: {  	[smem:$0x3FB4] =	sst s10  }
0x35: {  	s10 =	sld [smem:$0x3FB3];
	_ =	sdelay $0x3  }
0x36: {  	p1 =	seq.s32 s10, $0x1;
	s10 =	sld [smem:$0x3FB4];
	_ =	sdelay $0x3  }
0x37: {  	[smem:$0x3FB4] =	sst s10  }
0x38: {  	s10 =	sld [smem:$0x3FB5]  }
0x39: {  	_ = 	snop;
	(pc) =	sbr.ind lr, $3  }
0x3a: {  	_ = 	snop  }
0x3b: {  	_ = 	snop  }
0x3c: {  	p2 =	seq.s32 s10, $0x1;
	s10 =	sld [smem:$0x3FB4]  }
0x3d: {  	_ =	shalt  }
0x3e: {  	_ =	shalt  }
0x3f: {  	_ =	shalt  }
0x40: {  	_ =	shalt  }
0x41: {  	_ =	shalt  }
0x42: {  	_ =	shalt  }
0x43: {  	_ =	shalt  }
0x44: {  	_ =	shalt  }
0x45: {  	_ =	shalt  }
0x46: {  	_ =	shalt  }
0x47: {  	_ =	shalt  }
0x48: {  	_ =	shalt  }
0x49: {  	_ =	shalt  }
0x4a: {  	_ =	shalt  }
0x4b: {  	_ =	shalt  }
0x4c: {  	_ =	shalt  }
0x4d: {  	_ =	shalt  }
0x4e: {  	_ =	shalt  }
0x4f: {  	_ =	shalt  }
0x50: {  	_ =	shalt  }
0x51: {  	_ =	shalt  }
0x52: {  	_ =	shalt  }
0x53: {  	_ =	shalt  }
0x54: {  	_ =	shalt  }
0x55: {  	_ =	shalt  }
0x56: {  	_ =	shalt  }
0x57: {  	_ =	shalt  }
0x58: {  	_ =	shalt  }
0x59: {  	_ =	shalt  }
0x5a: {  	_ =	shalt  }
0x5b: {  	_ =	shalt  }
0x5c: {  	_ =	shalt  }
0x5d: {  	_ =	shalt  }
0x5e: {  	_ =	shalt  }
0x5f: {  	_ =	shalt  }
0x60: {  	_ =	shalt  }
0x61: {  	_ =	shalt  }
0x62: {  	_ =	shalt  }
0x63: {  	_ =	shalt  }
0x64: {  	_ =	shalt  }
0x65: {  	_ =	shalt  }
0x66: {  	_ =	shalt  }
0x67: {  	_ =	shalt  }
0x68: {  	_ =	shalt  }
0x69: {  	_ =	shalt  }
0x6a: {  	_ =	shalt  }
0x6b: {  	_ =	shalt  }
0x6c: {  	_ =	shalt  }
0x6d: {  	_ =	shalt  }
0x6e: {  	_ =	shalt  }
0x6f: {  	_ =	shalt  }
0x70: {  	_ =	shalt  }
0x71: {  	_ =	shalt  }
0x72: {  	_ =	shalt  }
0x73: {  	_ =	shalt  }
0x74: {  	_ =	shalt  }
0x75: {  	_ =	shalt  }
0x76: {  	_ =	shalt  }
0x77: {  	_ =	shalt  }
0x78: {  	_ =	shalt  }
0x79: {  	_ =	shalt  }
0x7a: {  	_ =	shalt  }
0x7b: {  	_ =	shalt  }
0x7c: {  	_ =	shalt  }
0x7d: {  	_ =	shalt  }
0x7e: {  	_ =	shalt  }
0x7f: {  	_ =	shalt  }
0x80: {  	_ =	shalt  }
0x81: {  	_ =	shalt  }
0x82: {  	_ =	shalt  }
0x83: {  	_ =	shalt  }
0x84: {  	_ =	shalt  }
0x85: {  	_ =	shalt  }
0x86: {  	_ =	shalt  }
0x87: {  	_ =	shalt  }
.Lfunc_end0:
.L_simem_size_0:
called_computation.1_lowered:
.L_overlay_start_0:
0x88: {  	s2 =	sld [smem:$0x3FD9]  }
0x89: {  	s3 =	sld [smem:$0x3FFE];
	_ =	sdelay $0x1  }
0x8a: {  	s1 =	srdreg.scid  }
0x8b: {  	s0 =	sand.u32 $0x1, s1  }
0x8c: {  	s17 =	sshll.u32 s0, $0xA;
	s2 =	sadd.s32 s3, s2  }
0x8d: {  	s2 =	sadd.s32 s2, s17  }
0x8e: {  	[smem:$0x3FC0] =	sst s2  }
0x8f: {  	_ = 	snop  }
0x90: {  	s2 =	sld [smem:$0x3FD0];
	(tm) =	ssettm $0x1  }
0x91: {  	s18 =	sld [smem:$0x3FFB];
	_ =	sdelay $0x3  }
0x92: {  	_ =	strace s18  }
0x93: {  	s3 =	sld [smem:$0x3FFC];
	_ =	sdelay $0x3  }
0x94: {  	_ =	strace s3  }
0x95: {  	s3 =	sld [smem:$0x3FFD];
	_ =	sdelay $0x3  }
0x96: {  	_ =	strace s3  }
0x97: {  	_ =	strace $0x8FFFFFFF  }
0x98: {  	s19 =	sld [smem:$0x3FDB];
	_ =	sdelay $0x1  }
0x99: {  	s4 =	simm.s32 $_scs_section_size  }
0x9a: {  	s5 =	simm.s32 $_size__tile_overlayer_lowered;
	s6 =	simm.s32 $_tile_overlayer_lowered  }
0x9b: {  	s22 =	simm.s32 $0x1BFF;
	s21 =	sshll.u32 s6, $0x1;
	s3 =	sadd.s32 s4, s19  }
0x9c: {  	s7 =	simm.s32 $0x0;
	s20 =	sshll.u32 s5, $0x1;
	s5 =	sadd.s32 s21, s3  }
0x9d: {  	[timem:s7], [sflag:s22] =	dma.local [hbm:s5], s20  }
0x9e: {  	_ =	swait.ge [sflag:s22], s20  }
0x9f: {  	s4 =	ssub.s32 $0x0, s20;
	[sflag:s22] =	ssyncset.done $0x0  }
0xa0: {  	[sflag:s22] =	ssyncadd.s32 s4;
	_ =	sdelay $0x1  }
0xa1: {  	s23 =	simm.s32 $0x1B8B  }
0xa2: {  	_ =	swait.ge [sflag:s23], $0x1  }
0xa3: {  	[sflag:s23] =	ssyncset.done $0x0  }
0xa4: {  	s25 =	simm.s32 $0x1B8E;
	s24 =	sld [smem:$0x3FFE];
	[sflag:s23] =	ssyncadd.s32 $0xFFFFFFFF  }
0xa5: {  	s26 =	simm.s32 $execute0_lowered;
	[smem:$0x3FD2] =	sst s25  }
0xa6: {  	s5 =	sshll.u32 s26, $0x1;
	_ =	strace $0x80000049;
	[dreg:$0x1] =	wrdreg $0xFFFFFFFF  }
0xa7: {  	s28 =	simm.s32 $_size_execute0_lowered;
	s3 =	sadd.s32 s3, s5;
	[dreg:$0x0] =	wrdreg $0x0  }
0xa8: {  	s5 =	sshll.u32 s28, $0x1;
	[dreg:$0x2] =	wrdreg s3  }
0xa9: {  	[dreg:$0x3] =	wrdreg s5  }
0xaa: {  	[dreg:$0x4] =	wrdreg $0xC0  }
0xab: {  	_ =	task [dreg:s7], $0x5FFFF  }
0xac: {  	[dreg:$0x1] =	wrdreg $0xFFFFFFFF  }
0xad: {  	[dreg:$0x0] =	wrdreg $0x60  }
0xae: {  	[dreg:$0x2] =	wrdreg s2  }
0xaf: {  	[dreg:$0x3] =	wrdreg s24  }
0xb0: {  	[dreg:$0x4] =	wrdreg $0xB7800  }
0xb1: {  	[dreg:$0x5] =	wrdreg $0x9  }
0xb2: {  	_ =	task.clear_ibuf [dreg:s7], $0x6FFFF;
	_ =	strace $0x90000049  }
0xb3: {  	s29 =	simm.s32 $0x9;
	_ =	strace $0x8000004B  }
0xb4: {  	_ =	swait.ge [sflag:s29], $0x1  }
0xb5: {  	[sflag:s29] =	ssyncadd.s32 $0xFFFFFFFF  }
0xb6: {  	_ =	strace $0x9000004B  }
0xb7: {  	_ =	sfence  }
0xb8: {  	s30 =	sld [smem:$0x0];
	_ =	sdelay $0x2  }
0xb9: {  	s31 =	sshll.u32 s1, $0xD;
	s1 =	sshrl.u32 s1, $0x2  }
0xba: {  	s3 =	sand.u32 $0x4000, s31;
	s1 =	sadd.s32 s1, s30  }
0xbb: {  	s0 =	sor.u32 s3, s0;
	s1 =	sshll.u32 s1, $0x11  }
0xbc: {  	s0 =	sor.u32 s1, s0  }
0xbd: {  	s0 =	sadd.s32 $0x8F2B, s0  }
0xbe: {  	[sflag:s0] =	ssyncadd.remote.s32 $0x1  }
0xbf: {  	_ =	sfence.sel $0xFFFF  }
0xc0: {  	[dreg:$0x0] =	wrdreg $0xFFFFFFFF;
	(pc) =	sbr.abs _section_cstart, $3  }
0xc1: {  	[dreg:$0x1] =	wrdreg $0xFFFFFFFF  }
0xc2: {  	_ =	task.clear_ibuf [dreg:s7], $0x2FFFF;
	_ =	strace $0x9FFFFFFF  }
0xc3: {  	(tm) =	ssettm $0x7FFFFFFF  }
tec
execute0_lowered:
.L_overlay_start_1:
0x0: {  	(tag) =	ssettag $0x1  }
0x1: {  	s9 =	stileid.u32  }
0x2: {  	s0 =	srdreg.scid;
	s2 =	smul.u32 $0x14000, s9  }
0x3: {  	s3 =	rddreg [dreg:$0x2];
	s1 =	sand.u32 $0x1, s0;
	s6 =	smul.u32 $0x50000, s9  }
0x4: {  	s4 =	simm.s32 $0x0;
	s0 =	rddreg [dreg:$0x1];
	s5 =	smul.u32 $0x140000, s1  }
0x5: {  	[smem:$0x7FF] =	sst s4;
	s9 =	sshll.u32 s9, $0x1;
	s6 =	sshrl.u32 s6, $0x2  }
0x6: {  	s5 =	sadd.s32 s2, s5;
	s6 =	sadd.s32 s6, s3;
	s2 =	sadd.s32 s2, s3  }
0x7: {  	_ =	strace $0x8000004A;
	s26 =	sadd.s32 $0x800, s6;
	[dreg:$0x4] =	wrdreg s2  }
0x8: {  	s7 =	ssub.s32 $0x2, s1;
	s31 =	sadd.s32 $0x1000, s6;
	[dreg:$0x5] =	wrdreg s26  }
0x9: {  	s1 =	sor.u32 s1, s9;
	s9 =	sadd.s32 $0x1800, s6;
	[dreg:$0x6] =	wrdreg s31  }
0xa: {  	s10 =	sadd.s32 $0x2000, s6;
	[dreg:$0x7] =	wrdreg s9  }
0xb: {  	s11 =	sadd.s32 $0x2800, s6;
	[dreg:$0x8] =	wrdreg s10  }
0xc: {  	s12 =	sadd.s32 $0x3000, s6;
	[dreg:$0x9] =	wrdreg s11  }
0xd: {  	s13 =	sadd.s32 $0x3800, s6;
	[dreg:$0xa] =	wrdreg s12  }
0xe: {  	s14 =	sadd.s32 $0x4000, s6;
	[dreg:$0xb] =	wrdreg s13  }
0xf: {  	s15 =	sadd.s32 $0x4800, s6;
	[dreg:$0xc] =	wrdreg s14  }
0x10: {  	s16 =	sadd.s32 $0x5000, s6;
	[dreg:$0xd] =	wrdreg s15  }
0x11: {  	s17 =	sadd.s32 $0x5800, s6;
	[dreg:$0xe] =	wrdreg s16  }
0x12: {  	s18 =	sadd.s32 $0x6000, s6;
	[dreg:$0xf] =	wrdreg s17  }
0x13: {  	s19 =	sadd.s32 $0x6800, s6;
	[dreg:$0x10] =	wrdreg s18  }
0x14: {  	s20 =	sadd.s32 $0x7000, s6;
	[dreg:$0x11] =	wrdreg s19  }
0x15: {  	s21 =	sadd.s32 $0x7800, s6;
	[dreg:$0x12] =	wrdreg s20  }
0x16: {  	s22 =	sadd.s32 $0x8000, s6;
	[dreg:$0x13] =	wrdreg s21  }
0x17: {  	s23 =	sadd.s32 $0x8800, s6;
	[dreg:$0x14] =	wrdreg s22  }
0x18: {  	s24 =	sadd.s32 $0x9000, s6;
	[dreg:$0x15] =	wrdreg s23  }
0x19: {  	s25 =	sadd.s32 $0x9800, s6;
	[dreg:$0x16] =	wrdreg s24  }
0x1a: {  	[dreg:$0x17] =	wrdreg s25;
	s26 =	sadd.s32 $0xA000, s6  }
0x1b: {  	s31 =	sadd.s32 $0xA800, s6;
	[dreg:$0x18] =	wrdreg s26  }
0x1c: {  	s9 =	sadd.s32 $0xB000, s6;
	[dreg:$0x19] =	wrdreg s31  }
0x1d: {  	s10 =	sadd.s32 $0xB800, s6;
	[dreg:$0x1a] =	wrdreg s9  }
0x1e: {  	s11 =	sadd.s32 $0xC000, s6;
	[dreg:$0x1b] =	wrdreg s10  }
0x1f: {  	s12 =	sadd.s32 $0xC800, s6;
	[dreg:$0x1c] =	wrdreg s11  }
0x20: {  	s13 =	sadd.s32 $0xD000, s6;
	[dreg:$0x1d] =	wrdreg s12  }
0x21: {  	s15 =	sadd.s32 $0xE000, s6;
	[dreg:$0x1e] =	wrdreg s13  }
0x22: {  	s16 =	sadd.s32 $0xE800, s6;
	[smem:$0x7F0] =	sst s15  }
0x23: {  	s17 =	sadd.s32 $0xF000, s6;
	[smem:$0x7F1] =	sst s16  }
0x24: {  	s18 =	sadd.s32 $0xF800, s6;
	[smem:$0x7F2] =	sst s17  }
0x25: {  	s28 =	simm.s32 $0x5;
	s19 =	sadd.s32 $0x10000, s6;
	[smem:$0x7F3] =	sst s18  }
0x26: {  	s29 =	simm.s32 $0xC0;
	s20 =	sadd.s32 $0x10800, s6;
	[smem:$0x7F4] =	sst s19  }
0x27: {  	s30 =	simm.s32 $0x18;
	s21 =	sadd.s32 $0x11000, s6;
	[smem:$0x7F5] =	sst s20  }
0x28: {  	s8 =	sshrl.u32 s7, $0x1;
	s22 =	sadd.s32 $0x11800, s6;
	[smem:$0x7F6] =	sst s21  }
0x29: {  	s7 =	ssub.s32 s7, s8;
	s23 =	sadd.s32 $0x12000, s6;
	[smem:$0x7F7] =	sst s22  }
0x2a: {  	s8 =	simm.s32 $0x9600;
	s24 =	sadd.s32 $0x12800, s6;
	[smem:$0x7F8] =	sst s23  }
0x2b: {  	s5 =	sshrl.u32 s5, $0x3;
	s25 =	sadd.s32 $0x13000, s6;
	[smem:$0x7F9] =	sst s24  }
0x2c: {  	s14 =	sadd.s32 $0xD800, s6;
	s6 =	sadd.s32 $0x13800, s6;
	[smem:$0x7FA] =	sst s25  }
0x2d: {  	s5 =	sadd.s32 s5, s0;
	[smem:$0x7FB] =	sst s6;
	s18 =	smul.u32 $0x1B0, s1  }
0x2e: {  	[dreg:$0x1f] =	wrdreg s14;
	s19 =	sadd.s32 $0x1AC600, s0;
	s21 =	sadd.s32 $0x10A600, s0  }
0x2f: {  	s20 =	sadd.s32 $0x1C00, s0;
	s22 =	sadd.s32 $0xBE00, s0;
	s23 =	sadd.s32 $0x10A630, s0  }
.Ltmp0:
0x30: {  	s26 =	sadd.s32 $0x10E00, s5;
	s31 =	smax.u32 s7, $0x1;
	(pc) =	sbr.rel .LBB2_1-.Ltmp0, $4  }
0x31: {  	s6 =	simm.s32 $0x4980;
	s9 =	simm.s32 $0x9300;
	s10 =	simm.s32 $0x1  }
0x32: {  	s11 =	simm.s32 $0x9780;
	s12 =	simm.s32 $0x2;
	s13 =	simm.s32 $0xA380  }
0x33: {  	s14 =	simm.s32 $0x3;
	s15 =	simm.s32 $0x4;
	[smem:$0x7FC] =	sst s26  }
0x34: {  	v0 =	vimm.f32 $0.0e+00;
	s1 =	simm.s32 $0x0;
	s17 =	simm.s32 $0x0;
	[smem:$0x7FD] =	sst s31  }
.LBB2_12:
0x35: {  	[bflag:$0x0] =	sbarrier.arrive $0xFFFF  }
0x36: {  	s0 =	stileid.u32;
	s5 =	sld [smem:$0x7FC]  }
0x37: {  	s0 =	sshll.u32 s0, $0x6;
	s2 =	rddreg [dreg:$0x4]  }
0x38: {  	s0 =	sor.u32 $0x1C05, s0;
	s1 =	sshrl.u32 s2, $0x3  }
0x39: {  	[hbm:s5], [sflag:s0] =	dma.local [spmem:s1], $0x2800  }
0x3a: {  	_ =	swait.ge [sflag:s28], $0x2800  }
0x3b: {  	s26 =	sld [smem:$0x7EF]  }
0x3c: {  	s31 =	sld [smem:$0x7FD];
	_ =	sdelay $0x1  }
0x3d: {  	s1 =	sadd.s32 $0x1, s26  }
0x3e: {  	p0 =	sne.s32 s1, s31  }
.Ltmp1:
0x3f: {  	_ = 	snop;
	(pc) =	sbr.rel @!p0 .LBB2_13-.Ltmp1, $3  }
0x40: {  	_ =	sdelay $0x1  }
0x41: {  	[sflag:s28] =	ssyncset.done $0x0  }
0x42: {  	[sflag:s28] =	ssyncadd.s32 $0xFFFFD800  }
.LBB2_1:
0x43: {  	[smem:$0x7EF] =	sst s1;
	s0 =	simm.s32 $0x0;
	s1 =	simm.s32 $0x200  }
.LBB2_2:
0x44: {  	p0 =	sne.s32 s1, $0x1E00;
	[tilespmem:s0+$0xAFF0] =	vst v0  }
0x45: {  	[tilespmem:s0+$0xAF80] =	vst v0  }
0x46: {  	[tilespmem:s0+$0xAF90] =	vst v0  }
.Ltmp2:
0x47: {  	[tilespmem:s0+$0xAFA0] =	vst v0;
	(pc) =	sbr.rel @p0 .LBB2_2-.Ltmp2, $4  }
0x48: {  	[tilespmem:s0+$0xAFB0] =	vst v0  }
0x49: {  	[tilespmem:s0+$0xAFC0] =	vst v0  }
0x4a: {  	[tilespmem:s0+$0xAFD0] =	vst v0  }
0x4b: {  	[tilespmem:s0+$0xAFE0] =	vst v0;
	s0 =	sshra.s32 s1, $0x2;
	s1 =	sadd.s32 $0x200, s1  }
0x4c: {  	[tilespmem:s0+$0xAFF0] =	vst v0  }
0x4d: {  	[tilespmem:s0+$0xAF80] =	vst v0  }
0x4e: {  	[tilespmem:s0+$0xAF90] =	vst v0  }
0x4f: {  	[tilespmem:s0+$0xAFA0] =	vst v0  }
0x50: {  	[tilespmem:s0+$0xAFB0] =	vst v0  }
0x51: {  	[tilespmem:s0+$0xAFC0] =	vst v0  }
0x52: {  	[tilespmem:s0+$0xAFD0] =	vst v0  }
0x53: {  	[tilespmem:s0+$0xAFE0] =	vst v0;
	s1 =	simm.s32 $0xAF80  }
0x54: {  	[spmem:s2] =	stream.linear.scatter [tilespmem:s1], [sflag:$0x5], $0x800, $0x38;
	[tilespmem:$0x1F780] =	vst v63  }
0x55: {  	_ =	swait.ge [sflag:s28], $0x800  }
0x56: {  	[sflag:s28] =	ssyncset.done $0x0  }
0x57: {  	s5 =	rddreg [dreg:$0x5];
	[sflag:s28] =	ssyncadd.s32 $0xFFFFF800  }
0x58: {  	[spmem:s5] =	stream.linear.scatter [tilespmem:s1], [sflag:$0x5], $0x800, $0x38;
	[tilespmem:$0x1F780] =	vst v63  }
0x59: {  	_ =	swait.ge [sflag:s28], $0x800  }
0x5a: {  	[sflag:s28] =	ssyncset.done $0x0  }
0x5b: {  	s7 =	rddreg [dreg:$0x6];
	[sflag:s28] =	ssyncadd.s32 $0xFFFFF800  }
0x5c: {  	[spmem:s7] =	stream.linear.scatter [tilespmem:s1], [sflag:$0x5], $0x800, $0x38;
	[tilespmem:$0x1F780] =	vst v63  }
0x5d: {  	_ =	swait.ge [sflag:s28], $0x800  }
0x5e: {  	[sflag:s28] =	ssyncset.done $0x0  }
0x5f: {  	s16 =	rddreg [dreg:$0x7];
	[sflag:s28] =	ssyncadd.s32 $0xFFFFF800  }
0x60: {  	[spmem:s16] =	stream.linear.scatter [tilespmem:s1], [sflag:$0x5], $0x800, $0x38;
	[tilespmem:$0x1F780] =	vst v63  }
0x61: {  	_ =	swait.ge [sflag:s28], $0x800  }
0x62: {  	[sflag:s28] =	ssyncset.done $0x0  }
0x63: {  	s24 =	rddreg [dreg:$0x8];
	[sflag:s28] =	ssyncadd.s32 $0xFFFFF800  }
0x64: {  	[spmem:s24] =	stream.linear.scatter [tilespmem:s1], [sflag:$0x5], $0x800, $0x38;
	[tilespmem:$0x1F780] =	vst v63  }
0x65: {  	_ =	swait.ge [sflag:s28], $0x800  }
0x66: {  	[sflag:s28] =	ssyncset.done $0x0  }
0x67: {  	s25 =	rddreg [dreg:$0x9];
	[sflag:s28] =	ssyncadd.s32 $0xFFFFF800  }
0x68: {  	[spmem:s25] =	stream.linear.scatter [tilespmem:s1], [sflag:$0x5], $0x800, $0x38;
	[tilespmem:$0x1F780] =	vst v63  }
0x69: {  	_ =	swait.ge [sflag:s28], $0x800  }
0x6a: {  	[sflag:s28] =	ssyncset.done $0x0  }
0x6b: {  	s26 =	rddreg [dreg:$0xa];
	[sflag:s28] =	ssyncadd.s32 $0xFFFFF800  }
0x6c: {  	[spmem:s26] =	stream.linear.scatter [tilespmem:s1], [sflag:$0x5], $0x800, $0x38;
	[tilespmem:$0x1F780] =	vst v63  }
0x6d: {  	_ =	swait.ge [sflag:s28], $0x800  }
0x6e: {  	[sflag:s28] =	ssyncset.done $0x0  }
0x6f: {  	s31 =	rddreg [dreg:$0xb];
	[sflag:s28] =	ssyncadd.s32 $0xFFFFF800  }
0x70: {  	[spmem:s31] =	stream.linear.scatter [tilespmem:s1], [sflag:$0x5], $0x800, $0x38;
	[tilespmem:$0x1F780] =	vst v63  }
0x71: {  	_ =	swait.ge [sflag:s28], $0x800  }
0x72: {  	[sflag:s28] =	ssyncset.done $0x0  }
0x73: {  	s2 =	rddreg [dreg:$0xc];
	[sflag:s28] =	ssyncadd.s32 $0xFFFFF800  }
0x74: {  	[spmem:s2] =	stream.linear.scatter [tilespmem:s1], [sflag:$0x5], $0x800, $0x38;
	[tilespmem:$0x1F780] =	vst v63  }
0x75: {  	_ =	swait.ge [sflag:s28], $0x800  }
0x76: {  	[sflag:s28] =	ssyncset.done $0x0  }
0x77: {  	s5 =	rddreg [dreg:$0xd];
	[sflag:s28] =	ssyncadd.s32 $0xFFFFF800  }
0x78: {  	[spmem:s5] =	stream.linear.scatter [tilespmem:s1], [sflag:$0x5], $0x800, $0x38;
	[tilespmem:$0x1F780] =	vst v63  }
0x79: {  	_ =	swait.ge [sflag:s28], $0x800  }
0x7a: {  	[sflag:s28] =	ssyncset.done $0x0  }
0x7b: {  	s7 =	rddreg [dreg:$0xe];
	[sflag:s28] =	ssyncadd.s32 $0xFFFFF800  }
0x7c: {  	[spmem:s7] =	stream.linear.scatter [tilespmem:s1], [sflag:$0x5], $0x800, $0x38;
	[tilespmem:$0x1F780] =	vst v63  }
0x7d: {  	_ =	swait.ge [sflag:s28], $0x800  }
0x7e: {  	[sflag:s28] =	ssyncset.done $0x0  }
0x7f: {  	s16 =	rddreg [dreg:$0xf];
	[sflag:s28] =	ssyncadd.s32 $0xFFFFF800  }
0x80: {  	[spmem:s16] =	stream.linear.scatter [tilespmem:s1], [sflag:$0x5], $0x800, $0x38;
	[tilespmem:$0x1F780] =	vst v63  }
0x81: {  	_ =	swait.ge [sflag:s28], $0x800  }
0x82: {  	[sflag:s28] =	ssyncset.done $0x0  }
0x83: {  	s24 =	rddreg [dreg:$0x10];
	[sflag:s28] =	ssyncadd.s32 $0xFFFFF800  }
0x84: {  	[spmem:s24] =	stream.linear.scatter [tilespmem:s1], [sflag:$0x5], $0x800, $0x38;
	[tilespmem:$0x1F780] =	vst v63  }
0x85: {  	_ =	swait.ge [sflag:s28], $0x800  }
0x86: {  	[sflag:s28] =	ssyncset.done $0x0  }
0x87: {  	s25 =	rddreg [dreg:$0x11];
	[sflag:s28] =	ssyncadd.s32 $0xFFFFF800  }
0x88: {  	[spmem:s25] =	stream.linear.scatter [tilespmem:s1], [sflag:$0x5], $0x800, $0x38;
	[tilespmem:$0x1F780] =	vst v63  }
0x89: {  	_ =	swait.ge [sflag:s28], $0x800  }
0x8a: {  	[sflag:s28] =	ssyncset.done $0x0  }
0x8b: {  	s26 =	rddreg [dreg:$0x12];
	[sflag:s28] =	ssyncadd.s32 $0xFFFFF800  }
0x8c: {  	[spmem:s26] =	stream.linear.scatter [tilespmem:s1], [sflag:$0x5], $0x800, $0x38;
	[tilespmem:$0x1F780] =	vst v63  }
0x8d: {  	_ =	swait.ge [sflag:s28], $0x800  }
0x8e: {  	[sflag:s28] =	ssyncset.done $0x0  }
0x8f: {  	s31 =	rddreg [dreg:$0x13];
	[sflag:s28] =	ssyncadd.s32 $0xFFFFF800  }
0x90: {  	[spmem:s31] =	stream.linear.scatter [tilespmem:s1], [sflag:$0x5], $0x800, $0x38;
	[tilespmem:$0x1F780] =	vst v63  }
0x91: {  	_ =	swait.ge [sflag:s28], $0x800  }
0x92: {  	[sflag:s28] =	ssyncset.done $0x0  }
0x93: {  	s2 =	rddreg [dreg:$0x14];
	[sflag:s28] =	ssyncadd.s32 $0xFFFFF800  }
0x94: {  	[spmem:s2] =	stream.linear.scatter [tilespmem:s1], [sflag:$0x5], $0x800, $0x38;
	[tilespmem:$0x1F780] =	vst v63  }
0x95: {  	_ =	swait.ge [sflag:s28], $0x800  }
0x96: {  	[sflag:s28] =	ssyncset.done $0x0  }
0x97: {  	s5 =	rddreg [dreg:$0x15];
	[sflag:s28] =	ssyncadd.s32 $0xFFFFF800  }
0x98: {  	[spmem:s5] =	stream.linear.scatter [tilespmem:s1], [sflag:$0x5], $0x800, $0x38;
	[tilespmem:$0x1F780] =	vst v63  }
0x99: {  	_ =	swait.ge [sflag:s28], $0x800  }
0x9a: {  	[sflag:s28] =	ssyncset.done $0x0  }
0x9b: {  	s7 =	rddreg [dreg:$0x16];
	[sflag:s28] =	ssyncadd.s32 $0xFFFFF800  }
0x9c: {  	[spmem:s7] =	stream.linear.scatter [tilespmem:s1], [sflag:$0x5], $0x800, $0x38;
	[tilespmem:$0x1F780] =	vst v63  }
0x9d: {  	_ =	swait.ge [sflag:s28], $0x800  }
0x9e: {  	[sflag:s28] =	ssyncset.done $0x0  }
0x9f: {  	s16 =	rddreg [dreg:$0x17];
	[sflag:s28] =	ssyncadd.s32 $0xFFFFF800  }
0xa0: {  	[spmem:s16] =	stream.linear.scatter [tilespmem:s1], [sflag:$0x5], $0x800, $0x38;
	[tilespmem:$0x1F780] =	vst v63  }
0xa1: {  	_ =	swait.ge [sflag:s28], $0x800  }
0xa2: {  	[sflag:s28] =	ssyncset.done $0x0  }
0xa3: {  	s24 =	rddreg [dreg:$0x18];
	[sflag:s28] =	ssyncadd.s32 $0xFFFFF800  }
0xa4: {  	[spmem:s24] =	stream.linear.scatter [tilespmem:s1], [sflag:$0x5], $0x800, $0x38;
	[tilespmem:$0x1F780] =	vst v63  }
0xa5: {  	_ =	swait.ge [sflag:s28], $0x800  }
0xa6: {  	[sflag:s28] =	ssyncset.done $0x0  }
0xa7: {  	s25 =	rddreg [dreg:$0x19];
	[sflag:s28] =	ssyncadd.s32 $0xFFFFF800  }
0xa8: {  	[spmem:s25] =	stream.linear.scatter [tilespmem:s1], [sflag:$0x5], $0x800, $0x38;
	[tilespmem:$0x1F780] =	vst v63  }
0xa9: {  	_ =	swait.ge [sflag:s28], $0x800  }
0xaa: {  	[sflag:s28] =	ssyncset.done $0x0  }
0xab: {  	s26 =	rddreg [dreg:$0x1a];
	[sflag:s28] =	ssyncadd.s32 $0xFFFFF800  }
0xac: {  	[spmem:s26] =	stream.linear.scatter [tilespmem:s1], [sflag:$0x5], $0x800, $0x38;
	[tilespmem:$0x1F780] =	vst v63  }
0xad: {  	_ =	swait.ge [sflag:s28], $0x800  }
0xae: {  	[sflag:s28] =	ssyncset.done $0x0  }
0xaf: {  	s31 =	rddreg [dreg:$0x1b];
	[sflag:s28] =	ssyncadd.s32 $0xFFFFF800  }
0xb0: {  	[spmem:s31] =	stream.linear.scatter [tilespmem:s1], [sflag:$0x5], $0x800, $0x38;
	[tilespmem:$0x1F780] =	vst v63  }
0xb1: {  	_ =	swait.ge [sflag:s28], $0x800  }
0xb2: {  	[sflag:s28] =	ssyncset.done $0x0  }
0xb3: {  	s2 =	rddreg [dreg:$0x1c];
	[sflag:s28] =	ssyncadd.s32 $0xFFFFF800  }
0xb4: {  	[spmem:s2] =	stream.linear.scatter [tilespmem:s1], [sflag:$0x5], $0x800, $0x38;
	[tilespmem:$0x1F780] =	vst v63  }
0xb5: {  	_ =	swait.ge [sflag:s28], $0x800  }
0xb6: {  	[sflag:s28] =	ssyncset.done $0x0  }
0xb7: {  	s5 =	rddreg [dreg:$0x1d];
	[sflag:s28] =	ssyncadd.s32 $0xFFFFF800  }
0xb8: {  	[spmem:s5] =	stream.linear.scatter [tilespmem:s1], [sflag:$0x5], $0x800, $0x38;
	[tilespmem:$0x1F780] =	vst v63  }
0xb9: {  	_ =	swait.ge [sflag:s28], $0x800  }
0xba: {  	[sflag:s28] =	ssyncset.done $0x0  }
0xbb: {  	s7 =	rddreg [dreg:$0x1e];
	[sflag:s28] =	ssyncadd.s32 $0xFFFFF800  }
0xbc: {  	[spmem:s7] =	stream.linear.scatter [tilespmem:s1], [sflag:$0x5], $0x800, $0x38;
	[tilespmem:$0x1F780] =	vst v63  }
0xbd: {  	_ =	swait.ge [sflag:s28], $0x800  }
0xbe: {  	[sflag:s28] =	ssyncset.done $0x0  }
0xbf: {  	s16 =	rddreg [dreg:$0x1f];
	[sflag:s28] =	ssyncadd.s32 $0xFFFFF800  }
0xc0: {  	[spmem:s16] =	stream.linear.scatter [tilespmem:s1], [sflag:$0x5], $0x800, $0x38;
	[tilespmem:$0x1F780] =	vst v63  }
0xc1: {  	_ =	swait.ge [sflag:s28], $0x800  }
0xc2: {  	s24 =	sld [smem:$0x7F0]  }
0xc3: {  	[sflag:s28] =	ssyncset.done $0x0  }
0xc4: {  	[sflag:s28] =	ssyncadd.s32 $0xFFFFF800  }
0xc5: {  	[spmem:s24] =	stream.linear.scatter [tilespmem:s1], [sflag:$0x5], $0x800, $0x38;
	[tilespmem:$0x1F780] =	vst v63  }
0xc6: {  	_ =	swait.ge [sflag:s28], $0x800  }
0xc7: {  	s25 =	sld [smem:$0x7F1]  }
0xc8: {  	[sflag:s28] =	ssyncset.done $0x0  }
0xc9: {  	[sflag:s28] =	ssyncadd.s32 $0xFFFFF800  }
0xca: {  	[spmem:s25] =	stream.linear.scatter [tilespmem:s1], [sflag:$0x5], $0x800, $0x38;
	[tilespmem:$0x1F780] =	vst v63  }
0xcb: {  	_ =	swait.ge [sflag:s28], $0x800  }
0xcc: {  	s26 =	sld [smem:$0x7F2]  }
0xcd: {  	[sflag:s28] =	ssyncset.done $0x0  }
0xce: {  	[sflag:s28] =	ssyncadd.s32 $0xFFFFF800  }
0xcf: {  	[spmem:s26] =	stream.linear.scatter [tilespmem:s1], [sflag:$0x5], $0x800, $0x38;
	[tilespmem:$0x1F780] =	vst v63  }
0xd0: {  	_ =	swait.ge [sflag:s28], $0x800  }
0xd1: {  	s31 =	sld [smem:$0x7F3]  }
0xd2: {  	[sflag:s28] =	ssyncset.done $0x0  }
0xd3: {  	[sflag:s28] =	ssyncadd.s32 $0xFFFFF800  }
0xd4: {  	[spmem:s31] =	stream.linear.scatter [tilespmem:s1], [sflag:$0x5], $0x800, $0x38;
	[tilespmem:$0x1F780] =	vst v63  }
0xd5: {  	_ =	swait.ge [sflag:s28], $0x800  }
0xd6: {  	s2 =	sld [smem:$0x7F4]  }
0xd7: {  	[sflag:s28] =	ssyncset.done $0x0  }
0xd8: {  	[sflag:s28] =	ssyncadd.s32 $0xFFFFF800  }
0xd9: {  	[spmem:s2] =	stream.linear.scatter [tilespmem:s1], [sflag:$0x5], $0x800, $0x38;
	[tilespmem:$0x1F780] =	vst v63  }
0xda: {  	_ =	swait.ge [sflag:s28], $0x800  }
0xdb: {  	s5 =	sld [smem:$0x7F5]  }
0xdc: {  	[sflag:s28] =	ssyncset.done $0x0  }
0xdd: {  	[sflag:s28] =	ssyncadd.s32 $0xFFFFF800  }
0xde: {  	[spmem:s5] =	stream.linear.scatter [tilespmem:s1], [sflag:$0x5], $0x800, $0x38;
	[tilespmem:$0x1F780] =	vst v63  }
0xdf: {  	_ =	swait.ge [sflag:s28], $0x800  }
0xe0: {  	s7 =	sld [smem:$0x7F6]  }
0xe1: {  	[sflag:s28] =	ssyncset.done $0x0  }
0xe2: {  	[sflag:s28] =	ssyncadd.s32 $0xFFFFF800  }
0xe3: {  	[spmem:s7] =	stream.linear.scatter [tilespmem:s1], [sflag:$0x5], $0x800, $0x38;
	[tilespmem:$0x1F780] =	vst v63  }
0xe4: {  	_ =	swait.ge [sflag:s28], $0x800  }
0xe5: {  	s16 =	sld [smem:$0x7F7]  }
0xe6: {  	[sflag:s28] =	ssyncset.done $0x0  }
0xe7: {  	[sflag:s28] =	ssyncadd.s32 $0xFFFFF800  }
0xe8: {  	[spmem:s16] =	stream.linear.scatter [tilespmem:s1], [sflag:$0x5], $0x800, $0x38;
	[tilespmem:$0x1F780] =	vst v63  }
0xe9: {  	_ =	swait.ge [sflag:s28], $0x800  }
0xea: {  	s24 =	sld [smem:$0x7F8]  }
0xeb: {  	[sflag:s28] =	ssyncset.done $0x0  }
0xec: {  	[sflag:s28] =	ssyncadd.s32 $0xFFFFF800  }
0xed: {  	[spmem:s24] =	stream.linear.scatter [tilespmem:s1], [sflag:$0x5], $0x800, $0x38;
	[tilespmem:$0x1F780] =	vst v63  }
0xee: {  	_ =	swait.ge [sflag:s28], $0x800  }
0xef: {  	s25 =	sld [smem:$0x7F9]  }
0xf0: {  	[sflag:s28] =	ssyncset.done $0x0  }
0xf1: {  	[sflag:s28] =	ssyncadd.s32 $0xFFFFF800  }
0xf2: {  	[spmem:s25] =	stream.linear.scatter [tilespmem:s1], [sflag:$0x5], $0x800, $0x38;
	[tilespmem:$0x1F780] =	vst v63  }
0xf3: {  	_ =	swait.ge [sflag:s28], $0x800  }
0xf4: {  	s26 =	sld [smem:$0x7FA]  }
0xf5: {  	[sflag:s28] =	ssyncset.done $0x0  }
0xf6: {  	[sflag:s28] =	ssyncadd.s32 $0xFFFFF800  }
0xf7: {  	[spmem:s26] =	stream.linear.scatter [tilespmem:s1], [sflag:$0x5], $0x800, $0x38;
	[tilespmem:$0x1F780] =	vst v63  }
0xf8: {  	_ =	swait.ge [sflag:s28], $0x800  }
0xf9: {  	s31 =	sld [smem:$0x7FB]  }
0xfa: {  	[sflag:s28] =	ssyncset.done $0x0  }
0xfb: {  	[sflag:s28] =	ssyncadd.s32 $0xFFFFF800  }
0xfc: {  	[spmem:s31] =	stream.linear.scatter [tilespmem:s1], [sflag:$0x5], $0x800, $0x38;
	[tilespmem:$0x1F780] =	vst v63  }
.Ltmp3:
0xfd: {  	_ =	swait.ge [sflag:s28], $0x800;
	(pc) =	sbr.rel .LBB2_4-.Ltmp3, $4  }
0xfe: {  	[sflag:s28] =	ssyncset.done $0x0  }
0xff: {  	[sflag:s28] =	ssyncadd.s32 $0xFFFFF800  }
0x100: {  	[bflag:$0x0] =	sbarrier.arrive $0xFFFF  }
0x101: {  	s24 =	simm.s32 $0x0  }
.LBB2_11:
0x102: {  	s24 =	sadd.s32 $0x1, s24  }
0x103: {  	_ =	swait.ge [sflag:s14], $0xC00;
	p0 =	sne.s32 s24, $0x36  }
.Ltmp4:
0x104: {  	[sflag:s14] =	ssyncset.done $0x0;
	(pc) =	sbr.rel @!p0 .LBB2_12-.Ltmp4, $4  }
0x105: {  	[sflag:s14] =	ssyncadd.s32 $0xFFFFF400  }
0x106: {  	_ =	swait.ge [sflag:s15], $0xC00  }
0x107: {  	[sflag:s15] =	ssyncset.done $0x0  }
0x108: {  	[sflag:s15] =	ssyncadd.s32 $0xFFFFF400  }
.LBB2_4:
0x109: {  	s0 =	sshll.u32 s24, $0x3  }
0x10a: {  	s25 =	sadd.s32 s18, s0  }
0x10b: {  	s0 =	smul.u32 $0x3, s25  }
0x10c: {  	s1 =	rddreg [dreg:$0x0]  }
0x10d: {  	s1 =	sadd.s32 s1, s0  }
0x10e: {  	[tilespmem:s17], [sflag:$0x5] =	stream.linear.gather [hbm4b:s1+s17], $0xC0, $0x38;
	[tilespmem:$0x1F780] =	vst v63  }
0x10f: {  	_ =	swait.ge [sflag:s28], $0xC0  }
0x110: {  	[sflag:s28] =	ssyncset.done $0x0  }
0x111: {  	s0 =	sadd.s32 s20, s0;
	[sflag:s28] =	ssyncadd.s32 $0xFFFFFF40  }
0x112: {  	[tilespmem:s29], [sflag:$0x5] =	stream.linear.gather [hbm4b:s0+s17], $0xC0, $0x38;
	[tilespmem:$0x1F780] =	vst v63  }
0x113: {  	_ =	swait.ge [sflag:s28], $0xC0  }
0x114: {  	[sflag:s28] =	ssyncset.done $0x0  }
0x115: {  	s5 =	simm.s32 $0x180;
	[sflag:s28] =	ssyncadd.s32 $0xFFFFFF40  }
0x116: {  	[tilespmem:s5], [sflag:$0x1] =	stream.indirect.gather [hbm4b:s19+s30], $0x300, s17, s30, $0xb8;
	[tilespmem:$0x1F780] =	vst v63  }
0x117: {  	s16 =	simm.s32 $0x9480;
	s7 =	smul.u32 $0x30, s25  }
0x118: {  	[tilespmem:s16], [sflag:$0x1] =	stream.indirect.gather [hbm4b:s22+s30], $0x10, s29, s30, $0xb8;
	[tilespmem:$0x1F780] =	vst v63  }
0x119: {  	s2 =	simm.s32 $0x9180;
	s26 =	sadd.s32 s21, s7  }
0x11a: {  	[tilespmem:s2], [sflag:$0x1] =	stream.linear.gather [hbm4b:s26+s17], $0x180, $0x38;
	[tilespmem:$0x1F780] =	vst v63  }
0x11b: {  	_ = 	snop  }
0x11c: {  	[tilespmem:s6], [sflag:$0x2] =	stream.indirect.gather [hbm4b:s19+s30], $0x300, s30, s30, $0xb8;
	[tilespmem:$0x1F780] =	vst v63  }
0x11d: {  	s31 =	simm.s32 $0xD8  }
0x11e: {  	[tilespmem:s8], [sflag:$0x2] =	stream.indirect.gather [hbm4b:s22+s30], $0x10, s31, s30, $0xb8;
	[tilespmem:$0x1F780] =	vst v63  }
0x11f: {  	s0 =	sadd.s32 s7, s23;
	s5 =	simm.s32 $0x0  }
0x120: {  	[tilespmem:s9], [sflag:$0x2] =	stream.linear.gather [hbm4b:s0+s17], $0x180, $0x38;
	[tilespmem:$0x1F780] =	vst v63  }
.LBB2_5:
0x121: {  	_ =	swait.ge [sflag:s10], $0x4800  }
0x122: {  	[sflag:s10] =	ssyncset.done $0x0  }
0x123: {  	[sflag:s10] =	ssyncadd.s32 $0xFFFFB800  }
0x124: {  	_ =	swait.ge [sflag:s10], $0x180  }
0x125: {  	[sflag:s10] =	ssyncset.done $0x0  }
0x126: {  	[sflag:s10] =	ssyncadd.s32 $0xFFFFFE80  }
0x127: {  	_ =	swait.ge [sflag:s10], $0x180  }
0x128: {  	p0 =	seq.s32 s5, $0x0;
	[sflag:s10] =	ssyncset.done $0x0  }
0x129: {  	s0 =	simm.s32 @!p0 $0x3;
	[sflag:s10] =	ssyncadd.s32 $0xFFFFFE80  }
0x12a: {  	_ =	swait.ge @!p0 [sflag:s0], $0xC00  }
0x12b: {  	[sflag:s0] =	ssyncset.done @!p0 $0x0  }
0x12c: {  	s26 =	simm.s32 $0x0;
	[sflag:s0] =	ssyncadd.s32 @!p0 $0xFFFFF400  }
0x12d: {  	v1 =	vld [tilespmem:s26+$0x9180]  }
0x12e: {  	s2 =	simm.s32 $0x300;
	v2 =	vld [tilespmem:s26+$0x9480]  }
0x12f: {  	v3 =	vld [tilespmem:s2+$0xFFFFFE80]  }
0x130: {  	v4 =	vld [tilespmem:s2+$0xFFFFFF00];
	_ =	sdelay $0x1  }
0x131: {  	v5 =	vld [tilespmem:s2+$0xFFFFFEC0];
	_ =	sdelay $0x1  }
0x132: {  	v13 =	vld [tilespmem:s2+$0xFFFFFF80];
	v12 =	vmul.f32 v2, v1  }
0x133: {  	v2 =	vshll.u32 v3, $0x10;
	v3 =	vand.u32 $0xFFFF0000, v3;
	v7 =	vshll.u32 v4, $0x10  }
0x134: {  	v1 =	vld [tilespmem:s2+$0xFFFFFF40];
	v4 =	vand.u32 $0xFFFF0000, v4;
	v10 =	vbroadcast v12, $0x0;
	v8 =	vbroadcast v12, $0x2  }
0x135: {  	v9 =	vshll.u32 v5, $0x10;
	v11 =	vbroadcast v12, $0x1;
	v6 =	vbroadcast v12, $0x3  }
0x136: {  	v5 =	vand.u32 $0xFFFF0000, v5;
	v2 =	vmul.f32 v2, v10;
	v14 =	vmul.f32 v7, v8  }
0x137: {  	v15 =	vld [tilespmem:s2+$0xFFFFFFC0];
	v17 =	vshll.u32 v13, $0x10;
	v3 =	vmul.f32 v3, v10;
	v7 =	vbroadcast v12, $0x4  }
0x138: {  	v13 =	vand.u32 $0xFFFF0000, v13;
	v9 =	vmul.f32 v9, v11;
	v5 =	vmul.f32 v5, v11  }
0x139: {  	v4 =	vmul.f32 v4, v8;
	v16 =	vshll.u32 v1, $0x10;
	v1 =	vand.u32 $0xFFFF0000, v1  }
0x13a: {  	v16 =	vmul.f32 v16, v6;
	v2 =	vadd.f32 v9, v2;
	v17 =	vmul.f32 v17, v7  }
0x13b: {  	v9 =	vbroadcast v12, $0x5;
	v3 =	vadd.f32 v5, v3;
	v5 =	vmul.f32 v1, v6  }
0x13c: {  	v19 =	vld [tilespmem:s2+$0x0];
	v1 =	vshll.u32 v15, $0x10;
	v13 =	vmul.f32 v13, v7;
	v14 =	vadd.f32 v14, v2  }
0x13d: {  	v15 =	vand.u32 $0xFFFF0000, v15;
	v18 =	vmul.f32 v1, v9;
	v20 =	vadd.f32 v4, v3  }
0x13e: {  	v1 =	vbroadcast v12, $0xB;
	v3 =	vbroadcast v12, $0x9;
	v14 =	vadd.f32 v16, v14;
	v16 =	vld [tilespmem:s2+$0x40]  }
0x13f: {  	v2 =	vbroadcast v12, $0xA;
	v4 =	vbroadcast v12, $0x8;
	v20 =	vadd.f32 v5, v20  }
0x140: {  	v5 =	vbroadcast v12, $0x7;
	v12 =	vbroadcast v12, $0x6;
	v14 =	vadd.f32 v17, v14;
	v17 =	vld [tilespmem:s2+$0x80]  }
0x141: {  	v31 =	vshll.u32 v19, $0x10;
	v15 =	vmul.f32 v15, v9;
	v13 =	vadd.f32 v13, v20  }
0x142: {  	v34 =	vld [tilespmem:s2+$0xC0];
	v32 =	vand.u32 $0xFFFF0000, v19;
	v33 =	vmul.f32 v31, v12;
	v14 =	vadd.f32 v18, v14  }
0x143: {  	v13 =	vadd.f32 v15, v13;
	v15 =	vmul.f32 v32, v12;
	v35 =	vshll.u32 v16, $0x10  }
0x144: {  	v36 =	vld [tilespmem:s2+$0x100];
	v16 =	vand.u32 $0xFFFF0000, v16;
	v14 =	vadd.f32 v33, v14;
	v18 =	vmul.f32 v35, v5  }
0x145: {  	v13 =	vadd.f32 v15, v13;
	v15 =	vmul.f32 v16, v5;
	v16 =	vshll.u32 v17, $0x10  }
0x146: {  	v37 =	vld [tilespmem:s2+$0x140];
	v17 =	vand.u32 $0xFFFF0000, v17;
	v14 =	vadd.f32 v18, v14;
	v16 =	vmul.f32 v16, v4  }
0x147: {  	v13 =	vadd.f32 v15, v13;
	v15 =	vmul.f32 v17, v4;
	v17 =	vshll.u32 v34, $0x10  }
0x148: {  	v17 =	vmul.f32 v17, v3;
	v14 =	vadd.f32 v16, v14;
	v16 =	vand.u32 $0xFFFF0000, v34  }
0x149: {  	v13 =	vadd.f32 v15, v13;
	v15 =	vmul.f32 v16, v3;
	v16 =	vshll.u32 v36, $0x10  }
0x14a: {  	v14 =	vadd.f32 v17, v14;
	v17 =	vand.u32 $0xFFFF0000, v36;
	v16 =	vmul.f32 v16, v2  }
0x14b: {  	v13 =	vadd.f32 v15, v13;
	v15 =	vmul.f32 v17, v2;
	v17 =	vshll.u32 v37, $0x10  }
0x14c: {  	v14 =	vadd.f32 v16, v14;
	v16 =	vand.u32 $0xFFFF0000, v37;
	v17 =	vmul.f32 v17, v1  }
0x14d: {  	v13 =	vadd.f32 v15, v13;
	v15 =	vmul.f32 v16, v1  }
0x14e: {  	v14 =	vadd.f32 v17, v14  }
0x14f: {  	s31 =	simm.s32 $0x97C0;
	v13 =	vadd.f32 v15, v13  }
0x150: {  	[tilespmem:s31+$0xFFFFFFC0] =	vst v14  }
0x151: {  	[tilespmem:s31+$0xFFFFFFD0] =	vst v13  }
0x152: {  	v13 =	vld [tilespmem:s2+$0xFFFFFED0]  }
0x153: {  	v14 =	vld [tilespmem:s2+$0xFFFFFE90];
	_ =	sdelay $0x1  }
0x154: {  	v15 =	vld [tilespmem:s2+$0xFFFFFF10];
	_ =	sdelay $0x1  }
0x155: {  	v16 =	vld [tilespmem:s2+$0xFFFFFF50]  }
0x156: {  	v17 =	vshll.u32 v13, $0x10;
	v13 =	vand.u32 $0xFFFF0000, v13;
	v38 =	vshll.u32 v14, $0x10  }
0x157: {  	v39 =	vld [tilespmem:s2+$0xFFFFFF90];
	v14 =	vand.u32 $0xFFFF0000, v14;
	v17 =	vmul.f32 v17, v11;
	v18 =	vmul.f32 v38, v10  }
0x158: {  	v40 =	vshll.u32 v15, $0x10;
	v13 =	vmul.f32 v13, v11;
	v14 =	vmul.f32 v14, v10  }
0x159: {  	v42 =	vld [tilespmem:s2+$0xFFFFFFD0];
	v15 =	vand.u32 $0xFFFF0000, v15;
	v41 =	vmul.f32 v40, v8;
	v17 =	vadd.f32 v17, v18  }
0x15a: {  	v21 =	vshll.u32 v16, $0x10;
	v15 =	vmul.f32 v15, v8;
	v13 =	vadd.f32 v13, v14  }
0x15b: {  	v43 =	vld [tilespmem:s2+$0x10];
	v14 =	vand.u32 $0xFFFF0000, v16;
	v16 =	vmul.f32 v21, v6;
	v17 =	vadd.f32 v41, v17  }
0x15c: {  	v14 =	vmul.f32 v14, v6;
	v13 =	vadd.f32 v15, v13;
	v15 =	vshll.u32 v39, $0x10  }
0x15d: {  	v19 =	vand.u32 $0xFFFF0000, v39;
	v15 =	vmul.f32 v15, v7;
	v16 =	vadd.f32 v16, v17;
	v17 =	vld [tilespmem:s2+$0x50]  }
0x15e: {  	v19 =	vmul.f32 v19, v7;
	v13 =	vadd.f32 v14, v13;
	v14 =	vshll.u32 v42, $0x10  }
0x15f: {  	v20 =	vand.u32 $0xFFFF0000, v42;
	v14 =	vmul.f32 v14, v9;
	v15 =	vadd.f32 v15, v16;
	v16 =	vld [tilespmem:s2+$0x90]  }
0x160: {  	v44 =	vshll.u32 v43, $0x10;
	v20 =	vmul.f32 v20, v9;
	v13 =	vadd.f32 v19, v13  }
0x161: {  	v45 =	vld [tilespmem:s2+$0xD0];
	v18 =	vand.u32 $0xFFFF0000, v43;
	v14 =	vadd.f32 v14, v15;
	v15 =	vmul.f32 v44, v12  }
0x162: {  	v18 =	vmul.f32 v18, v12;
	v13 =	vadd.f32 v20, v13;
	v46 =	vshll.u32 v17, $0x10  }
0x163: {  	v47 =	vld [tilespmem:s2+$0x110];
	v14 =	vadd.f32 v15, v14;
	v15 =	vand.u32 $0xFFFF0000, v17;
	v17 =	vmul.f32 v46, v5  }
0x164: {  	v13 =	vadd.f32 v18, v13;
	v15 =	vmul.f32 v15, v5;
	v48 =	vshll.u32 v16, $0x10  }
0x165: {  	v49 =	vld [tilespmem:s2+$0x150];
	v16 =	vand.u32 $0xFFFF0000, v16;
	v14 =	vadd.f32 v17, v14;
	v17 =	vmul.f32 v48, v4  }
0x166: {  	v13 =	vadd.f32 v15, v13;
	v15 =	vmul.f32 v16, v4;
	v16 =	vshll.u32 v45, $0x10  }
0x167: {  	v14 =	vadd.f32 v17, v14;
	v17 =	vand.u32 $0xFFFF0000, v45;
	v16 =	vmul.f32 v16, v3  }
0x168: {  	v13 =	vadd.f32 v15, v13;
	v15 =	vmul.f32 v17, v3;
	v17 =	vshll.u32 v47, $0x10  }
0x169: {  	v14 =	vadd.f32 v16, v14;
	v16 =	vand.u32 $0xFFFF0000, v47;
	v17 =	vmul.f32 v17, v2  }
0x16a: {  	v13 =	vadd.f32 v15, v13;
	v15 =	vmul.f32 v16, v2;
	v16 =	vshll.u32 v49, $0x10  }
0x16b: {  	v14 =	vadd.f32 v17, v14;
	v17 =	vand.u32 $0xFFFF0000, v49;
	v16 =	vmul.f32 v16, v1  }
0x16c: {  	v13 =	vadd.f32 v15, v13;
	v15 =	vmul.f32 v17, v1  }
0x16d: {  	v14 =	vadd.f32 v16, v14  }
0x16e: {  	v13 =	vadd.f32 v15, v13  }
0x16f: {  	[tilespmem:s31+$0xFFFFFFE0] =	vst v14  }
0x170: {  	[tilespmem:s31+$0xFFFFFFF0] =	vst v13  }
0x171: {  	v13 =	vld [tilespmem:s2+$0xFFFFFEA0]  }
0x172: {  	v14 =	vld [tilespmem:s2+$0xFFFFFEE0];
	_ =	sdelay $0x1  }
0x173: {  	v15 =	vld [tilespmem:s2+$0xFFFFFF20];
	_ =	sdelay $0x1  }
0x174: {  	v16 =	vld [tilespmem:s2+$0xFFFFFF60]  }
0x175: {  	v17 =	vshll.u32 v13, $0x10;
	v13 =	vand.u32 $0xFFFF0000, v13;
	v50 =	vshll.u32 v14, $0x10  }
0x176: {  	v51 =	vld [tilespmem:s2+$0xFFFFFFA0];
	v14 =	vand.u32 $0xFFFF0000, v14;
	v17 =	vmul.f32 v17, v10;
	v18 =	vmul.f32 v50, v11  }
0x177: {  	v52 =	vshll.u32 v15, $0x10;
	v14 =	vmul.f32 v14, v11;
	v13 =	vmul.f32 v13, v10  }
0x178: {  	v53 =	vld [tilespmem:s2+$0xFFFFFFE0];
	v15 =	vand.u32 $0xFFFF0000, v15;
	v20 =	vmul.f32 v52, v8;
	v17 =	vadd.f32 v18, v17  }
0x179: {  	v15 =	vmul.f32 v15, v8;
	v13 =	vadd.f32 v14, v13;
	v14 =	vshll.u32 v16, $0x10  }
0x17a: {  	v54 =	vld [tilespmem:s2+$0x20];
	v16 =	vand.u32 $0xFFFF0000, v16;
	v14 =	vmul.f32 v14, v6;
	v17 =	vadd.f32 v20, v17  }
0x17b: {  	v13 =	vadd.f32 v15, v13;
	v15 =	vmul.f32 v16, v6;
	v16 =	vshll.u32 v51, $0x10  }
0x17c: {  	v55 =	vld [tilespmem:s2+$0x60];
	v16 =	vmul.f32 v16, v7;
	v14 =	vadd.f32 v14, v17;
	v17 =	vand.u32 $0xFFFF0000, v51  }
0x17d: {  	v13 =	vadd.f32 v15, v13;
	v15 =	vmul.f32 v17, v7;
	v17 =	vshll.u32 v53, $0x10  }
0x17e: {  	v56 =	vld [tilespmem:s2+$0xA0];
	v14 =	vadd.f32 v16, v14;
	v16 =	vand.u32 $0xFFFF0000, v53;
	v17 =	vmul.f32 v17, v9  }
0x17f: {  	v13 =	vadd.f32 v15, v13;
	v15 =	vmul.f32 v16, v9;
	v16 =	vshll.u32 v54, $0x10  }
0x180: {  	v57 =	vld [tilespmem:s2+$0xE0];
	v14 =	vadd.f32 v17, v14;
	v17 =	vand.u32 $0xFFFF0000, v54;
	v16 =	vmul.f32 v16, v12  }
0x181: {  	v13 =	vadd.f32 v15, v13;
	v15 =	vmul.f32 v17, v12;
	v17 =	vshll.u32 v55, $0x10  }
0x182: {  	v58 =	vld [tilespmem:s2+$0x120];
	v14 =	vadd.f32 v16, v14;
	v16 =	vand.u32 $0xFFFF0000, v55;
	v17 =	vmul.f32 v17, v5  }
0x183: {  	v13 =	vadd.f32 v15, v13;
	v15 =	vmul.f32 v16, v5;
	v16 =	vshll.u32 v56, $0x10  }
0x184: {  	v59 =	vld [tilespmem:s2+$0x160];
	v14 =	vadd.f32 v17, v14;
	v17 =	vand.u32 $0xFFFF0000, v56;
	v16 =	vmul.f32 v16, v4  }
0x185: {  	v13 =	vadd.f32 v15, v13;
	v15 =	vmul.f32 v17, v4;
	v17 =	vshll.u32 v57, $0x10  }
0x186: {  	v14 =	vadd.f32 v16, v14;
	v16 =	vand.u32 $0xFFFF0000, v57;
	v17 =	vmul.f32 v17, v3  }
0x187: {  	v13 =	vadd.f32 v15, v13;
	v15 =	vmul.f32 v16, v3;
	v16 =	vshll.u32 v58, $0x10  }
0x188: {  	v14 =	vadd.f32 v17, v14;
	v17 =	vand.u32 $0xFFFF0000, v58;
	v16 =	vmul.f32 v16, v2  }
0x189: {  	v13 =	vadd.f32 v15, v13;
	v15 =	vmul.f32 v17, v2;
	v17 =	vshll.u32 v59, $0x10  }
0x18a: {  	v14 =	vadd.f32 v16, v14;
	v16 =	vand.u32 $0xFFFF0000, v59;
	v17 =	vmul.f32 v17, v1  }
0x18b: {  	v13 =	vadd.f32 v15, v13;
	v15 =	vmul.f32 v16, v1  }
0x18c: {  	v14 =	vadd.f32 v17, v14  }
0x18d: {  	v13 =	vadd.f32 v15, v13  }
0x18e: {  	[tilespmem:s31+$0x0] =	vst v14  }
0x18f: {  	[tilespmem:s31+$0x10] =	vst v13  }
0x190: {  	v13 =	vld [tilespmem:s2+$0xFFFFFEB0]  }
0x191: {  	v14 =	vld [tilespmem:s2+$0xFFFFFEF0]  }
0x192: {  	v15 =	vld [tilespmem:s2+$0xFFFFFF30];
	_ =	sdelay $0x1  }
0x193: {  	v16 =	vld [tilespmem:s2+$0xFFFFFF70]  }
0x194: {  	v17 =	vshll.u32 v13, $0x10;
	v13 =	vand.u32 $0xFFFF0000, v13  }
0x195: {  	v60 =	vld [tilespmem:s2+$0xFFFFFFB0];
	v61 =	vshll.u32 v14, $0x10;
	v14 =	vand.u32 $0xFFFF0000, v14;
	v17 =	vmul.f32 v17, v10  }
0x196: {  	v19 =	vmul.f32 v61, v11;
	v11 =	vmul.f32 v14, v11;
	v14 =	vshll.u32 v15, $0x10  }
0x197: {  	v62 =	vld [tilespmem:s2+$0xFFFFFFF0];
	v10 =	vmul.f32 v13, v10;
	v13 =	vand.u32 $0xFFFF0000, v15;
	v14 =	vmul.f32 v14, v8  }
0x198: {  	v8 =	vmul.f32 v13, v8;
	v13 =	vshll.u32 v16, $0x10;
	v15 =	vadd.f32 v19, v17  }
0x199: {  	v17 =	vld [tilespmem:s2+$0x30];
	v10 =	vadd.f32 v11, v10;
	v11 =	vand.u32 $0xFFFF0000, v16;
	v13 =	vmul.f32 v13, v6  }
0x19a: {  	v16 =	vld [tilespmem:s2+$0x70];
	v6 =	vmul.f32 v11, v6;
	v11 =	vshll.u32 v60, $0x10;
	v14 =	vadd.f32 v14, v15  }
0x19b: {  	v8 =	vadd.f32 v8, v10;
	v10 =	vand.u32 $0xFFFF0000, v60;
	v11 =	vmul.f32 v11, v7  }
0x19c: {  	v7 =	vmul.f32 v10, v7;
	v10 =	vshll.u32 v62, $0x10;
	v13 =	vadd.f32 v13, v14  }
0x19d: {  	v63 =	vld [tilespmem:s2+$0xB0];
	v6 =	vadd.f32 v6, v8;
	v8 =	vand.u32 $0xFFFF0000, v62;
	v14 =	vmul.f32 v10, v9  }
0x19e: {  	v10 =	vld [tilespmem:s2+$0xF0];
	v9 =	vmul.f32 v8, v9;
	v8 =	vshll.u32 v17, $0x10;
	v11 =	vadd.f32 v11, v13  }
0x19f: {  	v15 =	vshll.u32 v16, $0x10;
	v6 =	vadd.f32 v7, v6;
	v7 =	vand.u32 $0xFFFF0000, v17  }
0x1a0: {  	v17 =	vmul.f32 v8, v12;
	v8 =	vld [tilespmem:s2+$0x130];
	v15 =	vmul.f32 v15, v5;
	v13 =	vadd.f32 v14, v11  }
0x1a1: {  	s16 =	sshll.u32 s5, $0x1;
	v7 =	vmul.f32 v7, v12;
	v12 =	vadd.f32 v9, v6;
	v11 =	vand.u32 $0xFFFF0000, v16  }
0x1a2: {  	s7 =	simm.s32 $0x40;
	s1 =	sadd.s32 s25, s16;
	s0 =	simm.s32 $0x97C0;
	v14 =	vshll.u32 v63, $0x10;
	v6 =	vld [tilespmem:s2+$0x170];
	v9 =	vand.u32 $0xFFFF0000, v63;
	v13 =	vadd.f32 v17, v13  }
.LBB2_6:
0x1a3: {  	p1 =	sne.s32 s7, $0x5C0;
	v14 =	vmul.f32 v14, v4;
	v16 =	vshll.u32 v10, $0x10;
	v10 =	vand.u32 $0xFFFF0000, v10;
	s31 =	sadd.s32 $0x80, s31;
	s2 =	sadd.s32 $0x300, s2  }
0x1a4: {  	v7 =	vadd.f32 v7, v12;
	v5 =	vmul.f32 v11, v5;
	s26 =	smov.u32 s7;
	s7 =	sadd.s32 $0x40, s7;
	v12 =	vadd.f32 v15, v13  }
0x1a5: {  	v11 =	vmul.f32 v16, v3;
	v3 =	vmul.f32 v10, v3;
	v10 =	vshll.u32 v8, $0x10  }
0x1a6: {  	v4 =	vmul.f32 v9, v4;
	v5 =	vadd.f32 v5, v7;
	v7 =	vadd.f32 v14, v12  }
0x1a7: {  	v9 =	vshll.u32 v6, $0x10;
	v6 =	vand.u32 $0xFFFF0000, v6;
	v8 =	vand.u32 $0xFFFF0000, v8  }
0x1a8: {  	v4 =	vadd.f32 v4, v5;
	v5 =	vadd.f32 v11, v7;
	v7 =	vmul.f32 v10, v2  }
0x1a9: {  	v9 =	vmul.f32 v9, v1  }
0x1aa: {  	v2 =	vmul.f32 v8, v2;
	v3 =	vadd.f32 v3, v4;
	v4 =	vadd.f32 v7, v5;
	_ =	sdelay $0x1  }
0x1ab: {  	v1 =	vmul.f32 v6, v1;
	v2 =	vadd.f32 v2, v3;
	v3 =	vadd.f32 v9, v4;
	_ =	sdelay $0x1  }
0x1ac: {  	v1 =	vadd.f32 v1, v2;
	[tilespmem:s0+$0x20] =	vst v3;
	_ =	sdelay $0x1  }
0x1ad: {  	s26 =	sshra.s32 s26, $0x2;
	[tilespmem:s0+$0x30] =	vst v1;
	s0 =	smov.u32 s31  }
0x1ae: {  	v1 =	vld [tilespmem:s26+$0x9180]  }
0x1af: {  	v2 =	vld [tilespmem:s26+$0x9480];
	_ =	sdelay $0x1  }
0x1b0: {  	v3 =	vld [tilespmem:s2+$0xFFFFFE80]  }
0x1b1: {  	v4 =	vld [tilespmem:s2+$0xFFFFFF00]  }
0x1b2: {  	v5 =	vld [tilespmem:s2+$0xFFFFFEC0]  }
0x1b3: {  	v12 =	vmul.f32 v2, v1  }
0x1b4: {  	v1 =	vld [tilespmem:s2+$0xFFFFFF40]  }
0x1b5: {  	v2 =	vshll.u32 v3, $0x10;
	v10 =	vbroadcast v12, $0x0;
	v8 =	vbroadcast v12, $0x2  }
0x1b6: {  	v3 =	vand.u32 $0xFFFF0000, v3;
	v11 =	vbroadcast v12, $0x1;
	v6 =	vbroadcast v12, $0x3;
	v13 =	vld [tilespmem:s2+$0xFFFFFF80]  }
0x1b7: {  	v7 =	vshll.u32 v4, $0x10;
	v4 =	vand.u32 $0xFFFF0000, v4;
	v2 =	vmul.f32 v2, v10  }
0x1b8: {  	v9 =	vshll.u32 v5, $0x10;
	v5 =	vand.u32 $0xFFFF0000, v5;
	v14 =	vmul.f32 v7, v8;
	v15 =	vld [tilespmem:s2+$0xFFFFFFC0]  }
0x1b9: {  	v3 =	vmul.f32 v3, v10;
	v7 =	vbroadcast v12, $0x4;
	v16 =	vshll.u32 v1, $0x10  }
0x1ba: {  	v9 =	vmul.f32 v9, v11;
	v1 =	vand.u32 $0xFFFF0000, v1;
	v16 =	vmul.f32 v16, v6  }
0x1bb: {  	v4 =	vmul.f32 v4, v8;
	v5 =	vmul.f32 v5, v11;
	v17 =	vshll.u32 v13, $0x10  }
0x1bc: {  	v2 =	vadd.f32 v9, v2;
	v9 =	vbroadcast v12, $0x5;
	v17 =	vmul.f32 v17, v7  }
0x1bd: {  	v3 =	vadd.f32 v5, v3;
	v5 =	vmul.f32 v1, v6;
	v1 =	vshll.u32 v15, $0x10  }
0x1be: {  	v14 =	vadd.f32 v14, v2;
	v18 =	vmul.f32 v1, v9;
	v19 =	vld [tilespmem:s2+$0x0];
	v1 =	vbroadcast v12, $0xB  }
0x1bf: {  	v20 =	vadd.f32 v4, v3;
	v3 =	vbroadcast v12, $0x9;
	v2 =	vbroadcast v12, $0xA  }
0x1c0: {  	v13 =	vand.u32 $0xFFFF0000, v13;
	v4 =	vbroadcast v12, $0x8;
	v14 =	vadd.f32 v16, v14;
	v16 =	vld [tilespmem:s2+$0x40]  }
0x1c1: {  	v13 =	vmul.f32 v13, v7;
	v20 =	vadd.f32 v5, v20;
	v5 =	vbroadcast v12, $0x7  }
0x1c2: {  	v15 =	vand.u32 $0xFFFF0000, v15;
	v12 =	vbroadcast v12, $0x6;
	v14 =	vadd.f32 v17, v14;
	v17 =	vld [tilespmem:s2+$0x80]  }
0x1c3: {  	v15 =	vmul.f32 v15, v9;
	v13 =	vadd.f32 v13, v20;
	v20 =	vshll.u32 v19, $0x10  }
0x1c4: {  	v14 =	vadd.f32 v18, v14;
	v18 =	vand.u32 $0xFFFF0000, v19;
	v19 =	vmul.f32 v20, v12;
	v20 =	vld [tilespmem:s2+$0xC0]  }
0x1c5: {  	v13 =	vadd.f32 v15, v13;
	v15 =	vmul.f32 v18, v12;
	v18 =	vshll.u32 v16, $0x10  }
0x1c6: {  	v16 =	vand.u32 $0xFFFF0000, v16;
	v14 =	vadd.f32 v19, v14;
	v18 =	vmul.f32 v18, v5;
	v19 =	vld [tilespmem:s2+$0x100]  }
0x1c7: {  	v13 =	vadd.f32 v15, v13;
	v15 =	vmul.f32 v16, v5;
	v16 =	vshll.u32 v17, $0x10  }
0x1c8: {  	v17 =	vand.u32 $0xFFFF0000, v17;
	v14 =	vadd.f32 v18, v14;
	v16 =	vmul.f32 v16, v4;
	v18 =	vld [tilespmem:s2+$0x140]  }
0x1c9: {  	v13 =	vadd.f32 v15, v13;
	v15 =	vmul.f32 v17, v4;
	v17 =	vshll.u32 v20, $0x10  }
0x1ca: {  	v14 =	vadd.f32 v16, v14;
	v16 =	vand.u32 $0xFFFF0000, v20;
	v17 =	vmul.f32 v17, v3  }
0x1cb: {  	v13 =	vadd.f32 v15, v13;
	v15 =	vmul.f32 v16, v3;
	v16 =	vshll.u32 v19, $0x10  }
0x1cc: {  	v14 =	vadd.f32 v17, v14;
	v17 =	vand.u32 $0xFFFF0000, v19;
	v16 =	vmul.f32 v16, v2  }
0x1cd: {  	v13 =	vadd.f32 v15, v13;
	v15 =	vmul.f32 v17, v2;
	v17 =	vshll.u32 v18, $0x10  }
0x1ce: {  	v14 =	vadd.f32 v16, v14;
	v16 =	vand.u32 $0xFFFF0000, v18;
	v17 =	vmul.f32 v17, v1  }
0x1cf: {  	v13 =	vadd.f32 v15, v13;
	v15 =	vmul.f32 v16, v1  }
0x1d0: {  	v14 =	vadd.f32 v17, v14  }
0x1d1: {  	v13 =	vadd.f32 v15, v13  }
0x1d2: {  	[tilespmem:s31+$0xFFFFFFC0] =	vst v14  }
0x1d3: {  	[tilespmem:s31+$0xFFFFFFD0] =	vst v13  }
0x1d4: {  	v13 =	vld [tilespmem:s2+$0xFFFFFF50]  }
0x1d5: {  	v14 =	vld [tilespmem:s2+$0xFFFFFED0]  }
0x1d6: {  	v15 =	vld [tilespmem:s2+$0xFFFFFE90];
	_ =	sdelay $0x1  }
0x1d7: {  	v16 =	vld [tilespmem:s2+$0xFFFFFF10]  }
0x1d8: {  	v17 =	vshll.u32 v13, $0x10;
	v13 =	vand.u32 $0xFFFF0000, v13  }
0x1d9: {  	v18 =	vshll.u32 v14, $0x10;
	v14 =	vand.u32 $0xFFFF0000, v14;
	v17 =	vmul.f32 v17, v6  }
0x1da: {  	v19 =	vshll.u32 v15, $0x10;
	v18 =	vmul.f32 v18, v11;
	v14 =	vmul.f32 v14, v11  }
0x1db: {  	v13 =	vmul.f32 v13, v6;
	v15 =	vand.u32 $0xFFFF0000, v15;
	v19 =	vmul.f32 v19, v10;
	v20 =	vld [tilespmem:s2+$0xFFFFFF90]  }
0x1dc: {  	v15 =	vmul.f32 v15, v10;
	v21 =	vshll.u32 v16, $0x10;
	v16 =	vand.u32 $0xFFFF0000, v16  }
0x1dd: {  	v18 =	vadd.f32 v18, v19;
	v19 =	vmul.f32 v21, v8;
	v16 =	vmul.f32 v16, v8;
	v21 =	vld [tilespmem:s2+$0xFFFFFFD0]  }
0x1de: {  	v14 =	vadd.f32 v14, v15  }
0x1df: {  	v15 =	vadd.f32 v19, v18;
	v18 =	vld [tilespmem:s2+$0x10]  }
0x1e0: {  	v14 =	vadd.f32 v16, v14;
	v16 =	vshll.u32 v20, $0x10;
	v19 =	vand.u32 $0xFFFF0000, v20  }
0x1e1: {  	v15 =	vadd.f32 v17, v15;
	v16 =	vmul.f32 v16, v7;
	v17 =	vmul.f32 v19, v7;
	v19 =	vld [tilespmem:s2+$0x50]  }
0x1e2: {  	v13 =	vadd.f32 v13, v14;
	v14 =	vshll.u32 v21, $0x10;
	v20 =	vand.u32 $0xFFFF0000, v21  }
0x1e3: {  	v15 =	vadd.f32 v16, v15;
	v14 =	vmul.f32 v14, v9;
	v16 =	vmul.f32 v20, v9;
	v20 =	vld [tilespmem:s2+$0x90]  }
0x1e4: {  	v13 =	vadd.f32 v17, v13;
	v17 =	vshll.u32 v18, $0x10;
	v18 =	vand.u32 $0xFFFF0000, v18  }
0x1e5: {  	v14 =	vadd.f32 v14, v15;
	v15 =	vmul.f32 v17, v12;
	v17 =	vld [tilespmem:s2+$0xD0]  }
0x1e6: {  	v13 =	vadd.f32 v16, v13;
	v16 =	vmul.f32 v18, v12;
	v18 =	vshll.u32 v19, $0x10  }
0x1e7: {  	v14 =	vadd.f32 v15, v14;
	v15 =	vand.u32 $0xFFFF0000, v19;
	v18 =	vmul.f32 v18, v5;
	v19 =	vld [tilespmem:s2+$0x110]  }
0x1e8: {  	v13 =	vadd.f32 v16, v13;
	v15 =	vmul.f32 v15, v5;
	v16 =	vshll.u32 v20, $0x10  }
0x1e9: {  	v14 =	vadd.f32 v18, v14;
	v18 =	vand.u32 $0xFFFF0000, v20;
	v16 =	vmul.f32 v16, v4;
	v20 =	vld [tilespmem:s2+$0x150]  }
0x1ea: {  	v13 =	vadd.f32 v15, v13;
	v15 =	vmul.f32 v18, v4;
	v18 =	vshll.u32 v17, $0x10  }
0x1eb: {  	v14 =	vadd.f32 v16, v14;
	v16 =	vand.u32 $0xFFFF0000, v17;
	v17 =	vmul.f32 v18, v3  }
0x1ec: {  	v13 =	vadd.f32 v15, v13;
	v15 =	vmul.f32 v16, v3;
	v16 =	vshll.u32 v19, $0x10  }
0x1ed: {  	v14 =	vadd.f32 v17, v14;
	v17 =	vand.u32 $0xFFFF0000, v19;
	v16 =	vmul.f32 v16, v2  }
0x1ee: {  	v13 =	vadd.f32 v15, v13;
	v15 =	vmul.f32 v17, v2;
	v17 =	vshll.u32 v20, $0x10  }
0x1ef: {  	v14 =	vadd.f32 v16, v14;
	v16 =	vand.u32 $0xFFFF0000, v20;
	v17 =	vmul.f32 v17, v1  }
0x1f0: {  	v13 =	vadd.f32 v15, v13;
	v15 =	vmul.f32 v16, v1  }
0x1f1: {  	v14 =	vadd.f32 v17, v14  }
0x1f2: {  	v13 =	vadd.f32 v15, v13  }
0x1f3: {  	[tilespmem:s31+$0xFFFFFFE0] =	vst v14  }
0x1f4: {  	[tilespmem:s31+$0xFFFFFFF0] =	vst v13  }
0x1f5: {  	v13 =	vld [tilespmem:s2+$0xFFFFFEA0]  }
0x1f6: {  	v14 =	vld [tilespmem:s2+$0xFFFFFEE0]  }
0x1f7: {  	v15 =	vld [tilespmem:s2+$0xFFFFFF20];
	_ =	sdelay $0x2  }
0x1f8: {  	v16 =	vshll.u32 v13, $0x10;
	v13 =	vand.u32 $0xFFFF0000, v13;
	v17 =	vld [tilespmem:s2+$0xFFFFFF60]  }
0x1f9: {  	v16 =	vmul.f32 v16, v10;
	v18 =	vshll.u32 v14, $0x10;
	v14 =	vand.u32 $0xFFFF0000, v14  }
0x1fa: {  	v18 =	vmul.f32 v18, v11;
	v14 =	vmul.f32 v14, v11;
	v19 =	vshll.u32 v15, $0x10;
	v20 =	vld [tilespmem:s2+$0xFFFFFFA0]  }
0x1fb: {  	v13 =	vmul.f32 v13, v10;
	v15 =	vand.u32 $0xFFFF0000, v15;
	v19 =	vmul.f32 v19, v8  }
0x1fc: {  	v15 =	vmul.f32 v15, v8;
	v16 =	vadd.f32 v18, v16;
	v18 =	vld [tilespmem:s2+$0xFFFFFFE0]  }
0x1fd: {  	v13 =	vadd.f32 v14, v13;
	v14 =	vshll.u32 v17, $0x10  }
0x1fe: {  	v17 =	vand.u32 $0xFFFF0000, v17;
	v16 =	vadd.f32 v19, v16;
	v14 =	vmul.f32 v14, v6;
	v19 =	vld [tilespmem:s2+$0x20]  }
0x1ff: {  	v13 =	vadd.f32 v15, v13;
	v15 =	vmul.f32 v17, v6;
	v17 =	vshll.u32 v20, $0x10  }
0x200: {  	v14 =	vadd.f32 v14, v16;
	v16 =	vand.u32 $0xFFFF0000, v20;
	v17 =	vmul.f32 v17, v7;
	v20 =	vld [tilespmem:s2+$0x60]  }
0x201: {  	v13 =	vadd.f32 v15, v13;
	v15 =	vmul.f32 v16, v7;
	v16 =	vshll.u32 v18, $0x10  }
0x202: {  	v14 =	vadd.f32 v17, v14;
	v17 =	vand.u32 $0xFFFF0000, v18;
	v16 =	vmul.f32 v16, v9;
	v18 =	vld [tilespmem:s2+$0xA0]  }
0x203: {  	v13 =	vadd.f32 v15, v13;
	v15 =	vmul.f32 v17, v9;
	v17 =	vshll.u32 v19, $0x10  }
0x204: {  	v14 =	vadd.f32 v16, v14;
	v16 =	vand.u32 $0xFFFF0000, v19;
	v17 =	vmul.f32 v17, v12;
	v19 =	vld [tilespmem:s2+$0xE0]  }
0x205: {  	v13 =	vadd.f32 v15, v13;
	v15 =	vmul.f32 v16, v12;
	v16 =	vshll.u32 v20, $0x10  }
0x206: {  	v14 =	vadd.f32 v17, v14;
	v17 =	vand.u32 $0xFFFF0000, v20;
	v16 =	vmul.f32 v16, v5;
	v20 =	vld [tilespmem:s2+$0x120]  }
0x207: {  	v13 =	vadd.f32 v15, v13;
	v15 =	vmul.f32 v17, v5;
	v17 =	vshll.u32 v18, $0x10  }
0x208: {  	v14 =	vadd.f32 v16, v14;
	v16 =	vand.u32 $0xFFFF0000, v18;
	v17 =	vmul.f32 v17, v4;
	v18 =	vld [tilespmem:s2+$0x160]  }
0x209: {  	v13 =	vadd.f32 v15, v13;
	v15 =	vmul.f32 v16, v4;
	v16 =	vshll.u32 v19, $0x10  }
0x20a: {  	v14 =	vadd.f32 v17, v14;
	v17 =	vand.u32 $0xFFFF0000, v19;
	v16 =	vmul.f32 v16, v3  }
0x20b: {  	v13 =	vadd.f32 v15, v13;
	v15 =	vmul.f32 v17, v3;
	v17 =	vshll.u32 v20, $0x10  }
0x20c: {  	v14 =	vadd.f32 v16, v14;
	v16 =	vand.u32 $0xFFFF0000, v20;
	v17 =	vmul.f32 v17, v2  }
0x20d: {  	v13 =	vadd.f32 v15, v13;
	v15 =	vmul.f32 v16, v2;
	v16 =	vshll.u32 v18, $0x10  }
0x20e: {  	v14 =	vadd.f32 v17, v14;
	v17 =	vand.u32 $0xFFFF0000, v18;
	v16 =	vmul.f32 v16, v1  }
0x20f: {  	v13 =	vadd.f32 v15, v13;
	v15 =	vmul.f32 v17, v1  }
0x210: {  	v14 =	vadd.f32 v16, v14  }
0x211: {  	v13 =	vadd.f32 v15, v13  }
0x212: {  	[tilespmem:s31+$0x0] =	vst v14  }
0x213: {  	[tilespmem:s31+$0x10] =	vst v13  }
0x214: {  	v13 =	vld [tilespmem:s2+$0xFFFFFEB0]  }
0x215: {  	v14 =	vld [tilespmem:s2+$0xFFFFFEF0]  }
0x216: {  	v15 =	vld [tilespmem:s2+$0xFFFFFF30]  }
0x217: {  	v16 =	vld [tilespmem:s2+$0xFFFFFF70]  }
0x218: {  	v17 =	vld [tilespmem:s2+$0xFFFFFFB0]  }
0x219: {  	v18 =	vshll.u32 v13, $0x10;
	v13 =	vand.u32 $0xFFFF0000, v13;
	v19 =	vld [tilespmem:s2+$0xFFFFFFF0]  }
0x21a: {  	v18 =	vmul.f32 v18, v10;
	v20 =	vshll.u32 v14, $0x10;
	v14 =	vand.u32 $0xFFFF0000, v14;
	v21 =	vld [tilespmem:s2+$0x30]  }
0x21b: {  	v20 =	vmul.f32 v20, v11;
	v11 =	vmul.f32 v14, v11;
	v14 =	vshll.u32 v15, $0x10;
	v22 =	vld [tilespmem:s2+$0x70]  }
0x21c: {  	v13 =	vmul.f32 v13, v10;
	v10 =	vand.u32 $0xFFFF0000, v15;
	v14 =	vmul.f32 v14, v8;
	v23 =	vld [tilespmem:s2+$0xB0]  }
0x21d: {  	v15 =	vadd.f32 v20, v18;
	v18 =	vmul.f32 v10, v8;
	v8 =	vshll.u32 v16, $0x10;
	v10 =	vld [tilespmem:s2+$0xF0]  }
0x21e: {  	v11 =	vadd.f32 v11, v13;
	v13 =	vand.u32 $0xFFFF0000, v16;
	v16 =	vmul.f32 v8, v6;
	v8 =	vld [tilespmem:s2+$0x130]  }
0x21f: {  	v13 =	vmul.f32 v13, v6;
	v14 =	vadd.f32 v14, v15;
	v15 =	vshll.u32 v17, $0x10;
	v6 =	vld [tilespmem:s2+$0x170]  }
0x220: {  	v11 =	vadd.f32 v18, v11;
	v17 =	vand.u32 $0xFFFF0000, v17;
	v15 =	vmul.f32 v15, v7  }
0x221: {  	v7 =	vmul.f32 v17, v7;
	v14 =	vadd.f32 v16, v14;
	v16 =	vshll.u32 v19, $0x10  }
0x222: {  	v11 =	vadd.f32 v13, v11;
	v13 =	vand.u32 $0xFFFF0000, v19;
	v16 =	vmul.f32 v16, v9  }
.Ltmp5:
0x223: {  	v9 =	vmul.f32 v13, v9;
	v13 =	vshll.u32 v21, $0x10;
	v14 =	vadd.f32 v15, v14;
	(pc) =	sbr.rel @p1 .LBB2_6-.Ltmp5, $4  }
0x224: {  	v11 =	vadd.f32 v7, v11;
	v7 =	vand.u32 $0xFFFF0000, v21;
	v15 =	vshll.u32 v22, $0x10  }
0x225: {  	v13 =	vmul.f32 v13, v12;
	v7 =	vmul.f32 v7, v12;
	v16 =	vadd.f32 v16, v14  }
0x226: {  	v12 =	vadd.f32 v9, v11;
	v11 =	vand.u32 $0xFFFF0000, v22;
	v14 =	vshll.u32 v23, $0x10  }
0x227: {  	v15 =	vmul.f32 v15, v5;
	v9 =	vand.u32 $0xFFFF0000, v23;
	v13 =	vadd.f32 v13, v16  }
0x228: {  	v7 =	vadd.f32 v7, v12;
	v5 =	vmul.f32 v11, v5  }
0x229: {  	v11 =	vmul.f32 v14, v4;
	v12 =	vadd.f32 v15, v13  }
0x22a: {  	v4 =	vmul.f32 v9, v4;
	v13 =	vshll.u32 v10, $0x10;
	v5 =	vadd.f32 v5, v7  }
0x22b: {  	v7 =	vand.u32 $0xFFFF0000, v10;
	v9 =	vmul.f32 v13, v3;
	v10 =	vadd.f32 v11, v12  }
0x22c: {  	v3 =	vmul.f32 v7, v3;
	v7 =	vshll.u32 v8, $0x10;
	v4 =	vadd.f32 v4, v5  }
0x22d: {  	v5 =	vand.u32 $0xFFFF0000, v8;
	v7 =	vmul.f32 v7, v2;
	v8 =	vadd.f32 v9, v10  }
0x22e: {  	v9 =	vshll.u32 v6, $0x10;
	v2 =	vmul.f32 v5, v2;
	v3 =	vadd.f32 v3, v4  }
0x22f: {  	v4 =	vand.u32 $0xFFFF0000, v6;
	v5 =	vmul.f32 v9, v1;
	v6 =	vadd.f32 v7, v8  }
0x230: {  	v1 =	vmul.f32 v4, v1;
	v2 =	vadd.f32 v2, v3  }
0x231: {  	s2 =	smul.u32 $0xC0, s5;
	v3 =	vadd.f32 v5, v6  }
0x232: {  	v1 =	vadd.f32 v1, v2  }
0x233: {  	p1 =	seq.s32 s5, $0x3;
	s2 =	sshra.s32 s2, $0x2;
	[tilespmem:s0+$0x20] =	vst v3  }
0x234: {  	s7 =	sadd.s32 $0xC0, s2;
	s2 =	smul.u32 @!p1 $0x30, s5;
	[tilespmem:s0+$0x30] =	vst v1  }
0x235: {  	[spmem:s3] =	stream.indirect.scatter.add.f32 [tilespmem:s11], [sflag:$0x3], $0x80, s7, s30, $0xb8;
	[tilespmem:$0x1F780] =	vst v63  }
0x236: {  	s26 =	simm.s32 @!p1 $0x180;
	s0 =	sadd.s32 @!p1 $0x30, s2;
	s7 =	simm.s32 @!p1 $0x18  }
0x237: {  	[tilespmem:s26], [sflag:$0x1] =	stream.indirect.gather @!p1 [hbm4b:s19+s7], $0x300, s0, s7, $0xb8;
	[tilespmem:$0x1F780] =	vst v63  }
0x238: {  	s1 =	smul.u32 @!p1 $0x180, s1;
	s0 =	sadd.s32 @!p1 $0xF0, s2;
	s2 =	simm.s32 @!p1 $0x9480  }
0x239: {  	[tilespmem:s2], [sflag:$0x1] =	stream.indirect.gather @!p1 [hbm4b:s22+s7], $0x10, s0, s7, $0xb8;
	[tilespmem:$0x1F780] =	vst v63  }
0x23a: {  	s0 =	sshrl.u32 @!p1 s1, $0x3  }
0x23b: {  	s0 =	sadd.s32 @!p1 s21, s0  }
0x23c: {  	s1 =	simm.s32 @!p1 $0x0;
	s2 =	simm.s32 @!p1 $0x9180;
	s0 =	sadd.s32 @!p1 $0x60, s0  }
0x23d: {  	[tilespmem:s2], [sflag:$0x1] =	stream.linear.gather @!p1 [hbm4b:s0+s1], $0x180, $0x38;
	[tilespmem:$0x1F780] =	vst v63  }
0x23e: {  	_ =	swait.ge [sflag:s12], $0x4800  }
0x23f: {  	[sflag:s12] =	ssyncset.done $0x0  }
0x240: {  	[sflag:s12] =	ssyncadd.s32 $0xFFFFB800  }
0x241: {  	_ =	swait.ge [sflag:s12], $0x180  }
0x242: {  	[sflag:s12] =	ssyncset.done $0x0  }
0x243: {  	[sflag:s12] =	ssyncadd.s32 $0xFFFFFE80  }
0x244: {  	_ =	swait.ge [sflag:s12], $0x180  }
0x245: {  	[sflag:s12] =	ssyncset.done $0x0  }
0x246: {  	s0 =	simm.s32 @!p0 $0x4;
	[sflag:s12] =	ssyncadd.s32 $0xFFFFFE80  }
0x247: {  	_ =	swait.ge @!p0 [sflag:s0], $0xC00  }
0x248: {  	[sflag:s0] =	ssyncset.done @!p0 $0x0  }
0x249: {  	s26 =	simm.s32 $0x0;
	[sflag:s0] =	ssyncadd.s32 @!p0 $0xFFFFF400  }
0x24a: {  	v1 =	vld [tilespmem:s26+$0x9300]  }
0x24b: {  	s2 =	simm.s32 $0x4B00;
	v2 =	vld [tilespmem:s26+$0x9600]  }
0x24c: {  	v3 =	vld [tilespmem:s2+$0xFFFFFE80]  }
0x24d: {  	v4 =	vld [tilespmem:s2+$0xFFFFFF00];
	_ =	sdelay $0x1  }
0x24e: {  	v5 =	vld [tilespmem:s2+$0xFFFFFEC0];
	_ =	sdelay $0x1  }
0x24f: {  	v13 =	vld [tilespmem:s2+$0xFFFFFF80];
	v12 =	vmul.f32 v2, v1  }
0x250: {  	v2 =	vshll.u32 v3, $0x10;
	v3 =	vand.u32 $0xFFFF0000, v3;
	v7 =	vshll.u32 v4, $0x10  }
0x251: {  	v1 =	vld [tilespmem:s2+$0xFFFFFF40];
	v4 =	vand.u32 $0xFFFF0000, v4;
	v10 =	vbroadcast v12, $0x0;
	v8 =	vbroadcast v12, $0x2  }
0x252: {  	v9 =	vshll.u32 v5, $0x10;
	v11 =	vbroadcast v12, $0x1;
	v6 =	vbroadcast v12, $0x3  }
0x253: {  	v5 =	vand.u32 $0xFFFF0000, v5;
	v2 =	vmul.f32 v2, v10;
	v14 =	vmul.f32 v7, v8  }
0x254: {  	v15 =	vld [tilespmem:s2+$0xFFFFFFC0];
	v17 =	vshll.u32 v13, $0x10;
	v3 =	vmul.f32 v3, v10;
	v7 =	vbroadcast v12, $0x4  }
0x255: {  	v13 =	vand.u32 $0xFFFF0000, v13;
	v9 =	vmul.f32 v9, v11;
	v5 =	vmul.f32 v5, v11  }
0x256: {  	v4 =	vmul.f32 v4, v8;
	v16 =	vshll.u32 v1, $0x10;
	v1 =	vand.u32 $0xFFFF0000, v1  }
0x257: {  	v16 =	vmul.f32 v16, v6;
	v2 =	vadd.f32 v9, v2;
	v17 =	vmul.f32 v17, v7  }
0x258: {  	v9 =	vbroadcast v12, $0x5;
	v3 =	vadd.f32 v5, v3;
	v5 =	vmul.f32 v1, v6  }
0x259: {  	v19 =	vld [tilespmem:s2+$0x0];
	v1 =	vshll.u32 v15, $0x10;
	v13 =	vmul.f32 v13, v7;
	v14 =	vadd.f32 v14, v2  }
0x25a: {  	v15 =	vand.u32 $0xFFFF0000, v15;
	v18 =	vmul.f32 v1, v9;
	v20 =	vadd.f32 v4, v3  }
0x25b: {  	v1 =	vbroadcast v12, $0xB;
	v3 =	vbroadcast v12, $0x9;
	v14 =	vadd.f32 v16, v14;
	v16 =	vld [tilespmem:s2+$0x40]  }
0x25c: {  	v2 =	vbroadcast v12, $0xA;
	v4 =	vbroadcast v12, $0x8;
	v20 =	vadd.f32 v5, v20  }
0x25d: {  	v5 =	vbroadcast v12, $0x7;
	v12 =	vbroadcast v12, $0x6;
	v14 =	vadd.f32 v17, v14;
	v17 =	vld [tilespmem:s2+$0x80]  }
0x25e: {  	v31 =	vshll.u32 v19, $0x10;
	v15 =	vmul.f32 v15, v9;
	v13 =	vadd.f32 v13, v20  }
0x25f: {  	v34 =	vld [tilespmem:s2+$0xC0];
	v32 =	vand.u32 $0xFFFF0000, v19;
	v33 =	vmul.f32 v31, v12;
	v14 =	vadd.f32 v18, v14  }
0x260: {  	v13 =	vadd.f32 v15, v13;
	v15 =	vmul.f32 v32, v12;
	v35 =	vshll.u32 v16, $0x10  }
0x261: {  	v36 =	vld [tilespmem:s2+$0x100];
	v16 =	vand.u32 $0xFFFF0000, v16;
	v14 =	vadd.f32 v33, v14;
	v18 =	vmul.f32 v35, v5  }
0x262: {  	v13 =	vadd.f32 v15, v13;
	v15 =	vmul.f32 v16, v5;
	v16 =	vshll.u32 v17, $0x10  }
0x263: {  	v37 =	vld [tilespmem:s2+$0x140];
	v17 =	vand.u32 $0xFFFF0000, v17;
	v14 =	vadd.f32 v18, v14;
	v16 =	vmul.f32 v16, v4  }
0x264: {  	v13 =	vadd.f32 v15, v13;
	v15 =	vmul.f32 v17, v4;
	v17 =	vshll.u32 v34, $0x10  }
0x265: {  	v17 =	vmul.f32 v17, v3;
	v14 =	vadd.f32 v16, v14;
	v16 =	vand.u32 $0xFFFF0000, v34  }
0x266: {  	v13 =	vadd.f32 v15, v13;
	v15 =	vmul.f32 v16, v3;
	v16 =	vshll.u32 v36, $0x10  }
0x267: {  	v14 =	vadd.f32 v17, v14;
	v17 =	vand.u32 $0xFFFF0000, v36;
	v16 =	vmul.f32 v16, v2  }
0x268: {  	v13 =	vadd.f32 v15, v13;
	v15 =	vmul.f32 v17, v2;
	v17 =	vshll.u32 v37, $0x10  }
0x269: {  	v14 =	vadd.f32 v16, v14;
	v16 =	vand.u32 $0xFFFF0000, v37;
	v17 =	vmul.f32 v17, v1  }
0x26a: {  	v13 =	vadd.f32 v15, v13;
	v15 =	vmul.f32 v16, v1  }
0x26b: {  	v14 =	vadd.f32 v17, v14  }
0x26c: {  	s31 =	simm.s32 $0xA3C0;
	v13 =	vadd.f32 v15, v13  }
0x26d: {  	[tilespmem:s31+$0xFFFFFFC0] =	vst v14  }
0x26e: {  	[tilespmem:s31+$0xFFFFFFD0] =	vst v13  }
0x26f: {  	v13 =	vld [tilespmem:s2+$0xFFFFFED0]  }
0x270: {  	v14 =	vld [tilespmem:s2+$0xFFFFFE90];
	_ =	sdelay $0x1  }
0x271: {  	v15 =	vld [tilespmem:s2+$0xFFFFFF10];
	_ =	sdelay $0x1  }
0x272: {  	v16 =	vld [tilespmem:s2+$0xFFFFFF50]  }
0x273: {  	v17 =	vshll.u32 v13, $0x10;
	v13 =	vand.u32 $0xFFFF0000, v13;
	v38 =	vshll.u32 v14, $0x10  }
0x274: {  	v39 =	vld [tilespmem:s2+$0xFFFFFF90];
	v14 =	vand.u32 $0xFFFF0000, v14;
	v17 =	vmul.f32 v17, v11;
	v18 =	vmul.f32 v38, v10  }
0x275: {  	v40 =	vshll.u32 v15, $0x10;
	v13 =	vmul.f32 v13, v11;
	v14 =	vmul.f32 v14, v10  }
0x276: {  	v42 =	vld [tilespmem:s2+$0xFFFFFFD0];
	v15 =	vand.u32 $0xFFFF0000, v15;
	v41 =	vmul.f32 v40, v8;
	v17 =	vadd.f32 v17, v18  }
0x277: {  	v21 =	vshll.u32 v16, $0x10;
	v15 =	vmul.f32 v15, v8;
	v13 =	vadd.f32 v13, v14  }
0x278: {  	v43 =	vld [tilespmem:s2+$0x10];
	v14 =	vand.u32 $0xFFFF0000, v16;
	v16 =	vmul.f32 v21, v6;
	v17 =	vadd.f32 v41, v17  }
0x279: {  	v14 =	vmul.f32 v14, v6;
	v13 =	vadd.f32 v15, v13;
	v15 =	vshll.u32 v39, $0x10  }
0x27a: {  	v19 =	vand.u32 $0xFFFF0000, v39;
	v15 =	vmul.f32 v15, v7;
	v16 =	vadd.f32 v16, v17;
	v17 =	vld [tilespmem:s2+$0x50]  }
0x27b: {  	v19 =	vmul.f32 v19, v7;
	v13 =	vadd.f32 v14, v13;
	v14 =	vshll.u32 v42, $0x10  }
0x27c: {  	v20 =	vand.u32 $0xFFFF0000, v42;
	v14 =	vmul.f32 v14, v9;
	v15 =	vadd.f32 v15, v16;
	v16 =	vld [tilespmem:s2+$0x90]  }
0x27d: {  	v44 =	vshll.u32 v43, $0x10;
	v20 =	vmul.f32 v20, v9;
	v13 =	vadd.f32 v19, v13  }
0x27e: {  	v45 =	vld [tilespmem:s2+$0xD0];
	v18 =	vand.u32 $0xFFFF0000, v43;
	v14 =	vadd.f32 v14, v15;
	v15 =	vmul.f32 v44, v12  }
0x27f: {  	v18 =	vmul.f32 v18, v12;
	v13 =	vadd.f32 v20, v13;
	v46 =	vshll.u32 v17, $0x10  }
0x280: {  	v47 =	vld [tilespmem:s2+$0x110];
	v14 =	vadd.f32 v15, v14;
	v15 =	vand.u32 $0xFFFF0000, v17;
	v17 =	vmul.f32 v46, v5  }
0x281: {  	v13 =	vadd.f32 v18, v13;
	v15 =	vmul.f32 v15, v5;
	v48 =	vshll.u32 v16, $0x10  }
0x282: {  	v49 =	vld [tilespmem:s2+$0x150];
	v16 =	vand.u32 $0xFFFF0000, v16;
	v14 =	vadd.f32 v17, v14;
	v17 =	vmul.f32 v48, v4  }
0x283: {  	v13 =	vadd.f32 v15, v13;
	v15 =	vmul.f32 v16, v4;
	v16 =	vshll.u32 v45, $0x10  }
0x284: {  	v14 =	vadd.f32 v17, v14;
	v17 =	vand.u32 $0xFFFF0000, v45;
	v16 =	vmul.f32 v16, v3  }
0x285: {  	v13 =	vadd.f32 v15, v13;
	v15 =	vmul.f32 v17, v3;
	v17 =	vshll.u32 v47, $0x10  }
0x286: {  	v14 =	vadd.f32 v16, v14;
	v16 =	vand.u32 $0xFFFF0000, v47;
	v17 =	vmul.f32 v17, v2  }
0x287: {  	v13 =	vadd.f32 v15, v13;
	v15 =	vmul.f32 v16, v2;
	v16 =	vshll.u32 v49, $0x10  }
0x288: {  	v14 =	vadd.f32 v17, v14;
	v17 =	vand.u32 $0xFFFF0000, v49;
	v16 =	vmul.f32 v16, v1  }
0x289: {  	v13 =	vadd.f32 v15, v13;
	v15 =	vmul.f32 v17, v1  }
0x28a: {  	v14 =	vadd.f32 v16, v14  }
0x28b: {  	v13 =	vadd.f32 v15, v13  }
0x28c: {  	[tilespmem:s31+$0xFFFFFFE0] =	vst v14  }
0x28d: {  	[tilespmem:s31+$0xFFFFFFF0] =	vst v13  }
0x28e: {  	v13 =	vld [tilespmem:s2+$0xFFFFFEA0]  }
0x28f: {  	v14 =	vld [tilespmem:s2+$0xFFFFFEE0];
	_ =	sdelay $0x1  }
0x290: {  	v15 =	vld [tilespmem:s2+$0xFFFFFF20];
	_ =	sdelay $0x1  }
0x291: {  	v16 =	vld [tilespmem:s2+$0xFFFFFF60]  }
0x292: {  	v17 =	vshll.u32 v13, $0x10;
	v13 =	vand.u32 $0xFFFF0000, v13;
	v50 =	vshll.u32 v14, $0x10  }
0x293: {  	v51 =	vld [tilespmem:s2+$0xFFFFFFA0];
	v14 =	vand.u32 $0xFFFF0000, v14;
	v17 =	vmul.f32 v17, v10;
	v18 =	vmul.f32 v50, v11  }
0x294: {  	v52 =	vshll.u32 v15, $0x10;
	v14 =	vmul.f32 v14, v11;
	v13 =	vmul.f32 v13, v10  }
0x295: {  	v53 =	vld [tilespmem:s2+$0xFFFFFFE0];
	v15 =	vand.u32 $0xFFFF0000, v15;
	v20 =	vmul.f32 v52, v8;
	v17 =	vadd.f32 v18, v17  }
0x296: {  	v15 =	vmul.f32 v15, v8;
	v13 =	vadd.f32 v14, v13;
	v14 =	vshll.u32 v16, $0x10  }
0x297: {  	v54 =	vld [tilespmem:s2+$0x20];
	v16 =	vand.u32 $0xFFFF0000, v16;
	v14 =	vmul.f32 v14, v6;
	v17 =	vadd.f32 v20, v17  }
0x298: {  	v13 =	vadd.f32 v15, v13;
	v15 =	vmul.f32 v16, v6;
	v16 =	vshll.u32 v51, $0x10  }
0x299: {  	v55 =	vld [tilespmem:s2+$0x60];
	v16 =	vmul.f32 v16, v7;
	v14 =	vadd.f32 v14, v17;
	v17 =	vand.u32 $0xFFFF0000, v51  }
0x29a: {  	v13 =	vadd.f32 v15, v13;
	v15 =	vmul.f32 v17, v7;
	v17 =	vshll.u32 v53, $0x10  }
0x29b: {  	v56 =	vld [tilespmem:s2+$0xA0];
	v14 =	vadd.f32 v16, v14;
	v16 =	vand.u32 $0xFFFF0000, v53;
	v17 =	vmul.f32 v17, v9  }
0x29c: {  	v13 =	vadd.f32 v15, v13;
	v15 =	vmul.f32 v16, v9;
	v16 =	vshll.u32 v54, $0x10  }
0x29d: {  	v57 =	vld [tilespmem:s2+$0xE0];
	v14 =	vadd.f32 v17, v14;
	v17 =	vand.u32 $0xFFFF0000, v54;
	v16 =	vmul.f32 v16, v12  }
0x29e: {  	v13 =	vadd.f32 v15, v13;
	v15 =	vmul.f32 v17, v12;
	v17 =	vshll.u32 v55, $0x10  }
0x29f: {  	v58 =	vld [tilespmem:s2+$0x120];
	v14 =	vadd.f32 v16, v14;
	v16 =	vand.u32 $0xFFFF0000, v55;
	v17 =	vmul.f32 v17, v5  }
0x2a0: {  	v13 =	vadd.f32 v15, v13;
	v15 =	vmul.f32 v16, v5;
	v16 =	vshll.u32 v56, $0x10  }
0x2a1: {  	v59 =	vld [tilespmem:s2+$0x160];
	v14 =	vadd.f32 v17, v14;
	v17 =	vand.u32 $0xFFFF0000, v56;
	v16 =	vmul.f32 v16, v4  }
0x2a2: {  	v13 =	vadd.f32 v15, v13;
	v15 =	vmul.f32 v17, v4;
	v17 =	vshll.u32 v57, $0x10  }
0x2a3: {  	v14 =	vadd.f32 v16, v14;
	v16 =	vand.u32 $0xFFFF0000, v57;
	v17 =	vmul.f32 v17, v3  }
0x2a4: {  	v13 =	vadd.f32 v15, v13;
	v15 =	vmul.f32 v16, v3;
	v16 =	vshll.u32 v58, $0x10  }
0x2a5: {  	v14 =	vadd.f32 v17, v14;
	v17 =	vand.u32 $0xFFFF0000, v58;
	v16 =	vmul.f32 v16, v2  }
0x2a6: {  	v13 =	vadd.f32 v15, v13;
	v15 =	vmul.f32 v17, v2;
	v17 =	vshll.u32 v59, $0x10  }
0x2a7: {  	v14 =	vadd.f32 v16, v14;
	v16 =	vand.u32 $0xFFFF0000, v59;
	v17 =	vmul.f32 v17, v1  }
0x2a8: {  	v13 =	vadd.f32 v15, v13;
	v15 =	vmul.f32 v16, v1  }
0x2a9: {  	v14 =	vadd.f32 v17, v14  }
0x2aa: {  	v13 =	vadd.f32 v15, v13  }
0x2ab: {  	[tilespmem:s31+$0x0] =	vst v14  }
0x2ac: {  	[tilespmem:s31+$0x10] =	vst v13  }
0x2ad: {  	v13 =	vld [tilespmem:s2+$0xFFFFFEB0]  }
0x2ae: {  	v14 =	vld [tilespmem:s2+$0xFFFFFEF0]  }
0x2af: {  	v15 =	vld [tilespmem:s2+$0xFFFFFF30];
	_ =	sdelay $0x1  }
0x2b0: {  	v16 =	vld [tilespmem:s2+$0xFFFFFF70]  }
0x2b1: {  	v17 =	vshll.u32 v13, $0x10;
	v13 =	vand.u32 $0xFFFF0000, v13  }
0x2b2: {  	v60 =	vld [tilespmem:s2+$0xFFFFFFB0];
	v61 =	vshll.u32 v14, $0x10;
	v14 =	vand.u32 $0xFFFF0000, v14;
	v17 =	vmul.f32 v17, v10  }
0x2b3: {  	v19 =	vmul.f32 v61, v11;
	v11 =	vmul.f32 v14, v11;
	v14 =	vshll.u32 v15, $0x10  }
0x2b4: {  	v62 =	vld [tilespmem:s2+$0xFFFFFFF0];
	v10 =	vmul.f32 v13, v10;
	v13 =	vand.u32 $0xFFFF0000, v15;
	v14 =	vmul.f32 v14, v8  }
0x2b5: {  	v8 =	vmul.f32 v13, v8;
	v13 =	vshll.u32 v16, $0x10;
	v15 =	vadd.f32 v19, v17  }
0x2b6: {  	v17 =	vld [tilespmem:s2+$0x30];
	v10 =	vadd.f32 v11, v10;
	v11 =	vand.u32 $0xFFFF0000, v16;
	v13 =	vmul.f32 v13, v6  }
0x2b7: {  	v16 =	vld [tilespmem:s2+$0x70];
	v6 =	vmul.f32 v11, v6;
	v11 =	vshll.u32 v60, $0x10;
	v14 =	vadd.f32 v14, v15  }
0x2b8: {  	v8 =	vadd.f32 v8, v10;
	v10 =	vand.u32 $0xFFFF0000, v60;
	v11 =	vmul.f32 v11, v7  }
0x2b9: {  	v7 =	vmul.f32 v10, v7;
	v10 =	vshll.u32 v62, $0x10;
	v13 =	vadd.f32 v13, v14  }
0x2ba: {  	v63 =	vld [tilespmem:s2+$0xB0];
	v6 =	vadd.f32 v6, v8;
	v8 =	vand.u32 $0xFFFF0000, v62;
	v14 =	vmul.f32 v10, v9  }
0x2bb: {  	v10 =	vld [tilespmem:s2+$0xF0];
	v9 =	vmul.f32 v8, v9;
	v8 =	vshll.u32 v17, $0x10;
	v11 =	vadd.f32 v11, v13  }
0x2bc: {  	v15 =	vshll.u32 v16, $0x10;
	v6 =	vadd.f32 v7, v6;
	v7 =	vand.u32 $0xFFFF0000, v17  }
0x2bd: {  	v17 =	vmul.f32 v8, v12;
	v8 =	vld [tilespmem:s2+$0x130];
	v15 =	vmul.f32 v15, v5;
	v13 =	vadd.f32 v14, v11  }
0x2be: {  	s16 =	sor.u32 $0x1, s16;
	v7 =	vmul.f32 v7, v12;
	v12 =	vadd.f32 v9, v6;
	v11 =	vand.u32 $0xFFFF0000, v16  }
0x2bf: {  	s7 =	simm.s32 $0x40;
	s1 =	sadd.s32 s25, s16;
	s0 =	simm.s32 $0xA3C0;
	v14 =	vshll.u32 v63, $0x10;
	v6 =	vld [tilespmem:s2+$0x170];
	v9 =	vand.u32 $0xFFFF0000, v63;
	v13 =	vadd.f32 v17, v13  }
.LBB2_8:
0x2c0: {  	p0 =	sne.s32 s7, $0x5C0;
	v14 =	vmul.f32 v14, v4;
	v16 =	vshll.u32 v10, $0x10;
	v10 =	vand.u32 $0xFFFF0000, v10;
	s31 =	sadd.s32 $0x80, s31;
	s2 =	sadd.s32 $0x300, s2  }
0x2c1: {  	v7 =	vadd.f32 v7, v12;
	v5 =	vmul.f32 v11, v5;
	s26 =	smov.u32 s7;
	s7 =	sadd.s32 $0x40, s7;
	v12 =	vadd.f32 v15, v13  }
0x2c2: {  	v11 =	vmul.f32 v16, v3;
	v3 =	vmul.f32 v10, v3;
	v10 =	vshll.u32 v8, $0x10  }
0x2c3: {  	v4 =	vmul.f32 v9, v4;
	v5 =	vadd.f32 v5, v7;
	v7 =	vadd.f32 v14, v12  }
0x2c4: {  	v9 =	vshll.u32 v6, $0x10;
	v6 =	vand.u32 $0xFFFF0000, v6;
	v8 =	vand.u32 $0xFFFF0000, v8  }
0x2c5: {  	v4 =	vadd.f32 v4, v5;
	v5 =	vadd.f32 v11, v7;
	v7 =	vmul.f32 v10, v2  }
0x2c6: {  	v9 =	vmul.f32 v9, v1  }
0x2c7: {  	v2 =	vmul.f32 v8, v2;
	v3 =	vadd.f32 v3, v4;
	v4 =	vadd.f32 v7, v5;
	_ =	sdelay $0x1  }
0x2c8: {  	v1 =	vmul.f32 v6, v1;
	v2 =	vadd.f32 v2, v3;
	v3 =	vadd.f32 v9, v4;
	_ =	sdelay $0x1  }
0x2c9: {  	v1 =	vadd.f32 v1, v2;
	[tilespmem:s0+$0x20] =	vst v3;
	_ =	sdelay $0x1  }
0x2ca: {  	s26 =	sshra.s32 s26, $0x2;
	[tilespmem:s0+$0x30] =	vst v1;
	s0 =	smov.u32 s31  }
0x2cb: {  	v1 =	vld [tilespmem:s26+$0x9300]  }
0x2cc: {  	v2 =	vld [tilespmem:s26+$0x9600];
	_ =	sdelay $0x1  }
0x2cd: {  	v3 =	vld [tilespmem:s2+$0xFFFFFE80]  }
0x2ce: {  	v4 =	vld [tilespmem:s2+$0xFFFFFF00]  }
0x2cf: {  	v5 =	vld [tilespmem:s2+$0xFFFFFEC0]  }
0x2d0: {  	v12 =	vmul.f32 v2, v1  }
0x2d1: {  	v1 =	vld [tilespmem:s2+$0xFFFFFF40]  }
0x2d2: {  	v2 =	vshll.u32 v3, $0x10;
	v10 =	vbroadcast v12, $0x0;
	v8 =	vbroadcast v12, $0x2  }
0x2d3: {  	v3 =	vand.u32 $0xFFFF0000, v3;
	v11 =	vbroadcast v12, $0x1;
	v6 =	vbroadcast v12, $0x3;
	v13 =	vld [tilespmem:s2+$0xFFFFFF80]  }
0x2d4: {  	v7 =	vshll.u32 v4, $0x10;
	v4 =	vand.u32 $0xFFFF0000, v4;
	v2 =	vmul.f32 v2, v10  }
0x2d5: {  	v9 =	vshll.u32 v5, $0x10;
	v5 =	vand.u32 $0xFFFF0000, v5;
	v14 =	vmul.f32 v7, v8;
	v15 =	vld [tilespmem:s2+$0xFFFFFFC0]  }
0x2d6: {  	v3 =	vmul.f32 v3, v10;
	v7 =	vbroadcast v12, $0x4;
	v16 =	vshll.u32 v1, $0x10  }
0x2d7: {  	v9 =	vmul.f32 v9, v11;
	v1 =	vand.u32 $0xFFFF0000, v1;
	v16 =	vmul.f32 v16, v6  }
0x2d8: {  	v4 =	vmul.f32 v4, v8;
	v5 =	vmul.f32 v5, v11;
	v17 =	vshll.u32 v13, $0x10  }
0x2d9: {  	v2 =	vadd.f32 v9, v2;
	v9 =	vbroadcast v12, $0x5;
	v17 =	vmul.f32 v17, v7  }
0x2da: {  	v3 =	vadd.f32 v5, v3;
	v5 =	vmul.f32 v1, v6;
	v1 =	vshll.u32 v15, $0x10  }
0x2db: {  	v14 =	vadd.f32 v14, v2;
	v18 =	vmul.f32 v1, v9;
	v19 =	vld [tilespmem:s2+$0x0];
	v1 =	vbroadcast v12, $0xB  }
0x2dc: {  	v20 =	vadd.f32 v4, v3;
	v3 =	vbroadcast v12, $0x9;
	v2 =	vbroadcast v12, $0xA  }
0x2dd: {  	v13 =	vand.u32 $0xFFFF0000, v13;
	v4 =	vbroadcast v12, $0x8;
	v14 =	vadd.f32 v16, v14;
	v16 =	vld [tilespmem:s2+$0x40]  }
0x2de: {  	v13 =	vmul.f32 v13, v7;
	v20 =	vadd.f32 v5, v20;
	v5 =	vbroadcast v12, $0x7  }
0x2df: {  	v15 =	vand.u32 $0xFFFF0000, v15;
	v12 =	vbroadcast v12, $0x6;
	v14 =	vadd.f32 v17, v14;
	v17 =	vld [tilespmem:s2+$0x80]  }
0x2e0: {  	v15 =	vmul.f32 v15, v9;
	v13 =	vadd.f32 v13, v20;
	v20 =	vshll.u32 v19, $0x10  }
0x2e1: {  	v14 =	vadd.f32 v18, v14;
	v18 =	vand.u32 $0xFFFF0000, v19;
	v19 =	vmul.f32 v20, v12;
	v20 =	vld [tilespmem:s2+$0xC0]  }
0x2e2: {  	v13 =	vadd.f32 v15, v13;
	v15 =	vmul.f32 v18, v12;
	v18 =	vshll.u32 v16, $0x10  }
0x2e3: {  	v16 =	vand.u32 $0xFFFF0000, v16;
	v14 =	vadd.f32 v19, v14;
	v18 =	vmul.f32 v18, v5;
	v19 =	vld [tilespmem:s2+$0x100]  }
0x2e4: {  	v13 =	vadd.f32 v15, v13;
	v15 =	vmul.f32 v16, v5;
	v16 =	vshll.u32 v17, $0x10  }
0x2e5: {  	v17 =	vand.u32 $0xFFFF0000, v17;
	v14 =	vadd.f32 v18, v14;
	v16 =	vmul.f32 v16, v4;
	v18 =	vld [tilespmem:s2+$0x140]  }
0x2e6: {  	v13 =	vadd.f32 v15, v13;
	v15 =	vmul.f32 v17, v4;
	v17 =	vshll.u32 v20, $0x10  }
0x2e7: {  	v14 =	vadd.f32 v16, v14;
	v16 =	vand.u32 $0xFFFF0000, v20;
	v17 =	vmul.f32 v17, v3  }
0x2e8: {  	v13 =	vadd.f32 v15, v13;
	v15 =	vmul.f32 v16, v3;
	v16 =	vshll.u32 v19, $0x10  }
0x2e9: {  	v14 =	vadd.f32 v17, v14;
	v17 =	vand.u32 $0xFFFF0000, v19;
	v16 =	vmul.f32 v16, v2  }
0x2ea: {  	v13 =	vadd.f32 v15, v13;
	v15 =	vmul.f32 v17, v2;
	v17 =	vshll.u32 v18, $0x10  }
0x2eb: {  	v14 =	vadd.f32 v16, v14;
	v16 =	vand.u32 $0xFFFF0000, v18;
	v17 =	vmul.f32 v17, v1  }
0x2ec: {  	v13 =	vadd.f32 v15, v13;
	v15 =	vmul.f32 v16, v1  }
0x2ed: {  	v14 =	vadd.f32 v17, v14  }
0x2ee: {  	v13 =	vadd.f32 v15, v13  }
0x2ef: {  	[tilespmem:s31+$0xFFFFFFC0] =	vst v14  }
0x2f0: {  	[tilespmem:s31+$0xFFFFFFD0] =	vst v13  }
0x2f1: {  	v13 =	vld [tilespmem:s2+$0xFFFFFF50]  }
0x2f2: {  	v14 =	vld [tilespmem:s2+$0xFFFFFED0]  }
0x2f3: {  	v15 =	vld [tilespmem:s2+$0xFFFFFE90];
	_ =	sdelay $0x1  }
0x2f4: {  	v16 =	vld [tilespmem:s2+$0xFFFFFF10]  }
0x2f5: {  	v17 =	vshll.u32 v13, $0x10;
	v13 =	vand.u32 $0xFFFF0000, v13  }
0x2f6: {  	v18 =	vshll.u32 v14, $0x10;
	v14 =	vand.u32 $0xFFFF0000, v14;
	v17 =	vmul.f32 v17, v6  }
0x2f7: {  	v19 =	vshll.u32 v15, $0x10;
	v18 =	vmul.f32 v18, v11;
	v14 =	vmul.f32 v14, v11  }
0x2f8: {  	v13 =	vmul.f32 v13, v6;
	v15 =	vand.u32 $0xFFFF0000, v15;
	v19 =	vmul.f32 v19, v10;
	v20 =	vld [tilespmem:s2+$0xFFFFFF90]  }
0x2f9: {  	v15 =	vmul.f32 v15, v10;
	v21 =	vshll.u32 v16, $0x10;
	v16 =	vand.u32 $0xFFFF0000, v16  }
0x2fa: {  	v18 =	vadd.f32 v18, v19;
	v19 =	vmul.f32 v21, v8;
	v16 =	vmul.f32 v16, v8;
	v21 =	vld [tilespmem:s2+$0xFFFFFFD0]  }
0x2fb: {  	v14 =	vadd.f32 v14, v15  }
0x2fc: {  	v15 =	vadd.f32 v19, v18;
	v18 =	vld [tilespmem:s2+$0x10]  }
0x2fd: {  	v14 =	vadd.f32 v16, v14;
	v16 =	vshll.u32 v20, $0x10;
	v19 =	vand.u32 $0xFFFF0000, v20  }
0x2fe: {  	v15 =	vadd.f32 v17, v15;
	v16 =	vmul.f32 v16, v7;
	v17 =	vmul.f32 v19, v7;
	v19 =	vld [tilespmem:s2+$0x50]  }
0x2ff: {  	v13 =	vadd.f32 v13, v14;
	v14 =	vshll.u32 v21, $0x10;
	v20 =	vand.u32 $0xFFFF0000, v21  }
0x300: {  	v15 =	vadd.f32 v16, v15;
	v14 =	vmul.f32 v14, v9;
	v16 =	vmul.f32 v20, v9;
	v20 =	vld [tilespmem:s2+$0x90]  }
0x301: {  	v13 =	vadd.f32 v17, v13;
	v17 =	vshll.u32 v18, $0x10;
	v18 =	vand.u32 $0xFFFF0000, v18  }
0x302: {  	v14 =	vadd.f32 v14, v15;
	v15 =	vmul.f32 v17, v12;
	v17 =	vld [tilespmem:s2+$0xD0]  }
0x303: {  	v13 =	vadd.f32 v16, v13;
	v16 =	vmul.f32 v18, v12;
	v18 =	vshll.u32 v19, $0x10  }
0x304: {  	v14 =	vadd.f32 v15, v14;
	v15 =	vand.u32 $0xFFFF0000, v19;
	v18 =	vmul.f32 v18, v5;
	v19 =	vld [tilespmem:s2+$0x110]  }
0x305: {  	v13 =	vadd.f32 v16, v13;
	v15 =	vmul.f32 v15, v5;
	v16 =	vshll.u32 v20, $0x10  }
0x306: {  	v14 =	vadd.f32 v18, v14;
	v18 =	vand.u32 $0xFFFF0000, v20;
	v16 =	vmul.f32 v16, v4;
	v20 =	vld [tilespmem:s2+$0x150]  }
0x307: {  	v13 =	vadd.f32 v15, v13;
	v15 =	vmul.f32 v18, v4;
	v18 =	vshll.u32 v17, $0x10  }
0x308: {  	v14 =	vadd.f32 v16, v14;
	v16 =	vand.u32 $0xFFFF0000, v17;
	v17 =	vmul.f32 v18, v3  }
0x309: {  	v13 =	vadd.f32 v15, v13;
	v15 =	vmul.f32 v16, v3;
	v16 =	vshll.u32 v19, $0x10  }
0x30a: {  	v14 =	vadd.f32 v17, v14;
	v17 =	vand.u32 $0xFFFF0000, v19;
	v16 =	vmul.f32 v16, v2  }
0x30b: {  	v13 =	vadd.f32 v15, v13;
	v15 =	vmul.f32 v17, v2;
	v17 =	vshll.u32 v20, $0x10  }
0x30c: {  	v14 =	vadd.f32 v16, v14;
	v16 =	vand.u32 $0xFFFF0000, v20;
	v17 =	vmul.f32 v17, v1  }
0x30d: {  	v13 =	vadd.f32 v15, v13;
	v15 =	vmul.f32 v16, v1  }
0x30e: {  	v14 =	vadd.f32 v17, v14  }
0x30f: {  	v13 =	vadd.f32 v15, v13  }
0x310: {  	[tilespmem:s31+$0xFFFFFFE0] =	vst v14  }
0x311: {  	[tilespmem:s31+$0xFFFFFFF0] =	vst v13  }
0x312: {  	v13 =	vld [tilespmem:s2+$0xFFFFFEA0]  }
0x313: {  	v14 =	vld [tilespmem:s2+$0xFFFFFEE0]  }
0x314: {  	v15 =	vld [tilespmem:s2+$0xFFFFFF20];
	_ =	sdelay $0x2  }
0x315: {  	v16 =	vshll.u32 v13, $0x10;
	v13 =	vand.u32 $0xFFFF0000, v13;
	v17 =	vld [tilespmem:s2+$0xFFFFFF60]  }
0x316: {  	v16 =	vmul.f32 v16, v10;
	v18 =	vshll.u32 v14, $0x10;
	v14 =	vand.u32 $0xFFFF0000, v14  }
0x317: {  	v18 =	vmul.f32 v18, v11;
	v14 =	vmul.f32 v14, v11;
	v19 =	vshll.u32 v15, $0x10;
	v20 =	vld [tilespmem:s2+$0xFFFFFFA0]  }
0x318: {  	v13 =	vmul.f32 v13, v10;
	v15 =	vand.u32 $0xFFFF0000, v15;
	v19 =	vmul.f32 v19, v8  }
0x319: {  	v15 =	vmul.f32 v15, v8;
	v16 =	vadd.f32 v18, v16;
	v18 =	vld [tilespmem:s2+$0xFFFFFFE0]  }
0x31a: {  	v13 =	vadd.f32 v14, v13;
	v14 =	vshll.u32 v17, $0x10  }
0x31b: {  	v17 =	vand.u32 $0xFFFF0000, v17;
	v16 =	vadd.f32 v19, v16;
	v14 =	vmul.f32 v14, v6;
	v19 =	vld [tilespmem:s2+$0x20]  }
0x31c: {  	v13 =	vadd.f32 v15, v13;
	v15 =	vmul.f32 v17, v6;
	v17 =	vshll.u32 v20, $0x10  }
0x31d: {  	v14 =	vadd.f32 v14, v16;
	v16 =	vand.u32 $0xFFFF0000, v20;
	v17 =	vmul.f32 v17, v7;
	v20 =	vld [tilespmem:s2+$0x60]  }
0x31e: {  	v13 =	vadd.f32 v15, v13;
	v15 =	vmul.f32 v16, v7;
	v16 =	vshll.u32 v18, $0x10  }
0x31f: {  	v14 =	vadd.f32 v17, v14;
	v17 =	vand.u32 $0xFFFF0000, v18;
	v16 =	vmul.f32 v16, v9;
	v18 =	vld [tilespmem:s2+$0xA0]  }
0x320: {  	v13 =	vadd.f32 v15, v13;
	v15 =	vmul.f32 v17, v9;
	v17 =	vshll.u32 v19, $0x10  }
0x321: {  	v14 =	vadd.f32 v16, v14;
	v16 =	vand.u32 $0xFFFF0000, v19;
	v17 =	vmul.f32 v17, v12;
	v19 =	vld [tilespmem:s2+$0xE0]  }
0x322: {  	v13 =	vadd.f32 v15, v13;
	v15 =	vmul.f32 v16, v12;
	v16 =	vshll.u32 v20, $0x10  }
0x323: {  	v14 =	vadd.f32 v17, v14;
	v17 =	vand.u32 $0xFFFF0000, v20;
	v16 =	vmul.f32 v16, v5;
	v20 =	vld [tilespmem:s2+$0x120]  }
0x324: {  	v13 =	vadd.f32 v15, v13;
	v15 =	vmul.f32 v17, v5;
	v17 =	vshll.u32 v18, $0x10  }
0x325: {  	v14 =	vadd.f32 v16, v14;
	v16 =	vand.u32 $0xFFFF0000, v18;
	v17 =	vmul.f32 v17, v4;
	v18 =	vld [tilespmem:s2+$0x160]  }
0x326: {  	v13 =	vadd.f32 v15, v13;
	v15 =	vmul.f32 v16, v4;
	v16 =	vshll.u32 v19, $0x10  }
0x327: {  	v14 =	vadd.f32 v17, v14;
	v17 =	vand.u32 $0xFFFF0000, v19;
	v16 =	vmul.f32 v16, v3  }
0x328: {  	v13 =	vadd.f32 v15, v13;
	v15 =	vmul.f32 v17, v3;
	v17 =	vshll.u32 v20, $0x10  }
0x329: {  	v14 =	vadd.f32 v16, v14;
	v16 =	vand.u32 $0xFFFF0000, v20;
	v17 =	vmul.f32 v17, v2  }
0x32a: {  	v13 =	vadd.f32 v15, v13;
	v15 =	vmul.f32 v16, v2;
	v16 =	vshll.u32 v18, $0x10  }
0x32b: {  	v14 =	vadd.f32 v17, v14;
	v17 =	vand.u32 $0xFFFF0000, v18;
	v16 =	vmul.f32 v16, v1  }
0x32c: {  	v13 =	vadd.f32 v15, v13;
	v15 =	vmul.f32 v17, v1  }
0x32d: {  	v14 =	vadd.f32 v16, v14  }
0x32e: {  	v13 =	vadd.f32 v15, v13  }
0x32f: {  	[tilespmem:s31+$0x0] =	vst v14  }
0x330: {  	[tilespmem:s31+$0x10] =	vst v13  }
0x331: {  	v13 =	vld [tilespmem:s2+$0xFFFFFEB0]  }
0x332: {  	v14 =	vld [tilespmem:s2+$0xFFFFFEF0]  }
0x333: {  	v15 =	vld [tilespmem:s2+$0xFFFFFF30]  }
0x334: {  	v16 =	vld [tilespmem:s2+$0xFFFFFF70]  }
0x335: {  	v17 =	vld [tilespmem:s2+$0xFFFFFFB0]  }
0x336: {  	v18 =	vshll.u32 v13, $0x10;
	v13 =	vand.u32 $0xFFFF0000, v13;
	v19 =	vld [tilespmem:s2+$0xFFFFFFF0]  }
0x337: {  	v18 =	vmul.f32 v18, v10;
	v20 =	vshll.u32 v14, $0x10;
	v14 =	vand.u32 $0xFFFF0000, v14;
	v21 =	vld [tilespmem:s2+$0x30]  }
0x338: {  	v20 =	vmul.f32 v20, v11;
	v11 =	vmul.f32 v14, v11;
	v14 =	vshll.u32 v15, $0x10;
	v22 =	vld [tilespmem:s2+$0x70]  }
0x339: {  	v13 =	vmul.f32 v13, v10;
	v10 =	vand.u32 $0xFFFF0000, v15;
	v14 =	vmul.f32 v14, v8;
	v23 =	vld [tilespmem:s2+$0xB0]  }
0x33a: {  	v15 =	vadd.f32 v20, v18;
	v18 =	vmul.f32 v10, v8;
	v8 =	vshll.u32 v16, $0x10;
	v10 =	vld [tilespmem:s2+$0xF0]  }
0x33b: {  	v11 =	vadd.f32 v11, v13;
	v13 =	vand.u32 $0xFFFF0000, v16;
	v16 =	vmul.f32 v8, v6;
	v8 =	vld [tilespmem:s2+$0x130]  }
0x33c: {  	v13 =	vmul.f32 v13, v6;
	v14 =	vadd.f32 v14, v15;
	v15 =	vshll.u32 v17, $0x10;
	v6 =	vld [tilespmem:s2+$0x170]  }
0x33d: {  	v11 =	vadd.f32 v18, v11;
	v17 =	vand.u32 $0xFFFF0000, v17;
	v15 =	vmul.f32 v15, v7  }
0x33e: {  	v7 =	vmul.f32 v17, v7;
	v14 =	vadd.f32 v16, v14;
	v16 =	vshll.u32 v19, $0x10  }
0x33f: {  	v11 =	vadd.f32 v13, v11;
	v13 =	vand.u32 $0xFFFF0000, v19;
	v16 =	vmul.f32 v16, v9  }
.Ltmp6:
0x340: {  	v9 =	vmul.f32 v13, v9;
	v13 =	vshll.u32 v21, $0x10;
	v14 =	vadd.f32 v15, v14;
	(pc) =	sbr.rel @p0 .LBB2_8-.Ltmp6, $4  }
0x341: {  	v11 =	vadd.f32 v7, v11;
	v7 =	vand.u32 $0xFFFF0000, v21;
	v15 =	vshll.u32 v22, $0x10  }
0x342: {  	v13 =	vmul.f32 v13, v12;
	v7 =	vmul.f32 v7, v12;
	v16 =	vadd.f32 v16, v14  }
0x343: {  	v12 =	vadd.f32 v9, v11;
	v11 =	vand.u32 $0xFFFF0000, v22;
	v14 =	vshll.u32 v23, $0x10  }
0x344: {  	v15 =	vmul.f32 v15, v5;
	v9 =	vand.u32 $0xFFFF0000, v23;
	v13 =	vadd.f32 v13, v16  }
0x345: {  	v7 =	vadd.f32 v7, v12;
	v5 =	vmul.f32 v11, v5  }
0x346: {  	v50 =	vmul.f32 v14, v4;
	v51 =	vadd.f32 v15, v13  }
0x347: {  	v52 =	vshll.u32 v10, $0x10;
	v53 =	vmul.f32 v9, v4;
	v5 =	vadd.f32 v5, v7  }
0x348: {  	v54 =	vand.u32 $0xFFFF0000, v10;
	v55 =	vmul.f32 v52, v3;
	v56 =	vadd.f32 v50, v51  }
0x349: {  	v57 =	vshll.u32 v8, $0x10;
	v3 =	vmul.f32 v54, v3;
	v4 =	vadd.f32 v53, v5  }
0x34a: {  	v58 =	vand.u32 $0xFFFF0000, v8;
	v7 =	vmul.f32 v57, v2;
	v59 =	vadd.f32 v55, v56  }
0x34b: {  	v60 =	vshll.u32 v6, $0x10;
	v2 =	vmul.f32 v58, v2;
	v3 =	vadd.f32 v3, v4  }
0x34c: {  	v61 =	vand.u32 $0xFFFF0000, v6;
	v62 =	vmul.f32 v60, v1;
	v63 =	vadd.f32 v7, v59  }
0x34d: {  	s2 =	smul.u32 $0x60, s16;
	v1 =	vmul.f32 v61, v1;
	v2 =	vadd.f32 v2, v3  }
.Ltmp7:
0x34e: {  	v3 =	vadd.f32 v62, v63;
	(pc) =	sbr.rel @p1 .LBB2_11-.Ltmp7, $4  }
0x34f: {  	v1 =	vadd.f32 v1, v2  }
0x350: {  	s2 =	sshra.s32 s2, $0x2;
	[tilespmem:s0+$0x20] =	vst v3  }
0x351: {  	s31 =	sadd.s32 $0xC0, s2;
	[tilespmem:s0+$0x30] =	vst v1  }
0x352: {  	[spmem:s3] =	stream.indirect.scatter.add.f32 [tilespmem:s13], [sflag:$0x4], $0x80, s31, s30, $0xb8;
	[tilespmem:$0x1F780] =	vst v63  }
0x353: {  	s0 =	smul.u32 $0x30, s5;
	_ =	sdelay $0x1  }
0x354: {  	s1 =	smul.u32 $0x180, s1;
	s2 =	sadd.s32 $0x48, s0  }
0x355: {  	[tilespmem:s6], [sflag:$0x2] =	stream.indirect.gather [hbm4b:s19+s30], $0x300, s2, s30, $0xb8;
	[tilespmem:$0x1F780] =	vst v63  }
.Ltmp8:
0x356: {  	s0 =	sadd.s32 $0x108, s0;
	s31 =	sshrl.u32 s1, $0x3;
	(pc) =	sbr.rel .LBB2_5-.Ltmp8, $4  }
0x357: {  	[tilespmem:s8], [sflag:$0x2] =	stream.indirect.gather [hbm4b:s22+s30], $0x10, s0, s30, $0xb8;
	[tilespmem:$0x1F780] =	vst v63  }
0x358: {  	s0 =	sadd.s32 s21, s31  }
0x359: {  	s5 =	sadd.s32 $0x1, s5;
	s0 =	sadd.s32 $0x60, s0  }
0x35a: {  	[tilespmem:s9], [sflag:$0x2] =	stream.linear.gather [hbm4b:s0+s4], $0x180, $0x38;
	[tilespmem:$0x1F780] =	vst v63  }
.LBB2_13:
0x35b: {  	_ =	sfence.sel $0x180000  }
0x35c: {  	[bflag:$0x0] =	sbarrier.arrive $0xFFFF  }
0x35d: {  	_ =	strace $0x9000004A  }
0x35e: {  	s0 =	stileid.u32;
	[bflag:$0x2] =	sbarrier.arrive $0xFFFF  }
0x35f: {  	p0 =	sne.s32 s0, $0x0;
	s0 =	rddreg [dreg:$0x3]  }
0x360: {  	s0 =	sadd.s32 @!p0 $0x100000, s0  }
0x361: {  	[sflag:s0] =	ssyncadd.tile.s32 @!p0 $0x1;
	_ =	shalt  }
.Lfunc_end2:
_tile_overlayer_lowered:
.L_overlay_start_2:
0x362: {  	(tag) =	ssettag $0x2  }
0x363: {  	s0 =	rddreg [dreg:$0x0];
	s2 =	stileid.u32  }
0x364: {  	s1 =	rddreg [dreg:$0x1];
	p0 =	sne.s32 s2, $0x0  }
0x365: {  	s3 =	rddreg [dreg:$0x2];
	[bflag:$0x3] =	sbarrier.arrive $0xFFFF;
	s2 =	simm.s32 @!p0 $0x1C05  }
0x366: {  	[timem:s3], [sflag:s2] =	dma.local @!p0 [hbm:s0], s1  }
0x367: {  	s0 =	simm.s32 @!p0 $0x5  }
0x368: {  	_ =	swait.ge @!p0 [sflag:s0], s1  }
0x369: {  	s1 =	ssub.s32 @!p0 $0x0, s1;
	[sflag:s0] =	ssyncset.done @!p0 $0x0  }
0x36a: {  	[sflag:s0] =	ssyncadd.s32 @!p0 s1  }
0x36b: {  	[bflag:$0x3] =	sbarrier.arrive $0xFFFF  }
0x36c: {  	_ =	shalt  }

// kernel: kernel.7.cloned.1.call-start
scs
__scs_entry_jumppad:
0x0: {  	(pc) =	sbr.rel $0x88, $3  }
0x1: {  	(tag) =	ssettag $0x0;
	lr =	simm.s32 $0x1  }
0x2: {  	[smem:$0x3F99] =	sst lr;
	_ =	strace $0xD0000000  }
0x3: {  	_ = 	snop  }
0x4: {  	_ = 	snop  }
0x5: {  	_ = 	snop  }
0x6: {  	_ = 	snop  }
0x7: {  	_ = 	snop  }
__scs_overlays_trampoline_lowered:
0x8: {  	[smem:$0x3FA8] =	sst s0  }
0x9: {  	[smem:$0x3FA9] =	sst s1  }
0xa: {  	[smem:$0x3FAA] =	sst s2  }
0xb: {  	[smem:$0x3FAB] =	sst s3  }
0xc: {  	[smem:$0x3FAC] =	sst s4  }
0xd: {  	[smem:$0x3FAD] =	sst s5  }
0xe: {  	[smem:$0x3FAE] =	sst s6  }
0xf: {  	[smem:$0x3FAF] =	sst s7  }
0x10: {  	[smem:$0x3FB0] =	sst s8  }
0x11: {  	[smem:$0x3FB1] =	sst s9;
	s0 =	simm.s32 @!p0 $0x0  }
0x12: {  	s1 =	sld [smem:$0x3F97];
	s0 =	simm.s32 @p0 $0x1  }
0x13: {  	[smem:$0x3FB2] =	sst s0;
	s0 =	simm.s32 @!p1 $0x0  }
0x14: {  	s2 =	sld [smem:$0x3F96];
	s0 =	simm.s32 @p1 $0x1  }
0x15: {  	[smem:$0x3FB3] =	sst s0;
	s0 =	simm.s32 @!p2 $0x0  }
0x16: {  	s3 =	sld [smem:$0x3FDB];
	s0 =	simm.s32 @p2 $0x1  }
0x17: {  	s4 =	simm.s32 $0x1BF5;
	[smem:$0x3FB5] =	sst s0  }
0x18: {  	s0 =	sld [smem:$0x3F98];
	_ =	swait.ge [sflag:s4], $0x0  }
0x19: {  	s7 =	sld [smem:$0x3F99]  }
0x1a: {  	s8 =	sadd.s32 $0xFFFFE003, lr  }
0x1b: {  	s9 =	sadd.s32 $0xFFFFFEF7, lr;
	s5 =	simm.s32 $0xFFFFFFFF;
	p2 =	slt.u32 s8, $0xFFFFF086  }
0x1c: {  	p1 =	slt.u32 s9, $0xF7A;
	s5 =	simm.s32 @!p2 $0x0  }
0x1d: {  	s5 =	simm.s32 @p1 $0x1;
	p0 =	seq.s32 s7, s2  }
0x1e: {  	s7 =	smul.u32 @!p0 $0xF7A, s2;
	p2 =	seq.s32 @!p0 s5, $0x0  }
0x1f: {  	s9 =	smul.u32 $0xF7A, s1;
	s8 =	simm.s32 @!p0 $0x1BF5;
	p2 =	por !p2, p0  }
0x20: {  	[sflag:s8] =	ssyncset.s32 @!p0 $0xFFFFF086;
	s6 =	sadd.s32 @!p0 s3, s7;
	s7 =	simm.s32 @!p0 $0x108  }
0x21: {  	s3 =	sadd.s32 s3, s9;
	s6 =	sadd.s32 @!p0 $0x88, s6;
	s7 =	simm.s32 @p2 $0x1082  }
0x22: {  	[simem:s7], [sflag:s8] =	dma.local @!p0 [hbm:s6], $0xF7A  }
0x23: {  	s9 =	sor.u32 $0xD0000000, s2;
	s6 =	simm.s32 $0x108;
	_ =	swait.ge @!p0 [sflag:s8], $0x0  }
0x24: {  	s3 =	sadd.s32 $0x88, s3;
	s6 =	simm.s32 @!p1 $0x1082;
	[sflag:s4] =	ssyncset.s32 $0xFFFFF086  }
0x25: {  	[simem:s6], [sflag:s4] =	dma.local [hbm:s3], $0xF7A  }
0x26: {  	[smem:$0x3F99] =	sst s1;
	(tag) =	ssettag s2;
	_ =	strace s9  }
0x27: {  	s1 =	sld [smem:$0x3FA9]  }
0x28: {  	s2 =	sld [smem:$0x3FAA]  }
0x29: {  	s4 =	sld [smem:$0x3FAC]  }
0x2a: {  	p0 =	seq.s32 s5, $0x0;
	s5 =	sld [smem:$0x3FAD]  }
0x2b: {  	s6 =	sld [smem:$0x3FAE]  }
0x2c: {  	s7 =	sld [smem:$0x3FAF]  }
0x2d: {  	s3 =	simm.s32 $0x108;
	s8 =	sld [smem:$0x3FB0]  }
0x2e: {  	s3 =	simm.s32 @!p0 $0x1082;
	s9 =	sld [smem:$0x3FB1]  }
0x2f: {  	lr =	sadd.s32 s0, s3;
	s0 =	sld [smem:$0x3FA8]  }
0x30: {  	s3 =	sld [smem:$0x3FAB]  }
0x31: {  	[smem:$0x3FB4] =	sst s10  }
0x32: {  	s10 =	sld [smem:$0x3FB2];
	_ =	sdelay $0x3  }
0x33: {  	p0 =	seq.s32 s10, $0x1;
	s10 =	sld [smem:$0x3FB4];
	_ =	sdelay $0x3  }
0x34: {  	[smem:$0x3FB4] =	sst s10  }
0x35: {  	s10 =	sld [smem:$0x3FB3];
	_ =	sdelay $0x3  }
0x36: {  	p1 =	seq.s32 s10, $0x1;
	s10 =	sld [smem:$0x3FB4];
	_ =	sdelay $0x3  }
0x37: {  	[smem:$0x3FB4] =	sst s10  }
0x38: {  	s10 =	sld [smem:$0x3FB5]  }
0x39: {  	_ = 	snop;
	(pc) =	sbr.ind lr, $3  }
0x3a: {  	_ = 	snop  }
0x3b: {  	_ = 	snop  }
0x3c: {  	p2 =	seq.s32 s10, $0x1;
	s10 =	sld [smem:$0x3FB4]  }
0x3d: {  	_ =	shalt  }
0x3e: {  	_ =	shalt  }
0x3f: {  	_ =	shalt  }
0x40: {  	_ =	shalt  }
0x41: {  	_ =	shalt  }
0x42: {  	_ =	shalt  }
0x43: {  	_ =	shalt  }
0x44: {  	_ =	shalt  }
0x45: {  	_ =	shalt  }
0x46: {  	_ =	shalt  }
0x47: {  	_ =	shalt  }
0x48: {  	_ =	shalt  }
0x49: {  	_ =	shalt  }
0x4a: {  	_ =	shalt  }
0x4b: {  	_ =	shalt  }
0x4c: {  	_ =	shalt  }
0x4d: {  	_ =	shalt  }
0x4e: {  	_ =	shalt  }
0x4f: {  	_ =	shalt  }
0x50: {  	_ =	shalt  }
0x51: {  	_ =	shalt  }
0x52: {  	_ =	shalt  }
0x53: {  	_ =	shalt  }
0x54: {  	_ =	shalt  }
0x55: {  	_ =	shalt  }
0x56: {  	_ =	shalt  }
0x57: {  	_ =	shalt  }
0x58: {  	_ =	shalt  }
0x59: {  	_ =	shalt  }
0x5a: {  	_ =	shalt  }
0x5b: {  	_ =	shalt  }
0x5c: {  	_ =	shalt  }
0x5d: {  	_ =	shalt  }
0x5e: {  	_ =	shalt  }
0x5f: {  	_ =	shalt  }
0x60: {  	_ =	shalt  }
0x61: {  	_ =	shalt  }
0x62: {  	_ =	shalt  }
0x63: {  	_ =	shalt  }
0x64: {  	_ =	shalt  }
0x65: {  	_ =	shalt  }
0x66: {  	_ =	shalt  }
0x67: {  	_ =	shalt  }
0x68: {  	_ =	shalt  }
0x69: {  	_ =	shalt  }
0x6a: {  	_ =	shalt  }
0x6b: {  	_ =	shalt  }
0x6c: {  	_ =	shalt  }
0x6d: {  	_ =	shalt  }
0x6e: {  	_ =	shalt  }
0x6f: {  	_ =	shalt  }
0x70: {  	_ =	shalt  }
0x71: {  	_ =	shalt  }
0x72: {  	_ =	shalt  }
0x73: {  	_ =	shalt  }
0x74: {  	_ =	shalt  }
0x75: {  	_ =	shalt  }
0x76: {  	_ =	shalt  }
0x77: {  	_ =	shalt  }
0x78: {  	_ =	shalt  }
0x79: {  	_ =	shalt  }
0x7a: {  	_ =	shalt  }
0x7b: {  	_ =	shalt  }
0x7c: {  	_ =	shalt  }
0x7d: {  	_ =	shalt  }
0x7e: {  	_ =	shalt  }
0x7f: {  	_ =	shalt  }
0x80: {  	_ =	shalt  }
0x81: {  	_ =	shalt  }
0x82: {  	_ =	shalt  }
0x83: {  	_ =	shalt  }
0x84: {  	_ =	shalt  }
0x85: {  	_ =	shalt  }
0x86: {  	_ =	shalt  }
0x87: {  	_ =	shalt  }
.Lfunc_end0:
.L_simem_size_0:
called_computation_lowered:
.L_overlay_start_0:
0x88: {  	s2 =	sld [smem:$0x3FD9]  }
0x89: {  	s3 =	sld [smem:$0x3FFE];
	_ =	sdelay $0x1  }
0x8a: {  	s1 =	srdreg.scid  }
0x8b: {  	s0 =	sand.u32 $0x1, s1  }
0x8c: {  	s17 =	sshll.u32 s0, $0xA;
	s2 =	sadd.s32 s3, s2  }
0x8d: {  	s2 =	sadd.s32 s2, s17  }
0x8e: {  	[smem:$0x3FC0] =	sst s2  }
0x8f: {  	_ = 	snop  }
0x90: {  	s2 =	sld [smem:$0x3FD0];
	(tm) =	ssettm $0x1  }
0x91: {  	s18 =	sld [smem:$0x3FFB];
	_ =	sdelay $0x3  }
0x92: {  	_ =	strace s18  }
0x93: {  	s3 =	sld [smem:$0x3FFC];
	_ =	sdelay $0x3  }
0x94: {  	_ =	strace s3  }
0x95: {  	s3 =	sld [smem:$0x3FFD];
	_ =	sdelay $0x3  }
0x96: {  	_ =	strace s3  }
0x97: {  	_ =	strace $0x8FFFFFFF  }
0x98: {  	s19 =	sld [smem:$0x3FDB];
	_ =	sdelay $0x1  }
0x99: {  	s4 =	simm.s32 $_scs_section_size  }
0x9a: {  	s5 =	simm.s32 $_size__tile_overlayer_lowered;
	s6 =	simm.s32 $_tile_overlayer_lowered  }
0x9b: {  	s22 =	simm.s32 $0x1BFF;
	s21 =	sshll.u32 s6, $0x1;
	s3 =	sadd.s32 s4, s19  }
0x9c: {  	s7 =	simm.s32 $0x0;
	s20 =	sshll.u32 s5, $0x1;
	s5 =	sadd.s32 s21, s3  }
0x9d: {  	[timem:s7], [sflag:s22] =	dma.local [hbm:s5], s20  }
0x9e: {  	_ =	swait.ge [sflag:s22], s20  }
0x9f: {  	s4 =	ssub.s32 $0x0, s20;
	[sflag:s22] =	ssyncset.done $0x0  }
0xa0: {  	[sflag:s22] =	ssyncadd.s32 s4;
	_ =	sdelay $0x1  }
0xa1: {  	s23 =	simm.s32 $0x1B8B  }
0xa2: {  	_ =	swait.ge [sflag:s23], $0x1  }
0xa3: {  	[sflag:s23] =	ssyncset.done $0x0  }
0xa4: {  	s25 =	simm.s32 $0x1B8E;
	s24 =	sld [smem:$0x3FFE];
	[sflag:s23] =	ssyncadd.s32 $0xFFFFFFFF  }
0xa5: {  	s26 =	simm.s32 $execute0_lowered;
	[smem:$0x3FD2] =	sst s25  }
0xa6: {  	s5 =	sshll.u32 s26, $0x1;
	_ =	strace $0x80000046;
	[dreg:$0x1] =	wrdreg $0xFFFFFFFF  }
0xa7: {  	s28 =	simm.s32 $_size_execute0_lowered;
	s3 =	sadd.s32 s3, s5;
	[dreg:$0x0] =	wrdreg $0x0  }
0xa8: {  	s5 =	sshll.u32 s28, $0x1;
	[dreg:$0x2] =	wrdreg s3  }
0xa9: {  	[dreg:$0x3] =	wrdreg s5  }
0xaa: {  	[dreg:$0x4] =	wrdreg $0xC0  }
0xab: {  	_ =	task [dreg:s7], $0x5FFFF  }
0xac: {  	[dreg:$0x1] =	wrdreg $0xFFFFFFFF  }
0xad: {  	[dreg:$0x0] =	wrdreg $0x60  }
0xae: {  	[dreg:$0x2] =	wrdreg s2  }
0xaf: {  	[dreg:$0x3] =	wrdreg s24  }
0xb0: {  	[dreg:$0x4] =	wrdreg $0x41100  }
0xb1: {  	[dreg:$0x5] =	wrdreg $0x9  }
0xb2: {  	_ =	task.clear_ibuf [dreg:s7], $0x6FFFF;
	_ =	strace $0x90000046  }
0xb3: {  	s29 =	simm.s32 $0x9;
	_ =	strace $0x80000048  }
0xb4: {  	_ =	swait.ge [sflag:s29], $0x1  }
0xb5: {  	[sflag:s29] =	ssyncadd.s32 $0xFFFFFFFF  }
0xb6: {  	_ =	strace $0x90000048  }
0xb7: {  	_ =	sfence  }
0xb8: {  	s30 =	sld [smem:$0x0];
	_ =	sdelay $0x2  }
0xb9: {  	s31 =	sshll.u32 s1, $0xD;
	s1 =	sshrl.u32 s1, $0x2  }
0xba: {  	s3 =	sand.u32 $0x4000, s31;
	s1 =	sadd.s32 s1, s30  }
0xbb: {  	s0 =	sor.u32 s3, s0;
	s1 =	sshll.u32 s1, $0x11  }
0xbc: {  	s0 =	sor.u32 s1, s0  }
0xbd: {  	s0 =	sadd.s32 $0x8F2B, s0  }
0xbe: {  	[sflag:s0] =	ssyncadd.remote.s32 $0x1  }
0xbf: {  	_ =	sfence.sel $0xFFFF  }
0xc0: {  	[dreg:$0x0] =	wrdreg $0xFFFFFFFF;
	(pc) =	sbr.abs _section_cstart, $3  }
0xc1: {  	[dreg:$0x1] =	wrdreg $0xFFFFFFFF  }
0xc2: {  	_ =	task.clear_ibuf [dreg:s7], $0x2FFFF;
	_ =	strace $0x9FFFFFFF  }
0xc3: {  	(tm) =	ssettm $0x7FFFFFFF  }
tec
execute0_lowered:
.L_overlay_start_1:
0x0: {  	(tag) =	ssettag $0x1  }
0x1: {  	s1 =	rddreg [dreg:$0x0]  }
0x2: {  	s10 =	rddreg [dreg:$0x1];
	s2 =	srdreg.scid  }
0x3: {  	s0 =	stileid.u32;
	s3 =	rddreg [dreg:$0x2]  }
0x4: {  	s4 =	simm.s32 $0x0;
	s17 =	simm.s32 $0x1900;
	s18 =	simm.s32 $0x80  }
0x5: {  	s19 =	simm.s32 $0x100;
	s20 =	simm.s32 $0x900;
	s21 =	simm.s32 $0x1100  }
0x6: {  	s22 =	simm.s32 $0x0;
	s11 =	sand.u32 $0x1, s2;
	s12 =	smul.u32 $0x2800, s0  }
0x7: {  	[smem:$0x7FF] =	sst s4;
	s5 =	sadd.s32 $0x1C00, s10;
	s31 =	smul.u32 $0x5100, s0  }
0x8: {  	s9 =	sadd.s32 $0x10A600, s10;
	s14 =	sshll.u32 s0, $0x1;
	s6 =	smul.u32 $0x28000, s11  }
0x9: {  	s30 =	ssub.s32 $0x2, s11;
	s15 =	smul.u32 $0x2880, s11;
	s11 =	sor.u32 s11, s14  }
0xa: {  	s7 =	sadd.s32 $0xFB400, s10;
	_ =	strace $0x80000047;
	s11 =	smul.u32 $0x2880, s11  }
.Ltmp0:
0xb: {  	s16 =	sshrl.u32 s30, $0x1;
	s8 =	sadd.s32 s12, s6;
	(pc) =	sbr.rel .LBB2_1-.Ltmp0, $4  }
0xc: {  	s6 =	sadd.s32 $0xF6400, s10;
	s16 =	ssub.s32 s30, s16;
	s14 =	sadd.s32 s31, s15  }
0xd: {  	s15 =	simm.s32 $0x1910;
	s13 =	sshrl.u32 s8, $0x3;
	s8 =	sadd.s32 $0x100400, s10  }
0xe: {  	v0 =	vimm.f32 $0.0e+00;
	vm0 =	vcmask $0x2F00;
	s14 =	ssub.s32 $0x50910, s14;
	s13 =	sadd.s32 s13, s10;
	s10 =	sadd.s32 s12, s3  }
0xf: {  	v1 =	vsel vm0, $0x3F800000, v0;
	s12 =	sadd.s32 $0x100600, s13;
	s13 =	smax.u32 s16, $0x1;
	s16 =	simm.s32 $0x1  }
.LBB2_10:
0x10: {  	s22 =	sadd.s32 $0x1, s22  }
0x11: {  	s2 =	sshll.u32 s0, $0x6;
	[bflag:$0x0] =	sbarrier.arrive $0xFFFF;
	p0 =	sne.s32 s22, s13  }
.Ltmp1:
0x12: {  	s23 =	sshrl.u32 s10, $0x3;
	s2 =	sor.u32 $0x1C01, s2;
	(pc) =	sbr.rel @!p0 .LBB2_11-.Ltmp1, $4  }
0x13: {  	[hbm:s12], [sflag:s2] =	dma.local [spmem:s23], $0x500  }
0x14: {  	_ =	swait.ge [sflag:s16], $0x500  }
0x15: {  	[sflag:s16] =	ssyncset.done $0x0  }
0x16: {  	[sflag:s16] =	ssyncadd.s32 $0xFFFFFB00  }
.LBB2_1:
0x17: {  	s23 =	simm.s32 $0x40;
	s24 =	simm.s32 $0x0  }
.LBB2_2:
0x18: {  	p0 =	sne.s32 s23, $0x9FC0;
	[tilespmem:s24+$0x1910] =	vst v0;
	s24 =	smov.u32 s23;
	s23 =	sadd.s32 $0x40, s23  }
.Ltmp2:
0x19: {  	(pc) =	sbr.rel @p0 .LBB2_2-.Ltmp2, $2  }
0x1a: {  	_ =	sdelay $0x2  }
0x1b: {  	s24 =	sshra.s32 s24, $0x2  }
0x1c: {  	[tilespmem:s24+$0x1910] =	vst v0  }
0x1d: {  	[spmem:s10] =	stream.linear.scatter [tilespmem:s15], [sflag:$0x1], $0x2800, $0x38;
	[tilespmem:$0x6910] =	vst v63  }
0x1e: {  	_ =	swait.ge [sflag:s16], $0x2800  }
0x1f: {  	[sflag:s16] =	ssyncset.done $0x0  }
0x20: {  	[sflag:s16] =	ssyncadd.s32 $0xFFFFD800  }
.Ltmp3:
0x21: {  	s23 =	simm.s32 $0x0;
	[bflag:$0x0] =	sbarrier.arrive $0xFFFF;
	(pc) =	sbr.rel .LBB2_4-.Ltmp3, $4  }
0x22: {  	[tilespmem:s17], [sflag:$0x1] =	stream.linear.gather [hbm4b:s8+s23], $0x10, $0x38;
	[tilespmem:$0x6910] =	vst v63  }
0x23: {  	_ =	swait.ge [sflag:s16], $0x10  }
0x24: {  	[sflag:s16] =	ssyncset.done $0x0  }
0x25: {  	s24 =	smov.u32 s14;
	s25 =	simm.s32 $0x0;
	[sflag:s16] =	ssyncadd.s32 $0xFFFFFFF0  }
.LBB2_9:
0x26: {  	[spmem:s3] =	stream.indirect.scatter.add.f32 [tilespmem:s21], [sflag:$0x1], $0x10, s18, s18, $0xb8;
	[tilespmem:$0x6910] =	vst v63  }
0x27: {  	s25 =	sadd.s32 $0x1, s25;
	_ =	swait.ge [sflag:s16], $0x800  }
0x28: {  	s2 =	sshll.u32 s26, $0x1;
	p0 =	sne.s32 s25, $0x51;
	[sflag:s16] =	ssyncset.done $0x0  }
.Ltmp4:
0x29: {  	s2 =	sadd.s32 s9, s2;
	[sflag:s16] =	ssyncadd.s32 $0xFFFFF800;
	(pc) =	sbr.rel @!p0 .LBB2_10-.Ltmp4, $4  }
0x2a: {  	[hbm4b:s2+s4] =	stream.linear.scatter [tilespmem:s21], [sflag:$0x1], $0x800, $0x38;
	[tilespmem:$0x6910] =	vst v63  }
0x2b: {  	_ =	swait.ge [sflag:s16], $0x800  }
0x2c: {  	[sflag:s16] =	ssyncset.done $0x0  }
0x2d: {  	s24 =	sadd.s32 $0xFFFFFF80, s24;
	[sflag:s16] =	ssyncadd.s32 $0xFFFFF800  }
.LBB2_4:
0x2e: {  	s26 =	sshll.u32 s25, $0x7  }
0x2f: {  	s26 =	sadd.s32 s11, s26  }
0x30: {  	s28 =	sshrl.u32 s26, $0x3  }
0x31: {  	s29 =	sadd.s32 s1, s28  }
0x32: {  	[tilespmem:s23], [sflag:$0x1] =	stream.linear.gather [hbm4b:s29+s23], $0x80, $0x38;
	[tilespmem:$0x6910] =	vst v63  }
0x33: {  	_ =	swait.ge [sflag:s16], $0x80  }
0x34: {  	[sflag:s16] =	ssyncset.done $0x0  }
0x35: {  	s28 =	sadd.s32 s5, s28;
	[sflag:s16] =	ssyncadd.s32 $0xFFFFFF80  }
0x36: {  	[tilespmem:s18], [sflag:$0x1] =	stream.linear.gather [hbm4b:s28+s23], $0x80, $0x38;
	[tilespmem:$0x6910] =	vst v63  }
0x37: {  	_ =	swait.ge [sflag:s16], $0x80  }
0x38: {  	[sflag:s16] =	ssyncset.done $0x0  }
0x39: {  	[sflag:s16] =	ssyncadd.s32 $0xFFFFFF80  }
0x3a: {  	[tilespmem:s19], [sflag:$0x1] =	stream.indirect.gather [hbm4b:s6+s18], $0x10, s23, s18, $0xb8;
	[tilespmem:$0x6910] =	vst v63  }
0x3b: {  	_ =	swait.ge [sflag:s16], $0x800  }
0x3c: {  	[sflag:s16] =	ssyncset.done $0x0  }
0x3d: {  	[sflag:s16] =	ssyncadd.s32 $0xFFFFF800  }
0x3e: {  	[tilespmem:s20], [sflag:$0x1] =	stream.indirect.gather [hbm4b:s7+s18], $0x10, s18, s18, $0xb8;
	[tilespmem:$0x6910] =	vst v63  }
0x3f: {  	p0 =	sgt.s32 s24, $0x0;
	s28 =	smov.u32 s24;
	_ =	swait.ge [sflag:s16], $0x800  }
0x40: {  	s28 =	simm.s32 @!p0 $0x0;
	[sflag:s16] =	ssyncset.done $0x0  }
0x41: {  	s30 =	simm.s32 $0x0;
	s28 =	smin.u32 s28, $0x80;
	[sflag:s16] =	ssyncadd.s32 $0xFFFFF800  }
0x42: {  	s31 =	sshll.u32 s28, $0x4;
	v2 =	vld [tilespmem:s30+$0x900]  }
0x43: {  	s29 =	sadd.s32 $0xFFFFFFFF, s28;
	s28 =	sadd.s32 $0x1100, s31;
	s31 =	simm.s32 $0x40;
	v3 =	vld [tilespmem:s30+$0x100]  }
.LBB2_5:
0x44: {  	p0 =	sne.s32 s31, $0x1FC0;
	v4 =	vld [tilespmem:$0x1900];
	_ =	sdelay $0x4  }
0x45: {  	v3 =	vadd.f32 v3, v2;
	v2 =	vadd.f32 v4, v2;
	_ =	sdelay $0x1  }
0x46: {  	v4 =	vmul.f32 $2.000000030e-01, v3;
	v5 =	vmul.f32 $2.000000030e-01, v2  }
0x47: {  	vm0 =	vge.f32 v3, $0.0e+00;
	vm1 =	vge.f32 v2, $0.0e+00  }
0x48: {  	v3 =	vsel vm0, v3, v4;
	v2 =	vsel vm1, v2, v5  }
0x49: {  	v2 =	vsub.f32 v3, v2;
	_ =	sdelay $0x1  }
0x4a: {  	v2 =	vmul.f32 $1.442695020e+00, v2;
	_ =	sdelay $0x1  }
0x4b: {  	(erf) = vpow2.f32 v2;
	_ =	sdelay $0x7  }
.Ltmp5:
0x4c: {  	(pc) =	sbr.rel @p0 .LBB2_5-.Ltmp5, $4  }
0x4d: {  	v2 =	vpop (erf)  }
0x4e: {  	s2 =	sshra.s32 s31, $0x2;
	v4 =	vmul.f32 v1, v2  }
0x4f: {  	v2 =	vld [tilespmem:s2+$0x900]  }
0x50: {  	s31 =	sadd.s32 $0x40, s31;
	v3 =	vld [tilespmem:s2+$0x100];
	[tilespmem:s30+$0x1100] =	vst v4;
	s30 =	smov.u32 s2  }
0x51: {  	v4 =	vld [tilespmem:$0x1900];
	_ =	sdelay $0x4  }
0x52: {  	v3 =	vadd.f32 v3, v2;
	v2 =	vadd.f32 v4, v2;
	_ =	sdelay $0x1  }
0x53: {  	v63 =	vmul.f32 $2.000000030e-01, v3;
	v5 =	vmul.f32 $2.000000030e-01, v2  }
0x54: {  	vm0 =	vge.f32 v3, $0.0e+00;
	vm1 =	vge.f32 v2, $0.0e+00  }
0x55: {  	v3 =	vsel vm0, v3, v63;
	v2 =	vsel vm1, v2, v5  }
0x56: {  	v2 =	vsub.f32 v3, v2;
	_ =	sdelay $0x1  }
0x57: {  	v2 =	vmul.f32 $1.442695020e+00, v2;
	_ =	sdelay $0x1  }
0x58: {  	(erf) = vpow2.f32 v2;
	_ =	sdelay $0x6  }
0x59: {  	p0 =	slt.u32 s26, $0x50891  }
.Ltmp6:
0x5a: {  	_ = 	snop;
	(pc) =	sbr.rel @p0 .LBB2_9-.Ltmp6, $3  }
0x5b: {  	v2 =	vpop (erf)  }
0x5c: {  	v2 =	vmul.f32 v1, v2;
	_ =	sdelay $0x1  }
0x5d: {  	[tilespmem:s30+$0x1100] =	vst v2  }
0x5e: {  	s29 =	sadd.s32 $0x1, s29  }
0x5f: {  	p0 =	slt.u32 s29, $0x7F  }
.Ltmp7:
0x60: {  	_ = 	snop;
	(pc) =	sbr.rel @!p0 .LBB2_9-.Ltmp7, $2  }
0x61: {  	_ =	sdelay $0x2  }
0x62: {  	[tilespmem:s28+$0x0] =	vst v0  }
.LBB2_8:
0x63: {  	s29 =	sadd.s32 $0x1, s29  }
0x64: {  	p0 =	slt.u32 s29, $0x7F  }
.Ltmp8:
0x65: {  	_ = 	snop;
	(pc) =	sbr.rel @p0 .LBB2_8-.Ltmp8, $3  }
0x66: {  	_ =	sdelay $0x1  }
0x67: {  	s28 =	sadd.s32 $0x10, s28  }
0x68: {  	[tilespmem:s28+$0x0] =	vst v0  }
.Ltmp9:
0x69: {  	_ = 	snop;
	(pc) =	sbr.rel .LBB2_9-.Ltmp9, $1  }
0x6a: {  	_ =	sdelay $0x3  }
.LBB2_11:
0x6b: {  	_ =	sfence.sel $0x180000  }
0x6c: {  	[bflag:$0x0] =	sbarrier.arrive $0xFFFF  }
0x6d: {  	_ =	strace $0x90000047  }
0x6e: {  	[bflag:$0x2] =	sbarrier.arrive $0xFFFF  }
0x6f: {  	p0 =	sne.s32 s0, $0x0;
	s0 =	rddreg [dreg:$0x3]  }
0x70: {  	s0 =	sadd.s32 @!p0 $0x100000, s0  }
0x71: {  	[sflag:s0] =	ssyncadd.tile.s32 @!p0 $0x1;
	_ =	shalt  }
.Lfunc_end2:
_tile_overlayer_lowered:
.L_overlay_start_2:
0x72: {  	(tag) =	ssettag $0x2  }
0x73: {  	s0 =	rddreg [dreg:$0x0];
	s2 =	stileid.u32  }
0x74: {  	s1 =	rddreg [dreg:$0x1];
	p0 =	sne.s32 s2, $0x0  }
0x75: {  	s3 =	rddreg [dreg:$0x2];
	[bflag:$0x3] =	sbarrier.arrive $0xFFFF;
	s2 =	simm.s32 @!p0 $0x1C01  }
0x76: {  	[timem:s3], [sflag:s2] =	dma.local @!p0 [hbm:s0], s1  }
0x77: {  	s0 =	simm.s32 @!p0 $0x1  }
0x78: {  	_ =	swait.ge @!p0 [sflag:s0], s1  }
0x79: {  	s1 =	ssub.s32 @!p0 $0x0, s1;
	[sflag:s0] =	ssyncset.done @!p0 $0x0  }
0x7a: {  	[sflag:s0] =	ssyncadd.s32 @!p0 s1  }
0x7b: {  	[bflag:$0x3] =	sbarrier.arrive $0xFFFF  }
0x7c: {  	_ =	shalt  }

</sc_bundles>
